<compile_context>
chip_gen: v7x
topology: tpu7x:2x2x1
jax: 0.10.2.dev20260603
libtpu: 0.0.44.dev20260713+nightly
codegen_flags: <defaults>
</compile_context>

<pallas_src>
import jax
import jax.numpy as jnp
from jax.experimental import pallas as pl
from jax.experimental.pallas import tpu as pltpu

X_DIM = 3
PE_DIM = 10
HIDDEN = 64
N_LAYERS = 4
NUM_ATOMS = 16
NUM_RES = 20
CUT2 = 1.5 * 1.5
INV_NORM = 1.0 / 100.0
N_MOL = 1024
N_PRO = 2048
BATCH = 16
N = N_MOL + N_PRO
TI = 32
TJ = 64
NTI = N // TI
NTJ = N // TJ
NTI_MOL = N_MOL // TI
NTJ_MOL = N_MOL // TJ


def _silu(x):
    return x * jax.nn.sigmoid(x)


def _dot(a, b):
    return jax.lax.dot_general(a, b, (((1,), (0,)), ((), ())),
                               preferred_element_type=jnp.float32)


def _mega_kernel(
    count_ref, work_ref,
    zf_mol_ref, zf_pro_ref, xs_ref, xsti_ref, xstj_ref, idxs_ref, t_ref, pos_ref, freq_ref,
    wa1_ref, ba1_ref, wa2_ref, ba2_ref,
    wr1_ref, br1_ref, wr2_ref, br2_ref,
    weh_ref, wes_ref, wec_ref, wet_ref, wex_ref, be_ref,
    ws_ref, wd_ref, ce_ref, w2_ref, b2_ref,
    wh_ref, wa_ref, bn1_ref, wn2_ref, bn2_ref,
    wod_ref, bod_ref, woh_ref, boh_ref,
    wad1_ref, bad1_ref, wad2_ref, bad2_ref,
    wrd1_ref, brd1_ref, wrd2_ref, brd2_ref,
    pmd_ref, pmh_ref, ppd_ref, pph_ref,
    out_mol_ref, out_pro_ref,
    h_ref, a_ref, b_ref, agg_ref,
):
    hm = _dot(_silu(_dot(zf_mol_ref[...], wa1_ref[...]) + ba1_ref[...]),
              wa2_ref[...]) + ba2_ref[...]
    hp = _dot(_silu(_dot(zf_pro_ref[...], wr1_ref[...]) + br1_ref[...]),
              wr2_ref[...]) + br2_ref[...]

    idxs = idxs_ref[...]
    iot = jax.lax.broadcasted_iota(jnp.int32, (N, BATCH), 1)
    oh = (iot == idxs[:, None]).astype(jnp.float32)
    tvals = jnp.sum(oh * t_ref[...].reshape(1, BATCH), axis=1)

    base = tvals[:, None] * wet_ref[...].reshape(1, HIDDEN) + be_ref[...]
    for k in range(X_DIM):
        base = base + xs_ref[k][:, None] * wex_ref[k][None, :]

    ang = pos_ref[...][:, None] * freq_ref[...][None, :]
    pe_part = _dot(jnp.sin(ang), wes_ref[...]) + _dot(jnp.cos(ang), wec_ref[...])

    h_ref[:N_MOL, :] = base[:N_MOL, :] + _dot(hm, weh_ref[...]) + pe_part
    h_ref[N_MOL:, :] = base[N_MOL:, :] + _dot(hp, weh_ref[...])

    nwork = count_ref[0]

    for l in range(N_LAYERS):
        h = h_ref[...]
        a_ref[...] = _dot(h, ws_ref[l])
        b_ref[...] = _dot(h, wd_ref[l])
        agg_ref[...] = jnp.zeros((N, HIDDEN), jnp.float32)
        w2 = w2_ref[l]
        b2 = b2_ref[l]

        def entry(code, _w2=w2, _b2=b2, _l=l):
            ti = jax.lax.rem(code, 128)
            tj1 = jax.lax.rem(jax.lax.div(code, 128), 64)
            tj2 = jax.lax.rem(jax.lax.div(code, 8192), 64)
            et1 = jax.lax.rem(jax.lax.div(code, 524288), 4)
            et2 = jax.lax.rem(jax.lax.div(code, 2097152), 4)
            flag2 = jax.lax.rem(jax.lax.div(code, 8388608), 2)
            valida = jax.lax.div(code, 16777216)
            i0 = ti * TI
            ai = a_ref[pl.ds(i0, TI), :]
            acat = jnp.concatenate([ai, ai], axis=1)
            bj1 = b_ref[pl.ds(tj1 * TJ, TJ), :]
            bj2 = b_ref[pl.ds(tj2 * TJ, TJ), :]
            bcat = jnp.concatenate([bj1, bj2], axis=1)
            ce1 = ce_ref[_l, pl.ds(et1, 1), :]
            ce2 = ce_ref[_l, pl.ds(et2, 1), :]
            cecat = jnp.concatenate([ce1, ce2], axis=1)
            pre = acat[:, None, :] + bcat[None, :, :] + cecat[None, :, :]
            m = _silu(_dot(_silu(pre.reshape(TI * TJ, 2 * HIDDEN)), _w2) + _b2)
            xi = xsti_ref[pl.ds(ti, 1)].reshape(8, TI)
            xj1 = xstj_ref[pl.ds(tj1, 1)].reshape(8, TJ)
            xj2 = xstj_ref[pl.ds(tj2, 1)].reshape(8, TJ)
            d2a = jnp.sum((xi[:, :, None] - xj1[:, None, :]) ** 2, axis=0)
            d2b = jnp.sum((xi[:, :, None] - xj2[:, None, :]) ** 2, axis=0)
            ma = jnp.where(d2a <= CUT2, valida.astype(jnp.float32), 0.0)[:, :, None]
            mb = jnp.where(d2b <= CUT2, (flag2 * valida).astype(jnp.float32), 0.0)[:, :, None]
            lane = jax.lax.broadcasted_iota(jnp.int32, (TI, TJ, 2 * HIDDEN), 2)
            mcat = jnp.where(lane < HIDDEN,
                             jnp.broadcast_to(ma, (TI, TJ, 2 * HIDDEN)),
                             jnp.broadcast_to(mb, (TI, TJ, 2 * HIDDEN)))
            m3 = m.reshape(TI, TJ, 2 * HIDDEN) * mcat
            contrib = jnp.sum(m3, axis=1)
            return i0, contrib[:, :HIDDEN] + contrib[:, HIDDEN:]

        def tile_body(tt, carry):
            i0a, ca = entry(work_ref[2 * tt])
            i0b, cb = entry(work_ref[2 * tt + 1])
            agg_ref[pl.ds(i0a, TI), :] += ca
            agg_ref[pl.ds(i0b, TI), :] += cb
            return carry

        jax.lax.fori_loop(0, (nwork + 1) // 2, tile_body, 0)

        ag = agg_ref[...] * INV_NORM
        pre_n = _dot(h, wh_ref[l]) + _dot(ag, wa_ref[l]) + bn1_ref[l]
        h_ref[...] = h + _dot(_silu(pre_n), wn2_ref[l]) + bn2_ref[l]

    h = h_ref[...]
    disp = _dot(h, wod_ref[...]) + bod_ref[...]
    hn = _dot(h, woh_ref[...]) + boh_ref[...]
    hm_out = _dot(_silu(_dot(hn[:N_MOL, :], wad1_ref[...]) + bad1_ref[...]),
                  wad2_ref[...]) + bad2_ref[...]
    hp_out = _dot(_silu(_dot(hn[N_MOL:, :], wrd1_ref[...]) + brd1_ref[...]),
                  wrd2_ref[...]) + brd2_ref[...]
    out_mol_ref[...] = _dot(disp[:N_MOL, :], pmd_ref[...]) + _dot(hm_out, pmh_ref[...])
    out_pro_ref[...] = _dot(disp[N_MOL:, :], ppd_ref[...]) + _dot(hp_out, pph_ref[...])


def kernel(z_t_mol, z_t_pro, t, molecule_idx, protein_pocket_idx, molecule_pos, params):
    f32 = jnp.float32
    zf_mol = z_t_mol[:, X_DIM:]
    zf_pro = z_t_pro[:, X_DIM:]
    xs = jnp.zeros((8, N), f32)
    xs = xs.at[:X_DIM, :N_MOL].set(z_t_mol[:, :X_DIM].T)
    xs = xs.at[:X_DIM, N_MOL:].set(z_t_pro[:, :X_DIM].T)
    idxs = jnp.concatenate([molecule_idx.astype(jnp.int32),
                            protein_pocket_idx.astype(jnp.int32)], 0)
    xaug = xs.at[X_DIM, :].set(1000.0 * idxs.astype(f32))
    xsti = jnp.transpose(xaug.reshape(8, NTI, TI), (1, 0, 2))
    xstj = jnp.transpose(xaug.reshape(8, NTJ, TJ), (1, 0, 2))
    freq = (1.0 / (10000.0 ** (2.0 * jnp.arange(PE_DIM // 2, dtype=f32) / PE_DIM)))
    pos = molecule_pos.astype(f32)

    segi = idxs.reshape(NTI, TI)
    imin, imax = segi.min(axis=1), segi.max(axis=1)
    segj = idxs.reshape(NTJ, TJ)
    jmin, jmax = segj.min(axis=1), segj.max(axis=1)
    act = (imin[:, None] <= jmax[None, :]) & (jmin[None, :] <= imax[:, None])
    is_mol_i = jnp.arange(NTI) < NTI_MOL
    is_mol_j = jnp.arange(NTJ) < NTJ_MOL
    et = jnp.where(is_mol_i[:, None] & is_mol_j[None, :], 1,
                   jnp.where((~is_mol_i[:, None]) & (~is_mol_j[None, :]), 2, 0))
    order = jnp.argsort(jnp.where(act, 0, 1), axis=1, stable=True)
    cnt = act.sum(axis=1)
    NS = NTJ // 2 + 1
    s2 = 2 * jnp.arange(NS)
    j1 = jnp.take_along_axis(order, jnp.minimum(s2, NTJ - 1)[None, :], axis=1)
    j2 = jnp.take_along_axis(order, jnp.minimum(s2 + 1, NTJ - 1)[None, :], axis=1)
    valid1 = s2[None, :] < cnt[:, None]
    valid2 = (s2 + 1)[None, :] < cnt[:, None]
    j2 = jnp.where(valid2, j2, j1)
    ii = jnp.broadcast_to(jnp.arange(NTI)[:, None], (NTI, NS))
    et1 = et[ii, j1]
    et2 = et[ii, j2]
    codes = (ii + 128 * j1 + 8192 * j2 + 524288 * et1 + 2097152 * et2
             + 8388608 * valid2.astype(jnp.int32)
             + 16777216).astype(jnp.int32)
    sel = jnp.nonzero(valid1.ravel(), size=NTI * NS, fill_value=0)[0]
    count = valid1.sum().astype(jnp.int32)
    work = jnp.where(jnp.arange(NTI * NS, dtype=jnp.int32) < count,
                     codes.ravel()[sel], 0).astype(jnp.int32)
    count = count.reshape(1)

    p = params
    gnn = p['gnn']
    we = gnn['emb']['W']
    weh = we[X_DIM:X_DIM + HIDDEN]
    wes = we[X_DIM + HIDDEN:X_DIM + HIDDEN + PE_DIM // 2]
    wec = we[X_DIM + HIDDEN + PE_DIM // 2:X_DIM + HIDDEN + PE_DIM]
    wet = we[X_DIM + HIDDEN + PE_DIM]
    wex = we[:X_DIM]
    be = gnn['emb']['b']

    ws_l, wd_l, ce_l, w2_l, b2_l = [], [], [], [], []
    wh_l, wa_l, bn1_l, wn2_l, bn2_l = [], [], [], [], []
    for lp in gnn['layers']:
        w1 = lp['edge_mlp']['l1']['W']
        b1 = lp['edge_mlp']['l1']['b']
        ws_l.append(w1[:HIDDEN])
        wd_l.append(w1[HIDDEN:2 * HIDDEN])
        ce_l.append(p['edge_emb'] @ w1[2 * HIDDEN:] + b1[None, :])
        w2 = lp['edge_mlp']['l2']['W']
        w2blk = jnp.zeros((2 * HIDDEN, 2 * HIDDEN), jnp.float32)
        w2blk = w2blk.at[:HIDDEN, :HIDDEN].set(w2).at[HIDDEN:, HIDDEN:].set(w2)
        w2_l.append(w2blk)
        b2_l.append(jnp.concatenate([lp['edge_mlp']['l2']['b']] * 2))
        wn1 = lp['node_mlp']['l1']['W']
        wh_l.append(wn1[:HIDDEN])
        wa_l.append(wn1[HIDDEN:])
        bn1_l.append(lp['node_mlp']['l1']['b'])
        wn2_l.append(lp['node_mlp']['l2']['W'])
        bn2_l.append(lp['node_mlp']['l2']['b'])
    stack = lambda xs_: jnp.stack(xs_, 0)

    wo = gnn['out']['W']
    bo = gnn['out']['b']
    wod, bod = wo[:, :X_DIM], bo[:X_DIM]
    woh, boh = wo[:, X_DIM:X_DIM + HIDDEN], bo[X_DIM:X_DIM + HIDDEN]

    pmd = jnp.zeros((X_DIM, X_DIM + NUM_ATOMS), f32).at[:, :X_DIM].set(jnp.eye(X_DIM))
    pmh = jnp.zeros((NUM_ATOMS, X_DIM + NUM_ATOMS), f32).at[:, X_DIM:].set(jnp.eye(NUM_ATOMS))
    ppd = jnp.zeros((X_DIM, X_DIM + NUM_RES), f32).at[:, :X_DIM].set(jnp.eye(X_DIM))
    pph = jnp.zeros((NUM_RES, X_DIM + NUM_RES), f32).at[:, X_DIM:].set(jnp.eye(NUM_RES))

    smem = pl.BlockSpec(memory_space=pltpu.SMEM)
    n_vec_inputs = 49

    out = pl.pallas_call(
        _mega_kernel,
        out_shape=[
            jax.ShapeDtypeStruct((N_MOL, X_DIM + NUM_ATOMS), f32),
            jax.ShapeDtypeStruct((N_PRO, X_DIM + NUM_RES), f32),
        ],
        in_specs=[smem, smem] + [pl.BlockSpec(memory_space=pltpu.VMEM)] * n_vec_inputs,
        out_specs=[pl.BlockSpec(memory_space=pltpu.VMEM)] * 2,
        scratch_shapes=[
            pltpu.VMEM((N, HIDDEN), f32),
            pltpu.VMEM((N, HIDDEN), f32),
            pltpu.VMEM((N, HIDDEN), f32),
            pltpu.VMEM((N, HIDDEN), f32),
        ],
    )(
        count, work,
        zf_mol, zf_pro, xs, xsti, xstj, idxs, t.reshape(BATCH), pos, freq,
        p['atom_enc']['l1']['W'], p['atom_enc']['l1']['b'],
        p['atom_enc']['l2']['W'], p['atom_enc']['l2']['b'],
        p['res_enc']['l1']['W'], p['res_enc']['l1']['b'],
        p['res_enc']['l2']['W'], p['res_enc']['l2']['b'],
        weh, wes, wec, wet, wex, be,
        stack(ws_l), stack(wd_l), stack(ce_l), stack(w2_l), stack(b2_l),
        stack(wh_l), stack(wa_l), stack(bn1_l), stack(wn2_l), stack(bn2_l),
        wod, bod, woh, boh,
        p['atom_dec']['l1']['W'], p['atom_dec']['l1']['b'],
        p['atom_dec']['l2']['W'], p['atom_dec']['l2']['b'],
        p['res_dec']['l1']['W'], p['res_dec']['l1']['b'],
        p['res_dec']['l2']['W'], p['res_dec']['l2']['b'],
        pmd, pmh, ppd, pph,
    )
    return (out[0], out[1])

# --- scband reference (transcript-rebuilt; emitter-appended) ---
"""Pipeline reference for scband-nn-model-51874615001736 (READ-ONLY COPY).

The authoritative reference and input builder live on the scoring server;
editing this copy changes nothing except your own understanding.
"""

import jax, jax.numpy as jnp
import numpy as np

X_DIM = 3
PE_DIM = 10
JOINT_DIM = 64
HIDDEN = 64
N_LAYERS = 4
EDGE_EMB_DIM = 8
NUM_ATOMS = 16
NUM_RES = 20
CUTOFF = 1.5
NORM_FACTOR = 100.0
N_MOL = 1024
N_PRO = 2048
BATCH = 16
IN_NODE = X_DIM + JOINT_DIM + 1 + PE_DIM
OUT_NODE = IN_NODE


def silu(x):
    return x * jax.nn.sigmoid(x)


def linear(x, p):
    return x @ p['W'] + p['b']


def enc_dec(x, p):
    # nn.Sequential(Linear, SiLU, Linear)
    return linear(silu(linear(x, p['l1'])), p['l2'])


def sin_pE(pos, dim):
    pos = pos.astype(jnp.float32)[:, None]
    i = jnp.arange(dim // 2, dtype=jnp.float32)
    freq = 1.0 / (10000.0 ** (2.0 * i / dim))
    ang = pos * freq[None, :]
    return jnp.concatenate([jnp.sin(ang), jnp.cos(ang)], axis=1)


def cdist(a, b):
    d2 = jnp.sum(a * a, 1)[:, None] + jnp.sum(b * b, 1)[None, :] - 2.0 * (a @ b.T)
    return jnp.sqrt(jnp.maximum(d2, 0.0))


def get_edges(mol_idx, pro_idx, x_mol, x_pro):
    adj_l = (mol_idx[:, None] == mol_idx[None, :]) & (cdist(x_mol, x_mol) <= CUTOFF)
    adj_p = (pro_idx[:, None] == pro_idx[None, :]) & (cdist(x_pro, x_pro) <= CUTOFF)
    adj_x = (mol_idx[:, None] == pro_idx[None, :]) & (cdist(x_mol, x_pro) <= CUTOFF)
    adj = jnp.concatenate([jnp.concatenate([adj_l, adj_x], 1), jnp.concatenate([adj_x.T, adj_p], 1)], 0)
    n_tot = adj.shape[0]
    rows, cols = jnp.nonzero(adj, size=n_tot * n_tot, fill_value=n_tot)
    return jnp.stack([rows.astype(jnp.int32), cols.astype(jnp.int32)], 0)


def _lin_init(key, fi, fo):
    k1, k2 = jax.random.split(key)
    lim = 1.0 / np.sqrt(fi)
    return {'W': jax.random.uniform(k1, (fi, fo), jnp.float32, -lim, lim),
            'b': jax.random.uniform(k2, (fo,), jnp.float32, -lim, lim)}


def _make_params(key):
    ks = jax.random.split(key, 32)
    p = {}
    p['atom_enc'] = {'l1': _lin_init(ks[0], NUM_ATOMS, 2 * NUM_ATOMS), 'l2': _lin_init(ks[1], 2 * NUM_ATOMS, JOINT_DIM)}
    p['atom_dec'] = {'l1': _lin_init(ks[2], JOINT_DIM, 2 * NUM_ATOMS), 'l2': _lin_init(ks[3], 2 * NUM_ATOMS, NUM_ATOMS)}
    p['res_enc'] = {'l1': _lin_init(ks[4], NUM_RES, 2 * NUM_RES), 'l2': _lin_init(ks[5], 2 * NUM_RES, JOINT_DIM)}
    p['res_dec'] = {'l1': _lin_init(ks[6], JOINT_DIM, 2 * NUM_RES), 'l2': _lin_init(ks[7], 2 * NUM_RES, NUM_RES)}
    p['edge_emb'] = jax.random.normal(ks[8], (X_DIM, EDGE_EMB_DIM), jnp.float32)
    gnn = {'emb': _lin_init(ks[9], IN_NODE, HIDDEN), 'out': _lin_init(ks[10], HIDDEN, OUT_NODE), 'layers': []}
    for i in range(N_LAYERS):
        kk = jax.random.split(ks[11 + i], 4)
        gnn['layers'].append({
            'edge_mlp': {'l1': _lin_init(kk[0], 2 * HIDDEN + EDGE_EMB_DIM, HIDDEN), 'l2': _lin_init(kk[1], HIDDEN, HIDDEN)},
            'node_mlp': {'l1': _lin_init(kk[2], HIDDEN + HIDDEN, HIDDEN), 'l2': _lin_init(kk[3], HIDDEN, HIDDEN)}})
    p['gnn'] = gnn
    return p


def _forward(z_t_mol, z_t_pro, t, molecule_idx, protein_pocket_idx, molecule_pos, params, edges):
    n_mol = z_t_mol.shape[0]
    idx_joint = jnp.concatenate([molecule_idx, protein_pocket_idx], 0)
    h_mol = enc_dec(z_t_mol[:, X_DIM:], params['atom_enc'])
    h_pro = enc_dec(z_t_pro[:, X_DIM:], params['res_enc'])
    pE = sin_pE(molecule_pos, PE_DIM)
    h_mol = jnp.concatenate([h_mol, pE], 1)
    h_pro = jnp.concatenate([h_pro, jnp.zeros((h_pro.shape[0], PE_DIM), jnp.float32)], 1)
    x_joint = jnp.concatenate([z_t_mol[:, :X_DIM], z_t_pro[:, :X_DIM]], 0)
    h_joint = jnp.concatenate([h_mol, h_pro], 0)
    h_time = t[idx_joint]
    h_joint = jnp.concatenate([h_joint, h_time], 1)
    et = jnp.zeros((edges.shape[1],), jnp.int32)
    et = jnp.where((edges[0] < n_mol) & (edges[1] < n_mol), 1, et)
    et = jnp.where((edges[0] >= n_mol) & (edges[1] >= n_mol), 2, et)
    edge_attr = params['edge_emb'][et]
    h = linear(jnp.concatenate([x_joint, h_joint], 1), params['gnn']['emb'])
    N = h.shape[0]
    for lp in params['gnn']['layers']:
        src = h[edges[0]]
        dst = h[edges[1]]
        m = silu(linear(silu(linear(jnp.concatenate([src, dst, edge_attr], 1), lp['edge_mlp']['l1'])), lp['edge_mlp']['l2']))
        agg = jnp.zeros((N, HIDDEN), jnp.float32).at[edges[0]].add(m) / NORM_FACTOR
        h = h + linear(silu(linear(jnp.concatenate([h, agg], 1), lp['node_mlp']['l1'])), lp['node_mlp']['l2'])
    out = linear(h, params['gnn']['out'])
    disp = out[:, :X_DIM]
    h_new = out[:, X_DIM:]
    h_new = h_new[:, :-1]
    h_new = h_new[:, :-PE_DIM]
    h_new_mol = enc_dec(h_new[:n_mol], params['atom_dec'])
    h_new_pro = enc_dec(h_new[n_mol:], params['res_dec'])
    eps_mol = jnp.concatenate([disp[:n_mol], h_new_mol], 1)
    eps_pro = jnp.concatenate([disp[n_mol:], h_new_pro], 1)
    return (eps_mol, eps_pro)


def setup_inputs(seed: int = 0):
    key = jax.random.key(seed)
    ks = jax.random.split(key, 8)
    z_t_mol = jax.random.normal(ks[0], (N_MOL, X_DIM + NUM_ATOMS), jnp.float32)
    z_t_pro = jax.random.normal(ks[1], (N_PRO, X_DIM + NUM_RES), jnp.float32)
    t = jax.random.uniform(ks[2], (BATCH, 1), jnp.float32)
    molecule_idx = jnp.sort(jax.random.randint(ks[3], (N_MOL,), 0, BATCH))
    protein_pocket_idx = jnp.sort(jax.random.randint(ks[4], (N_PRO,), 0, BATCH))
    molecule_pos = jax.random.randint(ks[5], (N_MOL,), 0, 128)
    params = _make_params(ks[6])
    return {'z_t_mol': z_t_mol, 'z_t_pro': z_t_pro, 't': t, 'molecule_idx': molecule_idx,
            'protein_pocket_idx': protein_pocket_idx, 'molecule_pos': molecule_pos, 'params': params}


def reference(z_t_mol, z_t_pro, t, molecule_idx, protein_pocket_idx, molecule_pos, params):
    edges = get_edges(molecule_idx, protein_pocket_idx, z_t_mol[:, :X_DIM], z_t_pro[:, :X_DIM])
    return _forward(z_t_mol, z_t_pro, t, molecule_idx, protein_pocket_idx, molecule_pos, params, edges)

if __name__ == "__main__":
    import jax
    _d = setup_inputs()
    print(jax.jit(kernel)(*tuple(_d.values())))

</pallas_src>

<mosaic_0001>
module attributes {stable_mosaic.version = 14 : i64} {
  func.func @_mega_kernel(%arg0: memref<1xi32, #tpu.memory_space<smem>>, %arg1: memref<2400xi32, #tpu.memory_space<smem>>, %arg2: memref<1024x16xf32, #tpu.memory_space<vmem>>, %arg3: memref<2048x20xf32, #tpu.memory_space<vmem>>, %arg4: memref<8x3072xf32, #tpu.memory_space<vmem>>, %arg5: memref<96x8x32xf32, #tpu.memory_space<vmem>>, %arg6: memref<48x8x64xf32, #tpu.memory_space<vmem>>, %arg7: memref<3072xi32, #tpu.memory_space<vmem>>, %arg8: memref<16xf32, #tpu.memory_space<vmem>>, %arg9: memref<1024xf32, #tpu.memory_space<vmem>>, %arg10: memref<5xf32, #tpu.memory_space<vmem>>, %arg11: memref<16x32xf32, #tpu.memory_space<vmem>>, %arg12: memref<32xf32, #tpu.memory_space<vmem>>, %arg13: memref<32x64xf32, #tpu.memory_space<vmem>>, %arg14: memref<64xf32, #tpu.memory_space<vmem>>, %arg15: memref<20x40xf32, #tpu.memory_space<vmem>>, %arg16: memref<40xf32, #tpu.memory_space<vmem>>, %arg17: memref<40x64xf32, #tpu.memory_space<vmem>>, %arg18: memref<64xf32, #tpu.memory_space<vmem>>, %arg19: memref<64x64xf32, #tpu.memory_space<vmem>>, %arg20: memref<5x64xf32, #tpu.memory_space<vmem>>, %arg21: memref<5x64xf32, #tpu.memory_space<vmem>>, %arg22: memref<64xf32, #tpu.memory_space<vmem>>, %arg23: memref<3x64xf32, #tpu.memory_space<vmem>>, %arg24: memref<64xf32, #tpu.memory_space<vmem>>, %arg25: memref<4x64x64xf32, #tpu.memory_space<vmem>>, %arg26: memref<4x64x64xf32, #tpu.memory_space<vmem>>, %arg27: memref<4x3x64xf32, #tpu.memory_space<vmem>>, %arg28: memref<4x128x128xf32, #tpu.memory_space<vmem>>, %arg29: memref<4x128xf32, #tpu.memory_space<vmem>>, %arg30: memref<4x64x64xf32, #tpu.memory_space<vmem>>, %arg31: memref<4x64x64xf32, #tpu.memory_space<vmem>>, %arg32: memref<4x64xf32, #tpu.memory_space<vmem>>, %arg33: memref<4x64x64xf32, #tpu.memory_space<vmem>>, %arg34: memref<4x64xf32, #tpu.memory_space<vmem>>, %arg35: memref<64x3xf32, #tpu.memory_space<vmem>>, %arg36: memref<3xf32, #tpu.memory_space<vmem>>, %arg37: memref<64x64xf32, #tpu.memory_space<vmem>>, %arg38: memref<64xf32, #tpu.memory_space<vmem>>, %arg39: memref<64x32xf32, #tpu.memory_space<vmem>>, %arg40: memref<32xf32, #tpu.memory_space<vmem>>, %arg41: memref<32x16xf32, #tpu.memory_space<vmem>>, %arg42: memref<16xf32, #tpu.memory_space<vmem>>, %arg43: memref<64x40xf32, #tpu.memory_space<vmem>>, %arg44: memref<40xf32, #tpu.memory_space<vmem>>, %arg45: memref<40x20xf32, #tpu.memory_space<vmem>>, %arg46: memref<20xf32, #tpu.memory_space<vmem>>, %arg47: memref<3x19xf32, #tpu.memory_space<vmem>>, %arg48: memref<16x19xf32, #tpu.memory_space<vmem>>, %arg49: memref<3x23xf32, #tpu.memory_space<vmem>>, %arg50: memref<20x23xf32, #tpu.memory_space<vmem>>, %arg51: memref<1024x19xf32, #tpu.memory_space<vmem>>, %arg52: memref<2048x23xf32, #tpu.memory_space<vmem>>, %arg53: memref<3072x64xf32, #tpu.memory_space<vmem>>, %arg54: memref<3072x64xf32, #tpu.memory_space<vmem>>, %arg55: memref<3072x64xf32, #tpu.memory_space<vmem>>, %arg56: memref<3072x64xf32, #tpu.memory_space<vmem>>) attributes {dimension_semantics = [], scalar_prefetch = 0 : i64, scratch_operands = 4 : i64, tpu.core_type = #tpu.core_type<tc>} {
    %get3A = arith.constant 0 : index
    %get3A_0 = arith.constant 0 : index
    %get3A_1 = vector.load %arg2[%get3A, %get3A_0] : memref<1024x16xf32, #tpu.memory_space<vmem>>, vector<1024x16xf32>
    %get3A_2 = arith.constant 0 : index
    %get3A_3 = arith.constant 0 : index
    %get3A_4 = vector.load %arg11[%get3A_2, %get3A_3] : memref<16x32xf32, #tpu.memory_space<vmem>>, vector<16x32xf32>
    %dot_general3A = arith.constant dense<0.000000e+00> : vector<1024x32xf32>
    %dot_general3A_5 = tpu.matmul %get3A_1, %get3A_4, %dot_general3A {dimension_numbers = #tpu.dot_dimension_numbers<[1], [0], [0], [1], [0, 0, 1, 1], [], []>, transpose_lhs_hint = false} : vector<1024x16xf32>, vector<16x32xf32>, vector<1024x32xf32> -> vector<1024x32xf32>
    %get3A_6 = arith.constant 0 : index
    %get3A_7 = vector.load %arg12[%get3A_6] : memref<32xf32, #tpu.memory_space<vmem>>, vector<32xf32>
    %broadcast_in_dim3A = vector.shape_cast %get3A_7 : vector<32xf32> to vector<1x32xf32>
    %add3A = vector.broadcast %broadcast_in_dim3A : vector<1x32xf32> to vector<1024x32xf32>
    %add3A_8 = arith.addf %dot_general3A_5, %add3A : vector<1024x32xf32>
    %logistic3A = arith.negf %add3A_8 : vector<1024x32xf32>
    %logistic3A_9 = math.exp %logistic3A : vector<1024x32xf32>
    %logistic3A_10 = arith.constant 1.000000e+00 : f32
    %logistic3A_11 = vector.broadcast %logistic3A_10 : f32 to vector<1024x32xf32>
    %logistic3A_12 = arith.addf %logistic3A_11, %logistic3A_9 : vector<1024x32xf32>
    %logistic3A_13 = arith.divf %logistic3A_11, %logistic3A_12 : vector<1024x32xf32>
    %mul3A = arith.mulf %add3A_8, %logistic3A_13 : vector<1024x32xf32>
    %get3A_14 = arith.constant 0 : index
    %get3A_15 = arith.constant 0 : index
    %get3A_16 = vector.load %arg13[%get3A_14, %get3A_15] : memref<32x64xf32, #tpu.memory_space<vmem>>, vector<32x64xf32>
    %dot_general3A_17 = arith.constant dense<0.000000e+00> : vector<1024x64xf32>
    %dot_general3A_18 = tpu.matmul %mul3A, %get3A_16, %dot_general3A_17 {dimension_numbers = #tpu.dot_dimension_numbers<[1], [0], [0], [1], [0, 0, 1, 1], [], []>, transpose_lhs_hint = false} : vector<1024x32xf32>, vector<32x64xf32>, vector<1024x64xf32> -> vector<1024x64xf32>
    %get3A_19 = arith.constant 0 : index
    %get3A_20 = vector.load %arg14[%get3A_19] : memref<64xf32, #tpu.memory_space<vmem>>, vector<64xf32>
    %broadcast_in_dim3A_21 = vector.shape_cast %get3A_20 : vector<64xf32> to vector<1x64xf32>
    %add3A_22 = vector.broadcast %broadcast_in_dim3A_21 : vector<1x64xf32> to vector<1024x64xf32>
    %add3A_23 = arith.addf %dot_general3A_18, %add3A_22 : vector<1024x64xf32>
    %get3A_24 = arith.constant 0 : index
    %get3A_25 = arith.constant 0 : index
    %get3A_26 = vector.load %arg3[%get3A_24, %get3A_25] : memref<2048x20xf32, #tpu.memory_space<vmem>>, vector<2048x20xf32>
    %get3A_27 = arith.constant 0 : index
    %get3A_28 = arith.constant 0 : index
    %get3A_29 = vector.load %arg15[%get3A_27, %get3A_28] : memref<20x40xf32, #tpu.memory_space<vmem>>, vector<20x40xf32>
    %dot_general3A_30 = arith.constant dense<0.000000e+00> : vector<2048x40xf32>
    %dot_general3A_31 = tpu.matmul %get3A_26, %get3A_29, %dot_general3A_30 {dimension_numbers = #tpu.dot_dimension_numbers<[1], [0], [0], [1], [0, 0, 1, 1], [], []>, transpose_lhs_hint = false} : vector<2048x20xf32>, vector<20x40xf32>, vector<2048x40xf32> -> vector<2048x40xf32>
    %get3A_32 = arith.constant 0 : index
    %get3A_33 = vector.load %arg16[%get3A_32] : memref<40xf32, #tpu.memory_space<vmem>>, vector<40xf32>
    %broadcast_in_dim3A_34 = vector.shape_cast %get3A_33 : vector<40xf32> to vector<1x40xf32>
    %add3A_35 = vector.broadcast %broadcast_in_dim3A_34 : vector<1x40xf32> to vector<2048x40xf32>
    %add3A_36 = arith.addf %dot_general3A_31, %add3A_35 : vector<2048x40xf32>
    %logistic3A_37 = arith.negf %add3A_36 : vector<2048x40xf32>
    %logistic3A_38 = math.exp %logistic3A_37 : vector<2048x40xf32>
    %logistic3A_39 = arith.constant 1.000000e+00 : f32
    %logistic3A_40 = vector.broadcast %logistic3A_39 : f32 to vector<2048x40xf32>
    %logistic3A_41 = arith.addf %logistic3A_40, %logistic3A_38 : vector<2048x40xf32>
    %logistic3A_42 = arith.divf %logistic3A_40, %logistic3A_41 : vector<2048x40xf32>
    %mul3A_43 = arith.mulf %add3A_36, %logistic3A_42 : vector<2048x40xf32>
    %get3A_44 = arith.constant 0 : index
    %get3A_45 = arith.constant 0 : index
    %get3A_46 = vector.load %arg17[%get3A_44, %get3A_45] : memref<40x64xf32, #tpu.memory_space<vmem>>, vector<40x64xf32>
    %dot_general3A_47 = arith.constant dense<0.000000e+00> : vector<2048x64xf32>
    %dot_general3A_48 = tpu.matmul %mul3A_43, %get3A_46, %dot_general3A_47 {dimension_numbers = #tpu.dot_dimension_numbers<[1], [0], [0], [1], [0, 0, 1, 1], [], []>, transpose_lhs_hint = false} : vector<2048x40xf32>, vector<40x64xf32>, vector<2048x64xf32> -> vector<2048x64xf32>
    %get3A_49 = arith.constant 0 : index
    %get3A_50 = vector.load %arg18[%get3A_49] : memref<64xf32, #tpu.memory_space<vmem>>, vector<64xf32>
    %broadcast_in_dim3A_51 = vector.shape_cast %get3A_50 : vector<64xf32> to vector<1x64xf32>
    %add3A_52 = vector.broadcast %broadcast_in_dim3A_51 : vector<1x64xf32> to vector<2048x64xf32>
    %add3A_53 = arith.addf %dot_general3A_48, %add3A_52 : vector<2048x64xf32>
    %get3A_54 = arith.constant 0 : index
    %get3A_55 = vector.load %arg7[%get3A_54] : memref<3072xi32, #tpu.memory_space<vmem>>, vector<3072xi32>
    %iota3A = tpu.iota {dimensions = array<i32: 1>} : vector<3072x16xi32>
    %broadcast_in_dim3A_56 = vector.shape_cast %get3A_55 : vector<3072xi32> to vector<3072x1xi32>
    %eq3A = vector.broadcast %broadcast_in_dim3A_56 : vector<3072x1xi32> to vector<3072x16xi32>
    %eq3A_57 = arith.cmpi eq, %iota3A, %eq3A : vector<3072x16xi32>
    %convert_element_type3A = arith.extui %eq3A_57 : vector<3072x16xi1> to vector<3072x16xi32>
    %convert_element_type3A_58 = arith.sitofp %convert_element_type3A : vector<3072x16xi32> to vector<3072x16xf32>
    %get3A_59 = arith.constant 0 : index
    %get3A_60 = vector.load %arg8[%get3A_59] : memref<16xf32, #tpu.memory_space<vmem>>, vector<16xf32>
    %reshape3A = vector.shape_cast %get3A_60 : vector<16xf32> to vector<1x16xf32>
    %mul3A_61 = vector.broadcast %reshape3A : vector<1x16xf32> to vector<3072x16xf32>
    %mul3A_62 = arith.mulf %convert_element_type3A_58, %mul3A_61 : vector<3072x16xf32>
    %reduce_sum3A = arith.constant dense<0.000000e+00> : vector<3072xf32>
    %reduce_sum3A_63 = vector.multi_reduction <add>, %mul3A_62, %reduce_sum3A [1] : vector<3072x16xf32> to vector<3072xf32>
    %broadcast_in_dim3A_64 = vector.shape_cast %reduce_sum3A_63 : vector<3072xf32> to vector<3072x1xf32>
    %get3A_65 = arith.constant 0 : index
    %get3A_66 = vector.load %arg22[%get3A_65] : memref<64xf32, #tpu.memory_space<vmem>>, vector<64xf32>
    %reshape3A_67 = vector.shape_cast %get3A_66 : vector<64xf32> to vector<1x64xf32>
    %mul3A_68 = vector.broadcast %broadcast_in_dim3A_64 : vector<3072x1xf32> to vector<3072x64xf32>
    %mul3A_69 = vector.broadcast %reshape3A_67 : vector<1x64xf32> to vector<3072x64xf32>
    %mul3A_70 = arith.mulf %mul3A_68, %mul3A_69 : vector<3072x64xf32>
    %get3A_71 = arith.constant 0 : index
    %get3A_72 = vector.load %arg24[%get3A_71] : memref<64xf32, #tpu.memory_space<vmem>>, vector<64xf32>
    %broadcast_in_dim3A_73 = vector.shape_cast %get3A_72 : vector<64xf32> to vector<1x64xf32>
    %add3A_74 = vector.broadcast %broadcast_in_dim3A_73 : vector<1x64xf32> to vector<3072x64xf32>
    %add3A_75 = arith.addf %mul3A_70, %add3A_74 : vector<3072x64xf32>
    %get3A_76 = arith.constant 0 : index
    %get3A_77 = arith.constant 0 : index
    %get3A_78 = vector.load %arg4[%get3A_76, %get3A_77] : memref<8x3072xf32, #tpu.memory_space<vmem>>, vector<1x3072xf32>
    %get3A_79 = vector.shape_cast %get3A_78 : vector<1x3072xf32> to vector<3072xf32>
    %broadcast_in_dim3A_80 = vector.shape_cast %get3A_79 : vector<3072xf32> to vector<3072x1xf32>
    %get3A_81 = arith.constant 0 : index
    %get3A_82 = arith.constant 0 : index
    %get3A_83 = vector.load %arg23[%get3A_81, %get3A_82] : memref<3x64xf32, #tpu.memory_space<vmem>>, vector<1x64xf32>
    %get3A_84 = vector.shape_cast %get3A_83 : vector<1x64xf32> to vector<64xf32>
    %broadcast_in_dim3A_85 = vector.shape_cast %get3A_84 : vector<64xf32> to vector<1x64xf32>
    %mul3A_86 = vector.broadcast %broadcast_in_dim3A_80 : vector<3072x1xf32> to vector<3072x64xf32>
    %mul3A_87 = vector.broadcast %broadcast_in_dim3A_85 : vector<1x64xf32> to vector<3072x64xf32>
    %mul3A_88 = arith.mulf %mul3A_86, %mul3A_87 : vector<3072x64xf32>
    %add3A_89 = arith.addf %add3A_75, %mul3A_88 : vector<3072x64xf32>
    %get3A_90 = arith.constant 1 : index
    %get3A_91 = arith.constant 0 : index
    %get3A_92 = vector.load %arg4[%get3A_90, %get3A_91] : memref<8x3072xf32, #tpu.memory_space<vmem>>, vector<1x3072xf32>
    %get3A_93 = vector.shape_cast %get3A_92 : vector<1x3072xf32> to vector<3072xf32>
    %broadcast_in_dim3A_94 = vector.shape_cast %get3A_93 : vector<3072xf32> to vector<3072x1xf32>
    %get3A_95 = arith.constant 1 : index
    %get3A_96 = arith.constant 0 : index
    %get3A_97 = vector.load %arg23[%get3A_95, %get3A_96] : memref<3x64xf32, #tpu.memory_space<vmem>>, vector<1x64xf32>
    %get3A_98 = vector.shape_cast %get3A_97 : vector<1x64xf32> to vector<64xf32>
    %broadcast_in_dim3A_99 = vector.shape_cast %get3A_98 : vector<64xf32> to vector<1x64xf32>
    %mul3A_100 = vector.broadcast %broadcast_in_dim3A_94 : vector<3072x1xf32> to vector<3072x64xf32>
    %mul3A_101 = vector.broadcast %broadcast_in_dim3A_99 : vector<1x64xf32> to vector<3072x64xf32>
    %mul3A_102 = arith.mulf %mul3A_100, %mul3A_101 : vector<3072x64xf32>
    %add3A_103 = arith.addf %add3A_89, %mul3A_102 : vector<3072x64xf32>
    %get3A_104 = arith.constant 2 : index
    %get3A_105 = arith.constant 0 : index
    %get3A_106 = vector.load %arg4[%get3A_104, %get3A_105] : memref<8x3072xf32, #tpu.memory_space<vmem>>, vector<1x3072xf32>
    %get3A_107 = vector.shape_cast %get3A_106 : vector<1x3072xf32> to vector<3072xf32>
    %broadcast_in_dim3A_108 = vector.shape_cast %get3A_107 : vector<3072xf32> to vector<3072x1xf32>
    %get3A_109 = arith.constant 2 : index
    %get3A_110 = arith.constant 0 : index
    %get3A_111 = vector.load %arg23[%get3A_109, %get3A_110] : memref<3x64xf32, #tpu.memory_space<vmem>>, vector<1x64xf32>
    %get3A_112 = vector.shape_cast %get3A_111 : vector<1x64xf32> to vector<64xf32>
    %broadcast_in_dim3A_113 = vector.shape_cast %get3A_112 : vector<64xf32> to vector<1x64xf32>
    %mul3A_114 = vector.broadcast %broadcast_in_dim3A_108 : vector<3072x1xf32> to vector<3072x64xf32>
    %mul3A_115 = vector.broadcast %broadcast_in_dim3A_113 : vector<1x64xf32> to vector<3072x64xf32>
    %mul3A_116 = arith.mulf %mul3A_114, %mul3A_115 : vector<3072x64xf32>
    %add3A_117 = arith.addf %add3A_103, %mul3A_116 : vector<3072x64xf32>
    %get3A_118 = arith.constant 0 : index
    %get3A_119 = vector.load %arg9[%get3A_118] : memref<1024xf32, #tpu.memory_space<vmem>>, vector<1024xf32>
    %broadcast_in_dim3A_120 = vector.shape_cast %get3A_119 : vector<1024xf32> to vector<1024x1xf32>
    %get3A_121 = arith.constant 0 : index
    %get3A_122 = vector.load %arg10[%get3A_121] : memref<5xf32, #tpu.memory_space<vmem>>, vector<5xf32>
    %broadcast_in_dim3A_123 = vector.shape_cast %get3A_122 : vector<5xf32> to vector<1x5xf32>
    %mul3A_124 = vector.broadcast %broadcast_in_dim3A_120 : vector<1024x1xf32> to vector<1024x5xf32>
    %mul3A_125 = vector.broadcast %broadcast_in_dim3A_123 : vector<1x5xf32> to vector<1024x5xf32>
    %mul3A_126 = arith.mulf %mul3A_124, %mul3A_125 : vector<1024x5xf32>
    %sin3A = math.sin %mul3A_126 : vector<1024x5xf32>
    %get3A_127 = arith.constant 0 : index
    %get3A_128 = arith.constant 0 : index
    %get3A_129 = vector.load %arg20[%get3A_127, %get3A_128] : memref<5x64xf32, #tpu.memory_space<vmem>>, vector<5x64xf32>
    %dot_general3A_130 = arith.constant dense<0.000000e+00> : vector<1024x64xf32>
    %dot_general3A_131 = tpu.matmul %sin3A, %get3A_129, %dot_general3A_130 {dimension_numbers = #tpu.dot_dimension_numbers<[1], [0], [0], [1], [0, 0, 1, 1], [], []>, transpose_lhs_hint = false} : vector<1024x5xf32>, vector<5x64xf32>, vector<1024x64xf32> -> vector<1024x64xf32>
    %cos3A = math.cos %mul3A_126 : vector<1024x5xf32>
    %get3A_132 = arith.constant 0 : index
    %get3A_133 = arith.constant 0 : index
    %get3A_134 = vector.load %arg21[%get3A_132, %get3A_133] : memref<5x64xf32, #tpu.memory_space<vmem>>, vector<5x64xf32>
    %dot_general3A_135 = arith.constant dense<0.000000e+00> : vector<1024x64xf32>
    %dot_general3A_136 = tpu.matmul %cos3A, %get3A_134, %dot_general3A_135 {dimension_numbers = #tpu.dot_dimension_numbers<[1], [0], [0], [1], [0, 0, 1, 1], [], []>, transpose_lhs_hint = false} : vector<1024x5xf32>, vector<5x64xf32>, vector<1024x64xf32> -> vector<1024x64xf32>
    %add3A_137 = arith.addf %dot_general3A_131, %dot_general3A_136 : vector<1024x64xf32>
    %slice3A = vector.extract_strided_slice %add3A_117 {offsets = [0, 0], sizes = [1024, 64], strides = [1, 1]} : vector<3072x64xf32> to vector<1024x64xf32>
    %get3A_138 = arith.constant 0 : index
    %get3A_139 = arith.constant 0 : index
    %get3A_140 = vector.load %arg19[%get3A_138, %get3A_139] : memref<64x64xf32, #tpu.memory_space<vmem>>, vector<64x64xf32>
    %dot_general3A_141 = arith.constant dense<0.000000e+00> : vector<1024x64xf32>
    %dot_general3A_142 = tpu.matmul %add3A_23, %get3A_140, %dot_general3A_141 {dimension_numbers = #tpu.dot_dimension_numbers<[1], [0], [0], [1], [0, 0, 1, 1], [], []>, transpose_lhs_hint = false} : vector<1024x64xf32>, vector<64x64xf32>, vector<1024x64xf32> -> vector<1024x64xf32>
    %add3A_143 = arith.addf %slice3A, %dot_general3A_142 : vector<1024x64xf32>
    %add3A_144 = arith.addf %add3A_143, %add3A_137 : vector<1024x64xf32>
    %swap3A = arith.constant 0 : index
    %swap3A_145 = arith.constant 0 : index
    %swap3A_146 = vector.load %arg53[%swap3A, %swap3A_145] : memref<3072x64xf32, #tpu.memory_space<vmem>>, vector<1024x64xf32>
    tpu.vector_store %arg53[%swap3A, %swap3A_145], %add3A_144 {strides = array<i32>} : memref<3072x64xf32, #tpu.memory_space<vmem>>, vector<1024x64xf32>,
    %slice3A_147 = vector.extract_strided_slice %add3A_117 {offsets = [1024, 0], sizes = [2048, 64], strides = [1, 1]} : vector<3072x64xf32> to vector<2048x64xf32>
    %get3A_148 = arith.constant 0 : index
    %get3A_149 = arith.constant 0 : index
    %get3A_150 = vector.load %arg19[%get3A_148, %get3A_149] : memref<64x64xf32, #tpu.memory_space<vmem>>, vector<64x64xf32>
    %dot_general3A_151 = arith.constant dense<0.000000e+00> : vector<2048x64xf32>
    %dot_general3A_152 = tpu.matmul %add3A_53, %get3A_150, %dot_general3A_151 {dimension_numbers = #tpu.dot_dimension_numbers<[1], [0], [0], [1], [0, 0, 1, 1], [], []>, transpose_lhs_hint = false} : vector<2048x64xf32>, vector<64x64xf32>, vector<2048x64xf32> -> vector<2048x64xf32>
    %add3A_153 = arith.addf %slice3A_147, %dot_general3A_152 : vector<2048x64xf32>
    %swap3A_154 = arith.constant 1024 : index
    %swap3A_155 = arith.constant 0 : index
    %swap3A_156 = vector.load %arg53[%swap3A_154, %swap3A_155] : memref<3072x64xf32, #tpu.memory_space<vmem>>, vector<2048x64xf32>
    tpu.vector_store %arg53[%swap3A_154, %swap3A_155], %add3A_153 {strides = array<i32>} : memref<3072x64xf32, #tpu.memory_space<vmem>>, vector<2048x64xf32>,
    %get3A_157 = arith.constant 0 : index
    %get3A_158 = memref.load %arg0[%get3A_157] : memref<1xi32, #tpu.memory_space<smem>>
    %get3A_159 = arith.constant 0 : index
    %get3A_160 = arith.constant 0 : index
    %get3A_161 = vector.load %arg53[%get3A_159, %get3A_160] : memref<3072x64xf32, #tpu.memory_space<vmem>>, vector<3072x64xf32>
    %get3A_162 = arith.constant 0 : index
    %get3A_163 = arith.constant 0 : index
    %get3A_164 = arith.constant 0 : index
    %get3A_165 = vector.load %arg25[%get3A_162, %get3A_163, %get3A_164] : memref<4x64x64xf32, #tpu.memory_space<vmem>>, vector<1x64x64xf32>
    %get3A_166 = vector.shape_cast %get3A_165 : vector<1x64x64xf32> to vector<64x64xf32>
    %dot_general3A_167 = arith.constant dense<0.000000e+00> : vector<3072x64xf32>
    %dot_general3A_168 = tpu.matmul %get3A_161, %get3A_166, %dot_general3A_167 {dimension_numbers = #tpu.dot_dimension_numbers<[1], [0], [0], [1], [0, 0, 1, 1], [], []>, transpose_lhs_hint = false} : vector<3072x64xf32>, vector<64x64xf32>, vector<3072x64xf32> -> vector<3072x64xf32>
    %swap3A_169 = arith.constant 0 : index
    %swap3A_170 = arith.constant 0 : index
    %swap3A_171 = vector.load %arg54[%swap3A_169, %swap3A_170] : memref<3072x64xf32, #tpu.memory_space<vmem>>, vector<3072x64xf32>
    tpu.vector_store %arg54[%swap3A_169, %swap3A_170], %dot_general3A_168 {strides = array<i32>} : memref<3072x64xf32, #tpu.memory_space<vmem>>, vector<3072x64xf32>,
    %get3A_172 = arith.constant 0 : index
    %get3A_173 = arith.constant 0 : index
    %get3A_174 = arith.constant 0 : index
    %get3A_175 = vector.load %arg26[%get3A_172, %get3A_173, %get3A_174] : memref<4x64x64xf32, #tpu.memory_space<vmem>>, vector<1x64x64xf32>
    %get3A_176 = vector.shape_cast %get3A_175 : vector<1x64x64xf32> to vector<64x64xf32>
    %dot_general3A_177 = arith.constant dense<0.000000e+00> : vector<3072x64xf32>
    %dot_general3A_178 = tpu.matmul %get3A_161, %get3A_176, %dot_general3A_177 {dimension_numbers = #tpu.dot_dimension_numbers<[1], [0], [0], [1], [0, 0, 1, 1], [], []>, transpose_lhs_hint = false} : vector<3072x64xf32>, vector<64x64xf32>, vector<3072x64xf32> -> vector<3072x64xf32>
    %swap3A_179 = arith.constant 0 : index
    %swap3A_180 = arith.constant 0 : index
    %swap3A_181 = vector.load %arg55[%swap3A_179, %swap3A_180] : memref<3072x64xf32, #tpu.memory_space<vmem>>, vector<3072x64xf32>
    tpu.vector_store %arg55[%swap3A_179, %swap3A_180], %dot_general3A_178 {strides = array<i32>} : memref<3072x64xf32, #tpu.memory_space<vmem>>, vector<3072x64xf32>,
    %broadcast_in_dim3A_182 = arith.constant 0.000000e+00 : f32
    %broadcast_in_dim3A_183 = vector.broadcast %broadcast_in_dim3A_182 : f32 to vector<3072x64xf32>
    %swap3A_184 = arith.constant 0 : index
    %swap3A_185 = arith.constant 0 : index
    %swap3A_186 = vector.load %arg56[%swap3A_184, %swap3A_185] : memref<3072x64xf32, #tpu.memory_space<vmem>>, vector<3072x64xf32>
    tpu.vector_store %arg56[%swap3A_184, %swap3A_185], %broadcast_in_dim3A_183 {strides = array<i32>} : memref<3072x64xf32, #tpu.memory_space<vmem>>, vector<3072x64xf32>,
    %get3A_187 = arith.constant 0 : index
    %get3A_188 = arith.constant 0 : index
    %get3A_189 = arith.constant 0 : index
    %get3A_190 = vector.load %arg28[%get3A_187, %get3A_188, %get3A_189] : memref<4x128x128xf32, #tpu.memory_space<vmem>>, vector<1x128x128xf32>
    %get3A_191 = vector.shape_cast %get3A_190 : vector<1x128x128xf32> to vector<128x128xf32>
    %get3A_192 = arith.constant 0 : index
    %get3A_193 = arith.constant 0 : index
    %get3A_194 = vector.load %arg29[%get3A_192, %get3A_193] : memref<4x128xf32, #tpu.memory_space<vmem>>, vector<1x128xf32>
    %get3A_195 = vector.shape_cast %get3A_194 : vector<1x128xf32> to vector<128xf32>
    %add3A_196 = arith.constant 1 : i32
    %add3A_197 = arith.addi %get3A_158, %add3A_196 : i32
    %jit3A = arith.constant 2 : i32
    %div3A = arith.divsi %add3A_197, %jit3A : i32
    %sign3A = arith.constant 0 : i32
    %sign3A_198 = arith.cmpi sgt, %add3A_197, %sign3A : i32
    %sign3A_199 = arith.extui %sign3A_198 : i1 to i32
    %sign3A_200 = arith.constant 0 : i32
    %sign3A_201 = arith.cmpi slt, %add3A_197, %sign3A_200 : i32
    %sign3A_202 = arith.extui %sign3A_201 : i1 to i32
    %sign3A_203 = arith.subi %sign3A_199, %sign3A_202 : i32
    %sign3A_204 = arith.constant 0 : i32
    %sign3A_205 = arith.cmpi sgt, %jit3A, %sign3A_204 : i32
    %sign3A_206 = arith.extui %sign3A_205 : i1 to i32
    %sign3A_207 = arith.constant 0 : i32
    %sign3A_208 = arith.cmpi slt, %jit3A, %sign3A_207 : i32
    %sign3A_209 = arith.extui %sign3A_208 : i1 to i32
    %sign3A_210 = arith.subi %sign3A_206, %sign3A_209 : i32
    %ne3A = arith.cmpi ne, %sign3A_203, %sign3A_210 : i32
    %rem3A = arith.remsi %add3A_197, %jit3A : i32
    %ne3A_211 = arith.constant 0 : i32
    %ne3A_212 = arith.cmpi ne, %rem3A, %ne3A_211 : i32
    %and3A = arith.andi %ne3A, %ne3A_212 : i1
    %sub3A = arith.constant 1 : i32
    %sub3A_213 = arith.subi %div3A, %sub3A : i32
    %select_n3A = arith.select %and3A, %sub3A_213, %div3A : i32
    %while3A = arith.constant 0 : i32
    %while3A_214 = arith.constant 0 : i32
    %while3A_215 = arith.subi %select_n3A, %while3A_214 : i32
    %while3A_216 = arith.addi %while3A_214, %while3A_215 : i32
    %while3A_217 = arith.constant 1 : i32
    %while3A_218 = arith.divsi %while3A_215, %while3A_217 : i32
    %while3A_219 = arith.muli %while3A_218, %while3A_217 : i32
    %while3A_220 = arith.addi %while3A_214, %while3A_219 : i32
    %while3A_221 = arith.constant 1 : i32
    scf.for %while3A_763 = %while3A_214 to %while3A_220 step %while3A_221  : i32 {
      %mul3A_764 = arith.constant 2 : i32
      %mul3A_765 = arith.muli %mul3A_764, %while3A_763 : i32
      %get3A_766 = arith.index_cast %mul3A_765 : i32 to index
      %get3A_767 = memref.load %arg1[%get3A_766] : memref<2400xi32, #tpu.memory_space<smem>>
      %rem3A_768 = arith.constant 128 : i32
      %rem3A_769 = arith.remsi %get3A_767, %rem3A_768 : i32
      %div3A_770 = arith.constant 128 : i32
      %div3A_771 = arith.divsi %get3A_767, %div3A_770 : i32
      %rem3A_772 = arith.constant 64 : i32
      %rem3A_773 = arith.remsi %div3A_771, %rem3A_772 : i32
      %div3A_774 = arith.constant 8192 : i32
      %div3A_775 = arith.divsi %get3A_767, %div3A_774 : i32
      %rem3A_776 = arith.constant 64 : i32
      %rem3A_777 = arith.remsi %div3A_775, %rem3A_776 : i32
      %div3A_778 = arith.constant 524288 : i32
      %div3A_779 = arith.divsi %get3A_767, %div3A_778 : i32
      %rem3A_780 = arith.constant 4 : i32
      %rem3A_781 = arith.remsi %div3A_779, %rem3A_780 : i32
      %div3A_782 = arith.constant 2097152 : i32
      %div3A_783 = arith.divsi %get3A_767, %div3A_782 : i32
      %rem3A_784 = arith.constant 4 : i32
      %rem3A_785 = arith.remsi %div3A_783, %rem3A_784 : i32
      %div3A_786 = arith.constant 8388608 : i32
      %div3A_787 = arith.divsi %get3A_767, %div3A_786 : i32
      %rem3A_788 = arith.constant 2 : i32
      %rem3A_789 = arith.remsi %div3A_787, %rem3A_788 : i32
      %div3A_790 = arith.constant 16777216 : i32
      %div3A_791 = arith.divsi %get3A_767, %div3A_790 : i32
      %mul3A_792 = arith.constant 32 : i32
      %mul3A_793 = arith.muli %rem3A_769, %mul3A_792 : i32
      %get3A_794 = arith.index_cast %mul3A_793 : i32 to index
      %get3A_795 = arith.constant 0 : index
      %get3A_796 = vector.load %arg54[%get3A_794, %get3A_795] : memref<3072x64xf32, #tpu.memory_space<vmem>>, vector<32x64xf32>
      %concatenate3A = tpu.concatenate %get3A_796, %get3A_796 in 1 : vector<32x64xf32>, vector<32x64xf32> -> vector<32x128xf32>
      %mul3A_797 = arith.constant 64 : i32
      %mul3A_798 = arith.muli %rem3A_773, %mul3A_797 : i32
      %get3A_799 = arith.index_cast %mul3A_798 : i32 to index
      %get3A_800 = arith.constant 0 : index
      %get3A_801 = vector.load %arg55[%get3A_799, %get3A_800] : memref<3072x64xf32, #tpu.memory_space<vmem>>, vector<64x64xf32>
      %mul3A_802 = arith.constant 64 : i32
      %mul3A_803 = arith.muli %rem3A_777, %mul3A_802 : i32
      %get3A_804 = arith.index_cast %mul3A_803 : i32 to index
      %get3A_805 = arith.constant 0 : index
      %get3A_806 = vector.load %arg55[%get3A_804, %get3A_805] : memref<3072x64xf32, #tpu.memory_space<vmem>>, vector<64x64xf32>
      %concatenate3A_807 = tpu.concatenate %get3A_801, %get3A_806 in 1 : vector<64x64xf32>, vector<64x64xf32> -> vector<64x128xf32>
      %get3A_808 = arith.constant 0 : index
      %get3A_809 = arith.index_cast %rem3A_781 : i32 to index
      %get3A_810 = arith.constant 0 : index
      %get3A_811 = vector.load %arg27[%get3A_808, %get3A_809, %get3A_810] : memref<4x3x64xf32, #tpu.memory_space<vmem>>, vector<1x1x64xf32>
      %get3A_812 = vector.shape_cast %get3A_811 : vector<1x1x64xf32> to vector<1x64xf32>
      %get3A_813 = arith.constant 0 : index
      %get3A_814 = arith.index_cast %rem3A_785 : i32 to index
      %get3A_815 = arith.constant 0 : index
      %get3A_816 = vector.load %arg27[%get3A_813, %get3A_814, %get3A_815] : memref<4x3x64xf32, #tpu.memory_space<vmem>>, vector<1x1x64xf32>
      %get3A_817 = vector.shape_cast %get3A_816 : vector<1x1x64xf32> to vector<1x64xf32>
      %concatenate3A_818 = tpu.concatenate %get3A_812, %get3A_817 in 1 : vector<1x64xf32>, vector<1x64xf32> -> vector<1x128xf32>
      %broadcast_in_dim3A_819 = vector.shape_cast %concatenate3A : vector<32x128xf32> to vector<32x1x128xf32>
      %broadcast_in_dim3A_820 = vector.shape_cast %concatenate3A_807 : vector<64x128xf32> to vector<1x64x128xf32>
      %add3A_821 = vector.broadcast %broadcast_in_dim3A_819 : vector<32x1x128xf32> to vector<32x64x128xf32>
      %add3A_822 = vector.broadcast %broadcast_in_dim3A_820 : vector<1x64x128xf32> to vector<32x64x128xf32>
      %add3A_823 = arith.addf %add3A_821, %add3A_822 : vector<32x64x128xf32>
      %broadcast_in_dim3A_824 = vector.shape_cast %concatenate3A_818 : vector<1x128xf32> to vector<1x1x128xf32>
      %add3A_825 = vector.broadcast %broadcast_in_dim3A_824 : vector<1x1x128xf32> to vector<32x64x128xf32>
      %add3A_826 = arith.addf %add3A_823, %add3A_825 : vector<32x64x128xf32>
      %reshape3A_827 = vector.shape_cast %add3A_826 : vector<32x64x128xf32> to vector<2048x128xf32>
      %logistic3A_828 = arith.negf %reshape3A_827 : vector<2048x128xf32>
      %logistic3A_829 = math.exp %logistic3A_828 : vector<2048x128xf32>
      %logistic3A_830 = arith.constant 1.000000e+00 : f32
      %logistic3A_831 = vector.broadcast %logistic3A_830 : f32 to vector<2048x128xf32>
      %logistic3A_832 = arith.addf %logistic3A_831, %logistic3A_829 : vector<2048x128xf32>
      %logistic3A_833 = arith.divf %logistic3A_831, %logistic3A_832 : vector<2048x128xf32>
      %mul3A_834 = arith.mulf %reshape3A_827, %logistic3A_833 : vector<2048x128xf32>
      %dot_general3A_835 = arith.constant dense<0.000000e+00> : vector<2048x128xf32>
      %dot_general3A_836 = tpu.matmul %mul3A_834, %get3A_191, %dot_general3A_835 {dimension_numbers = #tpu.dot_dimension_numbers<[1], [0], [0], [1], [0, 0, 1, 1], [], []>, transpose_lhs_hint = false} : vector<2048x128xf32>, vector<128x128xf32>, vector<2048x128xf32> -> vector<2048x128xf32>
      %broadcast_in_dim3A_837 = vector.shape_cast %get3A_195 : vector<128xf32> to vector<1x128xf32>
      %add3A_838 = vector.broadcast %broadcast_in_dim3A_837 : vector<1x128xf32> to vector<2048x128xf32>
      %add3A_839 = arith.addf %dot_general3A_836, %add3A_838 : vector<2048x128xf32>
      %logistic3A_840 = arith.negf %add3A_839 : vector<2048x128xf32>
      %logistic3A_841 = math.exp %logistic3A_840 : vector<2048x128xf32>
      %logistic3A_842 = arith.constant 1.000000e+00 : f32
      %logistic3A_843 = vector.broadcast %logistic3A_842 : f32 to vector<2048x128xf32>
      %logistic3A_844 = arith.addf %logistic3A_843, %logistic3A_841 : vector<2048x128xf32>
      %logistic3A_845 = arith.divf %logistic3A_843, %logistic3A_844 : vector<2048x128xf32>
      %mul3A_846 = arith.mulf %add3A_839, %logistic3A_845 : vector<2048x128xf32>
      %get3A_847 = arith.index_cast %rem3A_769 : i32 to index
      %get3A_848 = arith.constant 0 : index
      %get3A_849 = arith.constant 0 : index
      %get3A_850 = vector.load %arg5[%get3A_847, %get3A_848, %get3A_849] : memref<96x8x32xf32, #tpu.memory_space<vmem>>, vector<1x8x32xf32>
      %reshape3A_851 = vector.shape_cast %get3A_850 : vector<1x8x32xf32> to vector<8x32xf32>
      %get3A_852 = arith.index_cast %rem3A_773 : i32 to index
      %get3A_853 = arith.constant 0 : index
      %get3A_854 = arith.constant 0 : index
      %get3A_855 = vector.load %arg6[%get3A_852, %get3A_853, %get3A_854] : memref<48x8x64xf32, #tpu.memory_space<vmem>>, vector<1x8x64xf32>
      %reshape3A_856 = vector.shape_cast %get3A_855 : vector<1x8x64xf32> to vector<8x64xf32>
      %get3A_857 = arith.index_cast %rem3A_777 : i32 to index
      %get3A_858 = arith.constant 0 : index
      %get3A_859 = arith.constant 0 : index
      %get3A_860 = vector.load %arg6[%get3A_857, %get3A_858, %get3A_859] : memref<48x8x64xf32, #tpu.memory_space<vmem>>, vector<1x8x64xf32>
      %reshape3A_861 = vector.shape_cast %get3A_860 : vector<1x8x64xf32> to vector<8x64xf32>
      %broadcast_in_dim3A_862 = vector.shape_cast %reshape3A_851 : vector<8x32xf32> to vector<8x32x1xf32>
      %broadcast_in_dim3A_863 = vector.shape_cast %reshape3A_856 : vector<8x64xf32> to vector<8x1x64xf32>
      %sub3A_864 = vector.broadcast %broadcast_in_dim3A_862 : vector<8x32x1xf32> to vector<8x32x64xf32>
      %sub3A_865 = vector.broadcast %broadcast_in_dim3A_863 : vector<8x1x64xf32> to vector<8x32x64xf32>
      %sub3A_866 = arith.subf %sub3A_864, %sub3A_865 : vector<8x32x64xf32>
      %integer_pow3A = arith.mulf %sub3A_866, %sub3A_866 : vector<8x32x64xf32>
      %reduce_sum3A_867 = arith.constant dense<0.000000e+00> : vector<32x64xf32>
      %reduce_sum3A_868 = vector.multi_reduction <add>, %integer_pow3A, %reduce_sum3A_867 [0] : vector<8x32x64xf32> to vector<32x64xf32>
      %broadcast_in_dim3A_869 = vector.shape_cast %reshape3A_851 : vector<8x32xf32> to vector<8x32x1xf32>
      %broadcast_in_dim3A_870 = vector.shape_cast %reshape3A_861 : vector<8x64xf32> to vector<8x1x64xf32>
      %sub3A_871 = vector.broadcast %broadcast_in_dim3A_869 : vector<8x32x1xf32> to vector<8x32x64xf32>
      %sub3A_872 = vector.broadcast %broadcast_in_dim3A_870 : vector<8x1x64xf32> to vector<8x32x64xf32>
      %sub3A_873 = arith.subf %sub3A_871, %sub3A_872 : vector<8x32x64xf32>
      %integer_pow3A_874 = arith.mulf %sub3A_873, %sub3A_873 : vector<8x32x64xf32>
      %reduce_sum3A_875 = arith.constant dense<0.000000e+00> : vector<32x64xf32>
      %reduce_sum3A_876 = vector.multi_reduction <add>, %integer_pow3A_874, %reduce_sum3A_875 [0] : vector<8x32x64xf32> to vector<32x64xf32>
      %le3A = arith.constant 2.250000e+00 : f32
      %le3A_877 = vector.broadcast %le3A : f32 to vector<32x64xf32>
      %le3A_878 = arith.cmpf ole, %reduce_sum3A_868, %le3A_877 : vector<32x64xf32>
      %convert_element_type3A_879 = arith.sitofp %div3A_791 : i32 to f32
      %jit3A_880 = arith.constant 0.000000e+00 : f32
      %broadcast_in_dim3A_881 = vector.broadcast %convert_element_type3A_879 : f32 to vector<32x64xf32>
      %broadcast_in_dim3A_882 = vector.broadcast %jit3A_880 : f32 to vector<32x64xf32>
      %select_n3A_883 = arith.select %le3A_878, %broadcast_in_dim3A_881, %broadcast_in_dim3A_882 : vector<32x64xi1>, vector<32x64xf32>
      %broadcast_in_dim3A_884 = vector.shape_cast %select_n3A_883 : vector<32x64xf32> to vector<32x64x1xf32>
      %le3A_885 = arith.constant 2.250000e+00 : f32
      %le3A_886 = vector.broadcast %le3A_885 : f32 to vector<32x64xf32>
      %le3A_887 = arith.cmpf ole, %reduce_sum3A_876, %le3A_886 : vector<32x64xf32>
      %mul3A_888 = arith.muli %rem3A_789, %div3A_791 : i32
      %convert_element_type3A_889 = arith.sitofp %mul3A_888 : i32 to f32
      %jit3A_890 = arith.constant 0.000000e+00 : f32
      %broadcast_in_dim3A_891 = vector.broadcast %convert_element_type3A_889 : f32 to vector<32x64xf32>
      %broadcast_in_dim3A_892 = vector.broadcast %jit3A_890 : f32 to vector<32x64xf32>
      %select_n3A_893 = arith.select %le3A_887, %broadcast_in_dim3A_891, %broadcast_in_dim3A_892 : vector<32x64xi1>, vector<32x64xf32>
      %broadcast_in_dim3A_894 = vector.shape_cast %select_n3A_893 : vector<32x64xf32> to vector<32x64x1xf32>
      %iota3A_895 = tpu.iota {dimensions = array<i32: 2>} : vector<32x64x128xi32>
      %lt3A = arith.constant 64 : i32
      %lt3A_896 = vector.broadcast %lt3A : i32 to vector<32x64x128xi32>
      %lt3A_897 = arith.cmpi slt, %iota3A_895, %lt3A_896 : vector<32x64x128xi32>
      %broadcast_in_dim3A_898 = vector.shape_cast %broadcast_in_dim3A_884 : vector<32x64x1xf32> to vector<32x64x1xf32>
      %broadcast_in_dim3A_899 = vector.broadcast %broadcast_in_dim3A_898 : vector<32x64x1xf32> to vector<32x64x128xf32>
      %broadcast_in_dim3A_900 = vector.shape_cast %broadcast_in_dim3A_894 : vector<32x64x1xf32> to vector<32x64x1xf32>
      %broadcast_in_dim3A_901 = vector.broadcast %broadcast_in_dim3A_900 : vector<32x64x1xf32> to vector<32x64x128xf32>
      %select_n3A_902 = arith.select %lt3A_897, %broadcast_in_dim3A_899, %broadcast_in_dim3A_901 : vector<32x64x128xi1>, vector<32x64x128xf32>
      %reshape3A_903 = vector.shape_cast %mul3A_846 : vector<2048x128xf32> to vector<32x64x128xf32>
      %mul3A_904 = arith.mulf %reshape3A_903, %select_n3A_902 : vector<32x64x128xf32>
      %reduce_sum3A_905 = arith.constant dense<0.000000e+00> : vector<32x128xf32>
      %reduce_sum3A_906 = vector.multi_reduction <add>, %mul3A_904, %reduce_sum3A_905 [1] : vector<32x64x128xf32> to vector<32x128xf32>
      %slice3A_907 = vector.extract_strided_slice %reduce_sum3A_906 {offsets = [0, 0], sizes = [32, 64], strides = [1, 1]} : vector<32x128xf32> to vector<32x64xf32>
      %slice3A_908 = vector.extract_strided_slice %reduce_sum3A_906 {offsets = [0, 64], sizes = [32, 64], strides = [1, 1]} : vector<32x128xf32> to vector<32x64xf32>
      %add3A_909 = arith.addf %slice3A_907, %slice3A_908 : vector<32x64xf32>
      %mul3A_910 = arith.constant 2 : i32
      %mul3A_911 = arith.muli %mul3A_910, %while3A_763 : i32
      %add3A_912 = arith.constant 1 : i32
      %add3A_913 = arith.addi %mul3A_911, %add3A_912 : i32
      %get3A_914 = arith.index_cast %add3A_913 : i32 to index
      %get3A_915 = memref.load %arg1[%get3A_914] : memref<2400xi32, #tpu.memory_space<smem>>
      %rem3A_916 = arith.constant 128 : i32
      %rem3A_917 = arith.remsi %get3A_915, %rem3A_916 : i32
      %div3A_918 = arith.constant 128 : i32
      %div3A_919 = arith.divsi %get3A_915, %div3A_918 : i32
      %rem3A_920 = arith.constant 64 : i32
      %rem3A_921 = arith.remsi %div3A_919, %rem3A_920 : i32
      %div3A_922 = arith.constant 8192 : i32
      %div3A_923 = arith.divsi %get3A_915, %div3A_922 : i32
      %rem3A_924 = arith.constant 64 : i32
      %rem3A_925 = arith.remsi %div3A_923, %rem3A_924 : i32
      %div3A_926 = arith.constant 524288 : i32
      %div3A_927 = arith.divsi %get3A_915, %div3A_926 : i32
      %rem3A_928 = arith.constant 4 : i32
      %rem3A_929 = arith.remsi %div3A_927, %rem3A_928 : i32
      %div3A_930 = arith.constant 2097152 : i32
      %div3A_931 = arith.divsi %get3A_915, %div3A_930 : i32
      %rem3A_932 = arith.constant 4 : i32
      %rem3A_933 = arith.remsi %div3A_931, %rem3A_932 : i32
      %div3A_934 = arith.constant 8388608 : i32
      %div3A_935 = arith.divsi %get3A_915, %div3A_934 : i32
      %rem3A_936 = arith.constant 2 : i32
      %rem3A_937 = arith.remsi %div3A_935, %rem3A_936 : i32
      %div3A_938 = arith.constant 16777216 : i32
      %div3A_939 = arith.divsi %get3A_915, %div3A_938 : i32
      %mul3A_940 = arith.constant 32 : i32
      %mul3A_941 = arith.muli %rem3A_917, %mul3A_940 : i32
      %get3A_942 = arith.index_cast %mul3A_941 : i32 to index
      %get3A_943 = arith.constant 0 : index
      %get3A_944 = vector.load %arg54[%get3A_942, %get3A_943] : memref<3072x64xf32, #tpu.memory_space<vmem>>, vector<32x64xf32>
      %concatenate3A_945 = tpu.concatenate %get3A_944, %get3A_944 in 1 : vector<32x64xf32>, vector<32x64xf32> -> vector<32x128xf32>
      %mul3A_946 = arith.constant 64 : i32
      %mul3A_947 = arith.muli %rem3A_921, %mul3A_946 : i32
      %get3A_948 = arith.index_cast %mul3A_947 : i32 to index
      %get3A_949 = arith.constant 0 : index
      %get3A_950 = vector.load %arg55[%get3A_948, %get3A_949] : memref<3072x64xf32, #tpu.memory_space<vmem>>, vector<64x64xf32>
      %mul3A_951 = arith.constant 64 : i32
      %mul3A_952 = arith.muli %rem3A_925, %mul3A_951 : i32
      %get3A_953 = arith.index_cast %mul3A_952 : i32 to index
      %get3A_954 = arith.constant 0 : index
      %get3A_955 = vector.load %arg55[%get3A_953, %get3A_954] : memref<3072x64xf32, #tpu.memory_space<vmem>>, vector<64x64xf32>
      %concatenate3A_956 = tpu.concatenate %get3A_950, %get3A_955 in 1 : vector<64x64xf32>, vector<64x64xf32> -> vector<64x128xf32>
      %get3A_957 = arith.constant 0 : index
      %get3A_958 = arith.index_cast %rem3A_929 : i32 to index
      %get3A_959 = arith.constant 0 : index
      %get3A_960 = vector.load %arg27[%get3A_957, %get3A_958, %get3A_959] : memref<4x3x64xf32, #tpu.memory_space<vmem>>, vector<1x1x64xf32>
      %get3A_961 = vector.shape_cast %get3A_960 : vector<1x1x64xf32> to vector<1x64xf32>
      %get3A_962 = arith.constant 0 : index
      %get3A_963 = arith.index_cast %rem3A_933 : i32 to index
      %get3A_964 = arith.constant 0 : index
      %get3A_965 = vector.load %arg27[%get3A_962, %get3A_963, %get3A_964] : memref<4x3x64xf32, #tpu.memory_space<vmem>>, vector<1x1x64xf32>
      %get3A_966 = vector.shape_cast %get3A_965 : vector<1x1x64xf32> to vector<1x64xf32>
      %concatenate3A_967 = tpu.concatenate %get3A_961, %get3A_966 in 1 : vector<1x64xf32>, vector<1x64xf32> -> vector<1x128xf32>
      %broadcast_in_dim3A_968 = vector.shape_cast %concatenate3A_945 : vector<32x128xf32> to vector<32x1x128xf32>
      %broadcast_in_dim3A_969 = vector.shape_cast %concatenate3A_956 : vector<64x128xf32> to vector<1x64x128xf32>
      %add3A_970 = vector.broadcast %broadcast_in_dim3A_968 : vector<32x1x128xf32> to vector<32x64x128xf32>
      %add3A_971 = vector.broadcast %broadcast_in_dim3A_969 : vector<1x64x128xf32> to vector<32x64x128xf32>
      %add3A_972 = arith.addf %add3A_970, %add3A_971 : vector<32x64x128xf32>
      %broadcast_in_dim3A_973 = vector.shape_cast %concatenate3A_967 : vector<1x128xf32> to vector<1x1x128xf32>
      %add3A_974 = vector.broadcast %broadcast_in_dim3A_973 : vector<1x1x128xf32> to vector<32x64x128xf32>
      %add3A_975 = arith.addf %add3A_972, %add3A_974 : vector<32x64x128xf32>
      %reshape3A_976 = vector.shape_cast %add3A_975 : vector<32x64x128xf32> to vector<2048x128xf32>
      %logistic3A_977 = arith.negf %reshape3A_976 : vector<2048x128xf32>
      %logistic3A_978 = math.exp %logistic3A_977 : vector<2048x128xf32>
      %logistic3A_979 = arith.constant 1.000000e+00 : f32
      %logistic3A_980 = vector.broadcast %logistic3A_979 : f32 to vector<2048x128xf32>
      %logistic3A_981 = arith.addf %logistic3A_980, %logistic3A_978 : vector<2048x128xf32>
      %logistic3A_982 = arith.divf %logistic3A_980, %logistic3A_981 : vector<2048x128xf32>
      %mul3A_983 = arith.mulf %reshape3A_976, %logistic3A_982 : vector<2048x128xf32>
      %dot_general3A_984 = arith.constant dense<0.000000e+00> : vector<2048x128xf32>
      %dot_general3A_985 = tpu.matmul %mul3A_983, %get3A_191, %dot_general3A_984 {dimension_numbers = #tpu.dot_dimension_numbers<[1], [0], [0], [1], [0, 0, 1, 1], [], []>, transpose_lhs_hint = false} : vector<2048x128xf32>, vector<128x128xf32>, vector<2048x128xf32> -> vector<2048x128xf32>
      %broadcast_in_dim3A_986 = vector.shape_cast %get3A_195 : vector<128xf32> to vector<1x128xf32>
      %add3A_987 = vector.broadcast %broadcast_in_dim3A_986 : vector<1x128xf32> to vector<2048x128xf32>
      %add3A_988 = arith.addf %dot_general3A_985, %add3A_987 : vector<2048x128xf32>
      %logistic3A_989 = arith.negf %add3A_988 : vector<2048x128xf32>
      %logistic3A_990 = math.exp %logistic3A_989 : vector<2048x128xf32>
      %logistic3A_991 = arith.constant 1.000000e+00 : f32
      %logistic3A_992 = vector.broadcast %logistic3A_991 : f32 to vector<2048x128xf32>
      %logistic3A_993 = arith.addf %logistic3A_992, %logistic3A_990 : vector<2048x128xf32>
      %logistic3A_994 = arith.divf %logistic3A_992, %logistic3A_993 : vector<2048x128xf32>
      %mul3A_995 = arith.mulf %add3A_988, %logistic3A_994 : vector<2048x128xf32>
      %get3A_996 = arith.index_cast %rem3A_917 : i32 to index
      %get3A_997 = arith.constant 0 : index
      %get3A_998 = arith.constant 0 : index
      %get3A_999 = vector.load %arg5[%get3A_996, %get3A_997, %get3A_998] : memref<96x8x32xf32, #tpu.memory_space<vmem>>, vector<1x8x32xf32>
      %reshape3A_1000 = vector.shape_cast %get3A_999 : vector<1x8x32xf32> to vector<8x32xf32>
      %get3A_1001 = arith.index_cast %rem3A_921 : i32 to index
      %get3A_1002 = arith.constant 0 : index
      %get3A_1003 = arith.constant 0 : index
      %get3A_1004 = vector.load %arg6[%get3A_1001, %get3A_1002, %get3A_1003] : memref<48x8x64xf32, #tpu.memory_space<vmem>>, vector<1x8x64xf32>
      %reshape3A_1005 = vector.shape_cast %get3A_1004 : vector<1x8x64xf32> to vector<8x64xf32>
      %get3A_1006 = arith.index_cast %rem3A_925 : i32 to index
      %get3A_1007 = arith.constant 0 : index
      %get3A_1008 = arith.constant 0 : index
      %get3A_1009 = vector.load %arg6[%get3A_1006, %get3A_1007, %get3A_1008] : memref<48x8x64xf32, #tpu.memory_space<vmem>>, vector<1x8x64xf32>
      %reshape3A_1010 = vector.shape_cast %get3A_1009 : vector<1x8x64xf32> to vector<8x64xf32>
      %broadcast_in_dim3A_1011 = vector.shape_cast %reshape3A_1000 : vector<8x32xf32> to vector<8x32x1xf32>
      %broadcast_in_dim3A_1012 = vector.shape_cast %reshape3A_1005 : vector<8x64xf32> to vector<8x1x64xf32>
      %sub3A_1013 = vector.broadcast %broadcast_in_dim3A_1011 : vector<8x32x1xf32> to vector<8x32x64xf32>
      %sub3A_1014 = vector.broadcast %broadcast_in_dim3A_1012 : vector<8x1x64xf32> to vector<8x32x64xf32>
      %sub3A_1015 = arith.subf %sub3A_1013, %sub3A_1014 : vector<8x32x64xf32>
      %integer_pow3A_1016 = arith.mulf %sub3A_1015, %sub3A_1015 : vector<8x32x64xf32>
      %reduce_sum3A_1017 = arith.constant dense<0.000000e+00> : vector<32x64xf32>
      %reduce_sum3A_1018 = vector.multi_reduction <add>, %integer_pow3A_1016, %reduce_sum3A_1017 [0] : vector<8x32x64xf32> to vector<32x64xf32>
      %broadcast_in_dim3A_1019 = vector.shape_cast %reshape3A_1000 : vector<8x32xf32> to vector<8x32x1xf32>
      %broadcast_in_dim3A_1020 = vector.shape_cast %reshape3A_1010 : vector<8x64xf32> to vector<8x1x64xf32>
      %sub3A_1021 = vector.broadcast %broadcast_in_dim3A_1019 : vector<8x32x1xf32> to vector<8x32x64xf32>
      %sub3A_1022 = vector.broadcast %broadcast_in_dim3A_1020 : vector<8x1x64xf32> to vector<8x32x64xf32>
      %sub3A_1023 = arith.subf %sub3A_1021, %sub3A_1022 : vector<8x32x64xf32>
      %integer_pow3A_1024 = arith.mulf %sub3A_1023, %sub3A_1023 : vector<8x32x64xf32>
      %reduce_sum3A_1025 = arith.constant dense<0.000000e+00> : vector<32x64xf32>
      %reduce_sum3A_1026 = vector.multi_reduction <add>, %integer_pow3A_1024, %reduce_sum3A_1025 [0] : vector<8x32x64xf32> to vector<32x64xf32>
      %le3A_1027 = arith.constant 2.250000e+00 : f32
      %le3A_1028 = vector.broadcast %le3A_1027 : f32 to vector<32x64xf32>
      %le3A_1029 = arith.cmpf ole, %reduce_sum3A_1018, %le3A_1028 : vector<32x64xf32>
      %convert_element_type3A_1030 = arith.sitofp %div3A_939 : i32 to f32
      %jit3A_1031 = arith.constant 0.000000e+00 : f32
      %broadcast_in_dim3A_1032 = vector.broadcast %convert_element_type3A_1030 : f32 to vector<32x64xf32>
      %broadcast_in_dim3A_1033 = vector.broadcast %jit3A_1031 : f32 to vector<32x64xf32>
      %select_n3A_1034 = arith.select %le3A_1029, %broadcast_in_dim3A_1032, %broadcast_in_dim3A_1033 : vector<32x64xi1>, vector<32x64xf32>
      %broadcast_in_dim3A_1035 = vector.shape_cast %select_n3A_1034 : vector<32x64xf32> to vector<32x64x1xf32>
      %le3A_1036 = arith.constant 2.250000e+00 : f32
      %le3A_1037 = vector.broadcast %le3A_1036 : f32 to vector<32x64xf32>
      %le3A_1038 = arith.cmpf ole, %reduce_sum3A_1026, %le3A_1037 : vector<32x64xf32>
      %mul3A_1039 = arith.muli %rem3A_937, %div3A_939 : i32
      %convert_element_type3A_1040 = arith.sitofp %mul3A_1039 : i32 to f32
      %jit3A_1041 = arith.constant 0.000000e+00 : f32
      %broadcast_in_dim3A_1042 = vector.broadcast %convert_element_type3A_1040 : f32 to vector<32x64xf32>
      %broadcast_in_dim3A_1043 = vector.broadcast %jit3A_1041 : f32 to vector<32x64xf32>
      %select_n3A_1044 = arith.select %le3A_1038, %broadcast_in_dim3A_1042, %broadcast_in_dim3A_1043 : vector<32x64xi1>, vector<32x64xf32>
      %broadcast_in_dim3A_1045 = vector.shape_cast %select_n3A_1044 : vector<32x64xf32> to vector<32x64x1xf32>
      %iota3A_1046 = tpu.iota {dimensions = array<i32: 2>} : vector<32x64x128xi32>
      %lt3A_1047 = arith.constant 64 : i32
      %lt3A_1048 = vector.broadcast %lt3A_1047 : i32 to vector<32x64x128xi32>
      %lt3A_1049 = arith.cmpi slt, %iota3A_1046, %lt3A_1048 : vector<32x64x128xi32>
      %broadcast_in_dim3A_1050 = vector.shape_cast %broadcast_in_dim3A_1035 : vector<32x64x1xf32> to vector<32x64x1xf32>
      %broadcast_in_dim3A_1051 = vector.broadcast %broadcast_in_dim3A_1050 : vector<32x64x1xf32> to vector<32x64x128xf32>
      %broadcast_in_dim3A_1052 = vector.shape_cast %broadcast_in_dim3A_1045 : vector<32x64x1xf32> to vector<32x64x1xf32>
      %broadcast_in_dim3A_1053 = vector.broadcast %broadcast_in_dim3A_1052 : vector<32x64x1xf32> to vector<32x64x128xf32>
      %select_n3A_1054 = arith.select %lt3A_1049, %broadcast_in_dim3A_1051, %broadcast_in_dim3A_1053 : vector<32x64x128xi1>, vector<32x64x128xf32>
      %reshape3A_1055 = vector.shape_cast %mul3A_995 : vector<2048x128xf32> to vector<32x64x128xf32>
      %mul3A_1056 = arith.mulf %reshape3A_1055, %select_n3A_1054 : vector<32x64x128xf32>
      %reduce_sum3A_1057 = arith.constant dense<0.000000e+00> : vector<32x128xf32>
      %reduce_sum3A_1058 = vector.multi_reduction <add>, %mul3A_1056, %reduce_sum3A_1057 [1] : vector<32x64x128xf32> to vector<32x128xf32>
      %slice3A_1059 = vector.extract_strided_slice %reduce_sum3A_1058 {offsets = [0, 0], sizes = [32, 64], strides = [1, 1]} : vector<32x128xf32> to vector<32x64xf32>
      %slice3A_1060 = vector.extract_strided_slice %reduce_sum3A_1058 {offsets = [0, 64], sizes = [32, 64], strides = [1, 1]} : vector<32x128xf32> to vector<32x64xf32>
      %add3A_1061 = arith.addf %slice3A_1059, %slice3A_1060 : vector<32x64xf32>
      %get3A_1062 = arith.index_cast %mul3A_793 : i32 to index
      %get3A_1063 = arith.constant 0 : index
      %get3A_1064 = vector.load %arg56[%get3A_1062, %get3A_1063] : memref<3072x64xf32, #tpu.memory_space<vmem>>, vector<32x64xf32>
      %add3A_1065 = arith.addf %get3A_1064, %add3A_909 : vector<32x64xf32>
      %swap3A_1066 = arith.index_cast %mul3A_793 : i32 to index
      %swap3A_1067 = arith.constant 0 : index
      %swap3A_1068 = vector.load %arg56[%swap3A_1066, %swap3A_1067] : memref<3072x64xf32, #tpu.memory_space<vmem>>, vector<32x64xf32>
      tpu.vector_store %arg56[%swap3A_1066, %swap3A_1067], %add3A_1065 {strides = array<i32>} : memref<3072x64xf32, #tpu.memory_space<vmem>>, vector<32x64xf32>,
      %get3A_1069 = arith.index_cast %mul3A_941 : i32 to index
      %get3A_1070 = arith.constant 0 : index
      %get3A_1071 = vector.load %arg56[%get3A_1069, %get3A_1070] : memref<3072x64xf32, #tpu.memory_space<vmem>>, vector<32x64xf32>
      %add3A_1072 = arith.addf %get3A_1071, %add3A_1061 : vector<32x64xf32>
      %swap3A_1073 = arith.index_cast %mul3A_941 : i32 to index
      %swap3A_1074 = arith.constant 0 : index
      %swap3A_1075 = vector.load %arg56[%swap3A_1073, %swap3A_1074] : memref<3072x64xf32, #tpu.memory_space<vmem>>, vector<32x64xf32>
      tpu.vector_store %arg56[%swap3A_1073, %swap3A_1074], %add3A_1072 {strides = array<i32>} : memref<3072x64xf32, #tpu.memory_space<vmem>>, vector<32x64xf32>,
    }
    %while3A_222 = arith.constant 1 : i32
    scf.for %while3A_763 = %while3A_220 to %while3A_216 step %while3A_222  : i32 {
      %mul3A_764 = arith.constant 2 : i32
      %mul3A_765 = arith.muli %mul3A_764, %while3A_763 : i32
      %get3A_766 = arith.index_cast %mul3A_765 : i32 to index
      %get3A_767 = memref.load %arg1[%get3A_766] : memref<2400xi32, #tpu.memory_space<smem>>
      %rem3A_768 = arith.constant 128 : i32
      %rem3A_769 = arith.remsi %get3A_767, %rem3A_768 : i32
      %div3A_770 = arith.constant 128 : i32
      %div3A_771 = arith.divsi %get3A_767, %div3A_770 : i32
      %rem3A_772 = arith.constant 64 : i32
      %rem3A_773 = arith.remsi %div3A_771, %rem3A_772 : i32
      %div3A_774 = arith.constant 8192 : i32
      %div3A_775 = arith.divsi %get3A_767, %div3A_774 : i32
      %rem3A_776 = arith.constant 64 : i32
      %rem3A_777 = arith.remsi %div3A_775, %rem3A_776 : i32
      %div3A_778 = arith.constant 524288 : i32
      %div3A_779 = arith.divsi %get3A_767, %div3A_778 : i32
      %rem3A_780 = arith.constant 4 : i32
      %rem3A_781 = arith.remsi %div3A_779, %rem3A_780 : i32
      %div3A_782 = arith.constant 2097152 : i32
      %div3A_783 = arith.divsi %get3A_767, %div3A_782 : i32
      %rem3A_784 = arith.constant 4 : i32
      %rem3A_785 = arith.remsi %div3A_783, %rem3A_784 : i32
      %div3A_786 = arith.constant 8388608 : i32
      %div3A_787 = arith.divsi %get3A_767, %div3A_786 : i32
      %rem3A_788 = arith.constant 2 : i32
      %rem3A_789 = arith.remsi %div3A_787, %rem3A_788 : i32
      %div3A_790 = arith.constant 16777216 : i32
      %div3A_791 = arith.divsi %get3A_767, %div3A_790 : i32
      %mul3A_792 = arith.constant 32 : i32
      %mul3A_793 = arith.muli %rem3A_769, %mul3A_792 : i32
      %get3A_794 = arith.index_cast %mul3A_793 : i32 to index
      %get3A_795 = arith.constant 0 : index
      %get3A_796 = vector.load %arg54[%get3A_794, %get3A_795] : memref<3072x64xf32, #tpu.memory_space<vmem>>, vector<32x64xf32>
      %concatenate3A = tpu.concatenate %get3A_796, %get3A_796 in 1 : vector<32x64xf32>, vector<32x64xf32> -> vector<32x128xf32>
      %mul3A_797 = arith.constant 64 : i32
      %mul3A_798 = arith.muli %rem3A_773, %mul3A_797 : i32
      %get3A_799 = arith.index_cast %mul3A_798 : i32 to index
      %get3A_800 = arith.constant 0 : index
      %get3A_801 = vector.load %arg55[%get3A_799, %get3A_800] : memref<3072x64xf32, #tpu.memory_space<vmem>>, vector<64x64xf32>
      %mul3A_802 = arith.constant 64 : i32
      %mul3A_803 = arith.muli %rem3A_777, %mul3A_802 : i32
      %get3A_804 = arith.index_cast %mul3A_803 : i32 to index
      %get3A_805 = arith.constant 0 : index
      %get3A_806 = vector.load %arg55[%get3A_804, %get3A_805] : memref<3072x64xf32, #tpu.memory_space<vmem>>, vector<64x64xf32>
      %concatenate3A_807 = tpu.concatenate %get3A_801, %get3A_806 in 1 : vector<64x64xf32>, vector<64x64xf32> -> vector<64x128xf32>
      %get3A_808 = arith.constant 0 : index
      %get3A_809 = arith.index_cast %rem3A_781 : i32 to index
      %get3A_810 = arith.constant 0 : index
      %get3A_811 = vector.load %arg27[%get3A_808, %get3A_809, %get3A_810] : memref<4x3x64xf32, #tpu.memory_space<vmem>>, vector<1x1x64xf32>
      %get3A_812 = vector.shape_cast %get3A_811 : vector<1x1x64xf32> to vector<1x64xf32>
      %get3A_813 = arith.constant 0 : index
      %get3A_814 = arith.index_cast %rem3A_785 : i32 to index
      %get3A_815 = arith.constant 0 : index
      %get3A_816 = vector.load %arg27[%get3A_813, %get3A_814, %get3A_815] : memref<4x3x64xf32, #tpu.memory_space<vmem>>, vector<1x1x64xf32>
      %get3A_817 = vector.shape_cast %get3A_816 : vector<1x1x64xf32> to vector<1x64xf32>
      %concatenate3A_818 = tpu.concatenate %get3A_812, %get3A_817 in 1 : vector<1x64xf32>, vector<1x64xf32> -> vector<1x128xf32>
      %broadcast_in_dim3A_819 = vector.shape_cast %concatenate3A : vector<32x128xf32> to vector<32x1x128xf32>
      %broadcast_in_dim3A_820 = vector.shape_cast %concatenate3A_807 : vector<64x128xf32> to vector<1x64x128xf32>
      %add3A_821 = vector.broadcast %broadcast_in_dim3A_819 : vector<32x1x128xf32> to vector<32x64x128xf32>
      %add3A_822 = vector.broadcast %broadcast_in_dim3A_820 : vector<1x64x128xf32> to vector<32x64x128xf32>
      %add3A_823 = arith.addf %add3A_821, %add3A_822 : vector<32x64x128xf32>
      %broadcast_in_dim3A_824 = vector.shape_cast %concatenate3A_818 : vector<1x128xf32> to vector<1x1x128xf32>
      %add3A_825 = vector.broadcast %broadcast_in_dim3A_824 : vector<1x1x128xf32> to vector<32x64x128xf32>
      %add3A_826 = arith.addf %add3A_823, %add3A_825 : vector<32x64x128xf32>
      %reshape3A_827 = vector.shape_cast %add3A_826 : vector<32x64x128xf32> to vector<2048x128xf32>
      %logistic3A_828 = arith.negf %reshape3A_827 : vector<2048x128xf32>
      %logistic3A_829 = math.exp %logistic3A_828 : vector<2048x128xf32>
      %logistic3A_830 = arith.constant 1.000000e+00 : f32
      %logistic3A_831 = vector.broadcast %logistic3A_830 : f32 to vector<2048x128xf32>
      %logistic3A_832 = arith.addf %logistic3A_831, %logistic3A_829 : vector<2048x128xf32>
      %logistic3A_833 = arith.divf %logistic3A_831, %logistic3A_832 : vector<2048x128xf32>
      %mul3A_834 = arith.mulf %reshape3A_827, %logistic3A_833 : vector<2048x128xf32>
      %dot_general3A_835 = arith.constant dense<0.000000e+00> : vector<2048x128xf32>
      %dot_general3A_836 = tpu.matmul %mul3A_834, %get3A_191, %dot_general3A_835 {dimension_numbers = #tpu.dot_dimension_numbers<[1], [0], [0], [1], [0, 0, 1, 1], [], []>, transpose_lhs_hint = false} : vector<2048x128xf32>, vector<128x128xf32>, vector<2048x128xf32> -> vector<2048x128xf32>
      %broadcast_in_dim3A_837 = vector.shape_cast %get3A_195 : vector<128xf32> to vector<1x128xf32>
      %add3A_838 = vector.broadcast %broadcast_in_dim3A_837 : vector<1x128xf32> to vector<2048x128xf32>
      %add3A_839 = arith.addf %dot_general3A_836, %add3A_838 : vector<2048x128xf32>
      %logistic3A_840 = arith.negf %add3A_839 : vector<2048x128xf32>
      %logistic3A_841 = math.exp %logistic3A_840 : vector<2048x128xf32>
      %logistic3A_842 = arith.constant 1.000000e+00 : f32
      %logistic3A_843 = vector.broadcast %logistic3A_842 : f32 to vector<2048x128xf32>
      %logistic3A_844 = arith.addf %logistic3A_843, %logistic3A_841 : vector<2048x128xf32>
      %logistic3A_845 = arith.divf %logistic3A_843, %logistic3A_844 : vector<2048x128xf32>
      %mul3A_846 = arith.mulf %add3A_839, %logistic3A_845 : vector<2048x128xf32>
      %get3A_847 = arith.index_cast %rem3A_769 : i32 to index
      %get3A_848 = arith.constant 0 : index
      %get3A_849 = arith.constant 0 : index
      %get3A_850 = vector.load %arg5[%get3A_847, %get3A_848, %get3A_849] : memref<96x8x32xf32, #tpu.memory_space<vmem>>, vector<1x8x32xf32>
      %reshape3A_851 = vector.shape_cast %get3A_850 : vector<1x8x32xf32> to vector<8x32xf32>
      %get3A_852 = arith.index_cast %rem3A_773 : i32 to index
      %get3A_853 = arith.constant 0 : index
      %get3A_854 = arith.constant 0 : index
      %get3A_855 = vector.load %arg6[%get3A_852, %get3A_853, %get3A_854] : memref<48x8x64xf32, #tpu.memory_space<vmem>>, vector<1x8x64xf32>
      %reshape3A_856 = vector.shape_cast %get3A_855 : vector<1x8x64xf32> to vector<8x64xf32>
      %get3A_857 = arith.index_cast %rem3A_777 : i32 to index
      %get3A_858 = arith.constant 0 : index
      %get3A_859 = arith.constant 0 : index
      %get3A_860 = vector.load %arg6[%get3A_857, %get3A_858, %get3A_859] : memref<48x8x64xf32, #tpu.memory_space<vmem>>, vector<1x8x64xf32>
      %reshape3A_861 = vector.shape_cast %get3A_860 : vector<1x8x64xf32> to vector<8x64xf32>
      %broadcast_in_dim3A_862 = vector.shape_cast %reshape3A_851 : vector<8x32xf32> to vector<8x32x1xf32>
      %broadcast_in_dim3A_863 = vector.shape_cast %reshape3A_856 : vector<8x64xf32> to vector<8x1x64xf32>
      %sub3A_864 = vector.broadcast %broadcast_in_dim3A_862 : vector<8x32x1xf32> to vector<8x32x64xf32>
      %sub3A_865 = vector.broadcast %broadcast_in_dim3A_863 : vector<8x1x64xf32> to vector<8x32x64xf32>
      %sub3A_866 = arith.subf %sub3A_864, %sub3A_865 : vector<8x32x64xf32>
      %integer_pow3A = arith.mulf %sub3A_866, %sub3A_866 : vector<8x32x64xf32>
      %reduce_sum3A_867 = arith.constant dense<0.000000e+00> : vector<32x64xf32>
      %reduce_sum3A_868 = vector.multi_reduction <add>, %integer_pow3A, %reduce_sum3A_867 [0] : vector<8x32x64xf32> to vector<32x64xf32>
      %broadcast_in_dim3A_869 = vector.shape_cast %reshape3A_851 : vector<8x32xf32> to vector<8x32x1xf32>
      %broadcast_in_dim3A_870 = vector.shape_cast %reshape3A_861 : vector<8x64xf32> to vector<8x1x64xf32>
      %sub3A_871 = vector.broadcast %broadcast_in_dim3A_869 : vector<8x32x1xf32> to vector<8x32x64xf32>
      %sub3A_872 = vector.broadcast %broadcast_in_dim3A_870 : vector<8x1x64xf32> to vector<8x32x64xf32>
      %sub3A_873 = arith.subf %sub3A_871, %sub3A_872 : vector<8x32x64xf32>
      %integer_pow3A_874 = arith.mulf %sub3A_873, %sub3A_873 : vector<8x32x64xf32>
      %reduce_sum3A_875 = arith.constant dense<0.000000e+00> : vector<32x64xf32>
      %reduce_sum3A_876 = vector.multi_reduction <add>, %integer_pow3A_874, %reduce_sum3A_875 [0] : vector<8x32x64xf32> to vector<32x64xf32>
      %le3A = arith.constant 2.250000e+00 : f32
      %le3A_877 = vector.broadcast %le3A : f32 to vector<32x64xf32>
      %le3A_878 = arith.cmpf ole, %reduce_sum3A_868, %le3A_877 : vector<32x64xf32>
      %convert_element_type3A_879 = arith.sitofp %div3A_791 : i32 to f32
      %jit3A_880 = arith.constant 0.000000e+00 : f32
      %broadcast_in_dim3A_881 = vector.broadcast %convert_element_type3A_879 : f32 to vector<32x64xf32>
      %broadcast_in_dim3A_882 = vector.broadcast %jit3A_880 : f32 to vector<32x64xf32>
      %select_n3A_883 = arith.select %le3A_878, %broadcast_in_dim3A_881, %broadcast_in_dim3A_882 : vector<32x64xi1>, vector<32x64xf32>
      %broadcast_in_dim3A_884 = vector.shape_cast %select_n3A_883 : vector<32x64xf32> to vector<32x64x1xf32>
      %le3A_885 = arith.constant 2.250000e+00 : f32
      %le3A_886 = vector.broadcast %le3A_885 : f32 to vector<32x64xf32>
      %le3A_887 = arith.cmpf ole, %reduce_sum3A_876, %le3A_886 : vector<32x64xf32>
      %mul3A_888 = arith.muli %rem3A_789, %div3A_791 : i32
      %convert_element_type3A_889 = arith.sitofp %mul3A_888 : i32 to f32
      %jit3A_890 = arith.constant 0.000000e+00 : f32
      %broadcast_in_dim3A_891 = vector.broadcast %convert_element_type3A_889 : f32 to vector<32x64xf32>
      %broadcast_in_dim3A_892 = vector.broadcast %jit3A_890 : f32 to vector<32x64xf32>
      %select_n3A_893 = arith.select %le3A_887, %broadcast_in_dim3A_891, %broadcast_in_dim3A_892 : vector<32x64xi1>, vector<32x64xf32>
      %broadcast_in_dim3A_894 = vector.shape_cast %select_n3A_893 : vector<32x64xf32> to vector<32x64x1xf32>
      %iota3A_895 = tpu.iota {dimensions = array<i32: 2>} : vector<32x64x128xi32>
      %lt3A = arith.constant 64 : i32
      %lt3A_896 = vector.broadcast %lt3A : i32 to vector<32x64x128xi32>
      %lt3A_897 = arith.cmpi slt, %iota3A_895, %lt3A_896 : vector<32x64x128xi32>
      %broadcast_in_dim3A_898 = vector.shape_cast %broadcast_in_dim3A_884 : vector<32x64x1xf32> to vector<32x64x1xf32>
      %broadcast_in_dim3A_899 = vector.broadcast %broadcast_in_dim3A_898 : vector<32x64x1xf32> to vector<32x64x128xf32>
      %broadcast_in_dim3A_900 = vector.shape_cast %broadcast_in_dim3A_894 : vector<32x64x1xf32> to vector<32x64x1xf32>
      %broadcast_in_dim3A_901 = vector.broadcast %broadcast_in_dim3A_900 : vector<32x64x1xf32> to vector<32x64x128xf32>
      %select_n3A_902 = arith.select %lt3A_897, %broadcast_in_dim3A_899, %broadcast_in_dim3A_901 : vector<32x64x128xi1>, vector<32x64x128xf32>
      %reshape3A_903 = vector.shape_cast %mul3A_846 : vector<2048x128xf32> to vector<32x64x128xf32>
      %mul3A_904 = arith.mulf %reshape3A_903, %select_n3A_902 : vector<32x64x128xf32>
      %reduce_sum3A_905 = arith.constant dense<0.000000e+00> : vector<32x128xf32>
      %reduce_sum3A_906 = vector.multi_reduction <add>, %mul3A_904, %reduce_sum3A_905 [1] : vector<32x64x128xf32> to vector<32x128xf32>
      %slice3A_907 = vector.extract_strided_slice %reduce_sum3A_906 {offsets = [0, 0], sizes = [32, 64], strides = [1, 1]} : vector<32x128xf32> to vector<32x64xf32>
      %slice3A_908 = vector.extract_strided_slice %reduce_sum3A_906 {offsets = [0, 64], sizes = [32, 64], strides = [1, 1]} : vector<32x128xf32> to vector<32x64xf32>
      %add3A_909 = arith.addf %slice3A_907, %slice3A_908 : vector<32x64xf32>
      %mul3A_910 = arith.constant 2 : i32
      %mul3A_911 = arith.muli %mul3A_910, %while3A_763 : i32
      %add3A_912 = arith.constant 1 : i32
      %add3A_913 = arith.addi %mul3A_911, %add3A_912 : i32
      %get3A_914 = arith.index_cast %add3A_913 : i32 to index
      %get3A_915 = memref.load %arg1[%get3A_914] : memref<2400xi32, #tpu.memory_space<smem>>
      %rem3A_916 = arith.constant 128 : i32
      %rem3A_917 = arith.remsi %get3A_915, %rem3A_916 : i32
      %div3A_918 = arith.constant 128 : i32
      %div3A_919 = arith.divsi %get3A_915, %div3A_918 : i32
      %rem3A_920 = arith.constant 64 : i32
      %rem3A_921 = arith.remsi %div3A_919, %rem3A_920 : i32
      %div3A_922 = arith.constant 8192 : i32
      %div3A_923 = arith.divsi %get3A_915, %div3A_922 : i32
      %rem3A_924 = arith.constant 64 : i32
      %rem3A_925 = arith.remsi %div3A_923, %rem3A_924 : i32
      %div3A_926 = arith.constant 524288 : i32
      %div3A_927 = arith.divsi %get3A_915, %div3A_926 : i32
      %rem3A_928 = arith.constant 4 : i32
      %rem3A_929 = arith.remsi %div3A_927, %rem3A_928 : i32
      %div3A_930 = arith.constant 2097152 : i32
      %div3A_931 = arith.divsi %get3A_915, %div3A_930 : i32
      %rem3A_932 = arith.constant 4 : i32
      %rem3A_933 = arith.remsi %div3A_931, %rem3A_932 : i32
      %div3A_934 = arith.constant 8388608 : i32
      %div3A_935 = arith.divsi %get3A_915, %div3A_934 : i32
      %rem3A_936 = arith.constant 2 : i32
      %rem3A_937 = arith.remsi %div3A_935, %rem3A_936 : i32
      %div3A_938 = arith.constant 16777216 : i32
      %div3A_939 = arith.divsi %get3A_915, %div3A_938 : i32
      %mul3A_940 = arith.constant 32 : i32
      %mul3A_941 = arith.muli %rem3A_917, %mul3A_940 : i32
      %get3A_942 = arith.index_cast %mul3A_941 : i32 to index
      %get3A_943 = arith.constant 0 : index
      %get3A_944 = vector.load %arg54[%get3A_942, %get3A_943] : memref<3072x64xf32, #tpu.memory_space<vmem>>, vector<32x64xf32>
      %concatenate3A_945 = tpu.concatenate %get3A_944, %get3A_944 in 1 : vector<32x64xf32>, vector<32x64xf32> -> vector<32x128xf32>
      %mul3A_946 = arith.constant 64 : i32
      %mul3A_947 = arith.muli %rem3A_921, %mul3A_946 : i32
      %get3A_948 = arith.index_cast %mul3A_947 : i32 to index
      %get3A_949 = arith.constant 0 : index
      %get3A_950 = vector.load %arg55[%get3A_948, %get3A_949] : memref<3072x64xf32, #tpu.memory_space<vmem>>, vector<64x64xf32>
      %mul3A_951 = arith.constant 64 : i32
      %mul3A_952 = arith.muli %rem3A_925, %mul3A_951 : i32
      %get3A_953 = arith.index_cast %mul3A_952 : i32 to index
      %get3A_954 = arith.constant 0 : index
      %get3A_955 = vector.load %arg55[%get3A_953, %get3A_954] : memref<3072x64xf32, #tpu.memory_space<vmem>>, vector<64x64xf32>
      %concatenate3A_956 = tpu.concatenate %get3A_950, %get3A_955 in 1 : vector<64x64xf32>, vector<64x64xf32> -> vector<64x128xf32>
      %get3A_957 = arith.constant 0 : index
      %get3A_958 = arith.index_cast %rem3A_929 : i32 to index
      %get3A_959 = arith.constant 0 : index
      %get3A_960 = vector.load %arg27[%get3A_957, %get3A_958, %get3A_959] : memref<4x3x64xf32, #tpu.memory_space<vmem>>, vector<1x1x64xf32>
      %get3A_961 = vector.shape_cast %get3A_960 : vector<1x1x64xf32> to vector<1x64xf32>
      %get3A_962 = arith.constant 0 : index
      %get3A_963 = arith.index_cast %rem3A_933 : i32 to index
      %get3A_964 = arith.constant 0 : index
      %get3A_965 = vector.load %arg27[%get3A_962, %get3A_963, %get3A_964] : memref<4x3x64xf32, #tpu.memory_space<vmem>>, vector<1x1x64xf32>
      %get3A_966 = vector.shape_cast %get3A_965 : vector<1x1x64xf32> to vector<1x64xf32>
      %concatenate3A_967 = tpu.concatenate %get3A_961, %get3A_966 in 1 : vector<1x64xf32>, vector<1x64xf32> -> vector<1x128xf32>
      %broadcast_in_dim3A_968 = vector.shape_cast %concatenate3A_945 : vector<32x128xf32> to vector<32x1x128xf32>
      %broadcast_in_dim3A_969 = vector.shape_cast %concatenate3A_956 : vector<64x128xf32> to vector<1x64x128xf32>
      %add3A_970 = vector.broadcast %broadcast_in_dim3A_968 : vector<32x1x128xf32> to vector<32x64x128xf32>
      %add3A_971 = vector.broadcast %broadcast_in_dim3A_969 : vector<1x64x128xf32> to vector<32x64x128xf32>
      %add3A_972 = arith.addf %add3A_970, %add3A_971 : vector<32x64x128xf32>
      %broadcast_in_dim3A_973 = vector.shape_cast %concatenate3A_967 : vector<1x128xf32> to vector<1x1x128xf32>
      %add3A_974 = vector.broadcast %broadcast_in_dim3A_973 : vector<1x1x128xf32> to vector<32x64x128xf32>
      %add3A_975 = arith.addf %add3A_972, %add3A_974 : vector<32x64x128xf32>
      %reshape3A_976 = vector.shape_cast %add3A_975 : vector<32x64x128xf32> to vector<2048x128xf32>
      %logistic3A_977 = arith.negf %reshape3A_976 : vector<2048x128xf32>
      %logistic3A_978 = math.exp %logistic3A_977 : vector<2048x128xf32>
      %logistic3A_979 = arith.constant 1.000000e+00 : f32
      %logistic3A_980 = vector.broadcast %logistic3A_979 : f32 to vector<2048x128xf32>
      %logistic3A_981 = arith.addf %logistic3A_980, %logistic3A_978 : vector<2048x128xf32>
      %logistic3A_982 = arith.divf %logistic3A_980, %logistic3A_981 : vector<2048x128xf32>
      %mul3A_983 = arith.mulf %reshape3A_976, %logistic3A_982 : vector<2048x128xf32>
      %dot_general3A_984 = arith.constant dense<0.000000e+00> : vector<2048x128xf32>
      %dot_general3A_985 = tpu.matmul %mul3A_983, %get3A_191, %dot_general3A_984 {dimension_numbers = #tpu.dot_dimension_numbers<[1], [0], [0], [1], [0, 0, 1, 1], [], []>, transpose_lhs_hint = false} : vector<2048x128xf32>, vector<128x128xf32>, vector<2048x128xf32> -> vector<2048x128xf32>
      %broadcast_in_dim3A_986 = vector.shape_cast %get3A_195 : vector<128xf32> to vector<1x128xf32>
      %add3A_987 = vector.broadcast %broadcast_in_dim3A_986 : vector<1x128xf32> to vector<2048x128xf32>
      %add3A_988 = arith.addf %dot_general3A_985, %add3A_987 : vector<2048x128xf32>
      %logistic3A_989 = arith.negf %add3A_988 : vector<2048x128xf32>
      %logistic3A_990 = math.exp %logistic3A_989 : vector<2048x128xf32>
      %logistic3A_991 = arith.constant 1.000000e+00 : f32
      %logistic3A_992 = vector.broadcast %logistic3A_991 : f32 to vector<2048x128xf32>
      %logistic3A_993 = arith.addf %logistic3A_992, %logistic3A_990 : vector<2048x128xf32>
      %logistic3A_994 = arith.divf %logistic3A_992, %logistic3A_993 : vector<2048x128xf32>
      %mul3A_995 = arith.mulf %add3A_988, %logistic3A_994 : vector<2048x128xf32>
      %get3A_996 = arith.index_cast %rem3A_917 : i32 to index
      %get3A_997 = arith.constant 0 : index
      %get3A_998 = arith.constant 0 : index
      %get3A_999 = vector.load %arg5[%get3A_996, %get3A_997, %get3A_998] : memref<96x8x32xf32, #tpu.memory_space<vmem>>, vector<1x8x32xf32>
      %reshape3A_1000 = vector.shape_cast %get3A_999 : vector<1x8x32xf32> to vector<8x32xf32>
      %get3A_1001 = arith.index_cast %rem3A_921 : i32 to index
      %get3A_1002 = arith.constant 0 : index
      %get3A_1003 = arith.constant 0 : index
      %get3A_1004 = vector.load %arg6[%get3A_1001, %get3A_1002, %get3A_1003] : memref<48x8x64xf32, #tpu.memory_space<vmem>>, vector<1x8x64xf32>
      %reshape3A_1005 = vector.shape_cast %get3A_1004 : vector<1x8x64xf32> to vector<8x64xf32>
      %get3A_1006 = arith.index_cast %rem3A_925 : i32 to index
      %get3A_1007 = arith.constant 0 : index
      %get3A_1008 = arith.constant 0 : index
      %get3A_1009 = vector.load %arg6[%get3A_1006, %get3A_1007, %get3A_1008] : memref<48x8x64xf32, #tpu.memory_space<vmem>>, vector<1x8x64xf32>
      %reshape3A_1010 = vector.shape_cast %get3A_1009 : vector<1x8x64xf32> to vector<8x64xf32>
      %broadcast_in_dim3A_1011 = vector.shape_cast %reshape3A_1000 : vector<8x32xf32> to vector<8x32x1xf32>
      %broadcast_in_dim3A_1012 = vector.shape_cast %reshape3A_1005 : vector<8x64xf32> to vector<8x1x64xf32>
      %sub3A_1013 = vector.broadcast %broadcast_in_dim3A_1011 : vector<8x32x1xf32> to vector<8x32x64xf32>
      %sub3A_1014 = vector.broadcast %broadcast_in_dim3A_1012 : vector<8x1x64xf32> to vector<8x32x64xf32>
      %sub3A_1015 = arith.subf %sub3A_1013, %sub3A_1014 : vector<8x32x64xf32>
      %integer_pow3A_1016 = arith.mulf %sub3A_1015, %sub3A_1015 : vector<8x32x64xf32>
      %reduce_sum3A_1017 = arith.constant dense<0.000000e+00> : vector<32x64xf32>
      %reduce_sum3A_1018 = vector.multi_reduction <add>, %integer_pow3A_1016, %reduce_sum3A_1017 [0] : vector<8x32x64xf32> to vector<32x64xf32>
      %broadcast_in_dim3A_1019 = vector.shape_cast %reshape3A_1000 : vector<8x32xf32> to vector<8x32x1xf32>
      %broadcast_in_dim3A_1020 = vector.shape_cast %reshape3A_1010 : vector<8x64xf32> to vector<8x1x64xf32>
      %sub3A_1021 = vector.broadcast %broadcast_in_dim3A_1019 : vector<8x32x1xf32> to vector<8x32x64xf32>
      %sub3A_1022 = vector.broadcast %broadcast_in_dim3A_1020 : vector<8x1x64xf32> to vector<8x32x64xf32>
      %sub3A_1023 = arith.subf %sub3A_1021, %sub3A_1022 : vector<8x32x64xf32>
      %integer_pow3A_1024 = arith.mulf %sub3A_1023, %sub3A_1023 : vector<8x32x64xf32>
      %reduce_sum3A_1025 = arith.constant dense<0.000000e+00> : vector<32x64xf32>
      %reduce_sum3A_1026 = vector.multi_reduction <add>, %integer_pow3A_1024, %reduce_sum3A_1025 [0] : vector<8x32x64xf32> to vector<32x64xf32>
      %le3A_1027 = arith.constant 2.250000e+00 : f32
      %le3A_1028 = vector.broadcast %le3A_1027 : f32 to vector<32x64xf32>
      %le3A_1029 = arith.cmpf ole, %reduce_sum3A_1018, %le3A_1028 : vector<32x64xf32>
      %convert_element_type3A_1030 = arith.sitofp %div3A_939 : i32 to f32
      %jit3A_1031 = arith.constant 0.000000e+00 : f32
      %broadcast_in_dim3A_1032 = vector.broadcast %convert_element_type3A_1030 : f32 to vector<32x64xf32>
      %broadcast_in_dim3A_1033 = vector.broadcast %jit3A_1031 : f32 to vector<32x64xf32>
      %select_n3A_1034 = arith.select %le3A_1029, %broadcast_in_dim3A_1032, %broadcast_in_dim3A_1033 : vector<32x64xi1>, vector<32x64xf32>
      %broadcast_in_dim3A_1035 = vector.shape_cast %select_n3A_1034 : vector<32x64xf32> to vector<32x64x1xf32>
      %le3A_1036 = arith.constant 2.250000e+00 : f32
      %le3A_1037 = vector.broadcast %le3A_1036 : f32 to vector<32x64xf32>
      %le3A_1038 = arith.cmpf ole, %reduce_sum3A_1026, %le3A_1037 : vector<32x64xf32>
      %mul3A_1039 = arith.muli %rem3A_937, %div3A_939 : i32
      %convert_element_type3A_1040 = arith.sitofp %mul3A_1039 : i32 to f32
      %jit3A_1041 = arith.constant 0.000000e+00 : f32
      %broadcast_in_dim3A_1042 = vector.broadcast %convert_element_type3A_1040 : f32 to vector<32x64xf32>
      %broadcast_in_dim3A_1043 = vector.broadcast %jit3A_1041 : f32 to vector<32x64xf32>
      %select_n3A_1044 = arith.select %le3A_1038, %broadcast_in_dim3A_1042, %broadcast_in_dim3A_1043 : vector<32x64xi1>, vector<32x64xf32>
      %broadcast_in_dim3A_1045 = vector.shape_cast %select_n3A_1044 : vector<32x64xf32> to vector<32x64x1xf32>
      %iota3A_1046 = tpu.iota {dimensions = array<i32: 2>} : vector<32x64x128xi32>
      %lt3A_1047 = arith.constant 64 : i32
      %lt3A_1048 = vector.broadcast %lt3A_1047 : i32 to vector<32x64x128xi32>
      %lt3A_1049 = arith.cmpi slt, %iota3A_1046, %lt3A_1048 : vector<32x64x128xi32>
      %broadcast_in_dim3A_1050 = vector.shape_cast %broadcast_in_dim3A_1035 : vector<32x64x1xf32> to vector<32x64x1xf32>
      %broadcast_in_dim3A_1051 = vector.broadcast %broadcast_in_dim3A_1050 : vector<32x64x1xf32> to vector<32x64x128xf32>
      %broadcast_in_dim3A_1052 = vector.shape_cast %broadcast_in_dim3A_1045 : vector<32x64x1xf32> to vector<32x64x1xf32>
      %broadcast_in_dim3A_1053 = vector.broadcast %broadcast_in_dim3A_1052 : vector<32x64x1xf32> to vector<32x64x128xf32>
      %select_n3A_1054 = arith.select %lt3A_1049, %broadcast_in_dim3A_1051, %broadcast_in_dim3A_1053 : vector<32x64x128xi1>, vector<32x64x128xf32>
      %reshape3A_1055 = vector.shape_cast %mul3A_995 : vector<2048x128xf32> to vector<32x64x128xf32>
      %mul3A_1056 = arith.mulf %reshape3A_1055, %select_n3A_1054 : vector<32x64x128xf32>
      %reduce_sum3A_1057 = arith.constant dense<0.000000e+00> : vector<32x128xf32>
      %reduce_sum3A_1058 = vector.multi_reduction <add>, %mul3A_1056, %reduce_sum3A_1057 [1] : vector<32x64x128xf32> to vector<32x128xf32>
      %slice3A_1059 = vector.extract_strided_slice %reduce_sum3A_1058 {offsets = [0, 0], sizes = [32, 64], strides = [1, 1]} : vector<32x128xf32> to vector<32x64xf32>
      %slice3A_1060 = vector.extract_strided_slice %reduce_sum3A_1058 {offsets = [0, 64], sizes = [32, 64], strides = [1, 1]} : vector<32x128xf32> to vector<32x64xf32>
      %add3A_1061 = arith.addf %slice3A_1059, %slice3A_1060 : vector<32x64xf32>
      %get3A_1062 = arith.index_cast %mul3A_793 : i32 to index
      %get3A_1063 = arith.constant 0 : index
      %get3A_1064 = vector.load %arg56[%get3A_1062, %get3A_1063] : memref<3072x64xf32, #tpu.memory_space<vmem>>, vector<32x64xf32>
      %add3A_1065 = arith.addf %get3A_1064, %add3A_909 : vector<32x64xf32>
      %swap3A_1066 = arith.index_cast %mul3A_793 : i32 to index
      %swap3A_1067 = arith.constant 0 : index
      %swap3A_1068 = vector.load %arg56[%swap3A_1066, %swap3A_1067] : memref<3072x64xf32, #tpu.memory_space<vmem>>, vector<32x64xf32>
      tpu.vector_store %arg56[%swap3A_1066, %swap3A_1067], %add3A_1065 {strides = array<i32>} : memref<3072x64xf32, #tpu.memory_space<vmem>>, vector<32x64xf32>,
      %get3A_1069 = arith.index_cast %mul3A_941 : i32 to index
      %get3A_1070 = arith.constant 0 : index
      %get3A_1071 = vector.load %arg56[%get3A_1069, %get3A_1070] : memref<3072x64xf32, #tpu.memory_space<vmem>>, vector<32x64xf32>
      %add3A_1072 = arith.addf %get3A_1071, %add3A_1061 : vector<32x64xf32>
      %swap3A_1073 = arith.index_cast %mul3A_941 : i32 to index
      %swap3A_1074 = arith.constant 0 : index
      %swap3A_1075 = vector.load %arg56[%swap3A_1073, %swap3A_1074] : memref<3072x64xf32, #tpu.memory_space<vmem>>, vector<32x64xf32>
      tpu.vector_store %arg56[%swap3A_1073, %swap3A_1074], %add3A_1072 {strides = array<i32>} : memref<3072x64xf32, #tpu.memory_space<vmem>>, vector<32x64xf32>,
    }
    %get3A_223 = arith.constant 0 : index
    %get3A_224 = arith.constant 0 : index
    %get3A_225 = vector.load %arg56[%get3A_223, %get3A_224] : memref<3072x64xf32, #tpu.memory_space<vmem>>, vector<3072x64xf32>
    %mul3A_226 = arith.constant 0.00999999977 : f32
    %mul3A_227 = vector.broadcast %mul3A_226 : f32 to vector<3072x64xf32>
    %mul3A_228 = arith.mulf %get3A_225, %mul3A_227 : vector<3072x64xf32>
    %get3A_229 = arith.constant 0 : index
    %get3A_230 = arith.constant 0 : index
    %get3A_231 = arith.constant 0 : index
    %get3A_232 = vector.load %arg30[%get3A_229, %get3A_230, %get3A_231] : memref<4x64x64xf32, #tpu.memory_space<vmem>>, vector<1x64x64xf32>
    %get3A_233 = vector.shape_cast %get3A_232 : vector<1x64x64xf32> to vector<64x64xf32>
    %dot_general3A_234 = arith.constant dense<0.000000e+00> : vector<3072x64xf32>
    %dot_general3A_235 = tpu.matmul %get3A_161, %get3A_233, %dot_general3A_234 {dimension_numbers = #tpu.dot_dimension_numbers<[1], [0], [0], [1], [0, 0, 1, 1], [], []>, transpose_lhs_hint = false} : vector<3072x64xf32>, vector<64x64xf32>, vector<3072x64xf32> -> vector<3072x64xf32>
    %get3A_236 = arith.constant 0 : index
    %get3A_237 = arith.constant 0 : index
    %get3A_238 = arith.constant 0 : index
    %get3A_239 = vector.load %arg31[%get3A_236, %get3A_237, %get3A_238] : memref<4x64x64xf32, #tpu.memory_space<vmem>>, vector<1x64x64xf32>
    %get3A_240 = vector.shape_cast %get3A_239 : vector<1x64x64xf32> to vector<64x64xf32>
    %dot_general3A_241 = arith.constant dense<0.000000e+00> : vector<3072x64xf32>
    %dot_general3A_242 = tpu.matmul %mul3A_228, %get3A_240, %dot_general3A_241 {dimension_numbers = #tpu.dot_dimension_numbers<[1], [0], [0], [1], [0, 0, 1, 1], [], []>, transpose_lhs_hint = false} : vector<3072x64xf32>, vector<64x64xf32>, vector<3072x64xf32> -> vector<3072x64xf32>
    %add3A_243 = arith.addf %dot_general3A_235, %dot_general3A_242 : vector<3072x64xf32>
    %get3A_244 = arith.constant 0 : index
    %get3A_245 = arith.constant 0 : index
    %get3A_246 = vector.load %arg32[%get3A_244, %get3A_245] : memref<4x64xf32, #tpu.memory_space<vmem>>, vector<1x64xf32>
    %get3A_247 = vector.shape_cast %get3A_246 : vector<1x64xf32> to vector<64xf32>
    %broadcast_in_dim3A_248 = vector.shape_cast %get3A_247 : vector<64xf32> to vector<1x64xf32>
    %add3A_249 = vector.broadcast %broadcast_in_dim3A_248 : vector<1x64xf32> to vector<3072x64xf32>
    %add3A_250 = arith.addf %add3A_243, %add3A_249 : vector<3072x64xf32>
    %logistic3A_251 = arith.negf %add3A_250 : vector<3072x64xf32>
    %logistic3A_252 = math.exp %logistic3A_251 : vector<3072x64xf32>
    %logistic3A_253 = arith.constant 1.000000e+00 : f32
    %logistic3A_254 = vector.broadcast %logistic3A_253 : f32 to vector<3072x64xf32>
    %logistic3A_255 = arith.addf %logistic3A_254, %logistic3A_252 : vector<3072x64xf32>
    %logistic3A_256 = arith.divf %logistic3A_254, %logistic3A_255 : vector<3072x64xf32>
    %mul3A_257 = arith.mulf %add3A_250, %logistic3A_256 : vector<3072x64xf32>
    %get3A_258 = arith.constant 0 : index
    %get3A_259 = arith.constant 0 : index
    %get3A_260 = arith.constant 0 : index
    %get3A_261 = vector.load %arg33[%get3A_258, %get3A_259, %get3A_260] : memref<4x64x64xf32, #tpu.memory_space<vmem>>, vector<1x64x64xf32>
    %get3A_262 = vector.shape_cast %get3A_261 : vector<1x64x64xf32> to vector<64x64xf32>
    %dot_general3A_263 = arith.constant dense<0.000000e+00> : vector<3072x64xf32>
    %dot_general3A_264 = tpu.matmul %mul3A_257, %get3A_262, %dot_general3A_263 {dimension_numbers = #tpu.dot_dimension_numbers<[1], [0], [0], [1], [0, 0, 1, 1], [], []>, transpose_lhs_hint = false} : vector<3072x64xf32>, vector<64x64xf32>, vector<3072x64xf32> -> vector<3072x64xf32>
    %add3A_265 = arith.addf %get3A_161, %dot_general3A_264 : vector<3072x64xf32>
    %get3A_266 = arith.constant 0 : index
    %get3A_267 = arith.constant 0 : index
    %get3A_268 = vector.load %arg34[%get3A_266, %get3A_267] : memref<4x64xf32, #tpu.memory_space<vmem>>, vector<1x64xf32>
    %get3A_269 = vector.shape_cast %get3A_268 : vector<1x64xf32> to vector<64xf32>
    %broadcast_in_dim3A_270 = vector.shape_cast %get3A_269 : vector<64xf32> to vector<1x64xf32>
    %add3A_271 = vector.broadcast %broadcast_in_dim3A_270 : vector<1x64xf32> to vector<3072x64xf32>
    %add3A_272 = arith.addf %add3A_265, %add3A_271 : vector<3072x64xf32>
    %swap3A_273 = arith.constant 0 : index
    %swap3A_274 = arith.constant 0 : index
    %swap3A_275 = vector.load %arg53[%swap3A_273, %swap3A_274] : memref<3072x64xf32, #tpu.memory_space<vmem>>, vector<3072x64xf32>
    tpu.vector_store %arg53[%swap3A_273, %swap3A_274], %add3A_272 {strides = array<i32>} : memref<3072x64xf32, #tpu.memory_space<vmem>>, vector<3072x64xf32>,
    %get3A_276 = arith.constant 0 : index
    %get3A_277 = arith.constant 0 : index
    %get3A_278 = vector.load %arg53[%get3A_276, %get3A_277] : memref<3072x64xf32, #tpu.memory_space<vmem>>, vector<3072x64xf32>
    %get3A_279 = arith.constant 1 : index
    %get3A_280 = arith.constant 0 : index
    %get3A_281 = arith.constant 0 : index
    %get3A_282 = vector.load %arg25[%get3A_279, %get3A_280, %get3A_281] : memref<4x64x64xf32, #tpu.memory_space<vmem>>, vector<1x64x64xf32>
    %get3A_283 = vector.shape_cast %get3A_282 : vector<1x64x64xf32> to vector<64x64xf32>
    %dot_general3A_284 = arith.constant dense<0.000000e+00> : vector<3072x64xf32>
    %dot_general3A_285 = tpu.matmul %get3A_278, %get3A_283, %dot_general3A_284 {dimension_numbers = #tpu.dot_dimension_numbers<[1], [0], [0], [1], [0, 0, 1, 1], [], []>, transpose_lhs_hint = false} : vector<3072x64xf32>, vector<64x64xf32>, vector<3072x64xf32> -> vector<3072x64xf32>
    %swap3A_286 = arith.constant 0 : index
    %swap3A_287 = arith.constant 0 : index
    %swap3A_288 = vector.load %arg54[%swap3A_286, %swap3A_287] : memref<3072x64xf32, #tpu.memory_space<vmem>>, vector<3072x64xf32>
    tpu.vector_store %arg54[%swap3A_286, %swap3A_287], %dot_general3A_285 {strides = array<i32>} : memref<3072x64xf32, #tpu.memory_space<vmem>>, vector<3072x64xf32>,
    %get3A_289 = arith.constant 1 : index
    %get3A_290 = arith.constant 0 : index
    %get3A_291 = arith.constant 0 : index
    %get3A_292 = vector.load %arg26[%get3A_289, %get3A_290, %get3A_291] : memref<4x64x64xf32, #tpu.memory_space<vmem>>, vector<1x64x64xf32>
    %get3A_293 = vector.shape_cast %get3A_292 : vector<1x64x64xf32> to vector<64x64xf32>
    %dot_general3A_294 = arith.constant dense<0.000000e+00> : vector<3072x64xf32>
    %dot_general3A_295 = tpu.matmul %get3A_278, %get3A_293, %dot_general3A_294 {dimension_numbers = #tpu.dot_dimension_numbers<[1], [0], [0], [1], [0, 0, 1, 1], [], []>, transpose_lhs_hint = false} : vector<3072x64xf32>, vector<64x64xf32>, vector<3072x64xf32> -> vector<3072x64xf32>
    %swap3A_296 = arith.constant 0 : index
    %swap3A_297 = arith.constant 0 : index
    %swap3A_298 = vector.load %arg55[%swap3A_296, %swap3A_297] : memref<3072x64xf32, #tpu.memory_space<vmem>>, vector<3072x64xf32>
    tpu.vector_store %arg55[%swap3A_296, %swap3A_297], %dot_general3A_295 {strides = array<i32>} : memref<3072x64xf32, #tpu.memory_space<vmem>>, vector<3072x64xf32>,
    %broadcast_in_dim3A_299 = arith.constant 0.000000e+00 : f32
    %broadcast_in_dim3A_300 = vector.broadcast %broadcast_in_dim3A_299 : f32 to vector<3072x64xf32>
    %swap3A_301 = arith.constant 0 : index
    %swap3A_302 = arith.constant 0 : index
    %swap3A_303 = vector.load %arg56[%swap3A_301, %swap3A_302] : memref<3072x64xf32, #tpu.memory_space<vmem>>, vector<3072x64xf32>
    tpu.vector_store %arg56[%swap3A_301, %swap3A_302], %broadcast_in_dim3A_300 {strides = array<i32>} : memref<3072x64xf32, #tpu.memory_space<vmem>>, vector<3072x64xf32>,
    %get3A_304 = arith.constant 1 : index
    %get3A_305 = arith.constant 0 : index
    %get3A_306 = arith.constant 0 : index
    %get3A_307 = vector.load %arg28[%get3A_304, %get3A_305, %get3A_306] : memref<4x128x128xf32, #tpu.memory_space<vmem>>, vector<1x128x128xf32>
    %get3A_308 = vector.shape_cast %get3A_307 : vector<1x128x128xf32> to vector<128x128xf32>
    %get3A_309 = arith.constant 1 : index
    %get3A_310 = arith.constant 0 : index
    %get3A_311 = vector.load %arg29[%get3A_309, %get3A_310] : memref<4x128xf32, #tpu.memory_space<vmem>>, vector<1x128xf32>
    %get3A_312 = vector.shape_cast %get3A_311 : vector<1x128xf32> to vector<128xf32>
    %add3A_313 = arith.constant 1 : i32
    %add3A_314 = arith.addi %get3A_158, %add3A_313 : i32
    %jit3A_315 = arith.constant 2 : i32
    %div3A_316 = arith.divsi %add3A_314, %jit3A_315 : i32
    %sign3A_317 = arith.constant 0 : i32
    %sign3A_318 = arith.cmpi sgt, %add3A_314, %sign3A_317 : i32
    %sign3A_319 = arith.extui %sign3A_318 : i1 to i32
    %sign3A_320 = arith.constant 0 : i32
    %sign3A_321 = arith.cmpi slt, %add3A_314, %sign3A_320 : i32
    %sign3A_322 = arith.extui %sign3A_321 : i1 to i32
    %sign3A_323 = arith.subi %sign3A_319, %sign3A_322 : i32
    %sign3A_324 = arith.constant 0 : i32
    %sign3A_325 = arith.cmpi sgt, %jit3A_315, %sign3A_324 : i32
    %sign3A_326 = arith.extui %sign3A_325 : i1 to i32
    %sign3A_327 = arith.constant 0 : i32
    %sign3A_328 = arith.cmpi slt, %jit3A_315, %sign3A_327 : i32
    %sign3A_329 = arith.extui %sign3A_328 : i1 to i32
    %sign3A_330 = arith.subi %sign3A_326, %sign3A_329 : i32
    %ne3A_331 = arith.cmpi ne, %sign3A_323, %sign3A_330 : i32
    %rem3A_332 = arith.remsi %add3A_314, %jit3A_315 : i32
    %ne3A_333 = arith.constant 0 : i32
    %ne3A_334 = arith.cmpi ne, %rem3A_332, %ne3A_333 : i32
    %and3A_335 = arith.andi %ne3A_331, %ne3A_334 : i1
    %sub3A_336 = arith.constant 1 : i32
    %sub3A_337 = arith.subi %div3A_316, %sub3A_336 : i32
    %select_n3A_338 = arith.select %and3A_335, %sub3A_337, %div3A_316 : i32
    %while3A_339 = arith.constant 0 : i32
    %while3A_340 = arith.constant 0 : i32
    %while3A_341 = arith.subi %select_n3A_338, %while3A_340 : i32
    %while3A_342 = arith.addi %while3A_340, %while3A_341 : i32
    %while3A_343 = arith.constant 1 : i32
    %while3A_344 = arith.divsi %while3A_341, %while3A_343 : i32
    %while3A_345 = arith.muli %while3A_344, %while3A_343 : i32
    %while3A_346 = arith.addi %while3A_340, %while3A_345 : i32
    %while3A_347 = arith.constant 1 : i32
    scf.for %while3A_763 = %while3A_340 to %while3A_346 step %while3A_347  : i32 {
      %mul3A_764 = arith.constant 2 : i32
      %mul3A_765 = arith.muli %mul3A_764, %while3A_763 : i32
      %get3A_766 = arith.index_cast %mul3A_765 : i32 to index
      %get3A_767 = memref.load %arg1[%get3A_766] : memref<2400xi32, #tpu.memory_space<smem>>
      %rem3A_768 = arith.constant 128 : i32
      %rem3A_769 = arith.remsi %get3A_767, %rem3A_768 : i32
      %div3A_770 = arith.constant 128 : i32
      %div3A_771 = arith.divsi %get3A_767, %div3A_770 : i32
      %rem3A_772 = arith.constant 64 : i32
      %rem3A_773 = arith.remsi %div3A_771, %rem3A_772 : i32
      %div3A_774 = arith.constant 8192 : i32
      %div3A_775 = arith.divsi %get3A_767, %div3A_774 : i32
      %rem3A_776 = arith.constant 64 : i32
      %rem3A_777 = arith.remsi %div3A_775, %rem3A_776 : i32
      %div3A_778 = arith.constant 524288 : i32
      %div3A_779 = arith.divsi %get3A_767, %div3A_778 : i32
      %rem3A_780 = arith.constant 4 : i32
      %rem3A_781 = arith.remsi %div3A_779, %rem3A_780 : i32
      %div3A_782 = arith.constant 2097152 : i32
      %div3A_783 = arith.divsi %get3A_767, %div3A_782 : i32
      %rem3A_784 = arith.constant 4 : i32
      %rem3A_785 = arith.remsi %div3A_783, %rem3A_784 : i32
      %div3A_786 = arith.constant 8388608 : i32
      %div3A_787 = arith.divsi %get3A_767, %div3A_786 : i32
      %rem3A_788 = arith.constant 2 : i32
      %rem3A_789 = arith.remsi %div3A_787, %rem3A_788 : i32
      %div3A_790 = arith.constant 16777216 : i32
      %div3A_791 = arith.divsi %get3A_767, %div3A_790 : i32
      %mul3A_792 = arith.constant 32 : i32
      %mul3A_793 = arith.muli %rem3A_769, %mul3A_792 : i32
      %get3A_794 = arith.index_cast %mul3A_793 : i32 to index
      %get3A_795 = arith.constant 0 : index
      %get3A_796 = vector.load %arg54[%get3A_794, %get3A_795] : memref<3072x64xf32, #tpu.memory_space<vmem>>, vector<32x64xf32>
      %concatenate3A = tpu.concatenate %get3A_796, %get3A_796 in 1 : vector<32x64xf32>, vector<32x64xf32> -> vector<32x128xf32>
      %mul3A_797 = arith.constant 64 : i32
      %mul3A_798 = arith.muli %rem3A_773, %mul3A_797 : i32
      %get3A_799 = arith.index_cast %mul3A_798 : i32 to index
      %get3A_800 = arith.constant 0 : index
      %get3A_801 = vector.load %arg55[%get3A_799, %get3A_800] : memref<3072x64xf32, #tpu.memory_space<vmem>>, vector<64x64xf32>
      %mul3A_802 = arith.constant 64 : i32
      %mul3A_803 = arith.muli %rem3A_777, %mul3A_802 : i32
      %get3A_804 = arith.index_cast %mul3A_803 : i32 to index
      %get3A_805 = arith.constant 0 : index
      %get3A_806 = vector.load %arg55[%get3A_804, %get3A_805] : memref<3072x64xf32, #tpu.memory_space<vmem>>, vector<64x64xf32>
      %concatenate3A_807 = tpu.concatenate %get3A_801, %get3A_806 in 1 : vector<64x64xf32>, vector<64x64xf32> -> vector<64x128xf32>
      %get3A_808 = arith.constant 1 : index
      %get3A_809 = arith.index_cast %rem3A_781 : i32 to index
      %get3A_810 = arith.constant 0 : index
      %get3A_811 = vector.load %arg27[%get3A_808, %get3A_809, %get3A_810] : memref<4x3x64xf32, #tpu.memory_space<vmem>>, vector<1x1x64xf32>
      %get3A_812 = vector.shape_cast %get3A_811 : vector<1x1x64xf32> to vector<1x64xf32>
      %get3A_813 = arith.constant 1 : index
      %get3A_814 = arith.index_cast %rem3A_785 : i32 to index
      %get3A_815 = arith.constant 0 : index
      %get3A_816 = vector.load %arg27[%get3A_813, %get3A_814, %get3A_815] : memref<4x3x64xf32, #tpu.memory_space<vmem>>, vector<1x1x64xf32>
      %get3A_817 = vector.shape_cast %get3A_816 : vector<1x1x64xf32> to vector<1x64xf32>
      %concatenate3A_818 = tpu.concatenate %get3A_812, %get3A_817 in 1 : vector<1x64xf32>, vector<1x64xf32> -> vector<1x128xf32>
      %broadcast_in_dim3A_819 = vector.shape_cast %concatenate3A : vector<32x128xf32> to vector<32x1x128xf32>
      %broadcast_in_dim3A_820 = vector.shape_cast %concatenate3A_807 : vector<64x128xf32> to vector<1x64x128xf32>
      %add3A_821 = vector.broadcast %broadcast_in_dim3A_819 : vector<32x1x128xf32> to vector<32x64x128xf32>
      %add3A_822 = vector.broadcast %broadcast_in_dim3A_820 : vector<1x64x128xf32> to vector<32x64x128xf32>
      %add3A_823 = arith.addf %add3A_821, %add3A_822 : vector<32x64x128xf32>
      %broadcast_in_dim3A_824 = vector.shape_cast %concatenate3A_818 : vector<1x128xf32> to vector<1x1x128xf32>
      %add3A_825 = vector.broadcast %broadcast_in_dim3A_824 : vector<1x1x128xf32> to vector<32x64x128xf32>
      %add3A_826 = arith.addf %add3A_823, %add3A_825 : vector<32x64x128xf32>
      %reshape3A_827 = vector.shape_cast %add3A_826 : vector<32x64x128xf32> to vector<2048x128xf32>
      %logistic3A_828 = arith.negf %reshape3A_827 : vector<2048x128xf32>
      %logistic3A_829 = math.exp %logistic3A_828 : vector<2048x128xf32>
      %logistic3A_830 = arith.constant 1.000000e+00 : f32
      %logistic3A_831 = vector.broadcast %logistic3A_830 : f32 to vector<2048x128xf32>
      %logistic3A_832 = arith.addf %logistic3A_831, %logistic3A_829 : vector<2048x128xf32>
      %logistic3A_833 = arith.divf %logistic3A_831, %logistic3A_832 : vector<2048x128xf32>
      %mul3A_834 = arith.mulf %reshape3A_827, %logistic3A_833 : vector<2048x128xf32>
      %dot_general3A_835 = arith.constant dense<0.000000e+00> : vector<2048x128xf32>
      %dot_general3A_836 = tpu.matmul %mul3A_834, %get3A_308, %dot_general3A_835 {dimension_numbers = #tpu.dot_dimension_numbers<[1], [0], [0], [1], [0, 0, 1, 1], [], []>, transpose_lhs_hint = false} : vector<2048x128xf32>, vector<128x128xf32>, vector<2048x128xf32> -> vector<2048x128xf32>
      %broadcast_in_dim3A_837 = vector.shape_cast %get3A_312 : vector<128xf32> to vector<1x128xf32>
      %add3A_838 = vector.broadcast %broadcast_in_dim3A_837 : vector<1x128xf32> to vector<2048x128xf32>
      %add3A_839 = arith.addf %dot_general3A_836, %add3A_838 : vector<2048x128xf32>
      %logistic3A_840 = arith.negf %add3A_839 : vector<2048x128xf32>
      %logistic3A_841 = math.exp %logistic3A_840 : vector<2048x128xf32>
      %logistic3A_842 = arith.constant 1.000000e+00 : f32
      %logistic3A_843 = vector.broadcast %logistic3A_842 : f32 to vector<2048x128xf32>
      %logistic3A_844 = arith.addf %logistic3A_843, %logistic3A_841 : vector<2048x128xf32>
      %logistic3A_845 = arith.divf %logistic3A_843, %logistic3A_844 : vector<2048x128xf32>
      %mul3A_846 = arith.mulf %add3A_839, %logistic3A_845 : vector<2048x128xf32>
      %get3A_847 = arith.index_cast %rem3A_769 : i32 to index
      %get3A_848 = arith.constant 0 : index
      %get3A_849 = arith.constant 0 : index
      %get3A_850 = vector.load %arg5[%get3A_847, %get3A_848, %get3A_849] : memref<96x8x32xf32, #tpu.memory_space<vmem>>, vector<1x8x32xf32>
      %reshape3A_851 = vector.shape_cast %get3A_850 : vector<1x8x32xf32> to vector<8x32xf32>
      %get3A_852 = arith.index_cast %rem3A_773 : i32 to index
      %get3A_853 = arith.constant 0 : index
      %get3A_854 = arith.constant 0 : index
      %get3A_855 = vector.load %arg6[%get3A_852, %get3A_853, %get3A_854] : memref<48x8x64xf32, #tpu.memory_space<vmem>>, vector<1x8x64xf32>
      %reshape3A_856 = vector.shape_cast %get3A_855 : vector<1x8x64xf32> to vector<8x64xf32>
      %get3A_857 = arith.index_cast %rem3A_777 : i32 to index
      %get3A_858 = arith.constant 0 : index
      %get3A_859 = arith.constant 0 : index
      %get3A_860 = vector.load %arg6[%get3A_857, %get3A_858, %get3A_859] : memref<48x8x64xf32, #tpu.memory_space<vmem>>, vector<1x8x64xf32>
      %reshape3A_861 = vector.shape_cast %get3A_860 : vector<1x8x64xf32> to vector<8x64xf32>
      %broadcast_in_dim3A_862 = vector.shape_cast %reshape3A_851 : vector<8x32xf32> to vector<8x32x1xf32>
      %broadcast_in_dim3A_863 = vector.shape_cast %reshape3A_856 : vector<8x64xf32> to vector<8x1x64xf32>
      %sub3A_864 = vector.broadcast %broadcast_in_dim3A_862 : vector<8x32x1xf32> to vector<8x32x64xf32>
      %sub3A_865 = vector.broadcast %broadcast_in_dim3A_863 : vector<8x1x64xf32> to vector<8x32x64xf32>
      %sub3A_866 = arith.subf %sub3A_864, %sub3A_865 : vector<8x32x64xf32>
      %integer_pow3A = arith.mulf %sub3A_866, %sub3A_866 : vector<8x32x64xf32>
      %reduce_sum3A_867 = arith.constant dense<0.000000e+00> : vector<32x64xf32>
      %reduce_sum3A_868 = vector.multi_reduction <add>, %integer_pow3A, %reduce_sum3A_867 [0] : vector<8x32x64xf32> to vector<32x64xf32>
      %broadcast_in_dim3A_869 = vector.shape_cast %reshape3A_851 : vector<8x32xf32> to vector<8x32x1xf32>
      %broadcast_in_dim3A_870 = vector.shape_cast %reshape3A_861 : vector<8x64xf32> to vector<8x1x64xf32>
      %sub3A_871 = vector.broadcast %broadcast_in_dim3A_869 : vector<8x32x1xf32> to vector<8x32x64xf32>
      %sub3A_872 = vector.broadcast %broadcast_in_dim3A_870 : vector<8x1x64xf32> to vector<8x32x64xf32>
      %sub3A_873 = arith.subf %sub3A_871, %sub3A_872 : vector<8x32x64xf32>
      %integer_pow3A_874 = arith.mulf %sub3A_873, %sub3A_873 : vector<8x32x64xf32>
      %reduce_sum3A_875 = arith.constant dense<0.000000e+00> : vector<32x64xf32>
      %reduce_sum3A_876 = vector.multi_reduction <add>, %integer_pow3A_874, %reduce_sum3A_875 [0] : vector<8x32x64xf32> to vector<32x64xf32>
      %le3A = arith.constant 2.250000e+00 : f32
      %le3A_877 = vector.broadcast %le3A : f32 to vector<32x64xf32>
      %le3A_878 = arith.cmpf ole, %reduce_sum3A_868, %le3A_877 : vector<32x64xf32>
      %convert_element_type3A_879 = arith.sitofp %div3A_791 : i32 to f32
      %jit3A_880 = arith.constant 0.000000e+00 : f32
      %broadcast_in_dim3A_881 = vector.broadcast %convert_element_type3A_879 : f32 to vector<32x64xf32>
      %broadcast_in_dim3A_882 = vector.broadcast %jit3A_880 : f32 to vector<32x64xf32>
      %select_n3A_883 = arith.select %le3A_878, %broadcast_in_dim3A_881, %broadcast_in_dim3A_882 : vector<32x64xi1>, vector<32x64xf32>
      %broadcast_in_dim3A_884 = vector.shape_cast %select_n3A_883 : vector<32x64xf32> to vector<32x64x1xf32>
      %le3A_885 = arith.constant 2.250000e+00 : f32
      %le3A_886 = vector.broadcast %le3A_885 : f32 to vector<32x64xf32>
      %le3A_887 = arith.cmpf ole, %reduce_sum3A_876, %le3A_886 : vector<32x64xf32>
      %mul3A_888 = arith.muli %rem3A_789, %div3A_791 : i32
      %convert_element_type3A_889 = arith.sitofp %mul3A_888 : i32 to f32
      %jit3A_890 = arith.constant 0.000000e+00 : f32
      %broadcast_in_dim3A_891 = vector.broadcast %convert_element_type3A_889 : f32 to vector<32x64xf32>
      %broadcast_in_dim3A_892 = vector.broadcast %jit3A_890 : f32 to vector<32x64xf32>
      %select_n3A_893 = arith.select %le3A_887, %broadcast_in_dim3A_891, %broadcast_in_dim3A_892 : vector<32x64xi1>, vector<32x64xf32>
      %broadcast_in_dim3A_894 = vector.shape_cast %select_n3A_893 : vector<32x64xf32> to vector<32x64x1xf32>
      %iota3A_895 = tpu.iota {dimensions = array<i32: 2>} : vector<32x64x128xi32>
      %lt3A = arith.constant 64 : i32
      %lt3A_896 = vector.broadcast %lt3A : i32 to vector<32x64x128xi32>
      %lt3A_897 = arith.cmpi slt, %iota3A_895, %lt3A_896 : vector<32x64x128xi32>
      %broadcast_in_dim3A_898 = vector.shape_cast %broadcast_in_dim3A_884 : vector<32x64x1xf32> to vector<32x64x1xf32>
      %broadcast_in_dim3A_899 = vector.broadcast %broadcast_in_dim3A_898 : vector<32x64x1xf32> to vector<32x64x128xf32>
      %broadcast_in_dim3A_900 = vector.shape_cast %broadcast_in_dim3A_894 : vector<32x64x1xf32> to vector<32x64x1xf32>
      %broadcast_in_dim3A_901 = vector.broadcast %broadcast_in_dim3A_900 : vector<32x64x1xf32> to vector<32x64x128xf32>
      %select_n3A_902 = arith.select %lt3A_897, %broadcast_in_dim3A_899, %broadcast_in_dim3A_901 : vector<32x64x128xi1>, vector<32x64x128xf32>
      %reshape3A_903 = vector.shape_cast %mul3A_846 : vector<2048x128xf32> to vector<32x64x128xf32>
      %mul3A_904 = arith.mulf %reshape3A_903, %select_n3A_902 : vector<32x64x128xf32>
      %reduce_sum3A_905 = arith.constant dense<0.000000e+00> : vector<32x128xf32>
      %reduce_sum3A_906 = vector.multi_reduction <add>, %mul3A_904, %reduce_sum3A_905 [1] : vector<32x64x128xf32> to vector<32x128xf32>
      %slice3A_907 = vector.extract_strided_slice %reduce_sum3A_906 {offsets = [0, 0], sizes = [32, 64], strides = [1, 1]} : vector<32x128xf32> to vector<32x64xf32>
      %slice3A_908 = vector.extract_strided_slice %reduce_sum3A_906 {offsets = [0, 64], sizes = [32, 64], strides = [1, 1]} : vector<32x128xf32> to vector<32x64xf32>
      %add3A_909 = arith.addf %slice3A_907, %slice3A_908 : vector<32x64xf32>
      %mul3A_910 = arith.constant 2 : i32
      %mul3A_911 = arith.muli %mul3A_910, %while3A_763 : i32
      %add3A_912 = arith.constant 1 : i32
      %add3A_913 = arith.addi %mul3A_911, %add3A_912 : i32
      %get3A_914 = arith.index_cast %add3A_913 : i32 to index
      %get3A_915 = memref.load %arg1[%get3A_914] : memref<2400xi32, #tpu.memory_space<smem>>
      %rem3A_916 = arith.constant 128 : i32
      %rem3A_917 = arith.remsi %get3A_915, %rem3A_916 : i32
      %div3A_918 = arith.constant 128 : i32
      %div3A_919 = arith.divsi %get3A_915, %div3A_918 : i32
      %rem3A_920 = arith.constant 64 : i32
      %rem3A_921 = arith.remsi %div3A_919, %rem3A_920 : i32
      %div3A_922 = arith.constant 8192 : i32
      %div3A_923 = arith.divsi %get3A_915, %div3A_922 : i32
      %rem3A_924 = arith.constant 64 : i32
      %rem3A_925 = arith.remsi %div3A_923, %rem3A_924 : i32
      %div3A_926 = arith.constant 524288 : i32
      %div3A_927 = arith.divsi %get3A_915, %div3A_926 : i32
      %rem3A_928 = arith.constant 4 : i32
      %rem3A_929 = arith.remsi %div3A_927, %rem3A_928 : i32
      %div3A_930 = arith.constant 2097152 : i32
      %div3A_931 = arith.divsi %get3A_915, %div3A_930 : i32
      %rem3A_932 = arith.constant 4 : i32
      %rem3A_933 = arith.remsi %div3A_931, %rem3A_932 : i32
      %div3A_934 = arith.constant 8388608 : i32
      %div3A_935 = arith.divsi %get3A_915, %div3A_934 : i32
      %rem3A_936 = arith.constant 2 : i32
      %rem3A_937 = arith.remsi %div3A_935, %rem3A_936 : i32
      %div3A_938 = arith.constant 16777216 : i32
      %div3A_939 = arith.divsi %get3A_915, %div3A_938 : i32
      %mul3A_940 = arith.constant 32 : i32
      %mul3A_941 = arith.muli %rem3A_917, %mul3A_940 : i32
      %get3A_942 = arith.index_cast %mul3A_941 : i32 to index
      %get3A_943 = arith.constant 0 : index
      %get3A_944 = vector.load %arg54[%get3A_942, %get3A_943] : memref<3072x64xf32, #tpu.memory_space<vmem>>, vector<32x64xf32>
      %concatenate3A_945 = tpu.concatenate %get3A_944, %get3A_944 in 1 : vector<32x64xf32>, vector<32x64xf32> -> vector<32x128xf32>
      %mul3A_946 = arith.constant 64 : i32
      %mul3A_947 = arith.muli %rem3A_921, %mul3A_946 : i32
      %get3A_948 = arith.index_cast %mul3A_947 : i32 to index
      %get3A_949 = arith.constant 0 : index
      %get3A_950 = vector.load %arg55[%get3A_948, %get3A_949] : memref<3072x64xf32, #tpu.memory_space<vmem>>, vector<64x64xf32>
      %mul3A_951 = arith.constant 64 : i32
      %mul3A_952 = arith.muli %rem3A_925, %mul3A_951 : i32
      %get3A_953 = arith.index_cast %mul3A_952 : i32 to index
      %get3A_954 = arith.constant 0 : index
      %get3A_955 = vector.load %arg55[%get3A_953, %get3A_954] : memref<3072x64xf32, #tpu.memory_space<vmem>>, vector<64x64xf32>
      %concatenate3A_956 = tpu.concatenate %get3A_950, %get3A_955 in 1 : vector<64x64xf32>, vector<64x64xf32> -> vector<64x128xf32>
      %get3A_957 = arith.constant 1 : index
      %get3A_958 = arith.index_cast %rem3A_929 : i32 to index
      %get3A_959 = arith.constant 0 : index
      %get3A_960 = vector.load %arg27[%get3A_957, %get3A_958, %get3A_959] : memref<4x3x64xf32, #tpu.memory_space<vmem>>, vector<1x1x64xf32>
      %get3A_961 = vector.shape_cast %get3A_960 : vector<1x1x64xf32> to vector<1x64xf32>
      %get3A_962 = arith.constant 1 : index
      %get3A_963 = arith.index_cast %rem3A_933 : i32 to index
      %get3A_964 = arith.constant 0 : index
      %get3A_965 = vector.load %arg27[%get3A_962, %get3A_963, %get3A_964] : memref<4x3x64xf32, #tpu.memory_space<vmem>>, vector<1x1x64xf32>
      %get3A_966 = vector.shape_cast %get3A_965 : vector<1x1x64xf32> to vector<1x64xf32>
      %concatenate3A_967 = tpu.concatenate %get3A_961, %get3A_966 in 1 : vector<1x64xf32>, vector<1x64xf32> -> vector<1x128xf32>
      %broadcast_in_dim3A_968 = vector.shape_cast %concatenate3A_945 : vector<32x128xf32> to vector<32x1x128xf32>
      %broadcast_in_dim3A_969 = vector.shape_cast %concatenate3A_956 : vector<64x128xf32> to vector<1x64x128xf32>
      %add3A_970 = vector.broadcast %broadcast_in_dim3A_968 : vector<32x1x128xf32> to vector<32x64x128xf32>
      %add3A_971 = vector.broadcast %broadcast_in_dim3A_969 : vector<1x64x128xf32> to vector<32x64x128xf32>
      %add3A_972 = arith.addf %add3A_970, %add3A_971 : vector<32x64x128xf32>
      %broadcast_in_dim3A_973 = vector.shape_cast %concatenate3A_967 : vector<1x128xf32> to vector<1x1x128xf32>
      %add3A_974 = vector.broadcast %broadcast_in_dim3A_973 : vector<1x1x128xf32> to vector<32x64x128xf32>
      %add3A_975 = arith.addf %add3A_972, %add3A_974 : vector<32x64x128xf32>
      %reshape3A_976 = vector.shape_cast %add3A_975 : vector<32x64x128xf32> to vector<2048x128xf32>
      %logistic3A_977 = arith.negf %reshape3A_976 : vector<2048x128xf32>
      %logistic3A_978 = math.exp %logistic3A_977 : vector<2048x128xf32>
      %logistic3A_979 = arith.constant 1.000000e+00 : f32
      %logistic3A_980 = vector.broadcast %logistic3A_979 : f32 to vector<2048x128xf32>
      %logistic3A_981 = arith.addf %logistic3A_980, %logistic3A_978 : vector<2048x128xf32>
      %logistic3A_982 = arith.divf %logistic3A_980, %logistic3A_981 : vector<2048x128xf32>
      %mul3A_983 = arith.mulf %reshape3A_976, %logistic3A_982 : vector<2048x128xf32>
      %dot_general3A_984 = arith.constant dense<0.000000e+00> : vector<2048x128xf32>
      %dot_general3A_985 = tpu.matmul %mul3A_983, %get3A_308, %dot_general3A_984 {dimension_numbers = #tpu.dot_dimension_numbers<[1], [0], [0], [1], [0, 0, 1, 1], [], []>, transpose_lhs_hint = false} : vector<2048x128xf32>, vector<128x128xf32>, vector<2048x128xf32> -> vector<2048x128xf32>
      %broadcast_in_dim3A_986 = vector.shape_cast %get3A_312 : vector<128xf32> to vector<1x128xf32>
      %add3A_987 = vector.broadcast %broadcast_in_dim3A_986 : vector<1x128xf32> to vector<2048x128xf32>
      %add3A_988 = arith.addf %dot_general3A_985, %add3A_987 : vector<2048x128xf32>
      %logistic3A_989 = arith.negf %add3A_988 : vector<2048x128xf32>
      %logistic3A_990 = math.exp %logistic3A_989 : vector<2048x128xf32>
      %logistic3A_991 = arith.constant 1.000000e+00 : f32
      %logistic3A_992 = vector.broadcast %logistic3A_991 : f32 to vector<2048x128xf32>
      %logistic3A_993 = arith.addf %logistic3A_992, %logistic3A_990 : vector<2048x128xf32>
      %logistic3A_994 = arith.divf %logistic3A_992, %logistic3A_993 : vector<2048x128xf32>
      %mul3A_995 = arith.mulf %add3A_988, %logistic3A_994 : vector<2048x128xf32>
      %get3A_996 = arith.index_cast %rem3A_917 : i32 to index
      %get3A_997 = arith.constant 0 : index
      %get3A_998 = arith.constant 0 : index
      %get3A_999 = vector.load %arg5[%get3A_996, %get3A_997, %get3A_998] : memref<96x8x32xf32, #tpu.memory_space<vmem>>, vector<1x8x32xf32>
      %reshape3A_1000 = vector.shape_cast %get3A_999 : vector<1x8x32xf32> to vector<8x32xf32>
      %get3A_1001 = arith.index_cast %rem3A_921 : i32 to index
      %get3A_1002 = arith.constant 0 : index
      %get3A_1003 = arith.constant 0 : index
      %get3A_1004 = vector.load %arg6[%get3A_1001, %get3A_1002, %get3A_1003] : memref<48x8x64xf32, #tpu.memory_space<vmem>>, vector<1x8x64xf32>
      %reshape3A_1005 = vector.shape_cast %get3A_1004 : vector<1x8x64xf32> to vector<8x64xf32>
      %get3A_1006 = arith.index_cast %rem3A_925 : i32 to index
      %get3A_1007 = arith.constant 0 : index
      %get3A_1008 = arith.constant 0 : index
      %get3A_1009 = vector.load %arg6[%get3A_1006, %get3A_1007, %get3A_1008] : memref<48x8x64xf32, #tpu.memory_space<vmem>>, vector<1x8x64xf32>
      %reshape3A_1010 = vector.shape_cast %get3A_1009 : vector<1x8x64xf32> to vector<8x64xf32>
      %broadcast_in_dim3A_1011 = vector.shape_cast %reshape3A_1000 : vector<8x32xf32> to vector<8x32x1xf32>
      %broadcast_in_dim3A_1012 = vector.shape_cast %reshape3A_1005 : vector<8x64xf32> to vector<8x1x64xf32>
      %sub3A_1013 = vector.broadcast %broadcast_in_dim3A_1011 : vector<8x32x1xf32> to vector<8x32x64xf32>
      %sub3A_1014 = vector.broadcast %broadcast_in_dim3A_1012 : vector<8x1x64xf32> to vector<8x32x64xf32>
      %sub3A_1015 = arith.subf %sub3A_1013, %sub3A_1014 : vector<8x32x64xf32>
      %integer_pow3A_1016 = arith.mulf %sub3A_1015, %sub3A_1015 : vector<8x32x64xf32>
      %reduce_sum3A_1017 = arith.constant dense<0.000000e+00> : vector<32x64xf32>
      %reduce_sum3A_1018 = vector.multi_reduction <add>, %integer_pow3A_1016, %reduce_sum3A_1017 [0] : vector<8x32x64xf32> to vector<32x64xf32>
      %broadcast_in_dim3A_1019 = vector.shape_cast %reshape3A_1000 : vector<8x32xf32> to vector<8x32x1xf32>
      %broadcast_in_dim3A_1020 = vector.shape_cast %reshape3A_1010 : vector<8x64xf32> to vector<8x1x64xf32>
      %sub3A_1021 = vector.broadcast %broadcast_in_dim3A_1019 : vector<8x32x1xf32> to vector<8x32x64xf32>
      %sub3A_1022 = vector.broadcast %broadcast_in_dim3A_1020 : vector<8x1x64xf32> to vector<8x32x64xf32>
      %sub3A_1023 = arith.subf %sub3A_1021, %sub3A_1022 : vector<8x32x64xf32>
      %integer_pow3A_1024 = arith.mulf %sub3A_1023, %sub3A_1023 : vector<8x32x64xf32>
      %reduce_sum3A_1025 = arith.constant dense<0.000000e+00> : vector<32x64xf32>
      %reduce_sum3A_1026 = vector.multi_reduction <add>, %integer_pow3A_1024, %reduce_sum3A_1025 [0] : vector<8x32x64xf32> to vector<32x64xf32>
      %le3A_1027 = arith.constant 2.250000e+00 : f32
      %le3A_1028 = vector.broadcast %le3A_1027 : f32 to vector<32x64xf32>
      %le3A_1029 = arith.cmpf ole, %reduce_sum3A_1018, %le3A_1028 : vector<32x64xf32>
      %convert_element_type3A_1030 = arith.sitofp %div3A_939 : i32 to f32
      %jit3A_1031 = arith.constant 0.000000e+00 : f32
      %broadcast_in_dim3A_1032 = vector.broadcast %convert_element_type3A_1030 : f32 to vector<32x64xf32>
      %broadcast_in_dim3A_1033 = vector.broadcast %jit3A_1031 : f32 to vector<32x64xf32>
      %select_n3A_1034 = arith.select %le3A_1029, %broadcast_in_dim3A_1032, %broadcast_in_dim3A_1033 : vector<32x64xi1>, vector<32x64xf32>
      %broadcast_in_dim3A_1035 = vector.shape_cast %select_n3A_1034 : vector<32x64xf32> to vector<32x64x1xf32>
      %le3A_1036 = arith.constant 2.250000e+00 : f32
      %le3A_1037 = vector.broadcast %le3A_1036 : f32 to vector<32x64xf32>
      %le3A_1038 = arith.cmpf ole, %reduce_sum3A_1026, %le3A_1037 : vector<32x64xf32>
      %mul3A_1039 = arith.muli %rem3A_937, %div3A_939 : i32
      %convert_element_type3A_1040 = arith.sitofp %mul3A_1039 : i32 to f32
      %jit3A_1041 = arith.constant 0.000000e+00 : f32
      %broadcast_in_dim3A_1042 = vector.broadcast %convert_element_type3A_1040 : f32 to vector<32x64xf32>
      %broadcast_in_dim3A_1043 = vector.broadcast %jit3A_1041 : f32 to vector<32x64xf32>
      %select_n3A_1044 = arith.select %le3A_1038, %broadcast_in_dim3A_1042, %broadcast_in_dim3A_1043 : vector<32x64xi1>, vector<32x64xf32>
      %broadcast_in_dim3A_1045 = vector.shape_cast %select_n3A_1044 : vector<32x64xf32> to vector<32x64x1xf32>
      %iota3A_1046 = tpu.iota {dimensions = array<i32: 2>} : vector<32x64x128xi32>
      %lt3A_1047 = arith.constant 64 : i32
      %lt3A_1048 = vector.broadcast %lt3A_1047 : i32 to vector<32x64x128xi32>
      %lt3A_1049 = arith.cmpi slt, %iota3A_1046, %lt3A_1048 : vector<32x64x128xi32>
      %broadcast_in_dim3A_1050 = vector.shape_cast %broadcast_in_dim3A_1035 : vector<32x64x1xf32> to vector<32x64x1xf32>
      %broadcast_in_dim3A_1051 = vector.broadcast %broadcast_in_dim3A_1050 : vector<32x64x1xf32> to vector<32x64x128xf32>
      %broadcast_in_dim3A_1052 = vector.shape_cast %broadcast_in_dim3A_1045 : vector<32x64x1xf32> to vector<32x64x1xf32>
      %broadcast_in_dim3A_1053 = vector.broadcast %broadcast_in_dim3A_1052 : vector<32x64x1xf32> to vector<32x64x128xf32>
      %select_n3A_1054 = arith.select %lt3A_1049, %broadcast_in_dim3A_1051, %broadcast_in_dim3A_1053 : vector<32x64x128xi1>, vector<32x64x128xf32>
      %reshape3A_1055 = vector.shape_cast %mul3A_995 : vector<2048x128xf32> to vector<32x64x128xf32>
      %mul3A_1056 = arith.mulf %reshape3A_1055, %select_n3A_1054 : vector<32x64x128xf32>
      %reduce_sum3A_1057 = arith.constant dense<0.000000e+00> : vector<32x128xf32>
      %reduce_sum3A_1058 = vector.multi_reduction <add>, %mul3A_1056, %reduce_sum3A_1057 [1] : vector<32x64x128xf32> to vector<32x128xf32>
      %slice3A_1059 = vector.extract_strided_slice %reduce_sum3A_1058 {offsets = [0, 0], sizes = [32, 64], strides = [1, 1]} : vector<32x128xf32> to vector<32x64xf32>
      %slice3A_1060 = vector.extract_strided_slice %reduce_sum3A_1058 {offsets = [0, 64], sizes = [32, 64], strides = [1, 1]} : vector<32x128xf32> to vector<32x64xf32>
      %add3A_1061 = arith.addf %slice3A_1059, %slice3A_1060 : vector<32x64xf32>
      %get3A_1062 = arith.index_cast %mul3A_793 : i32 to index
      %get3A_1063 = arith.constant 0 : index
      %get3A_1064 = vector.load %arg56[%get3A_1062, %get3A_1063] : memref<3072x64xf32, #tpu.memory_space<vmem>>, vector<32x64xf32>
      %add3A_1065 = arith.addf %get3A_1064, %add3A_909 : vector<32x64xf32>
      %swap3A_1066 = arith.index_cast %mul3A_793 : i32 to index
      %swap3A_1067 = arith.constant 0 : index
      %swap3A_1068 = vector.load %arg56[%swap3A_1066, %swap3A_1067] : memref<3072x64xf32, #tpu.memory_space<vmem>>, vector<32x64xf32>
      tpu.vector_store %arg56[%swap3A_1066, %swap3A_1067], %add3A_1065 {strides = array<i32>} : memref<3072x64xf32, #tpu.memory_space<vmem>>, vector<32x64xf32>,
      %get3A_1069 = arith.index_cast %mul3A_941 : i32 to index
      %get3A_1070 = arith.constant 0 : index
      %get3A_1071 = vector.load %arg56[%get3A_1069, %get3A_1070] : memref<3072x64xf32, #tpu.memory_space<vmem>>, vector<32x64xf32>
      %add3A_1072 = arith.addf %get3A_1071, %add3A_1061 : vector<32x64xf32>
      %swap3A_1073 = arith.index_cast %mul3A_941 : i32 to index
      %swap3A_1074 = arith.constant 0 : index
      %swap3A_1075 = vector.load %arg56[%swap3A_1073, %swap3A_1074] : memref<3072x64xf32, #tpu.memory_space<vmem>>, vector<32x64xf32>
      tpu.vector_store %arg56[%swap3A_1073, %swap3A_1074], %add3A_1072 {strides = array<i32>} : memref<3072x64xf32, #tpu.memory_space<vmem>>, vector<32x64xf32>,
    }
    %while3A_348 = arith.constant 1 : i32
    scf.for %while3A_763 = %while3A_346 to %while3A_342 step %while3A_348  : i32 {
      %mul3A_764 = arith.constant 2 : i32
      %mul3A_765 = arith.muli %mul3A_764, %while3A_763 : i32
      %get3A_766 = arith.index_cast %mul3A_765 : i32 to index
      %get3A_767 = memref.load %arg1[%get3A_766] : memref<2400xi32, #tpu.memory_space<smem>>
      %rem3A_768 = arith.constant 128 : i32
      %rem3A_769 = arith.remsi %get3A_767, %rem3A_768 : i32
      %div3A_770 = arith.constant 128 : i32
      %div3A_771 = arith.divsi %get3A_767, %div3A_770 : i32
      %rem3A_772 = arith.constant 64 : i32
      %rem3A_773 = arith.remsi %div3A_771, %rem3A_772 : i32
      %div3A_774 = arith.constant 8192 : i32
      %div3A_775 = arith.divsi %get3A_767, %div3A_774 : i32
      %rem3A_776 = arith.constant 64 : i32
      %rem3A_777 = arith.remsi %div3A_775, %rem3A_776 : i32
      %div3A_778 = arith.constant 524288 : i32
      %div3A_779 = arith.divsi %get3A_767, %div3A_778 : i32
      %rem3A_780 = arith.constant 4 : i32
      %rem3A_781 = arith.remsi %div3A_779, %rem3A_780 : i32
      %div3A_782 = arith.constant 2097152 : i32
      %div3A_783 = arith.divsi %get3A_767, %div3A_782 : i32
      %rem3A_784 = arith.constant 4 : i32
      %rem3A_785 = arith.remsi %div3A_783, %rem3A_784 : i32
      %div3A_786 = arith.constant 8388608 : i32
      %div3A_787 = arith.divsi %get3A_767, %div3A_786 : i32
      %rem3A_788 = arith.constant 2 : i32
      %rem3A_789 = arith.remsi %div3A_787, %rem3A_788 : i32
      %div3A_790 = arith.constant 16777216 : i32
      %div3A_791 = arith.divsi %get3A_767, %div3A_790 : i32
      %mul3A_792 = arith.constant 32 : i32
      %mul3A_793 = arith.muli %rem3A_769, %mul3A_792 : i32
      %get3A_794 = arith.index_cast %mul3A_793 : i32 to index
      %get3A_795 = arith.constant 0 : index
      %get3A_796 = vector.load %arg54[%get3A_794, %get3A_795] : memref<3072x64xf32, #tpu.memory_space<vmem>>, vector<32x64xf32>
      %concatenate3A = tpu.concatenate %get3A_796, %get3A_796 in 1 : vector<32x64xf32>, vector<32x64xf32> -> vector<32x128xf32>
      %mul3A_797 = arith.constant 64 : i32
      %mul3A_798 = arith.muli %rem3A_773, %mul3A_797 : i32
      %get3A_799 = arith.index_cast %mul3A_798 : i32 to index
      %get3A_800 = arith.constant 0 : index
      %get3A_801 = vector.load %arg55[%get3A_799, %get3A_800] : memref<3072x64xf32, #tpu.memory_space<vmem>>, vector<64x64xf32>
      %mul3A_802 = arith.constant 64 : i32
      %mul3A_803 = arith.muli %rem3A_777, %mul3A_802 : i32
      %get3A_804 = arith.index_cast %mul3A_803 : i32 to index
      %get3A_805 = arith.constant 0 : index
      %get3A_806 = vector.load %arg55[%get3A_804, %get3A_805] : memref<3072x64xf32, #tpu.memory_space<vmem>>, vector<64x64xf32>
      %concatenate3A_807 = tpu.concatenate %get3A_801, %get3A_806 in 1 : vector<64x64xf32>, vector<64x64xf32> -> vector<64x128xf32>
      %get3A_808 = arith.constant 1 : index
      %get3A_809 = arith.index_cast %rem3A_781 : i32 to index
      %get3A_810 = arith.constant 0 : index
      %get3A_811 = vector.load %arg27[%get3A_808, %get3A_809, %get3A_810] : memref<4x3x64xf32, #tpu.memory_space<vmem>>, vector<1x1x64xf32>
      %get3A_812 = vector.shape_cast %get3A_811 : vector<1x1x64xf32> to vector<1x64xf32>
      %get3A_813 = arith.constant 1 : index
      %get3A_814 = arith.index_cast %rem3A_785 : i32 to index
      %get3A_815 = arith.constant 0 : index
      %get3A_816 = vector.load %arg27[%get3A_813, %get3A_814, %get3A_815] : memref<4x3x64xf32, #tpu.memory_space<vmem>>, vector<1x1x64xf32>
      %get3A_817 = vector.shape_cast %get3A_816 : vector<1x1x64xf32> to vector<1x64xf32>
      %concatenate3A_818 = tpu.concatenate %get3A_812, %get3A_817 in 1 : vector<1x64xf32>, vector<1x64xf32> -> vector<1x128xf32>
      %broadcast_in_dim3A_819 = vector.shape_cast %concatenate3A : vector<32x128xf32> to vector<32x1x128xf32>
      %broadcast_in_dim3A_820 = vector.shape_cast %concatenate3A_807 : vector<64x128xf32> to vector<1x64x128xf32>
      %add3A_821 = vector.broadcast %broadcast_in_dim3A_819 : vector<32x1x128xf32> to vector<32x64x128xf32>
      %add3A_822 = vector.broadcast %broadcast_in_dim3A_820 : vector<1x64x128xf32> to vector<32x64x128xf32>
      %add3A_823 = arith.addf %add3A_821, %add3A_822 : vector<32x64x128xf32>
      %broadcast_in_dim3A_824 = vector.shape_cast %concatenate3A_818 : vector<1x128xf32> to vector<1x1x128xf32>
      %add3A_825 = vector.broadcast %broadcast_in_dim3A_824 : vector<1x1x128xf32> to vector<32x64x128xf32>
      %add3A_826 = arith.addf %add3A_823, %add3A_825 : vector<32x64x128xf32>
      %reshape3A_827 = vector.shape_cast %add3A_826 : vector<32x64x128xf32> to vector<2048x128xf32>
      %logistic3A_828 = arith.negf %reshape3A_827 : vector<2048x128xf32>
      %logistic3A_829 = math.exp %logistic3A_828 : vector<2048x128xf32>
      %logistic3A_830 = arith.constant 1.000000e+00 : f32
      %logistic3A_831 = vector.broadcast %logistic3A_830 : f32 to vector<2048x128xf32>
      %logistic3A_832 = arith.addf %logistic3A_831, %logistic3A_829 : vector<2048x128xf32>
      %logistic3A_833 = arith.divf %logistic3A_831, %logistic3A_832 : vector<2048x128xf32>
      %mul3A_834 = arith.mulf %reshape3A_827, %logistic3A_833 : vector<2048x128xf32>
      %dot_general3A_835 = arith.constant dense<0.000000e+00> : vector<2048x128xf32>
      %dot_general3A_836 = tpu.matmul %mul3A_834, %get3A_308, %dot_general3A_835 {dimension_numbers = #tpu.dot_dimension_numbers<[1], [0], [0], [1], [0, 0, 1, 1], [], []>, transpose_lhs_hint = false} : vector<2048x128xf32>, vector<128x128xf32>, vector<2048x128xf32> -> vector<2048x128xf32>
      %broadcast_in_dim3A_837 = vector.shape_cast %get3A_312 : vector<128xf32> to vector<1x128xf32>
      %add3A_838 = vector.broadcast %broadcast_in_dim3A_837 : vector<1x128xf32> to vector<2048x128xf32>
      %add3A_839 = arith.addf %dot_general3A_836, %add3A_838 : vector<2048x128xf32>
      %logistic3A_840 = arith.negf %add3A_839 : vector<2048x128xf32>
      %logistic3A_841 = math.exp %logistic3A_840 : vector<2048x128xf32>
      %logistic3A_842 = arith.constant 1.000000e+00 : f32
      %logistic3A_843 = vector.broadcast %logistic3A_842 : f32 to vector<2048x128xf32>
      %logistic3A_844 = arith.addf %logistic3A_843, %logistic3A_841 : vector<2048x128xf32>
      %logistic3A_845 = arith.divf %logistic3A_843, %logistic3A_844 : vector<2048x128xf32>
      %mul3A_846 = arith.mulf %add3A_839, %logistic3A_845 : vector<2048x128xf32>
      %get3A_847 = arith.index_cast %rem3A_769 : i32 to index
      %get3A_848 = arith.constant 0 : index
      %get3A_849 = arith.constant 0 : index
      %get3A_850 = vector.load %arg5[%get3A_847, %get3A_848, %get3A_849] : memref<96x8x32xf32, #tpu.memory_space<vmem>>, vector<1x8x32xf32>
      %reshape3A_851 = vector.shape_cast %get3A_850 : vector<1x8x32xf32> to vector<8x32xf32>
      %get3A_852 = arith.index_cast %rem3A_773 : i32 to index
      %get3A_853 = arith.constant 0 : index
      %get3A_854 = arith.constant 0 : index
      %get3A_855 = vector.load %arg6[%get3A_852, %get3A_853, %get3A_854] : memref<48x8x64xf32, #tpu.memory_space<vmem>>, vector<1x8x64xf32>
      %reshape3A_856 = vector.shape_cast %get3A_855 : vector<1x8x64xf32> to vector<8x64xf32>
      %get3A_857 = arith.index_cast %rem3A_777 : i32 to index
      %get3A_858 = arith.constant 0 : index
      %get3A_859 = arith.constant 0 : index
      %get3A_860 = vector.load %arg6[%get3A_857, %get3A_858, %get3A_859] : memref<48x8x64xf32, #tpu.memory_space<vmem>>, vector<1x8x64xf32>
      %reshape3A_861 = vector.shape_cast %get3A_860 : vector<1x8x64xf32> to vector<8x64xf32>
      %broadcast_in_dim3A_862 = vector.shape_cast %reshape3A_851 : vector<8x32xf32> to vector<8x32x1xf32>
      %broadcast_in_dim3A_863 = vector.shape_cast %reshape3A_856 : vector<8x64xf32> to vector<8x1x64xf32>
      %sub3A_864 = vector.broadcast %broadcast_in_dim3A_862 : vector<8x32x1xf32> to vector<8x32x64xf32>
      %sub3A_865 = vector.broadcast %broadcast_in_dim3A_863 : vector<8x1x64xf32> to vector<8x32x64xf32>
      %sub3A_866 = arith.subf %sub3A_864, %sub3A_865 : vector<8x32x64xf32>
      %integer_pow3A = arith.mulf %sub3A_866, %sub3A_866 : vector<8x32x64xf32>
      %reduce_sum3A_867 = arith.constant dense<0.000000e+00> : vector<32x64xf32>
      %reduce_sum3A_868 = vector.multi_reduction <add>, %integer_pow3A, %reduce_sum3A_867 [0] : vector<8x32x64xf32> to vector<32x64xf32>
      %broadcast_in_dim3A_869 = vector.shape_cast %reshape3A_851 : vector<8x32xf32> to vector<8x32x1xf32>
      %broadcast_in_dim3A_870 = vector.shape_cast %reshape3A_861 : vector<8x64xf32> to vector<8x1x64xf32>
      %sub3A_871 = vector.broadcast %broadcast_in_dim3A_869 : vector<8x32x1xf32> to vector<8x32x64xf32>
      %sub3A_872 = vector.broadcast %broadcast_in_dim3A_870 : vector<8x1x64xf32> to vector<8x32x64xf32>
      %sub3A_873 = arith.subf %sub3A_871, %sub3A_872 : vector<8x32x64xf32>
      %integer_pow3A_874 = arith.mulf %sub3A_873, %sub3A_873 : vector<8x32x64xf32>
      %reduce_sum3A_875 = arith.constant dense<0.000000e+00> : vector<32x64xf32>
      %reduce_sum3A_876 = vector.multi_reduction <add>, %integer_pow3A_874, %reduce_sum3A_875 [0] : vector<8x32x64xf32> to vector<32x64xf32>
      %le3A = arith.constant 2.250000e+00 : f32
      %le3A_877 = vector.broadcast %le3A : f32 to vector<32x64xf32>
      %le3A_878 = arith.cmpf ole, %reduce_sum3A_868, %le3A_877 : vector<32x64xf32>
      %convert_element_type3A_879 = arith.sitofp %div3A_791 : i32 to f32
      %jit3A_880 = arith.constant 0.000000e+00 : f32
      %broadcast_in_dim3A_881 = vector.broadcast %convert_element_type3A_879 : f32 to vector<32x64xf32>
      %broadcast_in_dim3A_882 = vector.broadcast %jit3A_880 : f32 to vector<32x64xf32>
      %select_n3A_883 = arith.select %le3A_878, %broadcast_in_dim3A_881, %broadcast_in_dim3A_882 : vector<32x64xi1>, vector<32x64xf32>
      %broadcast_in_dim3A_884 = vector.shape_cast %select_n3A_883 : vector<32x64xf32> to vector<32x64x1xf32>
      %le3A_885 = arith.constant 2.250000e+00 : f32
      %le3A_886 = vector.broadcast %le3A_885 : f32 to vector<32x64xf32>
      %le3A_887 = arith.cmpf ole, %reduce_sum3A_876, %le3A_886 : vector<32x64xf32>
      %mul3A_888 = arith.muli %rem3A_789, %div3A_791 : i32
      %convert_element_type3A_889 = arith.sitofp %mul3A_888 : i32 to f32
      %jit3A_890 = arith.constant 0.000000e+00 : f32
      %broadcast_in_dim3A_891 = vector.broadcast %convert_element_type3A_889 : f32 to vector<32x64xf32>
      %broadcast_in_dim3A_892 = vector.broadcast %jit3A_890 : f32 to vector<32x64xf32>
      %select_n3A_893 = arith.select %le3A_887, %broadcast_in_dim3A_891, %broadcast_in_dim3A_892 : vector<32x64xi1>, vector<32x64xf32>
      %broadcast_in_dim3A_894 = vector.shape_cast %select_n3A_893 : vector<32x64xf32> to vector<32x64x1xf32>
      %iota3A_895 = tpu.iota {dimensions = array<i32: 2>} : vector<32x64x128xi32>
      %lt3A = arith.constant 64 : i32
      %lt3A_896 = vector.broadcast %lt3A : i32 to vector<32x64x128xi32>
      %lt3A_897 = arith.cmpi slt, %iota3A_895, %lt3A_896 : vector<32x64x128xi32>
      %broadcast_in_dim3A_898 = vector.shape_cast %broadcast_in_dim3A_884 : vector<32x64x1xf32> to vector<32x64x1xf32>
      %broadcast_in_dim3A_899 = vector.broadcast %broadcast_in_dim3A_898 : vector<32x64x1xf32> to vector<32x64x128xf32>
      %broadcast_in_dim3A_900 = vector.shape_cast %broadcast_in_dim3A_894 : vector<32x64x1xf32> to vector<32x64x1xf32>
      %broadcast_in_dim3A_901 = vector.broadcast %broadcast_in_dim3A_900 : vector<32x64x1xf32> to vector<32x64x128xf32>
      %select_n3A_902 = arith.select %lt3A_897, %broadcast_in_dim3A_899, %broadcast_in_dim3A_901 : vector<32x64x128xi1>, vector<32x64x128xf32>
      %reshape3A_903 = vector.shape_cast %mul3A_846 : vector<2048x128xf32> to vector<32x64x128xf32>
      %mul3A_904 = arith.mulf %reshape3A_903, %select_n3A_902 : vector<32x64x128xf32>
      %reduce_sum3A_905 = arith.constant dense<0.000000e+00> : vector<32x128xf32>
      %reduce_sum3A_906 = vector.multi_reduction <add>, %mul3A_904, %reduce_sum3A_905 [1] : vector<32x64x128xf32> to vector<32x128xf32>
      %slice3A_907 = vector.extract_strided_slice %reduce_sum3A_906 {offsets = [0, 0], sizes = [32, 64], strides = [1, 1]} : vector<32x128xf32> to vector<32x64xf32>
      %slice3A_908 = vector.extract_strided_slice %reduce_sum3A_906 {offsets = [0, 64], sizes = [32, 64], strides = [1, 1]} : vector<32x128xf32> to vector<32x64xf32>
      %add3A_909 = arith.addf %slice3A_907, %slice3A_908 : vector<32x64xf32>
      %mul3A_910 = arith.constant 2 : i32
      %mul3A_911 = arith.muli %mul3A_910, %while3A_763 : i32
      %add3A_912 = arith.constant 1 : i32
      %add3A_913 = arith.addi %mul3A_911, %add3A_912 : i32
      %get3A_914 = arith.index_cast %add3A_913 : i32 to index
      %get3A_915 = memref.load %arg1[%get3A_914] : memref<2400xi32, #tpu.memory_space<smem>>
      %rem3A_916 = arith.constant 128 : i32
      %rem3A_917 = arith.remsi %get3A_915, %rem3A_916 : i32
      %div3A_918 = arith.constant 128 : i32
      %div3A_919 = arith.divsi %get3A_915, %div3A_918 : i32
      %rem3A_920 = arith.constant 64 : i32
      %rem3A_921 = arith.remsi %div3A_919, %rem3A_920 : i32
      %div3A_922 = arith.constant 8192 : i32
      %div3A_923 = arith.divsi %get3A_915, %div3A_922 : i32
      %rem3A_924 = arith.constant 64 : i32
      %rem3A_925 = arith.remsi %div3A_923, %rem3A_924 : i32
      %div3A_926 = arith.constant 524288 : i32
      %div3A_927 = arith.divsi %get3A_915, %div3A_926 : i32
      %rem3A_928 = arith.constant 4 : i32
      %rem3A_929 = arith.remsi %div3A_927, %rem3A_928 : i32
      %div3A_930 = arith.constant 2097152 : i32
      %div3A_931 = arith.divsi %get3A_915, %div3A_930 : i32
      %rem3A_932 = arith.constant 4 : i32
      %rem3A_933 = arith.remsi %div3A_931, %rem3A_932 : i32
      %div3A_934 = arith.constant 8388608 : i32
      %div3A_935 = arith.divsi %get3A_915, %div3A_934 : i32
      %rem3A_936 = arith.constant 2 : i32
      %rem3A_937 = arith.remsi %div3A_935, %rem3A_936 : i32
      %div3A_938 = arith.constant 16777216 : i32
      %div3A_939 = arith.divsi %get3A_915, %div3A_938 : i32
      %mul3A_940 = arith.constant 32 : i32
      %mul3A_941 = arith.muli %rem3A_917, %mul3A_940 : i32
      %get3A_942 = arith.index_cast %mul3A_941 : i32 to index
      %get3A_943 = arith.constant 0 : index
      %get3A_944 = vector.load %arg54[%get3A_942, %get3A_943] : memref<3072x64xf32, #tpu.memory_space<vmem>>, vector<32x64xf32>
      %concatenate3A_945 = tpu.concatenate %get3A_944, %get3A_944 in 1 : vector<32x64xf32>, vector<32x64xf32> -> vector<32x128xf32>
      %mul3A_946 = arith.constant 64 : i32
      %mul3A_947 = arith.muli %rem3A_921, %mul3A_946 : i32
      %get3A_948 = arith.index_cast %mul3A_947 : i32 to index
      %get3A_949 = arith.constant 0 : index
      %get3A_950 = vector.load %arg55[%get3A_948, %get3A_949] : memref<3072x64xf32, #tpu.memory_space<vmem>>, vector<64x64xf32>
      %mul3A_951 = arith.constant 64 : i32
      %mul3A_952 = arith.muli %rem3A_925, %mul3A_951 : i32
      %get3A_953 = arith.index_cast %mul3A_952 : i32 to index
      %get3A_954 = arith.constant 0 : index
      %get3A_955 = vector.load %arg55[%get3A_953, %get3A_954] : memref<3072x64xf32, #tpu.memory_space<vmem>>, vector<64x64xf32>
      %concatenate3A_956 = tpu.concatenate %get3A_950, %get3A_955 in 1 : vector<64x64xf32>, vector<64x64xf32> -> vector<64x128xf32>
      %get3A_957 = arith.constant 1 : index
      %get3A_958 = arith.index_cast %rem3A_929 : i32 to index
      %get3A_959 = arith.constant 0 : index
      %get3A_960 = vector.load %arg27[%get3A_957, %get3A_958, %get3A_959] : memref<4x3x64xf32, #tpu.memory_space<vmem>>, vector<1x1x64xf32>
      %get3A_961 = vector.shape_cast %get3A_960 : vector<1x1x64xf32> to vector<1x64xf32>
      %get3A_962 = arith.constant 1 : index
      %get3A_963 = arith.index_cast %rem3A_933 : i32 to index
      %get3A_964 = arith.constant 0 : index
      %get3A_965 = vector.load %arg27[%get3A_962, %get3A_963, %get3A_964] : memref<4x3x64xf32, #tpu.memory_space<vmem>>, vector<1x1x64xf32>
      %get3A_966 = vector.shape_cast %get3A_965 : vector<1x1x64xf32> to vector<1x64xf32>
      %concatenate3A_967 = tpu.concatenate %get3A_961, %get3A_966 in 1 : vector<1x64xf32>, vector<1x64xf32> -> vector<1x128xf32>
      %broadcast_in_dim3A_968 = vector.shape_cast %concatenate3A_945 : vector<32x128xf32> to vector<32x1x128xf32>
      %broadcast_in_dim3A_969 = vector.shape_cast %concatenate3A_956 : vector<64x128xf32> to vector<1x64x128xf32>
      %add3A_970 = vector.broadcast %broadcast_in_dim3A_968 : vector<32x1x128xf32> to vector<32x64x128xf32>
      %add3A_971 = vector.broadcast %broadcast_in_dim3A_969 : vector<1x64x128xf32> to vector<32x64x128xf32>
      %add3A_972 = arith.addf %add3A_970, %add3A_971 : vector<32x64x128xf32>
      %broadcast_in_dim3A_973 = vector.shape_cast %concatenate3A_967 : vector<1x128xf32> to vector<1x1x128xf32>
      %add3A_974 = vector.broadcast %broadcast_in_dim3A_973 : vector<1x1x128xf32> to vector<32x64x128xf32>
      %add3A_975 = arith.addf %add3A_972, %add3A_974 : vector<32x64x128xf32>
      %reshape3A_976 = vector.shape_cast %add3A_975 : vector<32x64x128xf32> to vector<2048x128xf32>
      %logistic3A_977 = arith.negf %reshape3A_976 : vector<2048x128xf32>
      %logistic3A_978 = math.exp %logistic3A_977 : vector<2048x128xf32>
      %logistic3A_979 = arith.constant 1.000000e+00 : f32
      %logistic3A_980 = vector.broadcast %logistic3A_979 : f32 to vector<2048x128xf32>
      %logistic3A_981 = arith.addf %logistic3A_980, %logistic3A_978 : vector<2048x128xf32>
      %logistic3A_982 = arith.divf %logistic3A_980, %logistic3A_981 : vector<2048x128xf32>
      %mul3A_983 = arith.mulf %reshape3A_976, %logistic3A_982 : vector<2048x128xf32>
      %dot_general3A_984 = arith.constant dense<0.000000e+00> : vector<2048x128xf32>
      %dot_general3A_985 = tpu.matmul %mul3A_983, %get3A_308, %dot_general3A_984 {dimension_numbers = #tpu.dot_dimension_numbers<[1], [0], [0], [1], [0, 0, 1, 1], [], []>, transpose_lhs_hint = false} : vector<2048x128xf32>, vector<128x128xf32>, vector<2048x128xf32> -> vector<2048x128xf32>
      %broadcast_in_dim3A_986 = vector.shape_cast %get3A_312 : vector<128xf32> to vector<1x128xf32>
      %add3A_987 = vector.broadcast %broadcast_in_dim3A_986 : vector<1x128xf32> to vector<2048x128xf32>
      %add3A_988 = arith.addf %dot_general3A_985, %add3A_987 : vector<2048x128xf32>
      %logistic3A_989 = arith.negf %add3A_988 : vector<2048x128xf32>
      %logistic3A_990 = math.exp %logistic3A_989 : vector<2048x128xf32>
      %logistic3A_991 = arith.constant 1.000000e+00 : f32
      %logistic3A_992 = vector.broadcast %logistic3A_991 : f32 to vector<2048x128xf32>
      %logistic3A_993 = arith.addf %logistic3A_992, %logistic3A_990 : vector<2048x128xf32>
      %logistic3A_994 = arith.divf %logistic3A_992, %logistic3A_993 : vector<2048x128xf32>
      %mul3A_995 = arith.mulf %add3A_988, %logistic3A_994 : vector<2048x128xf32>
      %get3A_996 = arith.index_cast %rem3A_917 : i32 to index
      %get3A_997 = arith.constant 0 : index
      %get3A_998 = arith.constant 0 : index
      %get3A_999 = vector.load %arg5[%get3A_996, %get3A_997, %get3A_998] : memref<96x8x32xf32, #tpu.memory_space<vmem>>, vector<1x8x32xf32>
      %reshape3A_1000 = vector.shape_cast %get3A_999 : vector<1x8x32xf32> to vector<8x32xf32>
      %get3A_1001 = arith.index_cast %rem3A_921 : i32 to index
      %get3A_1002 = arith.constant 0 : index
      %get3A_1003 = arith.constant 0 : index
      %get3A_1004 = vector.load %arg6[%get3A_1001, %get3A_1002, %get3A_1003] : memref<48x8x64xf32, #tpu.memory_space<vmem>>, vector<1x8x64xf32>
      %reshape3A_1005 = vector.shape_cast %get3A_1004 : vector<1x8x64xf32> to vector<8x64xf32>
      %get3A_1006 = arith.index_cast %rem3A_925 : i32 to index
      %get3A_1007 = arith.constant 0 : index
      %get3A_1008 = arith.constant 0 : index
      %get3A_1009 = vector.load %arg6[%get3A_1006, %get3A_1007, %get3A_1008] : memref<48x8x64xf32, #tpu.memory_space<vmem>>, vector<1x8x64xf32>
      %reshape3A_1010 = vector.shape_cast %get3A_1009 : vector<1x8x64xf32> to vector<8x64xf32>
      %broadcast_in_dim3A_1011 = vector.shape_cast %reshape3A_1000 : vector<8x32xf32> to vector<8x32x1xf32>
      %broadcast_in_dim3A_1012 = vector.shape_cast %reshape3A_1005 : vector<8x64xf32> to vector<8x1x64xf32>
      %sub3A_1013 = vector.broadcast %broadcast_in_dim3A_1011 : vector<8x32x1xf32> to vector<8x32x64xf32>
      %sub3A_1014 = vector.broadcast %broadcast_in_dim3A_1012 : vector<8x1x64xf32> to vector<8x32x64xf32>
      %sub3A_1015 = arith.subf %sub3A_1013, %sub3A_1014 : vector<8x32x64xf32>
      %integer_pow3A_1016 = arith.mulf %sub3A_1015, %sub3A_1015 : vector<8x32x64xf32>
      %reduce_sum3A_1017 = arith.constant dense<0.000000e+00> : vector<32x64xf32>
      %reduce_sum3A_1018 = vector.multi_reduction <add>, %integer_pow3A_1016, %reduce_sum3A_1017 [0] : vector<8x32x64xf32> to vector<32x64xf32>
      %broadcast_in_dim3A_1019 = vector.shape_cast %reshape3A_1000 : vector<8x32xf32> to vector<8x32x1xf32>
      %broadcast_in_dim3A_1020 = vector.shape_cast %reshape3A_1010 : vector<8x64xf32> to vector<8x1x64xf32>
      %sub3A_1021 = vector.broadcast %broadcast_in_dim3A_1019 : vector<8x32x1xf32> to vector<8x32x64xf32>
      %sub3A_1022 = vector.broadcast %broadcast_in_dim3A_1020 : vector<8x1x64xf32> to vector<8x32x64xf32>
      %sub3A_1023 = arith.subf %sub3A_1021, %sub3A_1022 : vector<8x32x64xf32>
      %integer_pow3A_1024 = arith.mulf %sub3A_1023, %sub3A_1023 : vector<8x32x64xf32>
      %reduce_sum3A_1025 = arith.constant dense<0.000000e+00> : vector<32x64xf32>
      %reduce_sum3A_1026 = vector.multi_reduction <add>, %integer_pow3A_1024, %reduce_sum3A_1025 [0] : vector<8x32x64xf32> to vector<32x64xf32>
      %le3A_1027 = arith.constant 2.250000e+00 : f32
      %le3A_1028 = vector.broadcast %le3A_1027 : f32 to vector<32x64xf32>
      %le3A_1029 = arith.cmpf ole, %reduce_sum3A_1018, %le3A_1028 : vector<32x64xf32>
      %convert_element_type3A_1030 = arith.sitofp %div3A_939 : i32 to f32
      %jit3A_1031 = arith.constant 0.000000e+00 : f32
      %broadcast_in_dim3A_1032 = vector.broadcast %convert_element_type3A_1030 : f32 to vector<32x64xf32>
      %broadcast_in_dim3A_1033 = vector.broadcast %jit3A_1031 : f32 to vector<32x64xf32>
      %select_n3A_1034 = arith.select %le3A_1029, %broadcast_in_dim3A_1032, %broadcast_in_dim3A_1033 : vector<32x64xi1>, vector<32x64xf32>
      %broadcast_in_dim3A_1035 = vector.shape_cast %select_n3A_1034 : vector<32x64xf32> to vector<32x64x1xf32>
      %le3A_1036 = arith.constant 2.250000e+00 : f32
      %le3A_1037 = vector.broadcast %le3A_1036 : f32 to vector<32x64xf32>
      %le3A_1038 = arith.cmpf ole, %reduce_sum3A_1026, %le3A_1037 : vector<32x64xf32>
      %mul3A_1039 = arith.muli %rem3A_937, %div3A_939 : i32
      %convert_element_type3A_1040 = arith.sitofp %mul3A_1039 : i32 to f32
      %jit3A_1041 = arith.constant 0.000000e+00 : f32
      %broadcast_in_dim3A_1042 = vector.broadcast %convert_element_type3A_1040 : f32 to vector<32x64xf32>
      %broadcast_in_dim3A_1043 = vector.broadcast %jit3A_1041 : f32 to vector<32x64xf32>
      %select_n3A_1044 = arith.select %le3A_1038, %broadcast_in_dim3A_1042, %broadcast_in_dim3A_1043 : vector<32x64xi1>, vector<32x64xf32>
      %broadcast_in_dim3A_1045 = vector.shape_cast %select_n3A_1044 : vector<32x64xf32> to vector<32x64x1xf32>
      %iota3A_1046 = tpu.iota {dimensions = array<i32: 2>} : vector<32x64x128xi32>
      %lt3A_1047 = arith.constant 64 : i32
      %lt3A_1048 = vector.broadcast %lt3A_1047 : i32 to vector<32x64x128xi32>
      %lt3A_1049 = arith.cmpi slt, %iota3A_1046, %lt3A_1048 : vector<32x64x128xi32>
      %broadcast_in_dim3A_1050 = vector.shape_cast %broadcast_in_dim3A_1035 : vector<32x64x1xf32> to vector<32x64x1xf32>
      %broadcast_in_dim3A_1051 = vector.broadcast %broadcast_in_dim3A_1050 : vector<32x64x1xf32> to vector<32x64x128xf32>
      %broadcast_in_dim3A_1052 = vector.shape_cast %broadcast_in_dim3A_1045 : vector<32x64x1xf32> to vector<32x64x1xf32>
      %broadcast_in_dim3A_1053 = vector.broadcast %broadcast_in_dim3A_1052 : vector<32x64x1xf32> to vector<32x64x128xf32>
      %select_n3A_1054 = arith.select %lt3A_1049, %broadcast_in_dim3A_1051, %broadcast_in_dim3A_1053 : vector<32x64x128xi1>, vector<32x64x128xf32>
      %reshape3A_1055 = vector.shape_cast %mul3A_995 : vector<2048x128xf32> to vector<32x64x128xf32>
      %mul3A_1056 = arith.mulf %reshape3A_1055, %select_n3A_1054 : vector<32x64x128xf32>
      %reduce_sum3A_1057 = arith.constant dense<0.000000e+00> : vector<32x128xf32>
      %reduce_sum3A_1058 = vector.multi_reduction <add>, %mul3A_1056, %reduce_sum3A_1057 [1] : vector<32x64x128xf32> to vector<32x128xf32>
      %slice3A_1059 = vector.extract_strided_slice %reduce_sum3A_1058 {offsets = [0, 0], sizes = [32, 64], strides = [1, 1]} : vector<32x128xf32> to vector<32x64xf32>
      %slice3A_1060 = vector.extract_strided_slice %reduce_sum3A_1058 {offsets = [0, 64], sizes = [32, 64], strides = [1, 1]} : vector<32x128xf32> to vector<32x64xf32>
      %add3A_1061 = arith.addf %slice3A_1059, %slice3A_1060 : vector<32x64xf32>
      %get3A_1062 = arith.index_cast %mul3A_793 : i32 to index
      %get3A_1063 = arith.constant 0 : index
      %get3A_1064 = vector.load %arg56[%get3A_1062, %get3A_1063] : memref<3072x64xf32, #tpu.memory_space<vmem>>, vector<32x64xf32>
      %add3A_1065 = arith.addf %get3A_1064, %add3A_909 : vector<32x64xf32>
      %swap3A_1066 = arith.index_cast %mul3A_793 : i32 to index
      %swap3A_1067 = arith.constant 0 : index
      %swap3A_1068 = vector.load %arg56[%swap3A_1066, %swap3A_1067] : memref<3072x64xf32, #tpu.memory_space<vmem>>, vector<32x64xf32>
      tpu.vector_store %arg56[%swap3A_1066, %swap3A_1067], %add3A_1065 {strides = array<i32>} : memref<3072x64xf32, #tpu.memory_space<vmem>>, vector<32x64xf32>,
      %get3A_1069 = arith.index_cast %mul3A_941 : i32 to index
      %get3A_1070 = arith.constant 0 : index
      %get3A_1071 = vector.load %arg56[%get3A_1069, %get3A_1070] : memref<3072x64xf32, #tpu.memory_space<vmem>>, vector<32x64xf32>
      %add3A_1072 = arith.addf %get3A_1071, %add3A_1061 : vector<32x64xf32>
      %swap3A_1073 = arith.index_cast %mul3A_941 : i32 to index
      %swap3A_1074 = arith.constant 0 : index
      %swap3A_1075 = vector.load %arg56[%swap3A_1073, %swap3A_1074] : memref<3072x64xf32, #tpu.memory_space<vmem>>, vector<32x64xf32>
      tpu.vector_store %arg56[%swap3A_1073, %swap3A_1074], %add3A_1072 {strides = array<i32>} : memref<3072x64xf32, #tpu.memory_space<vmem>>, vector<32x64xf32>,
    }
    %get3A_349 = arith.constant 0 : index
    %get3A_350 = arith.constant 0 : index
    %get3A_351 = vector.load %arg56[%get3A_349, %get3A_350] : memref<3072x64xf32, #tpu.memory_space<vmem>>, vector<3072x64xf32>
    %mul3A_352 = arith.constant 0.00999999977 : f32
    %mul3A_353 = vector.broadcast %mul3A_352 : f32 to vector<3072x64xf32>
    %mul3A_354 = arith.mulf %get3A_351, %mul3A_353 : vector<3072x64xf32>
    %get3A_355 = arith.constant 1 : index
    %get3A_356 = arith.constant 0 : index
    %get3A_357 = arith.constant 0 : index
    %get3A_358 = vector.load %arg30[%get3A_355, %get3A_356, %get3A_357] : memref<4x64x64xf32, #tpu.memory_space<vmem>>, vector<1x64x64xf32>
    %get3A_359 = vector.shape_cast %get3A_358 : vector<1x64x64xf32> to vector<64x64xf32>
    %dot_general3A_360 = arith.constant dense<0.000000e+00> : vector<3072x64xf32>
    %dot_general3A_361 = tpu.matmul %get3A_278, %get3A_359, %dot_general3A_360 {dimension_numbers = #tpu.dot_dimension_numbers<[1], [0], [0], [1], [0, 0, 1, 1], [], []>, transpose_lhs_hint = false} : vector<3072x64xf32>, vector<64x64xf32>, vector<3072x64xf32> -> vector<3072x64xf32>
    %get3A_362 = arith.constant 1 : index
    %get3A_363 = arith.constant 0 : index
    %get3A_364 = arith.constant 0 : index
    %get3A_365 = vector.load %arg31[%get3A_362, %get3A_363, %get3A_364] : memref<4x64x64xf32, #tpu.memory_space<vmem>>, vector<1x64x64xf32>
    %get3A_366 = vector.shape_cast %get3A_365 : vector<1x64x64xf32> to vector<64x64xf32>
    %dot_general3A_367 = arith.constant dense<0.000000e+00> : vector<3072x64xf32>
    %dot_general3A_368 = tpu.matmul %mul3A_354, %get3A_366, %dot_general3A_367 {dimension_numbers = #tpu.dot_dimension_numbers<[1], [0], [0], [1], [0, 0, 1, 1], [], []>, transpose_lhs_hint = false} : vector<3072x64xf32>, vector<64x64xf32>, vector<3072x64xf32> -> vector<3072x64xf32>
    %add3A_369 = arith.addf %dot_general3A_361, %dot_general3A_368 : vector<3072x64xf32>
    %get3A_370 = arith.constant 1 : index
    %get3A_371 = arith.constant 0 : index
    %get3A_372 = vector.load %arg32[%get3A_370, %get3A_371] : memref<4x64xf32, #tpu.memory_space<vmem>>, vector<1x64xf32>
    %get3A_373 = vector.shape_cast %get3A_372 : vector<1x64xf32> to vector<64xf32>
    %broadcast_in_dim3A_374 = vector.shape_cast %get3A_373 : vector<64xf32> to vector<1x64xf32>
    %add3A_375 = vector.broadcast %broadcast_in_dim3A_374 : vector<1x64xf32> to vector<3072x64xf32>
    %add3A_376 = arith.addf %add3A_369, %add3A_375 : vector<3072x64xf32>
    %logistic3A_377 = arith.negf %add3A_376 : vector<3072x64xf32>
    %logistic3A_378 = math.exp %logistic3A_377 : vector<3072x64xf32>
    %logistic3A_379 = arith.constant 1.000000e+00 : f32
    %logistic3A_380 = vector.broadcast %logistic3A_379 : f32 to vector<3072x64xf32>
    %logistic3A_381 = arith.addf %logistic3A_380, %logistic3A_378 : vector<3072x64xf32>
    %logistic3A_382 = arith.divf %logistic3A_380, %logistic3A_381 : vector<3072x64xf32>
    %mul3A_383 = arith.mulf %add3A_376, %logistic3A_382 : vector<3072x64xf32>
    %get3A_384 = arith.constant 1 : index
    %get3A_385 = arith.constant 0 : index
    %get3A_386 = arith.constant 0 : index
    %get3A_387 = vector.load %arg33[%get3A_384, %get3A_385, %get3A_386] : memref<4x64x64xf32, #tpu.memory_space<vmem>>, vector<1x64x64xf32>
    %get3A_388 = vector.shape_cast %get3A_387 : vector<1x64x64xf32> to vector<64x64xf32>
    %dot_general3A_389 = arith.constant dense<0.000000e+00> : vector<3072x64xf32>
    %dot_general3A_390 = tpu.matmul %mul3A_383, %get3A_388, %dot_general3A_389 {dimension_numbers = #tpu.dot_dimension_numbers<[1], [0], [0], [1], [0, 0, 1, 1], [], []>, transpose_lhs_hint = false} : vector<3072x64xf32>, vector<64x64xf32>, vector<3072x64xf32> -> vector<3072x64xf32>
    %add3A_391 = arith.addf %get3A_278, %dot_general3A_390 : vector<3072x64xf32>
    %get3A_392 = arith.constant 1 : index
    %get3A_393 = arith.constant 0 : index
    %get3A_394 = vector.load %arg34[%get3A_392, %get3A_393] : memref<4x64xf32, #tpu.memory_space<vmem>>, vector<1x64xf32>
    %get3A_395 = vector.shape_cast %get3A_394 : vector<1x64xf32> to vector<64xf32>
    %broadcast_in_dim3A_396 = vector.shape_cast %get3A_395 : vector<64xf32> to vector<1x64xf32>
    %add3A_397 = vector.broadcast %broadcast_in_dim3A_396 : vector<1x64xf32> to vector<3072x64xf32>
    %add3A_398 = arith.addf %add3A_391, %add3A_397 : vector<3072x64xf32>
    %swap3A_399 = arith.constant 0 : index
    %swap3A_400 = arith.constant 0 : index
    %swap3A_401 = vector.load %arg53[%swap3A_399, %swap3A_400] : memref<3072x64xf32, #tpu.memory_space<vmem>>, vector<3072x64xf32>
    tpu.vector_store %arg53[%swap3A_399, %swap3A_400], %add3A_398 {strides = array<i32>} : memref<3072x64xf32, #tpu.memory_space<vmem>>, vector<3072x64xf32>,
    %get3A_402 = arith.constant 0 : index
    %get3A_403 = arith.constant 0 : index
    %get3A_404 = vector.load %arg53[%get3A_402, %get3A_403] : memref<3072x64xf32, #tpu.memory_space<vmem>>, vector<3072x64xf32>
    %get3A_405 = arith.constant 2 : index
    %get3A_406 = arith.constant 0 : index
    %get3A_407 = arith.constant 0 : index
    %get3A_408 = vector.load %arg25[%get3A_405, %get3A_406, %get3A_407] : memref<4x64x64xf32, #tpu.memory_space<vmem>>, vector<1x64x64xf32>
    %get3A_409 = vector.shape_cast %get3A_408 : vector<1x64x64xf32> to vector<64x64xf32>
    %dot_general3A_410 = arith.constant dense<0.000000e+00> : vector<3072x64xf32>
    %dot_general3A_411 = tpu.matmul %get3A_404, %get3A_409, %dot_general3A_410 {dimension_numbers = #tpu.dot_dimension_numbers<[1], [0], [0], [1], [0, 0, 1, 1], [], []>, transpose_lhs_hint = false} : vector<3072x64xf32>, vector<64x64xf32>, vector<3072x64xf32> -> vector<3072x64xf32>
    %swap3A_412 = arith.constant 0 : index
    %swap3A_413 = arith.constant 0 : index
    %swap3A_414 = vector.load %arg54[%swap3A_412, %swap3A_413] : memref<3072x64xf32, #tpu.memory_space<vmem>>, vector<3072x64xf32>
    tpu.vector_store %arg54[%swap3A_412, %swap3A_413], %dot_general3A_411 {strides = array<i32>} : memref<3072x64xf32, #tpu.memory_space<vmem>>, vector<3072x64xf32>,
    %get3A_415 = arith.constant 2 : index
    %get3A_416 = arith.constant 0 : index
    %get3A_417 = arith.constant 0 : index
    %get3A_418 = vector.load %arg26[%get3A_415, %get3A_416, %get3A_417] : memref<4x64x64xf32, #tpu.memory_space<vmem>>, vector<1x64x64xf32>
    %get3A_419 = vector.shape_cast %get3A_418 : vector<1x64x64xf32> to vector<64x64xf32>
    %dot_general3A_420 = arith.constant dense<0.000000e+00> : vector<3072x64xf32>
    %dot_general3A_421 = tpu.matmul %get3A_404, %get3A_419, %dot_general3A_420 {dimension_numbers = #tpu.dot_dimension_numbers<[1], [0], [0], [1], [0, 0, 1, 1], [], []>, transpose_lhs_hint = false} : vector<3072x64xf32>, vector<64x64xf32>, vector<3072x64xf32> -> vector<3072x64xf32>
    %swap3A_422 = arith.constant 0 : index
    %swap3A_423 = arith.constant 0 : index
    %swap3A_424 = vector.load %arg55[%swap3A_422, %swap3A_423] : memref<3072x64xf32, #tpu.memory_space<vmem>>, vector<3072x64xf32>
    tpu.vector_store %arg55[%swap3A_422, %swap3A_423], %dot_general3A_421 {strides = array<i32>} : memref<3072x64xf32, #tpu.memory_space<vmem>>, vector<3072x64xf32>,
    %broadcast_in_dim3A_425 = arith.constant 0.000000e+00 : f32
    %broadcast_in_dim3A_426 = vector.broadcast %broadcast_in_dim3A_425 : f32 to vector<3072x64xf32>
    %swap3A_427 = arith.constant 0 : index
    %swap3A_428 = arith.constant 0 : index
    %swap3A_429 = vector.load %arg56[%swap3A_427, %swap3A_428] : memref<3072x64xf32, #tpu.memory_space<vmem>>, vector<3072x64xf32>
    tpu.vector_store %arg56[%swap3A_427, %swap3A_428], %broadcast_in_dim3A_426 {strides = array<i32>} : memref<3072x64xf32, #tpu.memory_space<vmem>>, vector<3072x64xf32>,
    %get3A_430 = arith.constant 2 : index
    %get3A_431 = arith.constant 0 : index
    %get3A_432 = arith.constant 0 : index
    %get3A_433 = vector.load %arg28[%get3A_430, %get3A_431, %get3A_432] : memref<4x128x128xf32, #tpu.memory_space<vmem>>, vector<1x128x128xf32>
    %get3A_434 = vector.shape_cast %get3A_433 : vector<1x128x128xf32> to vector<128x128xf32>
    %get3A_435 = arith.constant 2 : index
    %get3A_436 = arith.constant 0 : index
    %get3A_437 = vector.load %arg29[%get3A_435, %get3A_436] : memref<4x128xf32, #tpu.memory_space<vmem>>, vector<1x128xf32>
    %get3A_438 = vector.shape_cast %get3A_437 : vector<1x128xf32> to vector<128xf32>
    %add3A_439 = arith.constant 1 : i32
    %add3A_440 = arith.addi %get3A_158, %add3A_439 : i32
    %jit3A_441 = arith.constant 2 : i32
    %div3A_442 = arith.divsi %add3A_440, %jit3A_441 : i32
    %sign3A_443 = arith.constant 0 : i32
    %sign3A_444 = arith.cmpi sgt, %add3A_440, %sign3A_443 : i32
    %sign3A_445 = arith.extui %sign3A_444 : i1 to i32
    %sign3A_446 = arith.constant 0 : i32
    %sign3A_447 = arith.cmpi slt, %add3A_440, %sign3A_446 : i32
    %sign3A_448 = arith.extui %sign3A_447 : i1 to i32
    %sign3A_449 = arith.subi %sign3A_445, %sign3A_448 : i32
    %sign3A_450 = arith.constant 0 : i32
    %sign3A_451 = arith.cmpi sgt, %jit3A_441, %sign3A_450 : i32
    %sign3A_452 = arith.extui %sign3A_451 : i1 to i32
    %sign3A_453 = arith.constant 0 : i32
    %sign3A_454 = arith.cmpi slt, %jit3A_441, %sign3A_453 : i32
    %sign3A_455 = arith.extui %sign3A_454 : i1 to i32
    %sign3A_456 = arith.subi %sign3A_452, %sign3A_455 : i32
    %ne3A_457 = arith.cmpi ne, %sign3A_449, %sign3A_456 : i32
    %rem3A_458 = arith.remsi %add3A_440, %jit3A_441 : i32
    %ne3A_459 = arith.constant 0 : i32
    %ne3A_460 = arith.cmpi ne, %rem3A_458, %ne3A_459 : i32
    %and3A_461 = arith.andi %ne3A_457, %ne3A_460 : i1
    %sub3A_462 = arith.constant 1 : i32
    %sub3A_463 = arith.subi %div3A_442, %sub3A_462 : i32
    %select_n3A_464 = arith.select %and3A_461, %sub3A_463, %div3A_442 : i32
    %while3A_465 = arith.constant 0 : i32
    %while3A_466 = arith.constant 0 : i32
    %while3A_467 = arith.subi %select_n3A_464, %while3A_466 : i32
    %while3A_468 = arith.addi %while3A_466, %while3A_467 : i32
    %while3A_469 = arith.constant 1 : i32
    %while3A_470 = arith.divsi %while3A_467, %while3A_469 : i32
    %while3A_471 = arith.muli %while3A_470, %while3A_469 : i32
    %while3A_472 = arith.addi %while3A_466, %while3A_471 : i32
    %while3A_473 = arith.constant 1 : i32
    scf.for %while3A_763 = %while3A_466 to %while3A_472 step %while3A_473  : i32 {
      %mul3A_764 = arith.constant 2 : i32
      %mul3A_765 = arith.muli %mul3A_764, %while3A_763 : i32
      %get3A_766 = arith.index_cast %mul3A_765 : i32 to index
      %get3A_767 = memref.load %arg1[%get3A_766] : memref<2400xi32, #tpu.memory_space<smem>>
      %rem3A_768 = arith.constant 128 : i32
      %rem3A_769 = arith.remsi %get3A_767, %rem3A_768 : i32
      %div3A_770 = arith.constant 128 : i32
      %div3A_771 = arith.divsi %get3A_767, %div3A_770 : i32
      %rem3A_772 = arith.constant 64 : i32
      %rem3A_773 = arith.remsi %div3A_771, %rem3A_772 : i32
      %div3A_774 = arith.constant 8192 : i32
      %div3A_775 = arith.divsi %get3A_767, %div3A_774 : i32
      %rem3A_776 = arith.constant 64 : i32
      %rem3A_777 = arith.remsi %div3A_775, %rem3A_776 : i32
      %div3A_778 = arith.constant 524288 : i32
      %div3A_779 = arith.divsi %get3A_767, %div3A_778 : i32
      %rem3A_780 = arith.constant 4 : i32
      %rem3A_781 = arith.remsi %div3A_779, %rem3A_780 : i32
      %div3A_782 = arith.constant 2097152 : i32
      %div3A_783 = arith.divsi %get3A_767, %div3A_782 : i32
      %rem3A_784 = arith.constant 4 : i32
      %rem3A_785 = arith.remsi %div3A_783, %rem3A_784 : i32
      %div3A_786 = arith.constant 8388608 : i32
      %div3A_787 = arith.divsi %get3A_767, %div3A_786 : i32
      %rem3A_788 = arith.constant 2 : i32
      %rem3A_789 = arith.remsi %div3A_787, %rem3A_788 : i32
      %div3A_790 = arith.constant 16777216 : i32
      %div3A_791 = arith.divsi %get3A_767, %div3A_790 : i32
      %mul3A_792 = arith.constant 32 : i32
      %mul3A_793 = arith.muli %rem3A_769, %mul3A_792 : i32
      %get3A_794 = arith.index_cast %mul3A_793 : i32 to index
      %get3A_795 = arith.constant 0 : index
      %get3A_796 = vector.load %arg54[%get3A_794, %get3A_795] : memref<3072x64xf32, #tpu.memory_space<vmem>>, vector<32x64xf32>
      %concatenate3A = tpu.concatenate %get3A_796, %get3A_796 in 1 : vector<32x64xf32>, vector<32x64xf32> -> vector<32x128xf32>
      %mul3A_797 = arith.constant 64 : i32
      %mul3A_798 = arith.muli %rem3A_773, %mul3A_797 : i32
      %get3A_799 = arith.index_cast %mul3A_798 : i32 to index
      %get3A_800 = arith.constant 0 : index
      %get3A_801 = vector.load %arg55[%get3A_799, %get3A_800] : memref<3072x64xf32, #tpu.memory_space<vmem>>, vector<64x64xf32>
      %mul3A_802 = arith.constant 64 : i32
      %mul3A_803 = arith.muli %rem3A_777, %mul3A_802 : i32
      %get3A_804 = arith.index_cast %mul3A_803 : i32 to index
      %get3A_805 = arith.constant 0 : index
      %get3A_806 = vector.load %arg55[%get3A_804, %get3A_805] : memref<3072x64xf32, #tpu.memory_space<vmem>>, vector<64x64xf32>
      %concatenate3A_807 = tpu.concatenate %get3A_801, %get3A_806 in 1 : vector<64x64xf32>, vector<64x64xf32> -> vector<64x128xf32>
      %get3A_808 = arith.constant 2 : index
      %get3A_809 = arith.index_cast %rem3A_781 : i32 to index
      %get3A_810 = arith.constant 0 : index
      %get3A_811 = vector.load %arg27[%get3A_808, %get3A_809, %get3A_810] : memref<4x3x64xf32, #tpu.memory_space<vmem>>, vector<1x1x64xf32>
      %get3A_812 = vector.shape_cast %get3A_811 : vector<1x1x64xf32> to vector<1x64xf32>
      %get3A_813 = arith.constant 2 : index
      %get3A_814 = arith.index_cast %rem3A_785 : i32 to index
      %get3A_815 = arith.constant 0 : index
      %get3A_816 = vector.load %arg27[%get3A_813, %get3A_814, %get3A_815] : memref<4x3x64xf32, #tpu.memory_space<vmem>>, vector<1x1x64xf32>
      %get3A_817 = vector.shape_cast %get3A_816 : vector<1x1x64xf32> to vector<1x64xf32>
      %concatenate3A_818 = tpu.concatenate %get3A_812, %get3A_817 in 1 : vector<1x64xf32>, vector<1x64xf32> -> vector<1x128xf32>
      %broadcast_in_dim3A_819 = vector.shape_cast %concatenate3A : vector<32x128xf32> to vector<32x1x128xf32>
      %broadcast_in_dim3A_820 = vector.shape_cast %concatenate3A_807 : vector<64x128xf32> to vector<1x64x128xf32>
      %add3A_821 = vector.broadcast %broadcast_in_dim3A_819 : vector<32x1x128xf32> to vector<32x64x128xf32>
      %add3A_822 = vector.broadcast %broadcast_in_dim3A_820 : vector<1x64x128xf32> to vector<32x64x128xf32>
      %add3A_823 = arith.addf %add3A_821, %add3A_822 : vector<32x64x128xf32>
      %broadcast_in_dim3A_824 = vector.shape_cast %concatenate3A_818 : vector<1x128xf32> to vector<1x1x128xf32>
      %add3A_825 = vector.broadcast %broadcast_in_dim3A_824 : vector<1x1x128xf32> to vector<32x64x128xf32>
      %add3A_826 = arith.addf %add3A_823, %add3A_825 : vector<32x64x128xf32>
      %reshape3A_827 = vector.shape_cast %add3A_826 : vector<32x64x128xf32> to vector<2048x128xf32>
      %logistic3A_828 = arith.negf %reshape3A_827 : vector<2048x128xf32>
      %logistic3A_829 = math.exp %logistic3A_828 : vector<2048x128xf32>
      %logistic3A_830 = arith.constant 1.000000e+00 : f32
      %logistic3A_831 = vector.broadcast %logistic3A_830 : f32 to vector<2048x128xf32>
      %logistic3A_832 = arith.addf %logistic3A_831, %logistic3A_829 : vector<2048x128xf32>
      %logistic3A_833 = arith.divf %logistic3A_831, %logistic3A_832 : vector<2048x128xf32>
      %mul3A_834 = arith.mulf %reshape3A_827, %logistic3A_833 : vector<2048x128xf32>
      %dot_general3A_835 = arith.constant dense<0.000000e+00> : vector<2048x128xf32>
      %dot_general3A_836 = tpu.matmul %mul3A_834, %get3A_434, %dot_general3A_835 {dimension_numbers = #tpu.dot_dimension_numbers<[1], [0], [0], [1], [0, 0, 1, 1], [], []>, transpose_lhs_hint = false} : vector<2048x128xf32>, vector<128x128xf32>, vector<2048x128xf32> -> vector<2048x128xf32>
      %broadcast_in_dim3A_837 = vector.shape_cast %get3A_438 : vector<128xf32> to vector<1x128xf32>
      %add3A_838 = vector.broadcast %broadcast_in_dim3A_837 : vector<1x128xf32> to vector<2048x128xf32>
      %add3A_839 = arith.addf %dot_general3A_836, %add3A_838 : vector<2048x128xf32>
      %logistic3A_840 = arith.negf %add3A_839 : vector<2048x128xf32>
      %logistic3A_841 = math.exp %logistic3A_840 : vector<2048x128xf32>
      %logistic3A_842 = arith.constant 1.000000e+00 : f32
      %logistic3A_843 = vector.broadcast %logistic3A_842 : f32 to vector<2048x128xf32>
      %logistic3A_844 = arith.addf %logistic3A_843, %logistic3A_841 : vector<2048x128xf32>
      %logistic3A_845 = arith.divf %logistic3A_843, %logistic3A_844 : vector<2048x128xf32>
      %mul3A_846 = arith.mulf %add3A_839, %logistic3A_845 : vector<2048x128xf32>
      %get3A_847 = arith.index_cast %rem3A_769 : i32 to index
      %get3A_848 = arith.constant 0 : index
      %get3A_849 = arith.constant 0 : index
      %get3A_850 = vector.load %arg5[%get3A_847, %get3A_848, %get3A_849] : memref<96x8x32xf32, #tpu.memory_space<vmem>>, vector<1x8x32xf32>
      %reshape3A_851 = vector.shape_cast %get3A_850 : vector<1x8x32xf32> to vector<8x32xf32>
      %get3A_852 = arith.index_cast %rem3A_773 : i32 to index
      %get3A_853 = arith.constant 0 : index
      %get3A_854 = arith.constant 0 : index
      %get3A_855 = vector.load %arg6[%get3A_852, %get3A_853, %get3A_854] : memref<48x8x64xf32, #tpu.memory_space<vmem>>, vector<1x8x64xf32>
      %reshape3A_856 = vector.shape_cast %get3A_855 : vector<1x8x64xf32> to vector<8x64xf32>
      %get3A_857 = arith.index_cast %rem3A_777 : i32 to index
      %get3A_858 = arith.constant 0 : index
      %get3A_859 = arith.constant 0 : index
      %get3A_860 = vector.load %arg6[%get3A_857, %get3A_858, %get3A_859] : memref<48x8x64xf32, #tpu.memory_space<vmem>>, vector<1x8x64xf32>
      %reshape3A_861 = vector.shape_cast %get3A_860 : vector<1x8x64xf32> to vector<8x64xf32>
      %broadcast_in_dim3A_862 = vector.shape_cast %reshape3A_851 : vector<8x32xf32> to vector<8x32x1xf32>
      %broadcast_in_dim3A_863 = vector.shape_cast %reshape3A_856 : vector<8x64xf32> to vector<8x1x64xf32>
      %sub3A_864 = vector.broadcast %broadcast_in_dim3A_862 : vector<8x32x1xf32> to vector<8x32x64xf32>
      %sub3A_865 = vector.broadcast %broadcast_in_dim3A_863 : vector<8x1x64xf32> to vector<8x32x64xf32>
      %sub3A_866 = arith.subf %sub3A_864, %sub3A_865 : vector<8x32x64xf32>
      %integer_pow3A = arith.mulf %sub3A_866, %sub3A_866 : vector<8x32x64xf32>
      %reduce_sum3A_867 = arith.constant dense<0.000000e+00> : vector<32x64xf32>
      %reduce_sum3A_868 = vector.multi_reduction <add>, %integer_pow3A, %reduce_sum3A_867 [0] : vector<8x32x64xf32> to vector<32x64xf32>
      %broadcast_in_dim3A_869 = vector.shape_cast %reshape3A_851 : vector<8x32xf32> to vector<8x32x1xf32>
      %broadcast_in_dim3A_870 = vector.shape_cast %reshape3A_861 : vector<8x64xf32> to vector<8x1x64xf32>
      %sub3A_871 = vector.broadcast %broadcast_in_dim3A_869 : vector<8x32x1xf32> to vector<8x32x64xf32>
      %sub3A_872 = vector.broadcast %broadcast_in_dim3A_870 : vector<8x1x64xf32> to vector<8x32x64xf32>
      %sub3A_873 = arith.subf %sub3A_871, %sub3A_872 : vector<8x32x64xf32>
      %integer_pow3A_874 = arith.mulf %sub3A_873, %sub3A_873 : vector<8x32x64xf32>
      %reduce_sum3A_875 = arith.constant dense<0.000000e+00> : vector<32x64xf32>
      %reduce_sum3A_876 = vector.multi_reduction <add>, %integer_pow3A_874, %reduce_sum3A_875 [0] : vector<8x32x64xf32> to vector<32x64xf32>
      %le3A = arith.constant 2.250000e+00 : f32
      %le3A_877 = vector.broadcast %le3A : f32 to vector<32x64xf32>
      %le3A_878 = arith.cmpf ole, %reduce_sum3A_868, %le3A_877 : vector<32x64xf32>
      %convert_element_type3A_879 = arith.sitofp %div3A_791 : i32 to f32
      %jit3A_880 = arith.constant 0.000000e+00 : f32
      %broadcast_in_dim3A_881 = vector.broadcast %convert_element_type3A_879 : f32 to vector<32x64xf32>
      %broadcast_in_dim3A_882 = vector.broadcast %jit3A_880 : f32 to vector<32x64xf32>
      %select_n3A_883 = arith.select %le3A_878, %broadcast_in_dim3A_881, %broadcast_in_dim3A_882 : vector<32x64xi1>, vector<32x64xf32>
      %broadcast_in_dim3A_884 = vector.shape_cast %select_n3A_883 : vector<32x64xf32> to vector<32x64x1xf32>
      %le3A_885 = arith.constant 2.250000e+00 : f32
      %le3A_886 = vector.broadcast %le3A_885 : f32 to vector<32x64xf32>
      %le3A_887 = arith.cmpf ole, %reduce_sum3A_876, %le3A_886 : vector<32x64xf32>
      %mul3A_888 = arith.muli %rem3A_789, %div3A_791 : i32
      %convert_element_type3A_889 = arith.sitofp %mul3A_888 : i32 to f32
      %jit3A_890 = arith.constant 0.000000e+00 : f32
      %broadcast_in_dim3A_891 = vector.broadcast %convert_element_type3A_889 : f32 to vector<32x64xf32>
      %broadcast_in_dim3A_892 = vector.broadcast %jit3A_890 : f32 to vector<32x64xf32>
      %select_n3A_893 = arith.select %le3A_887, %broadcast_in_dim3A_891, %broadcast_in_dim3A_892 : vector<32x64xi1>, vector<32x64xf32>
      %broadcast_in_dim3A_894 = vector.shape_cast %select_n3A_893 : vector<32x64xf32> to vector<32x64x1xf32>
      %iota3A_895 = tpu.iota {dimensions = array<i32: 2>} : vector<32x64x128xi32>
      %lt3A = arith.constant 64 : i32
      %lt3A_896 = vector.broadcast %lt3A : i32 to vector<32x64x128xi32>
      %lt3A_897 = arith.cmpi slt, %iota3A_895, %lt3A_896 : vector<32x64x128xi32>
      %broadcast_in_dim3A_898 = vector.shape_cast %broadcast_in_dim3A_884 : vector<32x64x1xf32> to vector<32x64x1xf32>
      %broadcast_in_dim3A_899 = vector.broadcast %broadcast_in_dim3A_898 : vector<32x64x1xf32> to vector<32x64x128xf32>
      %broadcast_in_dim3A_900 = vector.shape_cast %broadcast_in_dim3A_894 : vector<32x64x1xf32> to vector<32x64x1xf32>
      %broadcast_in_dim3A_901 = vector.broadcast %broadcast_in_dim3A_900 : vector<32x64x1xf32> to vector<32x64x128xf32>
      %select_n3A_902 = arith.select %lt3A_897, %broadcast_in_dim3A_899, %broadcast_in_dim3A_901 : vector<32x64x128xi1>, vector<32x64x128xf32>
      %reshape3A_903 = vector.shape_cast %mul3A_846 : vector<2048x128xf32> to vector<32x64x128xf32>
      %mul3A_904 = arith.mulf %reshape3A_903, %select_n3A_902 : vector<32x64x128xf32>
      %reduce_sum3A_905 = arith.constant dense<0.000000e+00> : vector<32x128xf32>
      %reduce_sum3A_906 = vector.multi_reduction <add>, %mul3A_904, %reduce_sum3A_905 [1] : vector<32x64x128xf32> to vector<32x128xf32>
      %slice3A_907 = vector.extract_strided_slice %reduce_sum3A_906 {offsets = [0, 0], sizes = [32, 64], strides = [1, 1]} : vector<32x128xf32> to vector<32x64xf32>
      %slice3A_908 = vector.extract_strided_slice %reduce_sum3A_906 {offsets = [0, 64], sizes = [32, 64], strides = [1, 1]} : vector<32x128xf32> to vector<32x64xf32>
      %add3A_909 = arith.addf %slice3A_907, %slice3A_908 : vector<32x64xf32>
      %mul3A_910 = arith.constant 2 : i32
      %mul3A_911 = arith.muli %mul3A_910, %while3A_763 : i32
      %add3A_912 = arith.constant 1 : i32
      %add3A_913 = arith.addi %mul3A_911, %add3A_912 : i32
      %get3A_914 = arith.index_cast %add3A_913 : i32 to index
      %get3A_915 = memref.load %arg1[%get3A_914] : memref<2400xi32, #tpu.memory_space<smem>>
      %rem3A_916 = arith.constant 128 : i32
      %rem3A_917 = arith.remsi %get3A_915, %rem3A_916 : i32
      %div3A_918 = arith.constant 128 : i32
      %div3A_919 = arith.divsi %get3A_915, %div3A_918 : i32
      %rem3A_920 = arith.constant 64 : i32
      %rem3A_921 = arith.remsi %div3A_919, %rem3A_920 : i32
      %div3A_922 = arith.constant 8192 : i32
      %div3A_923 = arith.divsi %get3A_915, %div3A_922 : i32
      %rem3A_924 = arith.constant 64 : i32
      %rem3A_925 = arith.remsi %div3A_923, %rem3A_924 : i32
      %div3A_926 = arith.constant 524288 : i32
      %div3A_927 = arith.divsi %get3A_915, %div3A_926 : i32
      %rem3A_928 = arith.constant 4 : i32
      %rem3A_929 = arith.remsi %div3A_927, %rem3A_928 : i32
      %div3A_930 = arith.constant 2097152 : i32
      %div3A_931 = arith.divsi %get3A_915, %div3A_930 : i32
      %rem3A_932 = arith.constant 4 : i32
      %rem3A_933 = arith.remsi %div3A_931, %rem3A_932 : i32
      %div3A_934 = arith.constant 8388608 : i32
      %div3A_935 = arith.divsi %get3A_915, %div3A_934 : i32
      %rem3A_936 = arith.constant 2 : i32
      %rem3A_937 = arith.remsi %div3A_935, %rem3A_936 : i32
      %div3A_938 = arith.constant 16777216 : i32
      %div3A_939 = arith.divsi %get3A_915, %div3A_938 : i32
      %mul3A_940 = arith.constant 32 : i32
      %mul3A_941 = arith.muli %rem3A_917, %mul3A_940 : i32
      %get3A_942 = arith.index_cast %mul3A_941 : i32 to index
      %get3A_943 = arith.constant 0 : index
      %get3A_944 = vector.load %arg54[%get3A_942, %get3A_943] : memref<3072x64xf32, #tpu.memory_space<vmem>>, vector<32x64xf32>
      %concatenate3A_945 = tpu.concatenate %get3A_944, %get3A_944 in 1 : vector<32x64xf32>, vector<32x64xf32> -> vector<32x128xf32>
      %mul3A_946 = arith.constant 64 : i32
      %mul3A_947 = arith.muli %rem3A_921, %mul3A_946 : i32
      %get3A_948 = arith.index_cast %mul3A_947 : i32 to index
      %get3A_949 = arith.constant 0 : index
      %get3A_950 = vector.load %arg55[%get3A_948, %get3A_949] : memref<3072x64xf32, #tpu.memory_space<vmem>>, vector<64x64xf32>
      %mul3A_951 = arith.constant 64 : i32
      %mul3A_952 = arith.muli %rem3A_925, %mul3A_951 : i32
      %get3A_953 = arith.index_cast %mul3A_952 : i32 to index
      %get3A_954 = arith.constant 0 : index
      %get3A_955 = vector.load %arg55[%get3A_953, %get3A_954] : memref<3072x64xf32, #tpu.memory_space<vmem>>, vector<64x64xf32>
      %concatenate3A_956 = tpu.concatenate %get3A_950, %get3A_955 in 1 : vector<64x64xf32>, vector<64x64xf32> -> vector<64x128xf32>
      %get3A_957 = arith.constant 2 : index
      %get3A_958 = arith.index_cast %rem3A_929 : i32 to index
      %get3A_959 = arith.constant 0 : index
      %get3A_960 = vector.load %arg27[%get3A_957, %get3A_958, %get3A_959] : memref<4x3x64xf32, #tpu.memory_space<vmem>>, vector<1x1x64xf32>
      %get3A_961 = vector.shape_cast %get3A_960 : vector<1x1x64xf32> to vector<1x64xf32>
      %get3A_962 = arith.constant 2 : index
      %get3A_963 = arith.index_cast %rem3A_933 : i32 to index
      %get3A_964 = arith.constant 0 : index
      %get3A_965 = vector.load %arg27[%get3A_962, %get3A_963, %get3A_964] : memref<4x3x64xf32, #tpu.memory_space<vmem>>, vector<1x1x64xf32>
      %get3A_966 = vector.shape_cast %get3A_965 : vector<1x1x64xf32> to vector<1x64xf32>
      %concatenate3A_967 = tpu.concatenate %get3A_961, %get3A_966 in 1 : vector<1x64xf32>, vector<1x64xf32> -> vector<1x128xf32>
      %broadcast_in_dim3A_968 = vector.shape_cast %concatenate3A_945 : vector<32x128xf32> to vector<32x1x128xf32>
      %broadcast_in_dim3A_969 = vector.shape_cast %concatenate3A_956 : vector<64x128xf32> to vector<1x64x128xf32>
      %add3A_970 = vector.broadcast %broadcast_in_dim3A_968 : vector<32x1x128xf32> to vector<32x64x128xf32>
      %add3A_971 = vector.broadcast %broadcast_in_dim3A_969 : vector<1x64x128xf32> to vector<32x64x128xf32>
      %add3A_972 = arith.addf %add3A_970, %add3A_971 : vector<32x64x128xf32>
      %broadcast_in_dim3A_973 = vector.shape_cast %concatenate3A_967 : vector<1x128xf32> to vector<1x1x128xf32>
      %add3A_974 = vector.broadcast %broadcast_in_dim3A_973 : vector<1x1x128xf32> to vector<32x64x128xf32>
      %add3A_975 = arith.addf %add3A_972, %add3A_974 : vector<32x64x128xf32>
      %reshape3A_976 = vector.shape_cast %add3A_975 : vector<32x64x128xf32> to vector<2048x128xf32>
      %logistic3A_977 = arith.negf %reshape3A_976 : vector<2048x128xf32>
      %logistic3A_978 = math.exp %logistic3A_977 : vector<2048x128xf32>
      %logistic3A_979 = arith.constant 1.000000e+00 : f32
      %logistic3A_980 = vector.broadcast %logistic3A_979 : f32 to vector<2048x128xf32>
      %logistic3A_981 = arith.addf %logistic3A_980, %logistic3A_978 : vector<2048x128xf32>
      %logistic3A_982 = arith.divf %logistic3A_980, %logistic3A_981 : vector<2048x128xf32>
      %mul3A_983 = arith.mulf %reshape3A_976, %logistic3A_982 : vector<2048x128xf32>
      %dot_general3A_984 = arith.constant dense<0.000000e+00> : vector<2048x128xf32>
      %dot_general3A_985 = tpu.matmul %mul3A_983, %get3A_434, %dot_general3A_984 {dimension_numbers = #tpu.dot_dimension_numbers<[1], [0], [0], [1], [0, 0, 1, 1], [], []>, transpose_lhs_hint = false} : vector<2048x128xf32>, vector<128x128xf32>, vector<2048x128xf32> -> vector<2048x128xf32>
      %broadcast_in_dim3A_986 = vector.shape_cast %get3A_438 : vector<128xf32> to vector<1x128xf32>
      %add3A_987 = vector.broadcast %broadcast_in_dim3A_986 : vector<1x128xf32> to vector<2048x128xf32>
      %add3A_988 = arith.addf %dot_general3A_985, %add3A_987 : vector<2048x128xf32>
      %logistic3A_989 = arith.negf %add3A_988 : vector<2048x128xf32>
      %logistic3A_990 = math.exp %logistic3A_989 : vector<2048x128xf32>
      %logistic3A_991 = arith.constant 1.000000e+00 : f32
      %logistic3A_992 = vector.broadcast %logistic3A_991 : f32 to vector<2048x128xf32>
      %logistic3A_993 = arith.addf %logistic3A_992, %logistic3A_990 : vector<2048x128xf32>
      %logistic3A_994 = arith.divf %logistic3A_992, %logistic3A_993 : vector<2048x128xf32>
      %mul3A_995 = arith.mulf %add3A_988, %logistic3A_994 : vector<2048x128xf32>
      %get3A_996 = arith.index_cast %rem3A_917 : i32 to index
      %get3A_997 = arith.constant 0 : index
      %get3A_998 = arith.constant 0 : index
      %get3A_999 = vector.load %arg5[%get3A_996, %get3A_997, %get3A_998] : memref<96x8x32xf32, #tpu.memory_space<vmem>>, vector<1x8x32xf32>
      %reshape3A_1000 = vector.shape_cast %get3A_999 : vector<1x8x32xf32> to vector<8x32xf32>
      %get3A_1001 = arith.index_cast %rem3A_921 : i32 to index
      %get3A_1002 = arith.constant 0 : index
      %get3A_1003 = arith.constant 0 : index
      %get3A_1004 = vector.load %arg6[%get3A_1001, %get3A_1002, %get3A_1003] : memref<48x8x64xf32, #tpu.memory_space<vmem>>, vector<1x8x64xf32>
      %reshape3A_1005 = vector.shape_cast %get3A_1004 : vector<1x8x64xf32> to vector<8x64xf32>
      %get3A_1006 = arith.index_cast %rem3A_925 : i32 to index
      %get3A_1007 = arith.constant 0 : index
      %get3A_1008 = arith.constant 0 : index
      %get3A_1009 = vector.load %arg6[%get3A_1006, %get3A_1007, %get3A_1008] : memref<48x8x64xf32, #tpu.memory_space<vmem>>, vector<1x8x64xf32>
      %reshape3A_1010 = vector.shape_cast %get3A_1009 : vector<1x8x64xf32> to vector<8x64xf32>
      %broadcast_in_dim3A_1011 = vector.shape_cast %reshape3A_1000 : vector<8x32xf32> to vector<8x32x1xf32>
      %broadcast_in_dim3A_1012 = vector.shape_cast %reshape3A_1005 : vector<8x64xf32> to vector<8x1x64xf32>
      %sub3A_1013 = vector.broadcast %broadcast_in_dim3A_1011 : vector<8x32x1xf32> to vector<8x32x64xf32>
      %sub3A_1014 = vector.broadcast %broadcast_in_dim3A_1012 : vector<8x1x64xf32> to vector<8x32x64xf32>
      %sub3A_1015 = arith.subf %sub3A_1013, %sub3A_1014 : vector<8x32x64xf32>
      %integer_pow3A_1016 = arith.mulf %sub3A_1015, %sub3A_1015 : vector<8x32x64xf32>
      %reduce_sum3A_1017 = arith.constant dense<0.000000e+00> : vector<32x64xf32>
      %reduce_sum3A_1018 = vector.multi_reduction <add>, %integer_pow3A_1016, %reduce_sum3A_1017 [0] : vector<8x32x64xf32> to vector<32x64xf32>
      %broadcast_in_dim3A_1019 = vector.shape_cast %reshape3A_1000 : vector<8x32xf32> to vector<8x32x1xf32>
      %broadcast_in_dim3A_1020 = vector.shape_cast %reshape3A_1010 : vector<8x64xf32> to vector<8x1x64xf32>
      %sub3A_1021 = vector.broadcast %broadcast_in_dim3A_1019 : vector<8x32x1xf32> to vector<8x32x64xf32>
      %sub3A_1022 = vector.broadcast %broadcast_in_dim3A_1020 : vector<8x1x64xf32> to vector<8x32x64xf32>
      %sub3A_1023 = arith.subf %sub3A_1021, %sub3A_1022 : vector<8x32x64xf32>
      %integer_pow3A_1024 = arith.mulf %sub3A_1023, %sub3A_1023 : vector<8x32x64xf32>
      %reduce_sum3A_1025 = arith.constant dense<0.000000e+00> : vector<32x64xf32>
      %reduce_sum3A_1026 = vector.multi_reduction <add>, %integer_pow3A_1024, %reduce_sum3A_1025 [0] : vector<8x32x64xf32> to vector<32x64xf32>
      %le3A_1027 = arith.constant 2.250000e+00 : f32
      %le3A_1028 = vector.broadcast %le3A_1027 : f32 to vector<32x64xf32>
      %le3A_1029 = arith.cmpf ole, %reduce_sum3A_1018, %le3A_1028 : vector<32x64xf32>
      %convert_element_type3A_1030 = arith.sitofp %div3A_939 : i32 to f32
      %jit3A_1031 = arith.constant 0.000000e+00 : f32
      %broadcast_in_dim3A_1032 = vector.broadcast %convert_element_type3A_1030 : f32 to vector<32x64xf32>
      %broadcast_in_dim3A_1033 = vector.broadcast %jit3A_1031 : f32 to vector<32x64xf32>
      %select_n3A_1034 = arith.select %le3A_1029, %broadcast_in_dim3A_1032, %broadcast_in_dim3A_1033 : vector<32x64xi1>, vector<32x64xf32>
      %broadcast_in_dim3A_1035 = vector.shape_cast %select_n3A_1034 : vector<32x64xf32> to vector<32x64x1xf32>
      %le3A_1036 = arith.constant 2.250000e+00 : f32
      %le3A_1037 = vector.broadcast %le3A_1036 : f32 to vector<32x64xf32>
      %le3A_1038 = arith.cmpf ole, %reduce_sum3A_1026, %le3A_1037 : vector<32x64xf32>
      %mul3A_1039 = arith.muli %rem3A_937, %div3A_939 : i32
      %convert_element_type3A_1040 = arith.sitofp %mul3A_1039 : i32 to f32
      %jit3A_1041 = arith.constant 0.000000e+00 : f32
      %broadcast_in_dim3A_1042 = vector.broadcast %convert_element_type3A_1040 : f32 to vector<32x64xf32>
      %broadcast_in_dim3A_1043 = vector.broadcast %jit3A_1041 : f32 to vector<32x64xf32>
      %select_n3A_1044 = arith.select %le3A_1038, %broadcast_in_dim3A_1042, %broadcast_in_dim3A_1043 : vector<32x64xi1>, vector<32x64xf32>
      %broadcast_in_dim3A_1045 = vector.shape_cast %select_n3A_1044 : vector<32x64xf32> to vector<32x64x1xf32>
      %iota3A_1046 = tpu.iota {dimensions = array<i32: 2>} : vector<32x64x128xi32>
      %lt3A_1047 = arith.constant 64 : i32
      %lt3A_1048 = vector.broadcast %lt3A_1047 : i32 to vector<32x64x128xi32>
      %lt3A_1049 = arith.cmpi slt, %iota3A_1046, %lt3A_1048 : vector<32x64x128xi32>
      %broadcast_in_dim3A_1050 = vector.shape_cast %broadcast_in_dim3A_1035 : vector<32x64x1xf32> to vector<32x64x1xf32>
      %broadcast_in_dim3A_1051 = vector.broadcast %broadcast_in_dim3A_1050 : vector<32x64x1xf32> to vector<32x64x128xf32>
      %broadcast_in_dim3A_1052 = vector.shape_cast %broadcast_in_dim3A_1045 : vector<32x64x1xf32> to vector<32x64x1xf32>
      %broadcast_in_dim3A_1053 = vector.broadcast %broadcast_in_dim3A_1052 : vector<32x64x1xf32> to vector<32x64x128xf32>
      %select_n3A_1054 = arith.select %lt3A_1049, %broadcast_in_dim3A_1051, %broadcast_in_dim3A_1053 : vector<32x64x128xi1>, vector<32x64x128xf32>
      %reshape3A_1055 = vector.shape_cast %mul3A_995 : vector<2048x128xf32> to vector<32x64x128xf32>
      %mul3A_1056 = arith.mulf %reshape3A_1055, %select_n3A_1054 : vector<32x64x128xf32>
      %reduce_sum3A_1057 = arith.constant dense<0.000000e+00> : vector<32x128xf32>
      %reduce_sum3A_1058 = vector.multi_reduction <add>, %mul3A_1056, %reduce_sum3A_1057 [1] : vector<32x64x128xf32> to vector<32x128xf32>
      %slice3A_1059 = vector.extract_strided_slice %reduce_sum3A_1058 {offsets = [0, 0], sizes = [32, 64], strides = [1, 1]} : vector<32x128xf32> to vector<32x64xf32>
      %slice3A_1060 = vector.extract_strided_slice %reduce_sum3A_1058 {offsets = [0, 64], sizes = [32, 64], strides = [1, 1]} : vector<32x128xf32> to vector<32x64xf32>
      %add3A_1061 = arith.addf %slice3A_1059, %slice3A_1060 : vector<32x64xf32>
      %get3A_1062 = arith.index_cast %mul3A_793 : i32 to index
      %get3A_1063 = arith.constant 0 : index
      %get3A_1064 = vector.load %arg56[%get3A_1062, %get3A_1063] : memref<3072x64xf32, #tpu.memory_space<vmem>>, vector<32x64xf32>
      %add3A_1065 = arith.addf %get3A_1064, %add3A_909 : vector<32x64xf32>
      %swap3A_1066 = arith.index_cast %mul3A_793 : i32 to index
      %swap3A_1067 = arith.constant 0 : index
      %swap3A_1068 = vector.load %arg56[%swap3A_1066, %swap3A_1067] : memref<3072x64xf32, #tpu.memory_space<vmem>>, vector<32x64xf32>
      tpu.vector_store %arg56[%swap3A_1066, %swap3A_1067], %add3A_1065 {strides = array<i32>} : memref<3072x64xf32, #tpu.memory_space<vmem>>, vector<32x64xf32>,
      %get3A_1069 = arith.index_cast %mul3A_941 : i32 to index
      %get3A_1070 = arith.constant 0 : index
      %get3A_1071 = vector.load %arg56[%get3A_1069, %get3A_1070] : memref<3072x64xf32, #tpu.memory_space<vmem>>, vector<32x64xf32>
      %add3A_1072 = arith.addf %get3A_1071, %add3A_1061 : vector<32x64xf32>
      %swap3A_1073 = arith.index_cast %mul3A_941 : i32 to index
      %swap3A_1074 = arith.constant 0 : index
      %swap3A_1075 = vector.load %arg56[%swap3A_1073, %swap3A_1074] : memref<3072x64xf32, #tpu.memory_space<vmem>>, vector<32x64xf32>
      tpu.vector_store %arg56[%swap3A_1073, %swap3A_1074], %add3A_1072 {strides = array<i32>} : memref<3072x64xf32, #tpu.memory_space<vmem>>, vector<32x64xf32>,
    }
    %while3A_474 = arith.constant 1 : i32
    scf.for %while3A_763 = %while3A_472 to %while3A_468 step %while3A_474  : i32 {
      %mul3A_764 = arith.constant 2 : i32
      %mul3A_765 = arith.muli %mul3A_764, %while3A_763 : i32
      %get3A_766 = arith.index_cast %mul3A_765 : i32 to index
      %get3A_767 = memref.load %arg1[%get3A_766] : memref<2400xi32, #tpu.memory_space<smem>>
      %rem3A_768 = arith.constant 128 : i32
      %rem3A_769 = arith.remsi %get3A_767, %rem3A_768 : i32
      %div3A_770 = arith.constant 128 : i32
      %div3A_771 = arith.divsi %get3A_767, %div3A_770 : i32
      %rem3A_772 = arith.constant 64 : i32
      %rem3A_773 = arith.remsi %div3A_771, %rem3A_772 : i32
      %div3A_774 = arith.constant 8192 : i32
      %div3A_775 = arith.divsi %get3A_767, %div3A_774 : i32
      %rem3A_776 = arith.constant 64 : i32
      %rem3A_777 = arith.remsi %div3A_775, %rem3A_776 : i32
      %div3A_778 = arith.constant 524288 : i32
      %div3A_779 = arith.divsi %get3A_767, %div3A_778 : i32
      %rem3A_780 = arith.constant 4 : i32
      %rem3A_781 = arith.remsi %div3A_779, %rem3A_780 : i32
      %div3A_782 = arith.constant 2097152 : i32
      %div3A_783 = arith.divsi %get3A_767, %div3A_782 : i32
      %rem3A_784 = arith.constant 4 : i32
      %rem3A_785 = arith.remsi %div3A_783, %rem3A_784 : i32
      %div3A_786 = arith.constant 8388608 : i32
      %div3A_787 = arith.divsi %get3A_767, %div3A_786 : i32
      %rem3A_788 = arith.constant 2 : i32
      %rem3A_789 = arith.remsi %div3A_787, %rem3A_788 : i32
      %div3A_790 = arith.constant 16777216 : i32
      %div3A_791 = arith.divsi %get3A_767, %div3A_790 : i32
      %mul3A_792 = arith.constant 32 : i32
      %mul3A_793 = arith.muli %rem3A_769, %mul3A_792 : i32
      %get3A_794 = arith.index_cast %mul3A_793 : i32 to index
      %get3A_795 = arith.constant 0 : index
      %get3A_796 = vector.load %arg54[%get3A_794, %get3A_795] : memref<3072x64xf32, #tpu.memory_space<vmem>>, vector<32x64xf32>
      %concatenate3A = tpu.concatenate %get3A_796, %get3A_796 in 1 : vector<32x64xf32>, vector<32x64xf32> -> vector<32x128xf32>
      %mul3A_797 = arith.constant 64 : i32
      %mul3A_798 = arith.muli %rem3A_773, %mul3A_797 : i32
      %get3A_799 = arith.index_cast %mul3A_798 : i32 to index
      %get3A_800 = arith.constant 0 : index
      %get3A_801 = vector.load %arg55[%get3A_799, %get3A_800] : memref<3072x64xf32, #tpu.memory_space<vmem>>, vector<64x64xf32>
      %mul3A_802 = arith.constant 64 : i32
      %mul3A_803 = arith.muli %rem3A_777, %mul3A_802 : i32
      %get3A_804 = arith.index_cast %mul3A_803 : i32 to index
      %get3A_805 = arith.constant 0 : index
      %get3A_806 = vector.load %arg55[%get3A_804, %get3A_805] : memref<3072x64xf32, #tpu.memory_space<vmem>>, vector<64x64xf32>
      %concatenate3A_807 = tpu.concatenate %get3A_801, %get3A_806 in 1 : vector<64x64xf32>, vector<64x64xf32> -> vector<64x128xf32>
      %get3A_808 = arith.constant 2 : index
      %get3A_809 = arith.index_cast %rem3A_781 : i32 to index
      %get3A_810 = arith.constant 0 : index
      %get3A_811 = vector.load %arg27[%get3A_808, %get3A_809, %get3A_810] : memref<4x3x64xf32, #tpu.memory_space<vmem>>, vector<1x1x64xf32>
      %get3A_812 = vector.shape_cast %get3A_811 : vector<1x1x64xf32> to vector<1x64xf32>
      %get3A_813 = arith.constant 2 : index
      %get3A_814 = arith.index_cast %rem3A_785 : i32 to index
      %get3A_815 = arith.constant 0 : index
      %get3A_816 = vector.load %arg27[%get3A_813, %get3A_814, %get3A_815] : memref<4x3x64xf32, #tpu.memory_space<vmem>>, vector<1x1x64xf32>
      %get3A_817 = vector.shape_cast %get3A_816 : vector<1x1x64xf32> to vector<1x64xf32>
      %concatenate3A_818 = tpu.concatenate %get3A_812, %get3A_817 in 1 : vector<1x64xf32>, vector<1x64xf32> -> vector<1x128xf32>
      %broadcast_in_dim3A_819 = vector.shape_cast %concatenate3A : vector<32x128xf32> to vector<32x1x128xf32>
      %broadcast_in_dim3A_820 = vector.shape_cast %concatenate3A_807 : vector<64x128xf32> to vector<1x64x128xf32>
      %add3A_821 = vector.broadcast %broadcast_in_dim3A_819 : vector<32x1x128xf32> to vector<32x64x128xf32>
      %add3A_822 = vector.broadcast %broadcast_in_dim3A_820 : vector<1x64x128xf32> to vector<32x64x128xf32>
      %add3A_823 = arith.addf %add3A_821, %add3A_822 : vector<32x64x128xf32>
      %broadcast_in_dim3A_824 = vector.shape_cast %concatenate3A_818 : vector<1x128xf32> to vector<1x1x128xf32>
      %add3A_825 = vector.broadcast %broadcast_in_dim3A_824 : vector<1x1x128xf32> to vector<32x64x128xf32>
      %add3A_826 = arith.addf %add3A_823, %add3A_825 : vector<32x64x128xf32>
      %reshape3A_827 = vector.shape_cast %add3A_826 : vector<32x64x128xf32> to vector<2048x128xf32>
      %logistic3A_828 = arith.negf %reshape3A_827 : vector<2048x128xf32>
      %logistic3A_829 = math.exp %logistic3A_828 : vector<2048x128xf32>
      %logistic3A_830 = arith.constant 1.000000e+00 : f32
      %logistic3A_831 = vector.broadcast %logistic3A_830 : f32 to vector<2048x128xf32>
      %logistic3A_832 = arith.addf %logistic3A_831, %logistic3A_829 : vector<2048x128xf32>
      %logistic3A_833 = arith.divf %logistic3A_831, %logistic3A_832 : vector<2048x128xf32>
      %mul3A_834 = arith.mulf %reshape3A_827, %logistic3A_833 : vector<2048x128xf32>
      %dot_general3A_835 = arith.constant dense<0.000000e+00> : vector<2048x128xf32>
      %dot_general3A_836 = tpu.matmul %mul3A_834, %get3A_434, %dot_general3A_835 {dimension_numbers = #tpu.dot_dimension_numbers<[1], [0], [0], [1], [0, 0, 1, 1], [], []>, transpose_lhs_hint = false} : vector<2048x128xf32>, vector<128x128xf32>, vector<2048x128xf32> -> vector<2048x128xf32>
      %broadcast_in_dim3A_837 = vector.shape_cast %get3A_438 : vector<128xf32> to vector<1x128xf32>
      %add3A_838 = vector.broadcast %broadcast_in_dim3A_837 : vector<1x128xf32> to vector<2048x128xf32>
      %add3A_839 = arith.addf %dot_general3A_836, %add3A_838 : vector<2048x128xf32>
      %logistic3A_840 = arith.negf %add3A_839 : vector<2048x128xf32>
      %logistic3A_841 = math.exp %logistic3A_840 : vector<2048x128xf32>
      %logistic3A_842 = arith.constant 1.000000e+00 : f32
      %logistic3A_843 = vector.broadcast %logistic3A_842 : f32 to vector<2048x128xf32>
      %logistic3A_844 = arith.addf %logistic3A_843, %logistic3A_841 : vector<2048x128xf32>
      %logistic3A_845 = arith.divf %logistic3A_843, %logistic3A_844 : vector<2048x128xf32>
      %mul3A_846 = arith.mulf %add3A_839, %logistic3A_845 : vector<2048x128xf32>
      %get3A_847 = arith.index_cast %rem3A_769 : i32 to index
      %get3A_848 = arith.constant 0 : index
      %get3A_849 = arith.constant 0 : index
      %get3A_850 = vector.load %arg5[%get3A_847, %get3A_848, %get3A_849] : memref<96x8x32xf32, #tpu.memory_space<vmem>>, vector<1x8x32xf32>
      %reshape3A_851 = vector.shape_cast %get3A_850 : vector<1x8x32xf32> to vector<8x32xf32>
      %get3A_852 = arith.index_cast %rem3A_773 : i32 to index
      %get3A_853 = arith.constant 0 : index
      %get3A_854 = arith.constant 0 : index
      %get3A_855 = vector.load %arg6[%get3A_852, %get3A_853, %get3A_854] : memref<48x8x64xf32, #tpu.memory_space<vmem>>, vector<1x8x64xf32>
      %reshape3A_856 = vector.shape_cast %get3A_855 : vector<1x8x64xf32> to vector<8x64xf32>
      %get3A_857 = arith.index_cast %rem3A_777 : i32 to index
      %get3A_858 = arith.constant 0 : index
      %get3A_859 = arith.constant 0 : index
      %get3A_860 = vector.load %arg6[%get3A_857, %get3A_858, %get3A_859] : memref<48x8x64xf32, #tpu.memory_space<vmem>>, vector<1x8x64xf32>
      %reshape3A_861 = vector.shape_cast %get3A_860 : vector<1x8x64xf32> to vector<8x64xf32>
      %broadcast_in_dim3A_862 = vector.shape_cast %reshape3A_851 : vector<8x32xf32> to vector<8x32x1xf32>
      %broadcast_in_dim3A_863 = vector.shape_cast %reshape3A_856 : vector<8x64xf32> to vector<8x1x64xf32>
      %sub3A_864 = vector.broadcast %broadcast_in_dim3A_862 : vector<8x32x1xf32> to vector<8x32x64xf32>
      %sub3A_865 = vector.broadcast %broadcast_in_dim3A_863 : vector<8x1x64xf32> to vector<8x32x64xf32>
      %sub3A_866 = arith.subf %sub3A_864, %sub3A_865 : vector<8x32x64xf32>
      %integer_pow3A = arith.mulf %sub3A_866, %sub3A_866 : vector<8x32x64xf32>
      %reduce_sum3A_867 = arith.constant dense<0.000000e+00> : vector<32x64xf32>
      %reduce_sum3A_868 = vector.multi_reduction <add>, %integer_pow3A, %reduce_sum3A_867 [0] : vector<8x32x64xf32> to vector<32x64xf32>
      %broadcast_in_dim3A_869 = vector.shape_cast %reshape3A_851 : vector<8x32xf32> to vector<8x32x1xf32>
      %broadcast_in_dim3A_870 = vector.shape_cast %reshape3A_861 : vector<8x64xf32> to vector<8x1x64xf32>
      %sub3A_871 = vector.broadcast %broadcast_in_dim3A_869 : vector<8x32x1xf32> to vector<8x32x64xf32>
      %sub3A_872 = vector.broadcast %broadcast_in_dim3A_870 : vector<8x1x64xf32> to vector<8x32x64xf32>
      %sub3A_873 = arith.subf %sub3A_871, %sub3A_872 : vector<8x32x64xf32>
      %integer_pow3A_874 = arith.mulf %sub3A_873, %sub3A_873 : vector<8x32x64xf32>
      %reduce_sum3A_875 = arith.constant dense<0.000000e+00> : vector<32x64xf32>
      %reduce_sum3A_876 = vector.multi_reduction <add>, %integer_pow3A_874, %reduce_sum3A_875 [0] : vector<8x32x64xf32> to vector<32x64xf32>
      %le3A = arith.constant 2.250000e+00 : f32
      %le3A_877 = vector.broadcast %le3A : f32 to vector<32x64xf32>
      %le3A_878 = arith.cmpf ole, %reduce_sum3A_868, %le3A_877 : vector<32x64xf32>
      %convert_element_type3A_879 = arith.sitofp %div3A_791 : i32 to f32
      %jit3A_880 = arith.constant 0.000000e+00 : f32
      %broadcast_in_dim3A_881 = vector.broadcast %convert_element_type3A_879 : f32 to vector<32x64xf32>
      %broadcast_in_dim3A_882 = vector.broadcast %jit3A_880 : f32 to vector<32x64xf32>
      %select_n3A_883 = arith.select %le3A_878, %broadcast_in_dim3A_881, %broadcast_in_dim3A_882 : vector<32x64xi1>, vector<32x64xf32>
      %broadcast_in_dim3A_884 = vector.shape_cast %select_n3A_883 : vector<32x64xf32> to vector<32x64x1xf32>
      %le3A_885 = arith.constant 2.250000e+00 : f32
      %le3A_886 = vector.broadcast %le3A_885 : f32 to vector<32x64xf32>
      %le3A_887 = arith.cmpf ole, %reduce_sum3A_876, %le3A_886 : vector<32x64xf32>
      %mul3A_888 = arith.muli %rem3A_789, %div3A_791 : i32
      %convert_element_type3A_889 = arith.sitofp %mul3A_888 : i32 to f32
      %jit3A_890 = arith.constant 0.000000e+00 : f32
      %broadcast_in_dim3A_891 = vector.broadcast %convert_element_type3A_889 : f32 to vector<32x64xf32>
      %broadcast_in_dim3A_892 = vector.broadcast %jit3A_890 : f32 to vector<32x64xf32>
      %select_n3A_893 = arith.select %le3A_887, %broadcast_in_dim3A_891, %broadcast_in_dim3A_892 : vector<32x64xi1>, vector<32x64xf32>
      %broadcast_in_dim3A_894 = vector.shape_cast %select_n3A_893 : vector<32x64xf32> to vector<32x64x1xf32>
      %iota3A_895 = tpu.iota {dimensions = array<i32: 2>} : vector<32x64x128xi32>
      %lt3A = arith.constant 64 : i32
      %lt3A_896 = vector.broadcast %lt3A : i32 to vector<32x64x128xi32>
      %lt3A_897 = arith.cmpi slt, %iota3A_895, %lt3A_896 : vector<32x64x128xi32>
      %broadcast_in_dim3A_898 = vector.shape_cast %broadcast_in_dim3A_884 : vector<32x64x1xf32> to vector<32x64x1xf32>
      %broadcast_in_dim3A_899 = vector.broadcast %broadcast_in_dim3A_898 : vector<32x64x1xf32> to vector<32x64x128xf32>
      %broadcast_in_dim3A_900 = vector.shape_cast %broadcast_in_dim3A_894 : vector<32x64x1xf32> to vector<32x64x1xf32>
      %broadcast_in_dim3A_901 = vector.broadcast %broadcast_in_dim3A_900 : vector<32x64x1xf32> to vector<32x64x128xf32>
      %select_n3A_902 = arith.select %lt3A_897, %broadcast_in_dim3A_899, %broadcast_in_dim3A_901 : vector<32x64x128xi1>, vector<32x64x128xf32>
      %reshape3A_903 = vector.shape_cast %mul3A_846 : vector<2048x128xf32> to vector<32x64x128xf32>
      %mul3A_904 = arith.mulf %reshape3A_903, %select_n3A_902 : vector<32x64x128xf32>
      %reduce_sum3A_905 = arith.constant dense<0.000000e+00> : vector<32x128xf32>
      %reduce_sum3A_906 = vector.multi_reduction <add>, %mul3A_904, %reduce_sum3A_905 [1] : vector<32x64x128xf32> to vector<32x128xf32>
      %slice3A_907 = vector.extract_strided_slice %reduce_sum3A_906 {offsets = [0, 0], sizes = [32, 64], strides = [1, 1]} : vector<32x128xf32> to vector<32x64xf32>
      %slice3A_908 = vector.extract_strided_slice %reduce_sum3A_906 {offsets = [0, 64], sizes = [32, 64], strides = [1, 1]} : vector<32x128xf32> to vector<32x64xf32>
      %add3A_909 = arith.addf %slice3A_907, %slice3A_908 : vector<32x64xf32>
      %mul3A_910 = arith.constant 2 : i32
      %mul3A_911 = arith.muli %mul3A_910, %while3A_763 : i32
      %add3A_912 = arith.constant 1 : i32
      %add3A_913 = arith.addi %mul3A_911, %add3A_912 : i32
      %get3A_914 = arith.index_cast %add3A_913 : i32 to index
      %get3A_915 = memref.load %arg1[%get3A_914] : memref<2400xi32, #tpu.memory_space<smem>>
      %rem3A_916 = arith.constant 128 : i32
      %rem3A_917 = arith.remsi %get3A_915, %rem3A_916 : i32
      %div3A_918 = arith.constant 128 : i32
      %div3A_919 = arith.divsi %get3A_915, %div3A_918 : i32
      %rem3A_920 = arith.constant 64 : i32
      %rem3A_921 = arith.remsi %div3A_919, %rem3A_920 : i32
      %div3A_922 = arith.constant 8192 : i32
      %div3A_923 = arith.divsi %get3A_915, %div3A_922 : i32
      %rem3A_924 = arith.constant 64 : i32
      %rem3A_925 = arith.remsi %div3A_923, %rem3A_924 : i32
      %div3A_926 = arith.constant 524288 : i32
      %div3A_927 = arith.divsi %get3A_915, %div3A_926 : i32
      %rem3A_928 = arith.constant 4 : i32
      %rem3A_929 = arith.remsi %div3A_927, %rem3A_928 : i32
      %div3A_930 = arith.constant 2097152 : i32
      %div3A_931 = arith.divsi %get3A_915, %div3A_930 : i32
      %rem3A_932 = arith.constant 4 : i32
      %rem3A_933 = arith.remsi %div3A_931, %rem3A_932 : i32
      %div3A_934 = arith.constant 8388608 : i32
      %div3A_935 = arith.divsi %get3A_915, %div3A_934 : i32
      %rem3A_936 = arith.constant 2 : i32
      %rem3A_937 = arith.remsi %div3A_935, %rem3A_936 : i32
      %div3A_938 = arith.constant 16777216 : i32
      %div3A_939 = arith.divsi %get3A_915, %div3A_938 : i32
      %mul3A_940 = arith.constant 32 : i32
      %mul3A_941 = arith.muli %rem3A_917, %mul3A_940 : i32
      %get3A_942 = arith.index_cast %mul3A_941 : i32 to index
      %get3A_943 = arith.constant 0 : index
      %get3A_944 = vector.load %arg54[%get3A_942, %get3A_943] : memref<3072x64xf32, #tpu.memory_space<vmem>>, vector<32x64xf32>
      %concatenate3A_945 = tpu.concatenate %get3A_944, %get3A_944 in 1 : vector<32x64xf32>, vector<32x64xf32> -> vector<32x128xf32>
      %mul3A_946 = arith.constant 64 : i32
      %mul3A_947 = arith.muli %rem3A_921, %mul3A_946 : i32
      %get3A_948 = arith.index_cast %mul3A_947 : i32 to index
      %get3A_949 = arith.constant 0 : index
      %get3A_950 = vector.load %arg55[%get3A_948, %get3A_949] : memref<3072x64xf32, #tpu.memory_space<vmem>>, vector<64x64xf32>
      %mul3A_951 = arith.constant 64 : i32
      %mul3A_952 = arith.muli %rem3A_925, %mul3A_951 : i32
      %get3A_953 = arith.index_cast %mul3A_952 : i32 to index
      %get3A_954 = arith.constant 0 : index
      %get3A_955 = vector.load %arg55[%get3A_953, %get3A_954] : memref<3072x64xf32, #tpu.memory_space<vmem>>, vector<64x64xf32>
      %concatenate3A_956 = tpu.concatenate %get3A_950, %get3A_955 in 1 : vector<64x64xf32>, vector<64x64xf32> -> vector<64x128xf32>
      %get3A_957 = arith.constant 2 : index
      %get3A_958 = arith.index_cast %rem3A_929 : i32 to index
      %get3A_959 = arith.constant 0 : index
      %get3A_960 = vector.load %arg27[%get3A_957, %get3A_958, %get3A_959] : memref<4x3x64xf32, #tpu.memory_space<vmem>>, vector<1x1x64xf32>
      %get3A_961 = vector.shape_cast %get3A_960 : vector<1x1x64xf32> to vector<1x64xf32>
      %get3A_962 = arith.constant 2 : index
      %get3A_963 = arith.index_cast %rem3A_933 : i32 to index
      %get3A_964 = arith.constant 0 : index
      %get3A_965 = vector.load %arg27[%get3A_962, %get3A_963, %get3A_964] : memref<4x3x64xf32, #tpu.memory_space<vmem>>, vector<1x1x64xf32>
      %get3A_966 = vector.shape_cast %get3A_965 : vector<1x1x64xf32> to vector<1x64xf32>
      %concatenate3A_967 = tpu.concatenate %get3A_961, %get3A_966 in 1 : vector<1x64xf32>, vector<1x64xf32> -> vector<1x128xf32>
      %broadcast_in_dim3A_968 = vector.shape_cast %concatenate3A_945 : vector<32x128xf32> to vector<32x1x128xf32>
      %broadcast_in_dim3A_969 = vector.shape_cast %concatenate3A_956 : vector<64x128xf32> to vector<1x64x128xf32>
      %add3A_970 = vector.broadcast %broadcast_in_dim3A_968 : vector<32x1x128xf32> to vector<32x64x128xf32>
      %add3A_971 = vector.broadcast %broadcast_in_dim3A_969 : vector<1x64x128xf32> to vector<32x64x128xf32>
      %add3A_972 = arith.addf %add3A_970, %add3A_971 : vector<32x64x128xf32>
      %broadcast_in_dim3A_973 = vector.shape_cast %concatenate3A_967 : vector<1x128xf32> to vector<1x1x128xf32>
      %add3A_974 = vector.broadcast %broadcast_in_dim3A_973 : vector<1x1x128xf32> to vector<32x64x128xf32>
      %add3A_975 = arith.addf %add3A_972, %add3A_974 : vector<32x64x128xf32>
      %reshape3A_976 = vector.shape_cast %add3A_975 : vector<32x64x128xf32> to vector<2048x128xf32>
      %logistic3A_977 = arith.negf %reshape3A_976 : vector<2048x128xf32>
      %logistic3A_978 = math.exp %logistic3A_977 : vector<2048x128xf32>
      %logistic3A_979 = arith.constant 1.000000e+00 : f32
      %logistic3A_980 = vector.broadcast %logistic3A_979 : f32 to vector<2048x128xf32>
      %logistic3A_981 = arith.addf %logistic3A_980, %logistic3A_978 : vector<2048x128xf32>
      %logistic3A_982 = arith.divf %logistic3A_980, %logistic3A_981 : vector<2048x128xf32>
      %mul3A_983 = arith.mulf %reshape3A_976, %logistic3A_982 : vector<2048x128xf32>
      %dot_general3A_984 = arith.constant dense<0.000000e+00> : vector<2048x128xf32>
      %dot_general3A_985 = tpu.matmul %mul3A_983, %get3A_434, %dot_general3A_984 {dimension_numbers = #tpu.dot_dimension_numbers<[1], [0], [0], [1], [0, 0, 1, 1], [], []>, transpose_lhs_hint = false} : vector<2048x128xf32>, vector<128x128xf32>, vector<2048x128xf32> -> vector<2048x128xf32>
      %broadcast_in_dim3A_986 = vector.shape_cast %get3A_438 : vector<128xf32> to vector<1x128xf32>
      %add3A_987 = vector.broadcast %broadcast_in_dim3A_986 : vector<1x128xf32> to vector<2048x128xf32>
      %add3A_988 = arith.addf %dot_general3A_985, %add3A_987 : vector<2048x128xf32>
      %logistic3A_989 = arith.negf %add3A_988 : vector<2048x128xf32>
      %logistic3A_990 = math.exp %logistic3A_989 : vector<2048x128xf32>
      %logistic3A_991 = arith.constant 1.000000e+00 : f32
      %logistic3A_992 = vector.broadcast %logistic3A_991 : f32 to vector<2048x128xf32>
      %logistic3A_993 = arith.addf %logistic3A_992, %logistic3A_990 : vector<2048x128xf32>
      %logistic3A_994 = arith.divf %logistic3A_992, %logistic3A_993 : vector<2048x128xf32>
      %mul3A_995 = arith.mulf %add3A_988, %logistic3A_994 : vector<2048x128xf32>
      %get3A_996 = arith.index_cast %rem3A_917 : i32 to index
      %get3A_997 = arith.constant 0 : index
      %get3A_998 = arith.constant 0 : index
      %get3A_999 = vector.load %arg5[%get3A_996, %get3A_997, %get3A_998] : memref<96x8x32xf32, #tpu.memory_space<vmem>>, vector<1x8x32xf32>
      %reshape3A_1000 = vector.shape_cast %get3A_999 : vector<1x8x32xf32> to vector<8x32xf32>
      %get3A_1001 = arith.index_cast %rem3A_921 : i32 to index
      %get3A_1002 = arith.constant 0 : index
      %get3A_1003 = arith.constant 0 : index
      %get3A_1004 = vector.load %arg6[%get3A_1001, %get3A_1002, %get3A_1003] : memref<48x8x64xf32, #tpu.memory_space<vmem>>, vector<1x8x64xf32>
      %reshape3A_1005 = vector.shape_cast %get3A_1004 : vector<1x8x64xf32> to vector<8x64xf32>
      %get3A_1006 = arith.index_cast %rem3A_925 : i32 to index
      %get3A_1007 = arith.constant 0 : index
      %get3A_1008 = arith.constant 0 : index
      %get3A_1009 = vector.load %arg6[%get3A_1006, %get3A_1007, %get3A_1008] : memref<48x8x64xf32, #tpu.memory_space<vmem>>, vector<1x8x64xf32>
      %reshape3A_1010 = vector.shape_cast %get3A_1009 : vector<1x8x64xf32> to vector<8x64xf32>
      %broadcast_in_dim3A_1011 = vector.shape_cast %reshape3A_1000 : vector<8x32xf32> to vector<8x32x1xf32>
      %broadcast_in_dim3A_1012 = vector.shape_cast %reshape3A_1005 : vector<8x64xf32> to vector<8x1x64xf32>
      %sub3A_1013 = vector.broadcast %broadcast_in_dim3A_1011 : vector<8x32x1xf32> to vector<8x32x64xf32>
      %sub3A_1014 = vector.broadcast %broadcast_in_dim3A_1012 : vector<8x1x64xf32> to vector<8x32x64xf32>
      %sub3A_1015 = arith.subf %sub3A_1013, %sub3A_1014 : vector<8x32x64xf32>
      %integer_pow3A_1016 = arith.mulf %sub3A_1015, %sub3A_1015 : vector<8x32x64xf32>
      %reduce_sum3A_1017 = arith.constant dense<0.000000e+00> : vector<32x64xf32>
      %reduce_sum3A_1018 = vector.multi_reduction <add>, %integer_pow3A_1016, %reduce_sum3A_1017 [0] : vector<8x32x64xf32> to vector<32x64xf32>
      %broadcast_in_dim3A_1019 = vector.shape_cast %reshape3A_1000 : vector<8x32xf32> to vector<8x32x1xf32>
      %broadcast_in_dim3A_1020 = vector.shape_cast %reshape3A_1010 : vector<8x64xf32> to vector<8x1x64xf32>
      %sub3A_1021 = vector.broadcast %broadcast_in_dim3A_1019 : vector<8x32x1xf32> to vector<8x32x64xf32>
      %sub3A_1022 = vector.broadcast %broadcast_in_dim3A_1020 : vector<8x1x64xf32> to vector<8x32x64xf32>
      %sub3A_1023 = arith.subf %sub3A_1021, %sub3A_1022 : vector<8x32x64xf32>
      %integer_pow3A_1024 = arith.mulf %sub3A_1023, %sub3A_1023 : vector<8x32x64xf32>
      %reduce_sum3A_1025 = arith.constant dense<0.000000e+00> : vector<32x64xf32>
      %reduce_sum3A_1026 = vector.multi_reduction <add>, %integer_pow3A_1024, %reduce_sum3A_1025 [0] : vector<8x32x64xf32> to vector<32x64xf32>
      %le3A_1027 = arith.constant 2.250000e+00 : f32
      %le3A_1028 = vector.broadcast %le3A_1027 : f32 to vector<32x64xf32>
      %le3A_1029 = arith.cmpf ole, %reduce_sum3A_1018, %le3A_1028 : vector<32x64xf32>
      %convert_element_type3A_1030 = arith.sitofp %div3A_939 : i32 to f32
      %jit3A_1031 = arith.constant 0.000000e+00 : f32
      %broadcast_in_dim3A_1032 = vector.broadcast %convert_element_type3A_1030 : f32 to vector<32x64xf32>
      %broadcast_in_dim3A_1033 = vector.broadcast %jit3A_1031 : f32 to vector<32x64xf32>
      %select_n3A_1034 = arith.select %le3A_1029, %broadcast_in_dim3A_1032, %broadcast_in_dim3A_1033 : vector<32x64xi1>, vector<32x64xf32>
      %broadcast_in_dim3A_1035 = vector.shape_cast %select_n3A_1034 : vector<32x64xf32> to vector<32x64x1xf32>
      %le3A_1036 = arith.constant 2.250000e+00 : f32
      %le3A_1037 = vector.broadcast %le3A_1036 : f32 to vector<32x64xf32>
      %le3A_1038 = arith.cmpf ole, %reduce_sum3A_1026, %le3A_1037 : vector<32x64xf32>
      %mul3A_1039 = arith.muli %rem3A_937, %div3A_939 : i32
      %convert_element_type3A_1040 = arith.sitofp %mul3A_1039 : i32 to f32
      %jit3A_1041 = arith.constant 0.000000e+00 : f32
      %broadcast_in_dim3A_1042 = vector.broadcast %convert_element_type3A_1040 : f32 to vector<32x64xf32>
      %broadcast_in_dim3A_1043 = vector.broadcast %jit3A_1041 : f32 to vector<32x64xf32>
      %select_n3A_1044 = arith.select %le3A_1038, %broadcast_in_dim3A_1042, %broadcast_in_dim3A_1043 : vector<32x64xi1>, vector<32x64xf32>
      %broadcast_in_dim3A_1045 = vector.shape_cast %select_n3A_1044 : vector<32x64xf32> to vector<32x64x1xf32>
      %iota3A_1046 = tpu.iota {dimensions = array<i32: 2>} : vector<32x64x128xi32>
      %lt3A_1047 = arith.constant 64 : i32
      %lt3A_1048 = vector.broadcast %lt3A_1047 : i32 to vector<32x64x128xi32>
      %lt3A_1049 = arith.cmpi slt, %iota3A_1046, %lt3A_1048 : vector<32x64x128xi32>
      %broadcast_in_dim3A_1050 = vector.shape_cast %broadcast_in_dim3A_1035 : vector<32x64x1xf32> to vector<32x64x1xf32>
      %broadcast_in_dim3A_1051 = vector.broadcast %broadcast_in_dim3A_1050 : vector<32x64x1xf32> to vector<32x64x128xf32>
      %broadcast_in_dim3A_1052 = vector.shape_cast %broadcast_in_dim3A_1045 : vector<32x64x1xf32> to vector<32x64x1xf32>
      %broadcast_in_dim3A_1053 = vector.broadcast %broadcast_in_dim3A_1052 : vector<32x64x1xf32> to vector<32x64x128xf32>
      %select_n3A_1054 = arith.select %lt3A_1049, %broadcast_in_dim3A_1051, %broadcast_in_dim3A_1053 : vector<32x64x128xi1>, vector<32x64x128xf32>
      %reshape3A_1055 = vector.shape_cast %mul3A_995 : vector<2048x128xf32> to vector<32x64x128xf32>
      %mul3A_1056 = arith.mulf %reshape3A_1055, %select_n3A_1054 : vector<32x64x128xf32>
      %reduce_sum3A_1057 = arith.constant dense<0.000000e+00> : vector<32x128xf32>
      %reduce_sum3A_1058 = vector.multi_reduction <add>, %mul3A_1056, %reduce_sum3A_1057 [1] : vector<32x64x128xf32> to vector<32x128xf32>
      %slice3A_1059 = vector.extract_strided_slice %reduce_sum3A_1058 {offsets = [0, 0], sizes = [32, 64], strides = [1, 1]} : vector<32x128xf32> to vector<32x64xf32>
      %slice3A_1060 = vector.extract_strided_slice %reduce_sum3A_1058 {offsets = [0, 64], sizes = [32, 64], strides = [1, 1]} : vector<32x128xf32> to vector<32x64xf32>
      %add3A_1061 = arith.addf %slice3A_1059, %slice3A_1060 : vector<32x64xf32>
      %get3A_1062 = arith.index_cast %mul3A_793 : i32 to index
      %get3A_1063 = arith.constant 0 : index
      %get3A_1064 = vector.load %arg56[%get3A_1062, %get3A_1063] : memref<3072x64xf32, #tpu.memory_space<vmem>>, vector<32x64xf32>
      %add3A_1065 = arith.addf %get3A_1064, %add3A_909 : vector<32x64xf32>
      %swap3A_1066 = arith.index_cast %mul3A_793 : i32 to index
      %swap3A_1067 = arith.constant 0 : index
      %swap3A_1068 = vector.load %arg56[%swap3A_1066, %swap3A_1067] : memref<3072x64xf32, #tpu.memory_space<vmem>>, vector<32x64xf32>
      tpu.vector_store %arg56[%swap3A_1066, %swap3A_1067], %add3A_1065 {strides = array<i32>} : memref<3072x64xf32, #tpu.memory_space<vmem>>, vector<32x64xf32>,
      %get3A_1069 = arith.index_cast %mul3A_941 : i32 to index
      %get3A_1070 = arith.constant 0 : index
      %get3A_1071 = vector.load %arg56[%get3A_1069, %get3A_1070] : memref<3072x64xf32, #tpu.memory_space<vmem>>, vector<32x64xf32>
      %add3A_1072 = arith.addf %get3A_1071, %add3A_1061 : vector<32x64xf32>
      %swap3A_1073 = arith.index_cast %mul3A_941 : i32 to index
      %swap3A_1074 = arith.constant 0 : index
      %swap3A_1075 = vector.load %arg56[%swap3A_1073, %swap3A_1074] : memref<3072x64xf32, #tpu.memory_space<vmem>>, vector<32x64xf32>
      tpu.vector_store %arg56[%swap3A_1073, %swap3A_1074], %add3A_1072 {strides = array<i32>} : memref<3072x64xf32, #tpu.memory_space<vmem>>, vector<32x64xf32>,
    }
    %get3A_475 = arith.constant 0 : index
    %get3A_476 = arith.constant 0 : index
    %get3A_477 = vector.load %arg56[%get3A_475, %get3A_476] : memref<3072x64xf32, #tpu.memory_space<vmem>>, vector<3072x64xf32>
    %mul3A_478 = arith.constant 0.00999999977 : f32
    %mul3A_479 = vector.broadcast %mul3A_478 : f32 to vector<3072x64xf32>
    %mul3A_480 = arith.mulf %get3A_477, %mul3A_479 : vector<3072x64xf32>
    %get3A_481 = arith.constant 2 : index
    %get3A_482 = arith.constant 0 : index
    %get3A_483 = arith.constant 0 : index
    %get3A_484 = vector.load %arg30[%get3A_481, %get3A_482, %get3A_483] : memref<4x64x64xf32, #tpu.memory_space<vmem>>, vector<1x64x64xf32>
    %get3A_485 = vector.shape_cast %get3A_484 : vector<1x64x64xf32> to vector<64x64xf32>
    %dot_general3A_486 = arith.constant dense<0.000000e+00> : vector<3072x64xf32>
    %dot_general3A_487 = tpu.matmul %get3A_404, %get3A_485, %dot_general3A_486 {dimension_numbers = #tpu.dot_dimension_numbers<[1], [0], [0], [1], [0, 0, 1, 1], [], []>, transpose_lhs_hint = false} : vector<3072x64xf32>, vector<64x64xf32>, vector<3072x64xf32> -> vector<3072x64xf32>
    %get3A_488 = arith.constant 2 : index
    %get3A_489 = arith.constant 0 : index
    %get3A_490 = arith.constant 0 : index
    %get3A_491 = vector.load %arg31[%get3A_488, %get3A_489, %get3A_490] : memref<4x64x64xf32, #tpu.memory_space<vmem>>, vector<1x64x64xf32>
    %get3A_492 = vector.shape_cast %get3A_491 : vector<1x64x64xf32> to vector<64x64xf32>
    %dot_general3A_493 = arith.constant dense<0.000000e+00> : vector<3072x64xf32>
    %dot_general3A_494 = tpu.matmul %mul3A_480, %get3A_492, %dot_general3A_493 {dimension_numbers = #tpu.dot_dimension_numbers<[1], [0], [0], [1], [0, 0, 1, 1], [], []>, transpose_lhs_hint = false} : vector<3072x64xf32>, vector<64x64xf32>, vector<3072x64xf32> -> vector<3072x64xf32>
    %add3A_495 = arith.addf %dot_general3A_487, %dot_general3A_494 : vector<3072x64xf32>
    %get3A_496 = arith.constant 2 : index
    %get3A_497 = arith.constant 0 : index
    %get3A_498 = vector.load %arg32[%get3A_496, %get3A_497] : memref<4x64xf32, #tpu.memory_space<vmem>>, vector<1x64xf32>
    %get3A_499 = vector.shape_cast %get3A_498 : vector<1x64xf32> to vector<64xf32>
    %broadcast_in_dim3A_500 = vector.shape_cast %get3A_499 : vector<64xf32> to vector<1x64xf32>
    %add3A_501 = vector.broadcast %broadcast_in_dim3A_500 : vector<1x64xf32> to vector<3072x64xf32>
    %add3A_502 = arith.addf %add3A_495, %add3A_501 : vector<3072x64xf32>
    %logistic3A_503 = arith.negf %add3A_502 : vector<3072x64xf32>
    %logistic3A_504 = math.exp %logistic3A_503 : vector<3072x64xf32>
    %logistic3A_505 = arith.constant 1.000000e+00 : f32
    %logistic3A_506 = vector.broadcast %logistic3A_505 : f32 to vector<3072x64xf32>
    %logistic3A_507 = arith.addf %logistic3A_506, %logistic3A_504 : vector<3072x64xf32>
    %logistic3A_508 = arith.divf %logistic3A_506, %logistic3A_507 : vector<3072x64xf32>
    %mul3A_509 = arith.mulf %add3A_502, %logistic3A_508 : vector<3072x64xf32>
    %get3A_510 = arith.constant 2 : index
    %get3A_511 = arith.constant 0 : index
    %get3A_512 = arith.constant 0 : index
    %get3A_513 = vector.load %arg33[%get3A_510, %get3A_511, %get3A_512] : memref<4x64x64xf32, #tpu.memory_space<vmem>>, vector<1x64x64xf32>
    %get3A_514 = vector.shape_cast %get3A_513 : vector<1x64x64xf32> to vector<64x64xf32>
    %dot_general3A_515 = arith.constant dense<0.000000e+00> : vector<3072x64xf32>
    %dot_general3A_516 = tpu.matmul %mul3A_509, %get3A_514, %dot_general3A_515 {dimension_numbers = #tpu.dot_dimension_numbers<[1], [0], [0], [1], [0, 0, 1, 1], [], []>, transpose_lhs_hint = false} : vector<3072x64xf32>, vector<64x64xf32>, vector<3072x64xf32> -> vector<3072x64xf32>
    %add3A_517 = arith.addf %get3A_404, %dot_general3A_516 : vector<3072x64xf32>
    %get3A_518 = arith.constant 2 : index
    %get3A_519 = arith.constant 0 : index
    %get3A_520 = vector.load %arg34[%get3A_518, %get3A_519] : memref<4x64xf32, #tpu.memory_space<vmem>>, vector<1x64xf32>
    %get3A_521 = vector.shape_cast %get3A_520 : vector<1x64xf32> to vector<64xf32>
    %broadcast_in_dim3A_522 = vector.shape_cast %get3A_521 : vector<64xf32> to vector<1x64xf32>
    %add3A_523 = vector.broadcast %broadcast_in_dim3A_522 : vector<1x64xf32> to vector<3072x64xf32>
    %add3A_524 = arith.addf %add3A_517, %add3A_523 : vector<3072x64xf32>
    %swap3A_525 = arith.constant 0 : index
    %swap3A_526 = arith.constant 0 : index
    %swap3A_527 = vector.load %arg53[%swap3A_525, %swap3A_526] : memref<3072x64xf32, #tpu.memory_space<vmem>>, vector<3072x64xf32>
    tpu.vector_store %arg53[%swap3A_525, %swap3A_526], %add3A_524 {strides = array<i32>} : memref<3072x64xf32, #tpu.memory_space<vmem>>, vector<3072x64xf32>,
    %get3A_528 = arith.constant 0 : index
    %get3A_529 = arith.constant 0 : index
    %get3A_530 = vector.load %arg53[%get3A_528, %get3A_529] : memref<3072x64xf32, #tpu.memory_space<vmem>>, vector<3072x64xf32>
    %get3A_531 = arith.constant 3 : index
    %get3A_532 = arith.constant 0 : index
    %get3A_533 = arith.constant 0 : index
    %get3A_534 = vector.load %arg25[%get3A_531, %get3A_532, %get3A_533] : memref<4x64x64xf32, #tpu.memory_space<vmem>>, vector<1x64x64xf32>
    %get3A_535 = vector.shape_cast %get3A_534 : vector<1x64x64xf32> to vector<64x64xf32>
    %dot_general3A_536 = arith.constant dense<0.000000e+00> : vector<3072x64xf32>
    %dot_general3A_537 = tpu.matmul %get3A_530, %get3A_535, %dot_general3A_536 {dimension_numbers = #tpu.dot_dimension_numbers<[1], [0], [0], [1], [0, 0, 1, 1], [], []>, transpose_lhs_hint = false} : vector<3072x64xf32>, vector<64x64xf32>, vector<3072x64xf32> -> vector<3072x64xf32>
    %swap3A_538 = arith.constant 0 : index
    %swap3A_539 = arith.constant 0 : index
    %swap3A_540 = vector.load %arg54[%swap3A_538, %swap3A_539] : memref<3072x64xf32, #tpu.memory_space<vmem>>, vector<3072x64xf32>
    tpu.vector_store %arg54[%swap3A_538, %swap3A_539], %dot_general3A_537 {strides = array<i32>} : memref<3072x64xf32, #tpu.memory_space<vmem>>, vector<3072x64xf32>,
    %get3A_541 = arith.constant 3 : index
    %get3A_542 = arith.constant 0 : index
    %get3A_543 = arith.constant 0 : index
    %get3A_544 = vector.load %arg26[%get3A_541, %get3A_542, %get3A_543] : memref<4x64x64xf32, #tpu.memory_space<vmem>>, vector<1x64x64xf32>
    %get3A_545 = vector.shape_cast %get3A_544 : vector<1x64x64xf32> to vector<64x64xf32>
    %dot_general3A_546 = arith.constant dense<0.000000e+00> : vector<3072x64xf32>
    %dot_general3A_547 = tpu.matmul %get3A_530, %get3A_545, %dot_general3A_546 {dimension_numbers = #tpu.dot_dimension_numbers<[1], [0], [0], [1], [0, 0, 1, 1], [], []>, transpose_lhs_hint = false} : vector<3072x64xf32>, vector<64x64xf32>, vector<3072x64xf32> -> vector<3072x64xf32>
    %swap3A_548 = arith.constant 0 : index
    %swap3A_549 = arith.constant 0 : index
    %swap3A_550 = vector.load %arg55[%swap3A_548, %swap3A_549] : memref<3072x64xf32, #tpu.memory_space<vmem>>, vector<3072x64xf32>
    tpu.vector_store %arg55[%swap3A_548, %swap3A_549], %dot_general3A_547 {strides = array<i32>} : memref<3072x64xf32, #tpu.memory_space<vmem>>, vector<3072x64xf32>,
    %broadcast_in_dim3A_551 = arith.constant 0.000000e+00 : f32
    %broadcast_in_dim3A_552 = vector.broadcast %broadcast_in_dim3A_551 : f32 to vector<3072x64xf32>
    %swap3A_553 = arith.constant 0 : index
    %swap3A_554 = arith.constant 0 : index
    %swap3A_555 = vector.load %arg56[%swap3A_553, %swap3A_554] : memref<3072x64xf32, #tpu.memory_space<vmem>>, vector<3072x64xf32>
    tpu.vector_store %arg56[%swap3A_553, %swap3A_554], %broadcast_in_dim3A_552 {strides = array<i32>} : memref<3072x64xf32, #tpu.memory_space<vmem>>, vector<3072x64xf32>,
    %get3A_556 = arith.constant 3 : index
    %get3A_557 = arith.constant 0 : index
    %get3A_558 = arith.constant 0 : index
    %get3A_559 = vector.load %arg28[%get3A_556, %get3A_557, %get3A_558] : memref<4x128x128xf32, #tpu.memory_space<vmem>>, vector<1x128x128xf32>
    %get3A_560 = vector.shape_cast %get3A_559 : vector<1x128x128xf32> to vector<128x128xf32>
    %get3A_561 = arith.constant 3 : index
    %get3A_562 = arith.constant 0 : index
    %get3A_563 = vector.load %arg29[%get3A_561, %get3A_562] : memref<4x128xf32, #tpu.memory_space<vmem>>, vector<1x128xf32>
    %get3A_564 = vector.shape_cast %get3A_563 : vector<1x128xf32> to vector<128xf32>
    %add3A_565 = arith.constant 1 : i32
    %add3A_566 = arith.addi %get3A_158, %add3A_565 : i32
    %jit3A_567 = arith.constant 2 : i32
    %div3A_568 = arith.divsi %add3A_566, %jit3A_567 : i32
    %sign3A_569 = arith.constant 0 : i32
    %sign3A_570 = arith.cmpi sgt, %add3A_566, %sign3A_569 : i32
    %sign3A_571 = arith.extui %sign3A_570 : i1 to i32
    %sign3A_572 = arith.constant 0 : i32
    %sign3A_573 = arith.cmpi slt, %add3A_566, %sign3A_572 : i32
    %sign3A_574 = arith.extui %sign3A_573 : i1 to i32
    %sign3A_575 = arith.subi %sign3A_571, %sign3A_574 : i32
    %sign3A_576 = arith.constant 0 : i32
    %sign3A_577 = arith.cmpi sgt, %jit3A_567, %sign3A_576 : i32
    %sign3A_578 = arith.extui %sign3A_577 : i1 to i32
    %sign3A_579 = arith.constant 0 : i32
    %sign3A_580 = arith.cmpi slt, %jit3A_567, %sign3A_579 : i32
    %sign3A_581 = arith.extui %sign3A_580 : i1 to i32
    %sign3A_582 = arith.subi %sign3A_578, %sign3A_581 : i32
    %ne3A_583 = arith.cmpi ne, %sign3A_575, %sign3A_582 : i32
    %rem3A_584 = arith.remsi %add3A_566, %jit3A_567 : i32
    %ne3A_585 = arith.constant 0 : i32
    %ne3A_586 = arith.cmpi ne, %rem3A_584, %ne3A_585 : i32
    %and3A_587 = arith.andi %ne3A_583, %ne3A_586 : i1
    %sub3A_588 = arith.constant 1 : i32
    %sub3A_589 = arith.subi %div3A_568, %sub3A_588 : i32
    %select_n3A_590 = arith.select %and3A_587, %sub3A_589, %div3A_568 : i32
    %while3A_591 = arith.constant 0 : i32
    %while3A_592 = arith.constant 0 : i32
    %while3A_593 = arith.subi %select_n3A_590, %while3A_592 : i32
    %while3A_594 = arith.addi %while3A_592, %while3A_593 : i32
    %while3A_595 = arith.constant 1 : i32
    %while3A_596 = arith.divsi %while3A_593, %while3A_595 : i32
    %while3A_597 = arith.muli %while3A_596, %while3A_595 : i32
    %while3A_598 = arith.addi %while3A_592, %while3A_597 : i32
    %while3A_599 = arith.constant 1 : i32
    scf.for %while3A_763 = %while3A_592 to %while3A_598 step %while3A_599  : i32 {
      %mul3A_764 = arith.constant 2 : i32
      %mul3A_765 = arith.muli %mul3A_764, %while3A_763 : i32
      %get3A_766 = arith.index_cast %mul3A_765 : i32 to index
      %get3A_767 = memref.load %arg1[%get3A_766] : memref<2400xi32, #tpu.memory_space<smem>>
      %rem3A_768 = arith.constant 128 : i32
      %rem3A_769 = arith.remsi %get3A_767, %rem3A_768 : i32
      %div3A_770 = arith.constant 128 : i32
      %div3A_771 = arith.divsi %get3A_767, %div3A_770 : i32
      %rem3A_772 = arith.constant 64 : i32
      %rem3A_773 = arith.remsi %div3A_771, %rem3A_772 : i32
      %div3A_774 = arith.constant 8192 : i32
      %div3A_775 = arith.divsi %get3A_767, %div3A_774 : i32
      %rem3A_776 = arith.constant 64 : i32
      %rem3A_777 = arith.remsi %div3A_775, %rem3A_776 : i32
      %div3A_778 = arith.constant 524288 : i32
      %div3A_779 = arith.divsi %get3A_767, %div3A_778 : i32
      %rem3A_780 = arith.constant 4 : i32
      %rem3A_781 = arith.remsi %div3A_779, %rem3A_780 : i32
      %div3A_782 = arith.constant 2097152 : i32
      %div3A_783 = arith.divsi %get3A_767, %div3A_782 : i32
      %rem3A_784 = arith.constant 4 : i32
      %rem3A_785 = arith.remsi %div3A_783, %rem3A_784 : i32
      %div3A_786 = arith.constant 8388608 : i32
      %div3A_787 = arith.divsi %get3A_767, %div3A_786 : i32
      %rem3A_788 = arith.constant 2 : i32
      %rem3A_789 = arith.remsi %div3A_787, %rem3A_788 : i32
      %div3A_790 = arith.constant 16777216 : i32
      %div3A_791 = arith.divsi %get3A_767, %div3A_790 : i32
      %mul3A_792 = arith.constant 32 : i32
      %mul3A_793 = arith.muli %rem3A_769, %mul3A_792 : i32
      %get3A_794 = arith.index_cast %mul3A_793 : i32 to index
      %get3A_795 = arith.constant 0 : index
      %get3A_796 = vector.load %arg54[%get3A_794, %get3A_795] : memref<3072x64xf32, #tpu.memory_space<vmem>>, vector<32x64xf32>
      %concatenate3A = tpu.concatenate %get3A_796, %get3A_796 in 1 : vector<32x64xf32>, vector<32x64xf32> -> vector<32x128xf32>
      %mul3A_797 = arith.constant 64 : i32
      %mul3A_798 = arith.muli %rem3A_773, %mul3A_797 : i32
      %get3A_799 = arith.index_cast %mul3A_798 : i32 to index
      %get3A_800 = arith.constant 0 : index
      %get3A_801 = vector.load %arg55[%get3A_799, %get3A_800] : memref<3072x64xf32, #tpu.memory_space<vmem>>, vector<64x64xf32>
      %mul3A_802 = arith.constant 64 : i32
      %mul3A_803 = arith.muli %rem3A_777, %mul3A_802 : i32
      %get3A_804 = arith.index_cast %mul3A_803 : i32 to index
      %get3A_805 = arith.constant 0 : index
      %get3A_806 = vector.load %arg55[%get3A_804, %get3A_805] : memref<3072x64xf32, #tpu.memory_space<vmem>>, vector<64x64xf32>
      %concatenate3A_807 = tpu.concatenate %get3A_801, %get3A_806 in 1 : vector<64x64xf32>, vector<64x64xf32> -> vector<64x128xf32>
      %get3A_808 = arith.constant 3 : index
      %get3A_809 = arith.index_cast %rem3A_781 : i32 to index
      %get3A_810 = arith.constant 0 : index
      %get3A_811 = vector.load %arg27[%get3A_808, %get3A_809, %get3A_810] : memref<4x3x64xf32, #tpu.memory_space<vmem>>, vector<1x1x64xf32>
      %get3A_812 = vector.shape_cast %get3A_811 : vector<1x1x64xf32> to vector<1x64xf32>
      %get3A_813 = arith.constant 3 : index
      %get3A_814 = arith.index_cast %rem3A_785 : i32 to index
      %get3A_815 = arith.constant 0 : index
      %get3A_816 = vector.load %arg27[%get3A_813, %get3A_814, %get3A_815] : memref<4x3x64xf32, #tpu.memory_space<vmem>>, vector<1x1x64xf32>
      %get3A_817 = vector.shape_cast %get3A_816 : vector<1x1x64xf32> to vector<1x64xf32>
      %concatenate3A_818 = tpu.concatenate %get3A_812, %get3A_817 in 1 : vector<1x64xf32>, vector<1x64xf32> -> vector<1x128xf32>
      %broadcast_in_dim3A_819 = vector.shape_cast %concatenate3A : vector<32x128xf32> to vector<32x1x128xf32>
      %broadcast_in_dim3A_820 = vector.shape_cast %concatenate3A_807 : vector<64x128xf32> to vector<1x64x128xf32>
      %add3A_821 = vector.broadcast %broadcast_in_dim3A_819 : vector<32x1x128xf32> to vector<32x64x128xf32>
      %add3A_822 = vector.broadcast %broadcast_in_dim3A_820 : vector<1x64x128xf32> to vector<32x64x128xf32>
      %add3A_823 = arith.addf %add3A_821, %add3A_822 : vector<32x64x128xf32>
      %broadcast_in_dim3A_824 = vector.shape_cast %concatenate3A_818 : vector<1x128xf32> to vector<1x1x128xf32>
      %add3A_825 = vector.broadcast %broadcast_in_dim3A_824 : vector<1x1x128xf32> to vector<32x64x128xf32>
      %add3A_826 = arith.addf %add3A_823, %add3A_825 : vector<32x64x128xf32>
      %reshape3A_827 = vector.shape_cast %add3A_826 : vector<32x64x128xf32> to vector<2048x128xf32>
      %logistic3A_828 = arith.negf %reshape3A_827 : vector<2048x128xf32>
      %logistic3A_829 = math.exp %logistic3A_828 : vector<2048x128xf32>
      %logistic3A_830 = arith.constant 1.000000e+00 : f32
      %logistic3A_831 = vector.broadcast %logistic3A_830 : f32 to vector<2048x128xf32>
      %logistic3A_832 = arith.addf %logistic3A_831, %logistic3A_829 : vector<2048x128xf32>
      %logistic3A_833 = arith.divf %logistic3A_831, %logistic3A_832 : vector<2048x128xf32>
      %mul3A_834 = arith.mulf %reshape3A_827, %logistic3A_833 : vector<2048x128xf32>
      %dot_general3A_835 = arith.constant dense<0.000000e+00> : vector<2048x128xf32>
      %dot_general3A_836 = tpu.matmul %mul3A_834, %get3A_560, %dot_general3A_835 {dimension_numbers = #tpu.dot_dimension_numbers<[1], [0], [0], [1], [0, 0, 1, 1], [], []>, transpose_lhs_hint = false} : vector<2048x128xf32>, vector<128x128xf32>, vector<2048x128xf32> -> vector<2048x128xf32>
      %broadcast_in_dim3A_837 = vector.shape_cast %get3A_564 : vector<128xf32> to vector<1x128xf32>
      %add3A_838 = vector.broadcast %broadcast_in_dim3A_837 : vector<1x128xf32> to vector<2048x128xf32>
      %add3A_839 = arith.addf %dot_general3A_836, %add3A_838 : vector<2048x128xf32>
      %logistic3A_840 = arith.negf %add3A_839 : vector<2048x128xf32>
      %logistic3A_841 = math.exp %logistic3A_840 : vector<2048x128xf32>
      %logistic3A_842 = arith.constant 1.000000e+00 : f32
      %logistic3A_843 = vector.broadcast %logistic3A_842 : f32 to vector<2048x128xf32>
      %logistic3A_844 = arith.addf %logistic3A_843, %logistic3A_841 : vector<2048x128xf32>
      %logistic3A_845 = arith.divf %logistic3A_843, %logistic3A_844 : vector<2048x128xf32>
      %mul3A_846 = arith.mulf %add3A_839, %logistic3A_845 : vector<2048x128xf32>
      %get3A_847 = arith.index_cast %rem3A_769 : i32 to index
      %get3A_848 = arith.constant 0 : index
      %get3A_849 = arith.constant 0 : index
      %get3A_850 = vector.load %arg5[%get3A_847, %get3A_848, %get3A_849] : memref<96x8x32xf32, #tpu.memory_space<vmem>>, vector<1x8x32xf32>
      %reshape3A_851 = vector.shape_cast %get3A_850 : vector<1x8x32xf32> to vector<8x32xf32>
      %get3A_852 = arith.index_cast %rem3A_773 : i32 to index
      %get3A_853 = arith.constant 0 : index
      %get3A_854 = arith.constant 0 : index
      %get3A_855 = vector.load %arg6[%get3A_852, %get3A_853, %get3A_854] : memref<48x8x64xf32, #tpu.memory_space<vmem>>, vector<1x8x64xf32>
      %reshape3A_856 = vector.shape_cast %get3A_855 : vector<1x8x64xf32> to vector<8x64xf32>
      %get3A_857 = arith.index_cast %rem3A_777 : i32 to index
      %get3A_858 = arith.constant 0 : index
      %get3A_859 = arith.constant 0 : index
      %get3A_860 = vector.load %arg6[%get3A_857, %get3A_858, %get3A_859] : memref<48x8x64xf32, #tpu.memory_space<vmem>>, vector<1x8x64xf32>
      %reshape3A_861 = vector.shape_cast %get3A_860 : vector<1x8x64xf32> to vector<8x64xf32>
      %broadcast_in_dim3A_862 = vector.shape_cast %reshape3A_851 : vector<8x32xf32> to vector<8x32x1xf32>
      %broadcast_in_dim3A_863 = vector.shape_cast %reshape3A_856 : vector<8x64xf32> to vector<8x1x64xf32>
      %sub3A_864 = vector.broadcast %broadcast_in_dim3A_862 : vector<8x32x1xf32> to vector<8x32x64xf32>
      %sub3A_865 = vector.broadcast %broadcast_in_dim3A_863 : vector<8x1x64xf32> to vector<8x32x64xf32>
      %sub3A_866 = arith.subf %sub3A_864, %sub3A_865 : vector<8x32x64xf32>
      %integer_pow3A = arith.mulf %sub3A_866, %sub3A_866 : vector<8x32x64xf32>
      %reduce_sum3A_867 = arith.constant dense<0.000000e+00> : vector<32x64xf32>
      %reduce_sum3A_868 = vector.multi_reduction <add>, %integer_pow3A, %reduce_sum3A_867 [0] : vector<8x32x64xf32> to vector<32x64xf32>
      %broadcast_in_dim3A_869 = vector.shape_cast %reshape3A_851 : vector<8x32xf32> to vector<8x32x1xf32>
      %broadcast_in_dim3A_870 = vector.shape_cast %reshape3A_861 : vector<8x64xf32> to vector<8x1x64xf32>
      %sub3A_871 = vector.broadcast %broadcast_in_dim3A_869 : vector<8x32x1xf32> to vector<8x32x64xf32>
      %sub3A_872 = vector.broadcast %broadcast_in_dim3A_870 : vector<8x1x64xf32> to vector<8x32x64xf32>
      %sub3A_873 = arith.subf %sub3A_871, %sub3A_872 : vector<8x32x64xf32>
      %integer_pow3A_874 = arith.mulf %sub3A_873, %sub3A_873 : vector<8x32x64xf32>
      %reduce_sum3A_875 = arith.constant dense<0.000000e+00> : vector<32x64xf32>
      %reduce_sum3A_876 = vector.multi_reduction <add>, %integer_pow3A_874, %reduce_sum3A_875 [0] : vector<8x32x64xf32> to vector<32x64xf32>
      %le3A = arith.constant 2.250000e+00 : f32
      %le3A_877 = vector.broadcast %le3A : f32 to vector<32x64xf32>
      %le3A_878 = arith.cmpf ole, %reduce_sum3A_868, %le3A_877 : vector<32x64xf32>
      %convert_element_type3A_879 = arith.sitofp %div3A_791 : i32 to f32
      %jit3A_880 = arith.constant 0.000000e+00 : f32
      %broadcast_in_dim3A_881 = vector.broadcast %convert_element_type3A_879 : f32 to vector<32x64xf32>
      %broadcast_in_dim3A_882 = vector.broadcast %jit3A_880 : f32 to vector<32x64xf32>
      %select_n3A_883 = arith.select %le3A_878, %broadcast_in_dim3A_881, %broadcast_in_dim3A_882 : vector<32x64xi1>, vector<32x64xf32>
      %broadcast_in_dim3A_884 = vector.shape_cast %select_n3A_883 : vector<32x64xf32> to vector<32x64x1xf32>
      %le3A_885 = arith.constant 2.250000e+00 : f32
      %le3A_886 = vector.broadcast %le3A_885 : f32 to vector<32x64xf32>
      %le3A_887 = arith.cmpf ole, %reduce_sum3A_876, %le3A_886 : vector<32x64xf32>
      %mul3A_888 = arith.muli %rem3A_789, %div3A_791 : i32
      %convert_element_type3A_889 = arith.sitofp %mul3A_888 : i32 to f32
      %jit3A_890 = arith.constant 0.000000e+00 : f32
      %broadcast_in_dim3A_891 = vector.broadcast %convert_element_type3A_889 : f32 to vector<32x64xf32>
      %broadcast_in_dim3A_892 = vector.broadcast %jit3A_890 : f32 to vector<32x64xf32>
      %select_n3A_893 = arith.select %le3A_887, %broadcast_in_dim3A_891, %broadcast_in_dim3A_892 : vector<32x64xi1>, vector<32x64xf32>
      %broadcast_in_dim3A_894 = vector.shape_cast %select_n3A_893 : vector<32x64xf32> to vector<32x64x1xf32>
      %iota3A_895 = tpu.iota {dimensions = array<i32: 2>} : vector<32x64x128xi32>
      %lt3A = arith.constant 64 : i32
      %lt3A_896 = vector.broadcast %lt3A : i32 to vector<32x64x128xi32>
      %lt3A_897 = arith.cmpi slt, %iota3A_895, %lt3A_896 : vector<32x64x128xi32>
      %broadcast_in_dim3A_898 = vector.shape_cast %broadcast_in_dim3A_884 : vector<32x64x1xf32> to vector<32x64x1xf32>
      %broadcast_in_dim3A_899 = vector.broadcast %broadcast_in_dim3A_898 : vector<32x64x1xf32> to vector<32x64x128xf32>
      %broadcast_in_dim3A_900 = vector.shape_cast %broadcast_in_dim3A_894 : vector<32x64x1xf32> to vector<32x64x1xf32>
      %broadcast_in_dim3A_901 = vector.broadcast %broadcast_in_dim3A_900 : vector<32x64x1xf32> to vector<32x64x128xf32>
      %select_n3A_902 = arith.select %lt3A_897, %broadcast_in_dim3A_899, %broadcast_in_dim3A_901 : vector<32x64x128xi1>, vector<32x64x128xf32>
      %reshape3A_903 = vector.shape_cast %mul3A_846 : vector<2048x128xf32> to vector<32x64x128xf32>
      %mul3A_904 = arith.mulf %reshape3A_903, %select_n3A_902 : vector<32x64x128xf32>
      %reduce_sum3A_905 = arith.constant dense<0.000000e+00> : vector<32x128xf32>
      %reduce_sum3A_906 = vector.multi_reduction <add>, %mul3A_904, %reduce_sum3A_905 [1] : vector<32x64x128xf32> to vector<32x128xf32>
      %slice3A_907 = vector.extract_strided_slice %reduce_sum3A_906 {offsets = [0, 0], sizes = [32, 64], strides = [1, 1]} : vector<32x128xf32> to vector<32x64xf32>
      %slice3A_908 = vector.extract_strided_slice %reduce_sum3A_906 {offsets = [0, 64], sizes = [32, 64], strides = [1, 1]} : vector<32x128xf32> to vector<32x64xf32>
      %add3A_909 = arith.addf %slice3A_907, %slice3A_908 : vector<32x64xf32>
      %mul3A_910 = arith.constant 2 : i32
      %mul3A_911 = arith.muli %mul3A_910, %while3A_763 : i32
      %add3A_912 = arith.constant 1 : i32
      %add3A_913 = arith.addi %mul3A_911, %add3A_912 : i32
      %get3A_914 = arith.index_cast %add3A_913 : i32 to index
      %get3A_915 = memref.load %arg1[%get3A_914] : memref<2400xi32, #tpu.memory_space<smem>>
      %rem3A_916 = arith.constant 128 : i32
      %rem3A_917 = arith.remsi %get3A_915, %rem3A_916 : i32
      %div3A_918 = arith.constant 128 : i32
      %div3A_919 = arith.divsi %get3A_915, %div3A_918 : i32
      %rem3A_920 = arith.constant 64 : i32
      %rem3A_921 = arith.remsi %div3A_919, %rem3A_920 : i32
      %div3A_922 = arith.constant 8192 : i32
      %div3A_923 = arith.divsi %get3A_915, %div3A_922 : i32
      %rem3A_924 = arith.constant 64 : i32
      %rem3A_925 = arith.remsi %div3A_923, %rem3A_924 : i32
      %div3A_926 = arith.constant 524288 : i32
      %div3A_927 = arith.divsi %get3A_915, %div3A_926 : i32
      %rem3A_928 = arith.constant 4 : i32
      %rem3A_929 = arith.remsi %div3A_927, %rem3A_928 : i32
      %div3A_930 = arith.constant 2097152 : i32
      %div3A_931 = arith.divsi %get3A_915, %div3A_930 : i32
      %rem3A_932 = arith.constant 4 : i32
      %rem3A_933 = arith.remsi %div3A_931, %rem3A_932 : i32
      %div3A_934 = arith.constant 8388608 : i32
      %div3A_935 = arith.divsi %get3A_915, %div3A_934 : i32
      %rem3A_936 = arith.constant 2 : i32
      %rem3A_937 = arith.remsi %div3A_935, %rem3A_936 : i32
      %div3A_938 = arith.constant 16777216 : i32
      %div3A_939 = arith.divsi %get3A_915, %div3A_938 : i32
      %mul3A_940 = arith.constant 32 : i32
      %mul3A_941 = arith.muli %rem3A_917, %mul3A_940 : i32
      %get3A_942 = arith.index_cast %mul3A_941 : i32 to index
      %get3A_943 = arith.constant 0 : index
      %get3A_944 = vector.load %arg54[%get3A_942, %get3A_943] : memref<3072x64xf32, #tpu.memory_space<vmem>>, vector<32x64xf32>
      %concatenate3A_945 = tpu.concatenate %get3A_944, %get3A_944 in 1 : vector<32x64xf32>, vector<32x64xf32> -> vector<32x128xf32>
      %mul3A_946 = arith.constant 64 : i32
      %mul3A_947 = arith.muli %rem3A_921, %mul3A_946 : i32
      %get3A_948 = arith.index_cast %mul3A_947 : i32 to index
      %get3A_949 = arith.constant 0 : index
      %get3A_950 = vector.load %arg55[%get3A_948, %get3A_949] : memref<3072x64xf32, #tpu.memory_space<vmem>>, vector<64x64xf32>
      %mul3A_951 = arith.constant 64 : i32
      %mul3A_952 = arith.muli %rem3A_925, %mul3A_951 : i32
      %get3A_953 = arith.index_cast %mul3A_952 : i32 to index
      %get3A_954 = arith.constant 0 : index
      %get3A_955 = vector.load %arg55[%get3A_953, %get3A_954] : memref<3072x64xf32, #tpu.memory_space<vmem>>, vector<64x64xf32>
      %concatenate3A_956 = tpu.concatenate %get3A_950, %get3A_955 in 1 : vector<64x64xf32>, vector<64x64xf32> -> vector<64x128xf32>
      %get3A_957 = arith.constant 3 : index
      %get3A_958 = arith.index_cast %rem3A_929 : i32 to index
      %get3A_959 = arith.constant 0 : index
      %get3A_960 = vector.load %arg27[%get3A_957, %get3A_958, %get3A_959] : memref<4x3x64xf32, #tpu.memory_space<vmem>>, vector<1x1x64xf32>
      %get3A_961 = vector.shape_cast %get3A_960 : vector<1x1x64xf32> to vector<1x64xf32>
      %get3A_962 = arith.constant 3 : index
      %get3A_963 = arith.index_cast %rem3A_933 : i32 to index
      %get3A_964 = arith.constant 0 : index
      %get3A_965 = vector.load %arg27[%get3A_962, %get3A_963, %get3A_964] : memref<4x3x64xf32, #tpu.memory_space<vmem>>, vector<1x1x64xf32>
      %get3A_966 = vector.shape_cast %get3A_965 : vector<1x1x64xf32> to vector<1x64xf32>
      %concatenate3A_967 = tpu.concatenate %get3A_961, %get3A_966 in 1 : vector<1x64xf32>, vector<1x64xf32> -> vector<1x128xf32>
      %broadcast_in_dim3A_968 = vector.shape_cast %concatenate3A_945 : vector<32x128xf32> to vector<32x1x128xf32>
      %broadcast_in_dim3A_969 = vector.shape_cast %concatenate3A_956 : vector<64x128xf32> to vector<1x64x128xf32>
      %add3A_970 = vector.broadcast %broadcast_in_dim3A_968 : vector<32x1x128xf32> to vector<32x64x128xf32>
      %add3A_971 = vector.broadcast %broadcast_in_dim3A_969 : vector<1x64x128xf32> to vector<32x64x128xf32>
      %add3A_972 = arith.addf %add3A_970, %add3A_971 : vector<32x64x128xf32>
      %broadcast_in_dim3A_973 = vector.shape_cast %concatenate3A_967 : vector<1x128xf32> to vector<1x1x128xf32>
      %add3A_974 = vector.broadcast %broadcast_in_dim3A_973 : vector<1x1x128xf32> to vector<32x64x128xf32>
      %add3A_975 = arith.addf %add3A_972, %add3A_974 : vector<32x64x128xf32>
      %reshape3A_976 = vector.shape_cast %add3A_975 : vector<32x64x128xf32> to vector<2048x128xf32>
      %logistic3A_977 = arith.negf %reshape3A_976 : vector<2048x128xf32>
      %logistic3A_978 = math.exp %logistic3A_977 : vector<2048x128xf32>
      %logistic3A_979 = arith.constant 1.000000e+00 : f32
      %logistic3A_980 = vector.broadcast %logistic3A_979 : f32 to vector<2048x128xf32>
      %logistic3A_981 = arith.addf %logistic3A_980, %logistic3A_978 : vector<2048x128xf32>
      %logistic3A_982 = arith.divf %logistic3A_980, %logistic3A_981 : vector<2048x128xf32>
      %mul3A_983 = arith.mulf %reshape3A_976, %logistic3A_982 : vector<2048x128xf32>
      %dot_general3A_984 = arith.constant dense<0.000000e+00> : vector<2048x128xf32>
      %dot_general3A_985 = tpu.matmul %mul3A_983, %get3A_560, %dot_general3A_984 {dimension_numbers = #tpu.dot_dimension_numbers<[1], [0], [0], [1], [0, 0, 1, 1], [], []>, transpose_lhs_hint = false} : vector<2048x128xf32>, vector<128x128xf32>, vector<2048x128xf32> -> vector<2048x128xf32>
      %broadcast_in_dim3A_986 = vector.shape_cast %get3A_564 : vector<128xf32> to vector<1x128xf32>
      %add3A_987 = vector.broadcast %broadcast_in_dim3A_986 : vector<1x128xf32> to vector<2048x128xf32>
      %add3A_988 = arith.addf %dot_general3A_985, %add3A_987 : vector<2048x128xf32>
      %logistic3A_989 = arith.negf %add3A_988 : vector<2048x128xf32>
      %logistic3A_990 = math.exp %logistic3A_989 : vector<2048x128xf32>
      %logistic3A_991 = arith.constant 1.000000e+00 : f32
      %logistic3A_992 = vector.broadcast %logistic3A_991 : f32 to vector<2048x128xf32>
      %logistic3A_993 = arith.addf %logistic3A_992, %logistic3A_990 : vector<2048x128xf32>
      %logistic3A_994 = arith.divf %logistic3A_992, %logistic3A_993 : vector<2048x128xf32>
      %mul3A_995 = arith.mulf %add3A_988, %logistic3A_994 : vector<2048x128xf32>
      %get3A_996 = arith.index_cast %rem3A_917 : i32 to index
      %get3A_997 = arith.constant 0 : index
      %get3A_998 = arith.constant 0 : index
      %get3A_999 = vector.load %arg5[%get3A_996, %get3A_997, %get3A_998] : memref<96x8x32xf32, #tpu.memory_space<vmem>>, vector<1x8x32xf32>
      %reshape3A_1000 = vector.shape_cast %get3A_999 : vector<1x8x32xf32> to vector<8x32xf32>
      %get3A_1001 = arith.index_cast %rem3A_921 : i32 to index
      %get3A_1002 = arith.constant 0 : index
      %get3A_1003 = arith.constant 0 : index
      %get3A_1004 = vector.load %arg6[%get3A_1001, %get3A_1002, %get3A_1003] : memref<48x8x64xf32, #tpu.memory_space<vmem>>, vector<1x8x64xf32>
      %reshape3A_1005 = vector.shape_cast %get3A_1004 : vector<1x8x64xf32> to vector<8x64xf32>
      %get3A_1006 = arith.index_cast %rem3A_925 : i32 to index
      %get3A_1007 = arith.constant 0 : index
      %get3A_1008 = arith.constant 0 : index
      %get3A_1009 = vector.load %arg6[%get3A_1006, %get3A_1007, %get3A_1008] : memref<48x8x64xf32, #tpu.memory_space<vmem>>, vector<1x8x64xf32>
      %reshape3A_1010 = vector.shape_cast %get3A_1009 : vector<1x8x64xf32> to vector<8x64xf32>
      %broadcast_in_dim3A_1011 = vector.shape_cast %reshape3A_1000 : vector<8x32xf32> to vector<8x32x1xf32>
      %broadcast_in_dim3A_1012 = vector.shape_cast %reshape3A_1005 : vector<8x64xf32> to vector<8x1x64xf32>
      %sub3A_1013 = vector.broadcast %broadcast_in_dim3A_1011 : vector<8x32x1xf32> to vector<8x32x64xf32>
      %sub3A_1014 = vector.broadcast %broadcast_in_dim3A_1012 : vector<8x1x64xf32> to vector<8x32x64xf32>
      %sub3A_1015 = arith.subf %sub3A_1013, %sub3A_1014 : vector<8x32x64xf32>
      %integer_pow3A_1016 = arith.mulf %sub3A_1015, %sub3A_1015 : vector<8x32x64xf32>
      %reduce_sum3A_1017 = arith.constant dense<0.000000e+00> : vector<32x64xf32>
      %reduce_sum3A_1018 = vector.multi_reduction <add>, %integer_pow3A_1016, %reduce_sum3A_1017 [0] : vector<8x32x64xf32> to vector<32x64xf32>
      %broadcast_in_dim3A_1019 = vector.shape_cast %reshape3A_1000 : vector<8x32xf32> to vector<8x32x1xf32>
      %broadcast_in_dim3A_1020 = vector.shape_cast %reshape3A_1010 : vector<8x64xf32> to vector<8x1x64xf32>
      %sub3A_1021 = vector.broadcast %broadcast_in_dim3A_1019 : vector<8x32x1xf32> to vector<8x32x64xf32>
      %sub3A_1022 = vector.broadcast %broadcast_in_dim3A_1020 : vector<8x1x64xf32> to vector<8x32x64xf32>
      %sub3A_1023 = arith.subf %sub3A_1021, %sub3A_1022 : vector<8x32x64xf32>
      %integer_pow3A_1024 = arith.mulf %sub3A_1023, %sub3A_1023 : vector<8x32x64xf32>
      %reduce_sum3A_1025 = arith.constant dense<0.000000e+00> : vector<32x64xf32>
      %reduce_sum3A_1026 = vector.multi_reduction <add>, %integer_pow3A_1024, %reduce_sum3A_1025 [0] : vector<8x32x64xf32> to vector<32x64xf32>
      %le3A_1027 = arith.constant 2.250000e+00 : f32
      %le3A_1028 = vector.broadcast %le3A_1027 : f32 to vector<32x64xf32>
      %le3A_1029 = arith.cmpf ole, %reduce_sum3A_1018, %le3A_1028 : vector<32x64xf32>
      %convert_element_type3A_1030 = arith.sitofp %div3A_939 : i32 to f32
      %jit3A_1031 = arith.constant 0.000000e+00 : f32
      %broadcast_in_dim3A_1032 = vector.broadcast %convert_element_type3A_1030 : f32 to vector<32x64xf32>
      %broadcast_in_dim3A_1033 = vector.broadcast %jit3A_1031 : f32 to vector<32x64xf32>
      %select_n3A_1034 = arith.select %le3A_1029, %broadcast_in_dim3A_1032, %broadcast_in_dim3A_1033 : vector<32x64xi1>, vector<32x64xf32>
      %broadcast_in_dim3A_1035 = vector.shape_cast %select_n3A_1034 : vector<32x64xf32> to vector<32x64x1xf32>
      %le3A_1036 = arith.constant 2.250000e+00 : f32
      %le3A_1037 = vector.broadcast %le3A_1036 : f32 to vector<32x64xf32>
      %le3A_1038 = arith.cmpf ole, %reduce_sum3A_1026, %le3A_1037 : vector<32x64xf32>
      %mul3A_1039 = arith.muli %rem3A_937, %div3A_939 : i32
      %convert_element_type3A_1040 = arith.sitofp %mul3A_1039 : i32 to f32
      %jit3A_1041 = arith.constant 0.000000e+00 : f32
      %broadcast_in_dim3A_1042 = vector.broadcast %convert_element_type3A_1040 : f32 to vector<32x64xf32>
      %broadcast_in_dim3A_1043 = vector.broadcast %jit3A_1041 : f32 to vector<32x64xf32>
      %select_n3A_1044 = arith.select %le3A_1038, %broadcast_in_dim3A_1042, %broadcast_in_dim3A_1043 : vector<32x64xi1>, vector<32x64xf32>
      %broadcast_in_dim3A_1045 = vector.shape_cast %select_n3A_1044 : vector<32x64xf32> to vector<32x64x1xf32>
      %iota3A_1046 = tpu.iota {dimensions = array<i32: 2>} : vector<32x64x128xi32>
      %lt3A_1047 = arith.constant 64 : i32
      %lt3A_1048 = vector.broadcast %lt3A_1047 : i32 to vector<32x64x128xi32>
      %lt3A_1049 = arith.cmpi slt, %iota3A_1046, %lt3A_1048 : vector<32x64x128xi32>
      %broadcast_in_dim3A_1050 = vector.shape_cast %broadcast_in_dim3A_1035 : vector<32x64x1xf32> to vector<32x64x1xf32>
      %broadcast_in_dim3A_1051 = vector.broadcast %broadcast_in_dim3A_1050 : vector<32x64x1xf32> to vector<32x64x128xf32>
      %broadcast_in_dim3A_1052 = vector.shape_cast %broadcast_in_dim3A_1045 : vector<32x64x1xf32> to vector<32x64x1xf32>
      %broadcast_in_dim3A_1053 = vector.broadcast %broadcast_in_dim3A_1052 : vector<32x64x1xf32> to vector<32x64x128xf32>
      %select_n3A_1054 = arith.select %lt3A_1049, %broadcast_in_dim3A_1051, %broadcast_in_dim3A_1053 : vector<32x64x128xi1>, vector<32x64x128xf32>
      %reshape3A_1055 = vector.shape_cast %mul3A_995 : vector<2048x128xf32> to vector<32x64x128xf32>
      %mul3A_1056 = arith.mulf %reshape3A_1055, %select_n3A_1054 : vector<32x64x128xf32>
      %reduce_sum3A_1057 = arith.constant dense<0.000000e+00> : vector<32x128xf32>
      %reduce_sum3A_1058 = vector.multi_reduction <add>, %mul3A_1056, %reduce_sum3A_1057 [1] : vector<32x64x128xf32> to vector<32x128xf32>
      %slice3A_1059 = vector.extract_strided_slice %reduce_sum3A_1058 {offsets = [0, 0], sizes = [32, 64], strides = [1, 1]} : vector<32x128xf32> to vector<32x64xf32>
      %slice3A_1060 = vector.extract_strided_slice %reduce_sum3A_1058 {offsets = [0, 64], sizes = [32, 64], strides = [1, 1]} : vector<32x128xf32> to vector<32x64xf32>
      %add3A_1061 = arith.addf %slice3A_1059, %slice3A_1060 : vector<32x64xf32>
      %get3A_1062 = arith.index_cast %mul3A_793 : i32 to index
      %get3A_1063 = arith.constant 0 : index
      %get3A_1064 = vector.load %arg56[%get3A_1062, %get3A_1063] : memref<3072x64xf32, #tpu.memory_space<vmem>>, vector<32x64xf32>
      %add3A_1065 = arith.addf %get3A_1064, %add3A_909 : vector<32x64xf32>
      %swap3A_1066 = arith.index_cast %mul3A_793 : i32 to index
      %swap3A_1067 = arith.constant 0 : index
      %swap3A_1068 = vector.load %arg56[%swap3A_1066, %swap3A_1067] : memref<3072x64xf32, #tpu.memory_space<vmem>>, vector<32x64xf32>
      tpu.vector_store %arg56[%swap3A_1066, %swap3A_1067], %add3A_1065 {strides = array<i32>} : memref<3072x64xf32, #tpu.memory_space<vmem>>, vector<32x64xf32>,
      %get3A_1069 = arith.index_cast %mul3A_941 : i32 to index
      %get3A_1070 = arith.constant 0 : index
      %get3A_1071 = vector.load %arg56[%get3A_1069, %get3A_1070] : memref<3072x64xf32, #tpu.memory_space<vmem>>, vector<32x64xf32>
      %add3A_1072 = arith.addf %get3A_1071, %add3A_1061 : vector<32x64xf32>
      %swap3A_1073 = arith.index_cast %mul3A_941 : i32 to index
      %swap3A_1074 = arith.constant 0 : index
      %swap3A_1075 = vector.load %arg56[%swap3A_1073, %swap3A_1074] : memref<3072x64xf32, #tpu.memory_space<vmem>>, vector<32x64xf32>
      tpu.vector_store %arg56[%swap3A_1073, %swap3A_1074], %add3A_1072 {strides = array<i32>} : memref<3072x64xf32, #tpu.memory_space<vmem>>, vector<32x64xf32>,
    }
    %while3A_600 = arith.constant 1 : i32
    scf.for %while3A_763 = %while3A_598 to %while3A_594 step %while3A_600  : i32 {
      %mul3A_764 = arith.constant 2 : i32
      %mul3A_765 = arith.muli %mul3A_764, %while3A_763 : i32
      %get3A_766 = arith.index_cast %mul3A_765 : i32 to index
      %get3A_767 = memref.load %arg1[%get3A_766] : memref<2400xi32, #tpu.memory_space<smem>>
      %rem3A_768 = arith.constant 128 : i32
      %rem3A_769 = arith.remsi %get3A_767, %rem3A_768 : i32
      %div3A_770 = arith.constant 128 : i32
      %div3A_771 = arith.divsi %get3A_767, %div3A_770 : i32
      %rem3A_772 = arith.constant 64 : i32
      %rem3A_773 = arith.remsi %div3A_771, %rem3A_772 : i32
      %div3A_774 = arith.constant 8192 : i32
      %div3A_775 = arith.divsi %get3A_767, %div3A_774 : i32
      %rem3A_776 = arith.constant 64 : i32
      %rem3A_777 = arith.remsi %div3A_775, %rem3A_776 : i32
      %div3A_778 = arith.constant 524288 : i32
      %div3A_779 = arith.divsi %get3A_767, %div3A_778 : i32
      %rem3A_780 = arith.constant 4 : i32
      %rem3A_781 = arith.remsi %div3A_779, %rem3A_780 : i32
      %div3A_782 = arith.constant 2097152 : i32
      %div3A_783 = arith.divsi %get3A_767, %div3A_782 : i32
      %rem3A_784 = arith.constant 4 : i32
      %rem3A_785 = arith.remsi %div3A_783, %rem3A_784 : i32
      %div3A_786 = arith.constant 8388608 : i32
      %div3A_787 = arith.divsi %get3A_767, %div3A_786 : i32
      %rem3A_788 = arith.constant 2 : i32
      %rem3A_789 = arith.remsi %div3A_787, %rem3A_788 : i32
      %div3A_790 = arith.constant 16777216 : i32
      %div3A_791 = arith.divsi %get3A_767, %div3A_790 : i32
      %mul3A_792 = arith.constant 32 : i32
      %mul3A_793 = arith.muli %rem3A_769, %mul3A_792 : i32
      %get3A_794 = arith.index_cast %mul3A_793 : i32 to index
      %get3A_795 = arith.constant 0 : index
      %get3A_796 = vector.load %arg54[%get3A_794, %get3A_795] : memref<3072x64xf32, #tpu.memory_space<vmem>>, vector<32x64xf32>
      %concatenate3A = tpu.concatenate %get3A_796, %get3A_796 in 1 : vector<32x64xf32>, vector<32x64xf32> -> vector<32x128xf32>
      %mul3A_797 = arith.constant 64 : i32
      %mul3A_798 = arith.muli %rem3A_773, %mul3A_797 : i32
      %get3A_799 = arith.index_cast %mul3A_798 : i32 to index
      %get3A_800 = arith.constant 0 : index
      %get3A_801 = vector.load %arg55[%get3A_799, %get3A_800] : memref<3072x64xf32, #tpu.memory_space<vmem>>, vector<64x64xf32>
      %mul3A_802 = arith.constant 64 : i32
      %mul3A_803 = arith.muli %rem3A_777, %mul3A_802 : i32
      %get3A_804 = arith.index_cast %mul3A_803 : i32 to index
      %get3A_805 = arith.constant 0 : index
      %get3A_806 = vector.load %arg55[%get3A_804, %get3A_805] : memref<3072x64xf32, #tpu.memory_space<vmem>>, vector<64x64xf32>
      %concatenate3A_807 = tpu.concatenate %get3A_801, %get3A_806 in 1 : vector<64x64xf32>, vector<64x64xf32> -> vector<64x128xf32>
      %get3A_808 = arith.constant 3 : index
      %get3A_809 = arith.index_cast %rem3A_781 : i32 to index
      %get3A_810 = arith.constant 0 : index
      %get3A_811 = vector.load %arg27[%get3A_808, %get3A_809, %get3A_810] : memref<4x3x64xf32, #tpu.memory_space<vmem>>, vector<1x1x64xf32>
      %get3A_812 = vector.shape_cast %get3A_811 : vector<1x1x64xf32> to vector<1x64xf32>
      %get3A_813 = arith.constant 3 : index
      %get3A_814 = arith.index_cast %rem3A_785 : i32 to index
      %get3A_815 = arith.constant 0 : index
      %get3A_816 = vector.load %arg27[%get3A_813, %get3A_814, %get3A_815] : memref<4x3x64xf32, #tpu.memory_space<vmem>>, vector<1x1x64xf32>
      %get3A_817 = vector.shape_cast %get3A_816 : vector<1x1x64xf32> to vector<1x64xf32>
      %concatenate3A_818 = tpu.concatenate %get3A_812, %get3A_817 in 1 : vector<1x64xf32>, vector<1x64xf32> -> vector<1x128xf32>
      %broadcast_in_dim3A_819 = vector.shape_cast %concatenate3A : vector<32x128xf32> to vector<32x1x128xf32>
      %broadcast_in_dim3A_820 = vector.shape_cast %concatenate3A_807 : vector<64x128xf32> to vector<1x64x128xf32>
      %add3A_821 = vector.broadcast %broadcast_in_dim3A_819 : vector<32x1x128xf32> to vector<32x64x128xf32>
      %add3A_822 = vector.broadcast %broadcast_in_dim3A_820 : vector<1x64x128xf32> to vector<32x64x128xf32>
      %add3A_823 = arith.addf %add3A_821, %add3A_822 : vector<32x64x128xf32>
      %broadcast_in_dim3A_824 = vector.shape_cast %concatenate3A_818 : vector<1x128xf32> to vector<1x1x128xf32>
      %add3A_825 = vector.broadcast %broadcast_in_dim3A_824 : vector<1x1x128xf32> to vector<32x64x128xf32>
      %add3A_826 = arith.addf %add3A_823, %add3A_825 : vector<32x64x128xf32>
      %reshape3A_827 = vector.shape_cast %add3A_826 : vector<32x64x128xf32> to vector<2048x128xf32>
      %logistic3A_828 = arith.negf %reshape3A_827 : vector<2048x128xf32>
      %logistic3A_829 = math.exp %logistic3A_828 : vector<2048x128xf32>
      %logistic3A_830 = arith.constant 1.000000e+00 : f32
      %logistic3A_831 = vector.broadcast %logistic3A_830 : f32 to vector<2048x128xf32>
      %logistic3A_832 = arith.addf %logistic3A_831, %logistic3A_829 : vector<2048x128xf32>
      %logistic3A_833 = arith.divf %logistic3A_831, %logistic3A_832 : vector<2048x128xf32>
      %mul3A_834 = arith.mulf %reshape3A_827, %logistic3A_833 : vector<2048x128xf32>
      %dot_general3A_835 = arith.constant dense<0.000000e+00> : vector<2048x128xf32>
      %dot_general3A_836 = tpu.matmul %mul3A_834, %get3A_560, %dot_general3A_835 {dimension_numbers = #tpu.dot_dimension_numbers<[1], [0], [0], [1], [0, 0, 1, 1], [], []>, transpose_lhs_hint = false} : vector<2048x128xf32>, vector<128x128xf32>, vector<2048x128xf32> -> vector<2048x128xf32>
      %broadcast_in_dim3A_837 = vector.shape_cast %get3A_564 : vector<128xf32> to vector<1x128xf32>
      %add3A_838 = vector.broadcast %broadcast_in_dim3A_837 : vector<1x128xf32> to vector<2048x128xf32>
      %add3A_839 = arith.addf %dot_general3A_836, %add3A_838 : vector<2048x128xf32>
      %logistic3A_840 = arith.negf %add3A_839 : vector<2048x128xf32>
      %logistic3A_841 = math.exp %logistic3A_840 : vector<2048x128xf32>
      %logistic3A_842 = arith.constant 1.000000e+00 : f32
      %logistic3A_843 = vector.broadcast %logistic3A_842 : f32 to vector<2048x128xf32>
      %logistic3A_844 = arith.addf %logistic3A_843, %logistic3A_841 : vector<2048x128xf32>
      %logistic3A_845 = arith.divf %logistic3A_843, %logistic3A_844 : vector<2048x128xf32>
      %mul3A_846 = arith.mulf %add3A_839, %logistic3A_845 : vector<2048x128xf32>
      %get3A_847 = arith.index_cast %rem3A_769 : i32 to index
      %get3A_848 = arith.constant 0 : index
      %get3A_849 = arith.constant 0 : index
      %get3A_850 = vector.load %arg5[%get3A_847, %get3A_848, %get3A_849] : memref<96x8x32xf32, #tpu.memory_space<vmem>>, vector<1x8x32xf32>
      %reshape3A_851 = vector.shape_cast %get3A_850 : vector<1x8x32xf32> to vector<8x32xf32>
      %get3A_852 = arith.index_cast %rem3A_773 : i32 to index
      %get3A_853 = arith.constant 0 : index
      %get3A_854 = arith.constant 0 : index
      %get3A_855 = vector.load %arg6[%get3A_852, %get3A_853, %get3A_854] : memref<48x8x64xf32, #tpu.memory_space<vmem>>, vector<1x8x64xf32>
      %reshape3A_856 = vector.shape_cast %get3A_855 : vector<1x8x64xf32> to vector<8x64xf32>
      %get3A_857 = arith.index_cast %rem3A_777 : i32 to index
      %get3A_858 = arith.constant 0 : index
      %get3A_859 = arith.constant 0 : index
      %get3A_860 = vector.load %arg6[%get3A_857, %get3A_858, %get3A_859] : memref<48x8x64xf32, #tpu.memory_space<vmem>>, vector<1x8x64xf32>
      %reshape3A_861 = vector.shape_cast %get3A_860 : vector<1x8x64xf32> to vector<8x64xf32>
      %broadcast_in_dim3A_862 = vector.shape_cast %reshape3A_851 : vector<8x32xf32> to vector<8x32x1xf32>
      %broadcast_in_dim3A_863 = vector.shape_cast %reshape3A_856 : vector<8x64xf32> to vector<8x1x64xf32>
      %sub3A_864 = vector.broadcast %broadcast_in_dim3A_862 : vector<8x32x1xf32> to vector<8x32x64xf32>
      %sub3A_865 = vector.broadcast %broadcast_in_dim3A_863 : vector<8x1x64xf32> to vector<8x32x64xf32>
      %sub3A_866 = arith.subf %sub3A_864, %sub3A_865 : vector<8x32x64xf32>
      %integer_pow3A = arith.mulf %sub3A_866, %sub3A_866 : vector<8x32x64xf32>
      %reduce_sum3A_867 = arith.constant dense<0.000000e+00> : vector<32x64xf32>
      %reduce_sum3A_868 = vector.multi_reduction <add>, %integer_pow3A, %reduce_sum3A_867 [0] : vector<8x32x64xf32> to vector<32x64xf32>
      %broadcast_in_dim3A_869 = vector.shape_cast %reshape3A_851 : vector<8x32xf32> to vector<8x32x1xf32>
      %broadcast_in_dim3A_870 = vector.shape_cast %reshape3A_861 : vector<8x64xf32> to vector<8x1x64xf32>
      %sub3A_871 = vector.broadcast %broadcast_in_dim3A_869 : vector<8x32x1xf32> to vector<8x32x64xf32>
      %sub3A_872 = vector.broadcast %broadcast_in_dim3A_870 : vector<8x1x64xf32> to vector<8x32x64xf32>
      %sub3A_873 = arith.subf %sub3A_871, %sub3A_872 : vector<8x32x64xf32>
      %integer_pow3A_874 = arith.mulf %sub3A_873, %sub3A_873 : vector<8x32x64xf32>
      %reduce_sum3A_875 = arith.constant dense<0.000000e+00> : vector<32x64xf32>
      %reduce_sum3A_876 = vector.multi_reduction <add>, %integer_pow3A_874, %reduce_sum3A_875 [0] : vector<8x32x64xf32> to vector<32x64xf32>
      %le3A = arith.constant 2.250000e+00 : f32
      %le3A_877 = vector.broadcast %le3A : f32 to vector<32x64xf32>
      %le3A_878 = arith.cmpf ole, %reduce_sum3A_868, %le3A_877 : vector<32x64xf32>
      %convert_element_type3A_879 = arith.sitofp %div3A_791 : i32 to f32
      %jit3A_880 = arith.constant 0.000000e+00 : f32
      %broadcast_in_dim3A_881 = vector.broadcast %convert_element_type3A_879 : f32 to vector<32x64xf32>
      %broadcast_in_dim3A_882 = vector.broadcast %jit3A_880 : f32 to vector<32x64xf32>
      %select_n3A_883 = arith.select %le3A_878, %broadcast_in_dim3A_881, %broadcast_in_dim3A_882 : vector<32x64xi1>, vector<32x64xf32>
      %broadcast_in_dim3A_884 = vector.shape_cast %select_n3A_883 : vector<32x64xf32> to vector<32x64x1xf32>
      %le3A_885 = arith.constant 2.250000e+00 : f32
      %le3A_886 = vector.broadcast %le3A_885 : f32 to vector<32x64xf32>
      %le3A_887 = arith.cmpf ole, %reduce_sum3A_876, %le3A_886 : vector<32x64xf32>
      %mul3A_888 = arith.muli %rem3A_789, %div3A_791 : i32
      %convert_element_type3A_889 = arith.sitofp %mul3A_888 : i32 to f32
      %jit3A_890 = arith.constant 0.000000e+00 : f32
      %broadcast_in_dim3A_891 = vector.broadcast %convert_element_type3A_889 : f32 to vector<32x64xf32>
      %broadcast_in_dim3A_892 = vector.broadcast %jit3A_890 : f32 to vector<32x64xf32>
      %select_n3A_893 = arith.select %le3A_887, %broadcast_in_dim3A_891, %broadcast_in_dim3A_892 : vector<32x64xi1>, vector<32x64xf32>
      %broadcast_in_dim3A_894 = vector.shape_cast %select_n3A_893 : vector<32x64xf32> to vector<32x64x1xf32>
      %iota3A_895 = tpu.iota {dimensions = array<i32: 2>} : vector<32x64x128xi32>
      %lt3A = arith.constant 64 : i32
      %lt3A_896 = vector.broadcast %lt3A : i32 to vector<32x64x128xi32>
      %lt3A_897 = arith.cmpi slt, %iota3A_895, %lt3A_896 : vector<32x64x128xi32>
      %broadcast_in_dim3A_898 = vector.shape_cast %broadcast_in_dim3A_884 : vector<32x64x1xf32> to vector<32x64x1xf32>
      %broadcast_in_dim3A_899 = vector.broadcast %broadcast_in_dim3A_898 : vector<32x64x1xf32> to vector<32x64x128xf32>
      %broadcast_in_dim3A_900 = vector.shape_cast %broadcast_in_dim3A_894 : vector<32x64x1xf32> to vector<32x64x1xf32>
      %broadcast_in_dim3A_901 = vector.broadcast %broadcast_in_dim3A_900 : vector<32x64x1xf32> to vector<32x64x128xf32>
      %select_n3A_902 = arith.select %lt3A_897, %broadcast_in_dim3A_899, %broadcast_in_dim3A_901 : vector<32x64x128xi1>, vector<32x64x128xf32>
      %reshape3A_903 = vector.shape_cast %mul3A_846 : vector<2048x128xf32> to vector<32x64x128xf32>
      %mul3A_904 = arith.mulf %reshape3A_903, %select_n3A_902 : vector<32x64x128xf32>
      %reduce_sum3A_905 = arith.constant dense<0.000000e+00> : vector<32x128xf32>
      %reduce_sum3A_906 = vector.multi_reduction <add>, %mul3A_904, %reduce_sum3A_905 [1] : vector<32x64x128xf32> to vector<32x128xf32>
      %slice3A_907 = vector.extract_strided_slice %reduce_sum3A_906 {offsets = [0, 0], sizes = [32, 64], strides = [1, 1]} : vector<32x128xf32> to vector<32x64xf32>
      %slice3A_908 = vector.extract_strided_slice %reduce_sum3A_906 {offsets = [0, 64], sizes = [32, 64], strides = [1, 1]} : vector<32x128xf32> to vector<32x64xf32>
      %add3A_909 = arith.addf %slice3A_907, %slice3A_908 : vector<32x64xf32>
      %mul3A_910 = arith.constant 2 : i32
      %mul3A_911 = arith.muli %mul3A_910, %while3A_763 : i32
      %add3A_912 = arith.constant 1 : i32
      %add3A_913 = arith.addi %mul3A_911, %add3A_912 : i32
      %get3A_914 = arith.index_cast %add3A_913 : i32 to index
      %get3A_915 = memref.load %arg1[%get3A_914] : memref<2400xi32, #tpu.memory_space<smem>>
      %rem3A_916 = arith.constant 128 : i32
      %rem3A_917 = arith.remsi %get3A_915, %rem3A_916 : i32
      %div3A_918 = arith.constant 128 : i32
      %div3A_919 = arith.divsi %get3A_915, %div3A_918 : i32
      %rem3A_920 = arith.constant 64 : i32
      %rem3A_921 = arith.remsi %div3A_919, %rem3A_920 : i32
      %div3A_922 = arith.constant 8192 : i32
      %div3A_923 = arith.divsi %get3A_915, %div3A_922 : i32
      %rem3A_924 = arith.constant 64 : i32
      %rem3A_925 = arith.remsi %div3A_923, %rem3A_924 : i32
      %div3A_926 = arith.constant 524288 : i32
      %div3A_927 = arith.divsi %get3A_915, %div3A_926 : i32
      %rem3A_928 = arith.constant 4 : i32
      %rem3A_929 = arith.remsi %div3A_927, %rem3A_928 : i32
      %div3A_930 = arith.constant 2097152 : i32
      %div3A_931 = arith.divsi %get3A_915, %div3A_930 : i32
      %rem3A_932 = arith.constant 4 : i32
      %rem3A_933 = arith.remsi %div3A_931, %rem3A_932 : i32
      %div3A_934 = arith.constant 8388608 : i32
      %div3A_935 = arith.divsi %get3A_915, %div3A_934 : i32
      %rem3A_936 = arith.constant 2 : i32
      %rem3A_937 = arith.remsi %div3A_935, %rem3A_936 : i32
      %div3A_938 = arith.constant 16777216 : i32
      %div3A_939 = arith.divsi %get3A_915, %div3A_938 : i32
      %mul3A_940 = arith.constant 32 : i32
      %mul3A_941 = arith.muli %rem3A_917, %mul3A_940 : i32
      %get3A_942 = arith.index_cast %mul3A_941 : i32 to index
      %get3A_943 = arith.constant 0 : index
      %get3A_944 = vector.load %arg54[%get3A_942, %get3A_943] : memref<3072x64xf32, #tpu.memory_space<vmem>>, vector<32x64xf32>
      %concatenate3A_945 = tpu.concatenate %get3A_944, %get3A_944 in 1 : vector<32x64xf32>, vector<32x64xf32> -> vector<32x128xf32>
      %mul3A_946 = arith.constant 64 : i32
      %mul3A_947 = arith.muli %rem3A_921, %mul3A_946 : i32
      %get3A_948 = arith.index_cast %mul3A_947 : i32 to index
      %get3A_949 = arith.constant 0 : index
      %get3A_950 = vector.load %arg55[%get3A_948, %get3A_949] : memref<3072x64xf32, #tpu.memory_space<vmem>>, vector<64x64xf32>
      %mul3A_951 = arith.constant 64 : i32
      %mul3A_952 = arith.muli %rem3A_925, %mul3A_951 : i32
      %get3A_953 = arith.index_cast %mul3A_952 : i32 to index
      %get3A_954 = arith.constant 0 : index
      %get3A_955 = vector.load %arg55[%get3A_953, %get3A_954] : memref<3072x64xf32, #tpu.memory_space<vmem>>, vector<64x64xf32>
      %concatenate3A_956 = tpu.concatenate %get3A_950, %get3A_955 in 1 : vector<64x64xf32>, vector<64x64xf32> -> vector<64x128xf32>
      %get3A_957 = arith.constant 3 : index
      %get3A_958 = arith.index_cast %rem3A_929 : i32 to index
      %get3A_959 = arith.constant 0 : index
      %get3A_960 = vector.load %arg27[%get3A_957, %get3A_958, %get3A_959] : memref<4x3x64xf32, #tpu.memory_space<vmem>>, vector<1x1x64xf32>
      %get3A_961 = vector.shape_cast %get3A_960 : vector<1x1x64xf32> to vector<1x64xf32>
      %get3A_962 = arith.constant 3 : index
      %get3A_963 = arith.index_cast %rem3A_933 : i32 to index
      %get3A_964 = arith.constant 0 : index
      %get3A_965 = vector.load %arg27[%get3A_962, %get3A_963, %get3A_964] : memref<4x3x64xf32, #tpu.memory_space<vmem>>, vector<1x1x64xf32>
      %get3A_966 = vector.shape_cast %get3A_965 : vector<1x1x64xf32> to vector<1x64xf32>
      %concatenate3A_967 = tpu.concatenate %get3A_961, %get3A_966 in 1 : vector<1x64xf32>, vector<1x64xf32> -> vector<1x128xf32>
      %broadcast_in_dim3A_968 = vector.shape_cast %concatenate3A_945 : vector<32x128xf32> to vector<32x1x128xf32>
      %broadcast_in_dim3A_969 = vector.shape_cast %concatenate3A_956 : vector<64x128xf32> to vector<1x64x128xf32>
      %add3A_970 = vector.broadcast %broadcast_in_dim3A_968 : vector<32x1x128xf32> to vector<32x64x128xf32>
      %add3A_971 = vector.broadcast %broadcast_in_dim3A_969 : vector<1x64x128xf32> to vector<32x64x128xf32>
      %add3A_972 = arith.addf %add3A_970, %add3A_971 : vector<32x64x128xf32>
      %broadcast_in_dim3A_973 = vector.shape_cast %concatenate3A_967 : vector<1x128xf32> to vector<1x1x128xf32>
      %add3A_974 = vector.broadcast %broadcast_in_dim3A_973 : vector<1x1x128xf32> to vector<32x64x128xf32>
      %add3A_975 = arith.addf %add3A_972, %add3A_974 : vector<32x64x128xf32>
      %reshape3A_976 = vector.shape_cast %add3A_975 : vector<32x64x128xf32> to vector<2048x128xf32>
      %logistic3A_977 = arith.negf %reshape3A_976 : vector<2048x128xf32>
      %logistic3A_978 = math.exp %logistic3A_977 : vector<2048x128xf32>
      %logistic3A_979 = arith.constant 1.000000e+00 : f32
      %logistic3A_980 = vector.broadcast %logistic3A_979 : f32 to vector<2048x128xf32>
      %logistic3A_981 = arith.addf %logistic3A_980, %logistic3A_978 : vector<2048x128xf32>
      %logistic3A_982 = arith.divf %logistic3A_980, %logistic3A_981 : vector<2048x128xf32>
      %mul3A_983 = arith.mulf %reshape3A_976, %logistic3A_982 : vector<2048x128xf32>
      %dot_general3A_984 = arith.constant dense<0.000000e+00> : vector<2048x128xf32>
      %dot_general3A_985 = tpu.matmul %mul3A_983, %get3A_560, %dot_general3A_984 {dimension_numbers = #tpu.dot_dimension_numbers<[1], [0], [0], [1], [0, 0, 1, 1], [], []>, transpose_lhs_hint = false} : vector<2048x128xf32>, vector<128x128xf32>, vector<2048x128xf32> -> vector<2048x128xf32>
      %broadcast_in_dim3A_986 = vector.shape_cast %get3A_564 : vector<128xf32> to vector<1x128xf32>
      %add3A_987 = vector.broadcast %broadcast_in_dim3A_986 : vector<1x128xf32> to vector<2048x128xf32>
      %add3A_988 = arith.addf %dot_general3A_985, %add3A_987 : vector<2048x128xf32>
      %logistic3A_989 = arith.negf %add3A_988 : vector<2048x128xf32>
      %logistic3A_990 = math.exp %logistic3A_989 : vector<2048x128xf32>
      %logistic3A_991 = arith.constant 1.000000e+00 : f32
      %logistic3A_992 = vector.broadcast %logistic3A_991 : f32 to vector<2048x128xf32>
      %logistic3A_993 = arith.addf %logistic3A_992, %logistic3A_990 : vector<2048x128xf32>
      %logistic3A_994 = arith.divf %logistic3A_992, %logistic3A_993 : vector<2048x128xf32>
      %mul3A_995 = arith.mulf %add3A_988, %logistic3A_994 : vector<2048x128xf32>
      %get3A_996 = arith.index_cast %rem3A_917 : i32 to index
      %get3A_997 = arith.constant 0 : index
      %get3A_998 = arith.constant 0 : index
      %get3A_999 = vector.load %arg5[%get3A_996, %get3A_997, %get3A_998] : memref<96x8x32xf32, #tpu.memory_space<vmem>>, vector<1x8x32xf32>
      %reshape3A_1000 = vector.shape_cast %get3A_999 : vector<1x8x32xf32> to vector<8x32xf32>
      %get3A_1001 = arith.index_cast %rem3A_921 : i32 to index
      %get3A_1002 = arith.constant 0 : index
      %get3A_1003 = arith.constant 0 : index
      %get3A_1004 = vector.load %arg6[%get3A_1001, %get3A_1002, %get3A_1003] : memref<48x8x64xf32, #tpu.memory_space<vmem>>, vector<1x8x64xf32>
      %reshape3A_1005 = vector.shape_cast %get3A_1004 : vector<1x8x64xf32> to vector<8x64xf32>
      %get3A_1006 = arith.index_cast %rem3A_925 : i32 to index
      %get3A_1007 = arith.constant 0 : index
      %get3A_1008 = arith.constant 0 : index
      %get3A_1009 = vector.load %arg6[%get3A_1006, %get3A_1007, %get3A_1008] : memref<48x8x64xf32, #tpu.memory_space<vmem>>, vector<1x8x64xf32>
      %reshape3A_1010 = vector.shape_cast %get3A_1009 : vector<1x8x64xf32> to vector<8x64xf32>
      %broadcast_in_dim3A_1011 = vector.shape_cast %reshape3A_1000 : vector<8x32xf32> to vector<8x32x1xf32>
      %broadcast_in_dim3A_1012 = vector.shape_cast %reshape3A_1005 : vector<8x64xf32> to vector<8x1x64xf32>
      %sub3A_1013 = vector.broadcast %broadcast_in_dim3A_1011 : vector<8x32x1xf32> to vector<8x32x64xf32>
      %sub3A_1014 = vector.broadcast %broadcast_in_dim3A_1012 : vector<8x1x64xf32> to vector<8x32x64xf32>
      %sub3A_1015 = arith.subf %sub3A_1013, %sub3A_1014 : vector<8x32x64xf32>
      %integer_pow3A_1016 = arith.mulf %sub3A_1015, %sub3A_1015 : vector<8x32x64xf32>
      %reduce_sum3A_1017 = arith.constant dense<0.000000e+00> : vector<32x64xf32>
      %reduce_sum3A_1018 = vector.multi_reduction <add>, %integer_pow3A_1016, %reduce_sum3A_1017 [0] : vector<8x32x64xf32> to vector<32x64xf32>
      %broadcast_in_dim3A_1019 = vector.shape_cast %reshape3A_1000 : vector<8x32xf32> to vector<8x32x1xf32>
      %broadcast_in_dim3A_1020 = vector.shape_cast %reshape3A_1010 : vector<8x64xf32> to vector<8x1x64xf32>
      %sub3A_1021 = vector.broadcast %broadcast_in_dim3A_1019 : vector<8x32x1xf32> to vector<8x32x64xf32>
      %sub3A_1022 = vector.broadcast %broadcast_in_dim3A_1020 : vector<8x1x64xf32> to vector<8x32x64xf32>
      %sub3A_1023 = arith.subf %sub3A_1021, %sub3A_1022 : vector<8x32x64xf32>
      %integer_pow3A_1024 = arith.mulf %sub3A_1023, %sub3A_1023 : vector<8x32x64xf32>
      %reduce_sum3A_1025 = arith.constant dense<0.000000e+00> : vector<32x64xf32>
      %reduce_sum3A_1026 = vector.multi_reduction <add>, %integer_pow3A_1024, %reduce_sum3A_1025 [0] : vector<8x32x64xf32> to vector<32x64xf32>
      %le3A_1027 = arith.constant 2.250000e+00 : f32
      %le3A_1028 = vector.broadcast %le3A_1027 : f32 to vector<32x64xf32>
      %le3A_1029 = arith.cmpf ole, %reduce_sum3A_1018, %le3A_1028 : vector<32x64xf32>
      %convert_element_type3A_1030 = arith.sitofp %div3A_939 : i32 to f32
      %jit3A_1031 = arith.constant 0.000000e+00 : f32
      %broadcast_in_dim3A_1032 = vector.broadcast %convert_element_type3A_1030 : f32 to vector<32x64xf32>
      %broadcast_in_dim3A_1033 = vector.broadcast %jit3A_1031 : f32 to vector<32x64xf32>
      %select_n3A_1034 = arith.select %le3A_1029, %broadcast_in_dim3A_1032, %broadcast_in_dim3A_1033 : vector<32x64xi1>, vector<32x64xf32>
      %broadcast_in_dim3A_1035 = vector.shape_cast %select_n3A_1034 : vector<32x64xf32> to vector<32x64x1xf32>
      %le3A_1036 = arith.constant 2.250000e+00 : f32
      %le3A_1037 = vector.broadcast %le3A_1036 : f32 to vector<32x64xf32>
      %le3A_1038 = arith.cmpf ole, %reduce_sum3A_1026, %le3A_1037 : vector<32x64xf32>
      %mul3A_1039 = arith.muli %rem3A_937, %div3A_939 : i32
      %convert_element_type3A_1040 = arith.sitofp %mul3A_1039 : i32 to f32
      %jit3A_1041 = arith.constant 0.000000e+00 : f32
      %broadcast_in_dim3A_1042 = vector.broadcast %convert_element_type3A_1040 : f32 to vector<32x64xf32>
      %broadcast_in_dim3A_1043 = vector.broadcast %jit3A_1041 : f32 to vector<32x64xf32>
      %select_n3A_1044 = arith.select %le3A_1038, %broadcast_in_dim3A_1042, %broadcast_in_dim3A_1043 : vector<32x64xi1>, vector<32x64xf32>
      %broadcast_in_dim3A_1045 = vector.shape_cast %select_n3A_1044 : vector<32x64xf32> to vector<32x64x1xf32>
      %iota3A_1046 = tpu.iota {dimensions = array<i32: 2>} : vector<32x64x128xi32>
      %lt3A_1047 = arith.constant 64 : i32
      %lt3A_1048 = vector.broadcast %lt3A_1047 : i32 to vector<32x64x128xi32>
      %lt3A_1049 = arith.cmpi slt, %iota3A_1046, %lt3A_1048 : vector<32x64x128xi32>
      %broadcast_in_dim3A_1050 = vector.shape_cast %broadcast_in_dim3A_1035 : vector<32x64x1xf32> to vector<32x64x1xf32>
      %broadcast_in_dim3A_1051 = vector.broadcast %broadcast_in_dim3A_1050 : vector<32x64x1xf32> to vector<32x64x128xf32>
      %broadcast_in_dim3A_1052 = vector.shape_cast %broadcast_in_dim3A_1045 : vector<32x64x1xf32> to vector<32x64x1xf32>
      %broadcast_in_dim3A_1053 = vector.broadcast %broadcast_in_dim3A_1052 : vector<32x64x1xf32> to vector<32x64x128xf32>
      %select_n3A_1054 = arith.select %lt3A_1049, %broadcast_in_dim3A_1051, %broadcast_in_dim3A_1053 : vector<32x64x128xi1>, vector<32x64x128xf32>
      %reshape3A_1055 = vector.shape_cast %mul3A_995 : vector<2048x128xf32> to vector<32x64x128xf32>
      %mul3A_1056 = arith.mulf %reshape3A_1055, %select_n3A_1054 : vector<32x64x128xf32>
      %reduce_sum3A_1057 = arith.constant dense<0.000000e+00> : vector<32x128xf32>
      %reduce_sum3A_1058 = vector.multi_reduction <add>, %mul3A_1056, %reduce_sum3A_1057 [1] : vector<32x64x128xf32> to vector<32x128xf32>
      %slice3A_1059 = vector.extract_strided_slice %reduce_sum3A_1058 {offsets = [0, 0], sizes = [32, 64], strides = [1, 1]} : vector<32x128xf32> to vector<32x64xf32>
      %slice3A_1060 = vector.extract_strided_slice %reduce_sum3A_1058 {offsets = [0, 64], sizes = [32, 64], strides = [1, 1]} : vector<32x128xf32> to vector<32x64xf32>
      %add3A_1061 = arith.addf %slice3A_1059, %slice3A_1060 : vector<32x64xf32>
      %get3A_1062 = arith.index_cast %mul3A_793 : i32 to index
      %get3A_1063 = arith.constant 0 : index
      %get3A_1064 = vector.load %arg56[%get3A_1062, %get3A_1063] : memref<3072x64xf32, #tpu.memory_space<vmem>>, vector<32x64xf32>
      %add3A_1065 = arith.addf %get3A_1064, %add3A_909 : vector<32x64xf32>
      %swap3A_1066 = arith.index_cast %mul3A_793 : i32 to index
      %swap3A_1067 = arith.constant 0 : index
      %swap3A_1068 = vector.load %arg56[%swap3A_1066, %swap3A_1067] : memref<3072x64xf32, #tpu.memory_space<vmem>>, vector<32x64xf32>
      tpu.vector_store %arg56[%swap3A_1066, %swap3A_1067], %add3A_1065 {strides = array<i32>} : memref<3072x64xf32, #tpu.memory_space<vmem>>, vector<32x64xf32>,
      %get3A_1069 = arith.index_cast %mul3A_941 : i32 to index
      %get3A_1070 = arith.constant 0 : index
      %get3A_1071 = vector.load %arg56[%get3A_1069, %get3A_1070] : memref<3072x64xf32, #tpu.memory_space<vmem>>, vector<32x64xf32>
      %add3A_1072 = arith.addf %get3A_1071, %add3A_1061 : vector<32x64xf32>
      %swap3A_1073 = arith.index_cast %mul3A_941 : i32 to index
      %swap3A_1074 = arith.constant 0 : index
      %swap3A_1075 = vector.load %arg56[%swap3A_1073, %swap3A_1074] : memref<3072x64xf32, #tpu.memory_space<vmem>>, vector<32x64xf32>
      tpu.vector_store %arg56[%swap3A_1073, %swap3A_1074], %add3A_1072 {strides = array<i32>} : memref<3072x64xf32, #tpu.memory_space<vmem>>, vector<32x64xf32>,
    }
    %get3A_601 = arith.constant 0 : index
    %get3A_602 = arith.constant 0 : index
    %get3A_603 = vector.load %arg56[%get3A_601, %get3A_602] : memref<3072x64xf32, #tpu.memory_space<vmem>>, vector<3072x64xf32>
    %mul3A_604 = arith.constant 0.00999999977 : f32
    %mul3A_605 = vector.broadcast %mul3A_604 : f32 to vector<3072x64xf32>
    %mul3A_606 = arith.mulf %get3A_603, %mul3A_605 : vector<3072x64xf32>
    %get3A_607 = arith.constant 3 : index
    %get3A_608 = arith.constant 0 : index
    %get3A_609 = arith.constant 0 : index
    %get3A_610 = vector.load %arg30[%get3A_607, %get3A_608, %get3A_609] : memref<4x64x64xf32, #tpu.memory_space<vmem>>, vector<1x64x64xf32>
    %get3A_611 = vector.shape_cast %get3A_610 : vector<1x64x64xf32> to vector<64x64xf32>
    %dot_general3A_612 = arith.constant dense<0.000000e+00> : vector<3072x64xf32>
    %dot_general3A_613 = tpu.matmul %get3A_530, %get3A_611, %dot_general3A_612 {dimension_numbers = #tpu.dot_dimension_numbers<[1], [0], [0], [1], [0, 0, 1, 1], [], []>, transpose_lhs_hint = false} : vector<3072x64xf32>, vector<64x64xf32>, vector<3072x64xf32> -> vector<3072x64xf32>
    %get3A_614 = arith.constant 3 : index
    %get3A_615 = arith.constant 0 : index
    %get3A_616 = arith.constant 0 : index
    %get3A_617 = vector.load %arg31[%get3A_614, %get3A_615, %get3A_616] : memref<4x64x64xf32, #tpu.memory_space<vmem>>, vector<1x64x64xf32>
    %get3A_618 = vector.shape_cast %get3A_617 : vector<1x64x64xf32> to vector<64x64xf32>
    %dot_general3A_619 = arith.constant dense<0.000000e+00> : vector<3072x64xf32>
    %dot_general3A_620 = tpu.matmul %mul3A_606, %get3A_618, %dot_general3A_619 {dimension_numbers = #tpu.dot_dimension_numbers<[1], [0], [0], [1], [0, 0, 1, 1], [], []>, transpose_lhs_hint = false} : vector<3072x64xf32>, vector<64x64xf32>, vector<3072x64xf32> -> vector<3072x64xf32>
    %add3A_621 = arith.addf %dot_general3A_613, %dot_general3A_620 : vector<3072x64xf32>
    %get3A_622 = arith.constant 3 : index
    %get3A_623 = arith.constant 0 : index
    %get3A_624 = vector.load %arg32[%get3A_622, %get3A_623] : memref<4x64xf32, #tpu.memory_space<vmem>>, vector<1x64xf32>
    %get3A_625 = vector.shape_cast %get3A_624 : vector<1x64xf32> to vector<64xf32>
    %broadcast_in_dim3A_626 = vector.shape_cast %get3A_625 : vector<64xf32> to vector<1x64xf32>
    %add3A_627 = vector.broadcast %broadcast_in_dim3A_626 : vector<1x64xf32> to vector<3072x64xf32>
    %add3A_628 = arith.addf %add3A_621, %add3A_627 : vector<3072x64xf32>
    %logistic3A_629 = arith.negf %add3A_628 : vector<3072x64xf32>
    %logistic3A_630 = math.exp %logistic3A_629 : vector<3072x64xf32>
    %logistic3A_631 = arith.constant 1.000000e+00 : f32
    %logistic3A_632 = vector.broadcast %logistic3A_631 : f32 to vector<3072x64xf32>
    %logistic3A_633 = arith.addf %logistic3A_632, %logistic3A_630 : vector<3072x64xf32>
    %logistic3A_634 = arith.divf %logistic3A_632, %logistic3A_633 : vector<3072x64xf32>
    %mul3A_635 = arith.mulf %add3A_628, %logistic3A_634 : vector<3072x64xf32>
    %get3A_636 = arith.constant 3 : index
    %get3A_637 = arith.constant 0 : index
    %get3A_638 = arith.constant 0 : index
    %get3A_639 = vector.load %arg33[%get3A_636, %get3A_637, %get3A_638] : memref<4x64x64xf32, #tpu.memory_space<vmem>>, vector<1x64x64xf32>
    %get3A_640 = vector.shape_cast %get3A_639 : vector<1x64x64xf32> to vector<64x64xf32>
    %dot_general3A_641 = arith.constant dense<0.000000e+00> : vector<3072x64xf32>
    %dot_general3A_642 = tpu.matmul %mul3A_635, %get3A_640, %dot_general3A_641 {dimension_numbers = #tpu.dot_dimension_numbers<[1], [0], [0], [1], [0, 0, 1, 1], [], []>, transpose_lhs_hint = false} : vector<3072x64xf32>, vector<64x64xf32>, vector<3072x64xf32> -> vector<3072x64xf32>
    %add3A_643 = arith.addf %get3A_530, %dot_general3A_642 : vector<3072x64xf32>
    %get3A_644 = arith.constant 3 : index
    %get3A_645 = arith.constant 0 : index
    %get3A_646 = vector.load %arg34[%get3A_644, %get3A_645] : memref<4x64xf32, #tpu.memory_space<vmem>>, vector<1x64xf32>
    %get3A_647 = vector.shape_cast %get3A_646 : vector<1x64xf32> to vector<64xf32>
    %broadcast_in_dim3A_648 = vector.shape_cast %get3A_647 : vector<64xf32> to vector<1x64xf32>
    %add3A_649 = vector.broadcast %broadcast_in_dim3A_648 : vector<1x64xf32> to vector<3072x64xf32>
    %add3A_650 = arith.addf %add3A_643, %add3A_649 : vector<3072x64xf32>
    %swap3A_651 = arith.constant 0 : index
    %swap3A_652 = arith.constant 0 : index
    %swap3A_653 = vector.load %arg53[%swap3A_651, %swap3A_652] : memref<3072x64xf32, #tpu.memory_space<vmem>>, vector<3072x64xf32>
    tpu.vector_store %arg53[%swap3A_651, %swap3A_652], %add3A_650 {strides = array<i32>} : memref<3072x64xf32, #tpu.memory_space<vmem>>, vector<3072x64xf32>,
    %get3A_654 = arith.constant 0 : index
    %get3A_655 = arith.constant 0 : index
    %get3A_656 = vector.load %arg53[%get3A_654, %get3A_655] : memref<3072x64xf32, #tpu.memory_space<vmem>>, vector<3072x64xf32>
    %get3A_657 = arith.constant 0 : index
    %get3A_658 = arith.constant 0 : index
    %get3A_659 = vector.load %arg35[%get3A_657, %get3A_658] : memref<64x3xf32, #tpu.memory_space<vmem>>, vector<64x3xf32>
    %dot_general3A_660 = arith.constant dense<0.000000e+00> : vector<3072x3xf32>
    %dot_general3A_661 = tpu.matmul %get3A_656, %get3A_659, %dot_general3A_660 {dimension_numbers = #tpu.dot_dimension_numbers<[1], [0], [0], [1], [0, 0, 1, 1], [], []>, transpose_lhs_hint = false} : vector<3072x64xf32>, vector<64x3xf32>, vector<3072x3xf32> -> vector<3072x3xf32>
    %get3A_662 = arith.constant 0 : index
    %get3A_663 = vector.load %arg36[%get3A_662] : memref<3xf32, #tpu.memory_space<vmem>>, vector<3xf32>
    %broadcast_in_dim3A_664 = vector.shape_cast %get3A_663 : vector<3xf32> to vector<1x3xf32>
    %add3A_665 = vector.broadcast %broadcast_in_dim3A_664 : vector<1x3xf32> to vector<3072x3xf32>
    %add3A_666 = arith.addf %dot_general3A_661, %add3A_665 : vector<3072x3xf32>
    %get3A_667 = arith.constant 0 : index
    %get3A_668 = arith.constant 0 : index
    %get3A_669 = vector.load %arg37[%get3A_667, %get3A_668] : memref<64x64xf32, #tpu.memory_space<vmem>>, vector<64x64xf32>
    %dot_general3A_670 = arith.constant dense<0.000000e+00> : vector<3072x64xf32>
    %dot_general3A_671 = tpu.matmul %get3A_656, %get3A_669, %dot_general3A_670 {dimension_numbers = #tpu.dot_dimension_numbers<[1], [0], [0], [1], [0, 0, 1, 1], [], []>, transpose_lhs_hint = false} : vector<3072x64xf32>, vector<64x64xf32>, vector<3072x64xf32> -> vector<3072x64xf32>
    %get3A_672 = arith.constant 0 : index
    %get3A_673 = vector.load %arg38[%get3A_672] : memref<64xf32, #tpu.memory_space<vmem>>, vector<64xf32>
    %broadcast_in_dim3A_674 = vector.shape_cast %get3A_673 : vector<64xf32> to vector<1x64xf32>
    %add3A_675 = vector.broadcast %broadcast_in_dim3A_674 : vector<1x64xf32> to vector<3072x64xf32>
    %add3A_676 = arith.addf %dot_general3A_671, %add3A_675 : vector<3072x64xf32>
    %slice3A_677 = vector.extract_strided_slice %add3A_676 {offsets = [0, 0], sizes = [1024, 64], strides = [1, 1]} : vector<3072x64xf32> to vector<1024x64xf32>
    %get3A_678 = arith.constant 0 : index
    %get3A_679 = arith.constant 0 : index
    %get3A_680 = vector.load %arg39[%get3A_678, %get3A_679] : memref<64x32xf32, #tpu.memory_space<vmem>>, vector<64x32xf32>
    %dot_general3A_681 = arith.constant dense<0.000000e+00> : vector<1024x32xf32>
    %dot_general3A_682 = tpu.matmul %slice3A_677, %get3A_680, %dot_general3A_681 {dimension_numbers = #tpu.dot_dimension_numbers<[1], [0], [0], [1], [0, 0, 1, 1], [], []>, transpose_lhs_hint = false} : vector<1024x64xf32>, vector<64x32xf32>, vector<1024x32xf32> -> vector<1024x32xf32>
    %get3A_683 = arith.constant 0 : index
    %get3A_684 = vector.load %arg40[%get3A_683] : memref<32xf32, #tpu.memory_space<vmem>>, vector<32xf32>
    %broadcast_in_dim3A_685 = vector.shape_cast %get3A_684 : vector<32xf32> to vector<1x32xf32>
    %add3A_686 = vector.broadcast %broadcast_in_dim3A_685 : vector<1x32xf32> to vector<1024x32xf32>
    %add3A_687 = arith.addf %dot_general3A_682, %add3A_686 : vector<1024x32xf32>
    %logistic3A_688 = arith.negf %add3A_687 : vector<1024x32xf32>
    %logistic3A_689 = math.exp %logistic3A_688 : vector<1024x32xf32>
    %logistic3A_690 = arith.constant 1.000000e+00 : f32
    %logistic3A_691 = vector.broadcast %logistic3A_690 : f32 to vector<1024x32xf32>
    %logistic3A_692 = arith.addf %logistic3A_691, %logistic3A_689 : vector<1024x32xf32>
    %logistic3A_693 = arith.divf %logistic3A_691, %logistic3A_692 : vector<1024x32xf32>
    %mul3A_694 = arith.mulf %add3A_687, %logistic3A_693 : vector<1024x32xf32>
    %get3A_695 = arith.constant 0 : index
    %get3A_696 = arith.constant 0 : index
    %get3A_697 = vector.load %arg41[%get3A_695, %get3A_696] : memref<32x16xf32, #tpu.memory_space<vmem>>, vector<32x16xf32>
    %dot_general3A_698 = arith.constant dense<0.000000e+00> : vector<1024x16xf32>
    %dot_general3A_699 = tpu.matmul %mul3A_694, %get3A_697, %dot_general3A_698 {dimension_numbers = #tpu.dot_dimension_numbers<[1], [0], [0], [1], [0, 0, 1, 1], [], []>, transpose_lhs_hint = false} : vector<1024x32xf32>, vector<32x16xf32>, vector<1024x16xf32> -> vector<1024x16xf32>
    %get3A_700 = arith.constant 0 : index
    %get3A_701 = vector.load %arg42[%get3A_700] : memref<16xf32, #tpu.memory_space<vmem>>, vector<16xf32>
    %broadcast_in_dim3A_702 = vector.shape_cast %get3A_701 : vector<16xf32> to vector<1x16xf32>
    %add3A_703 = vector.broadcast %broadcast_in_dim3A_702 : vector<1x16xf32> to vector<1024x16xf32>
    %add3A_704 = arith.addf %dot_general3A_699, %add3A_703 : vector<1024x16xf32>
    %slice3A_705 = vector.extract_strided_slice %add3A_676 {offsets = [1024, 0], sizes = [2048, 64], strides = [1, 1]} : vector<3072x64xf32> to vector<2048x64xf32>
    %get3A_706 = arith.constant 0 : index
    %get3A_707 = arith.constant 0 : index
    %get3A_708 = vector.load %arg43[%get3A_706, %get3A_707] : memref<64x40xf32, #tpu.memory_space<vmem>>, vector<64x40xf32>
    %dot_general3A_709 = arith.constant dense<0.000000e+00> : vector<2048x40xf32>
    %dot_general3A_710 = tpu.matmul %slice3A_705, %get3A_708, %dot_general3A_709 {dimension_numbers = #tpu.dot_dimension_numbers<[1], [0], [0], [1], [0, 0, 1, 1], [], []>, transpose_lhs_hint = false} : vector<2048x64xf32>, vector<64x40xf32>, vector<2048x40xf32> -> vector<2048x40xf32>
    %get3A_711 = arith.constant 0 : index
    %get3A_712 = vector.load %arg44[%get3A_711] : memref<40xf32, #tpu.memory_space<vmem>>, vector<40xf32>
    %broadcast_in_dim3A_713 = vector.shape_cast %get3A_712 : vector<40xf32> to vector<1x40xf32>
    %add3A_714 = vector.broadcast %broadcast_in_dim3A_713 : vector<1x40xf32> to vector<2048x40xf32>
    %add3A_715 = arith.addf %dot_general3A_710, %add3A_714 : vector<2048x40xf32>
    %logistic3A_716 = arith.negf %add3A_715 : vector<2048x40xf32>
    %logistic3A_717 = math.exp %logistic3A_716 : vector<2048x40xf32>
    %logistic3A_718 = arith.constant 1.000000e+00 : f32
    %logistic3A_719 = vector.broadcast %logistic3A_718 : f32 to vector<2048x40xf32>
    %logistic3A_720 = arith.addf %logistic3A_719, %logistic3A_717 : vector<2048x40xf32>
    %logistic3A_721 = arith.divf %logistic3A_719, %logistic3A_720 : vector<2048x40xf32>
    %mul3A_722 = arith.mulf %add3A_715, %logistic3A_721 : vector<2048x40xf32>
    %get3A_723 = arith.constant 0 : index
    %get3A_724 = arith.constant 0 : index
    %get3A_725 = vector.load %arg45[%get3A_723, %get3A_724] : memref<40x20xf32, #tpu.memory_space<vmem>>, vector<40x20xf32>
    %dot_general3A_726 = arith.constant dense<0.000000e+00> : vector<2048x20xf32>
    %dot_general3A_727 = tpu.matmul %mul3A_722, %get3A_725, %dot_general3A_726 {dimension_numbers = #tpu.dot_dimension_numbers<[1], [0], [0], [1], [0, 0, 1, 1], [], []>, transpose_lhs_hint = false} : vector<2048x40xf32>, vector<40x20xf32>, vector<2048x20xf32> -> vector<2048x20xf32>
    %get3A_728 = arith.constant 0 : index
    %get3A_729 = vector.load %arg46[%get3A_728] : memref<20xf32, #tpu.memory_space<vmem>>, vector<20xf32>
    %broadcast_in_dim3A_730 = vector.shape_cast %get3A_729 : vector<20xf32> to vector<1x20xf32>
    %add3A_731 = vector.broadcast %broadcast_in_dim3A_730 : vector<1x20xf32> to vector<2048x20xf32>
    %add3A_732 = arith.addf %dot_general3A_727, %add3A_731 : vector<2048x20xf32>
    %slice3A_733 = vector.extract_strided_slice %add3A_666 {offsets = [0, 0], sizes = [1024, 3], strides = [1, 1]} : vector<3072x3xf32> to vector<1024x3xf32>
    %get3A_734 = arith.constant 0 : index
    %get3A_735 = arith.constant 0 : index
    %get3A_736 = vector.load %arg47[%get3A_734, %get3A_735] : memref<3x19xf32, #tpu.memory_space<vmem>>, vector<3x19xf32>
    %dot_general3A_737 = arith.constant dense<0.000000e+00> : vector<1024x19xf32>
    %dot_general3A_738 = tpu.matmul %slice3A_733, %get3A_736, %dot_general3A_737 {dimension_numbers = #tpu.dot_dimension_numbers<[1], [0], [0], [1], [0, 0, 1, 1], [], []>, transpose_lhs_hint = false} : vector<1024x3xf32>, vector<3x19xf32>, vector<1024x19xf32> -> vector<1024x19xf32>
    %get3A_739 = arith.constant 0 : index
    %get3A_740 = arith.constant 0 : index
    %get3A_741 = vector.load %arg48[%get3A_739, %get3A_740] : memref<16x19xf32, #tpu.memory_space<vmem>>, vector<16x19xf32>
    %dot_general3A_742 = arith.constant dense<0.000000e+00> : vector<1024x19xf32>
    %dot_general3A_743 = tpu.matmul %add3A_704, %get3A_741, %dot_general3A_742 {dimension_numbers = #tpu.dot_dimension_numbers<[1], [0], [0], [1], [0, 0, 1, 1], [], []>, transpose_lhs_hint = false} : vector<1024x16xf32>, vector<16x19xf32>, vector<1024x19xf32> -> vector<1024x19xf32>
    %add3A_744 = arith.addf %dot_general3A_738, %dot_general3A_743 : vector<1024x19xf32>
    %swap3A_745 = arith.constant 0 : index
    %swap3A_746 = arith.constant 0 : index
    %swap3A_747 = vector.load %arg51[%swap3A_745, %swap3A_746] : memref<1024x19xf32, #tpu.memory_space<vmem>>, vector<1024x19xf32>
    tpu.vector_store %arg51[%swap3A_745, %swap3A_746], %add3A_744 {strides = array<i32>} : memref<1024x19xf32, #tpu.memory_space<vmem>>, vector<1024x19xf32>,
    %slice3A_748 = vector.extract_strided_slice %add3A_666 {offsets = [1024, 0], sizes = [2048, 3], strides = [1, 1]} : vector<3072x3xf32> to vector<2048x3xf32>
    %get3A_749 = arith.constant 0 : index
    %get3A_750 = arith.constant 0 : index
    %get3A_751 = vector.load %arg49[%get3A_749, %get3A_750] : memref<3x23xf32, #tpu.memory_space<vmem>>, vector<3x23xf32>
    %dot_general3A_752 = arith.constant dense<0.000000e+00> : vector<2048x23xf32>
    %dot_general3A_753 = tpu.matmul %slice3A_748, %get3A_751, %dot_general3A_752 {dimension_numbers = #tpu.dot_dimension_numbers<[1], [0], [0], [1], [0, 0, 1, 1], [], []>, transpose_lhs_hint = false} : vector<2048x3xf32>, vector<3x23xf32>, vector<2048x23xf32> -> vector<2048x23xf32>
    %get3A_754 = arith.constant 0 : index
    %get3A_755 = arith.constant 0 : index
    %get3A_756 = vector.load %arg50[%get3A_754, %get3A_755] : memref<20x23xf32, #tpu.memory_space<vmem>>, vector<20x23xf32>
    %dot_general3A_757 = arith.constant dense<0.000000e+00> : vector<2048x23xf32>
    %dot_general3A_758 = tpu.matmul %add3A_732, %get3A_756, %dot_general3A_757 {dimension_numbers = #tpu.dot_dimension_numbers<[1], [0], [0], [1], [0, 0, 1, 1], [], []>, transpose_lhs_hint = false} : vector<2048x20xf32>, vector<20x23xf32>, vector<2048x23xf32> -> vector<2048x23xf32>
    %add3A_759 = arith.addf %dot_general3A_753, %dot_general3A_758 : vector<2048x23xf32>
    %swap3A_760 = arith.constant 0 : index
    %swap3A_761 = arith.constant 0 : index
    %swap3A_762 = vector.load %arg52[%swap3A_760, %swap3A_761] : memref<2048x23xf32, #tpu.memory_space<vmem>>, vector<2048x23xf32>
    tpu.vector_store %arg52[%swap3A_760, %swap3A_761], %add3A_759 {strides = array<i32>} : memref<2048x23xf32, #tpu.memory_space<vmem>>, vector<2048x23xf32>,
    return
  }
}

</mosaic_0001>

<sc_bundles>
// kernel: gather_offload_async_start.1
scs
__scs_entry_jumppad:
0x0: {  	(pc) =	sbr.rel $0x88, $3  }
0x1: {  	(tag) =	ssettag $0x0;
	lr =	simm.s32 $0x1  }
0x2: {  	[smem:$0x3F66] =	sst lr;
	_ =	strace $0xD0000000  }
0x3: {  	_ = 	snop  }
0x4: {  	_ = 	snop  }
0x5: {  	_ = 	snop  }
0x6: {  	_ = 	snop  }
0x7: {  	_ = 	snop  }
__scs_overlays_trampoline_lowered:
0x8: {  	[smem:$0x3F75] =	sst s0  }
0x9: {  	[smem:$0x3F76] =	sst s1  }
0xa: {  	[smem:$0x3F77] =	sst s2  }
0xb: {  	[smem:$0x3F78] =	sst s3  }
0xc: {  	[smem:$0x3F79] =	sst s4  }
0xd: {  	[smem:$0x3F7A] =	sst s5  }
0xe: {  	[smem:$0x3F7B] =	sst s6  }
0xf: {  	[smem:$0x3F7C] =	sst s7  }
0x10: {  	[smem:$0x3F7D] =	sst s8  }
0x11: {  	[smem:$0x3F7E] =	sst s9;
	s0 =	simm.s32 @!p0 $0x0  }
0x12: {  	s1 =	sld [smem:$0x3F64];
	s0 =	simm.s32 @p0 $0x1  }
0x13: {  	[smem:$0x3F7F] =	sst s0;
	s0 =	simm.s32 @!p1 $0x0  }
0x14: {  	s2 =	sld [smem:$0x3F63];
	s0 =	simm.s32 @p1 $0x1  }
0x15: {  	[smem:$0x3F80] =	sst s0;
	s0 =	simm.s32 @!p2 $0x0  }
0x16: {  	s3 =	sld [smem:$0x3FDB];
	s0 =	simm.s32 @p2 $0x1  }
0x17: {  	s4 =	simm.s32 $0x1BF5;
	[smem:$0x3F82] =	sst s0  }
0x18: {  	s0 =	sld [smem:$0x3F65];
	_ =	swait.ge [sflag:s4], $0x0  }
0x19: {  	s7 =	sld [smem:$0x3F66]  }
0x1a: {  	s8 =	sadd.s32 $0xFFFFE003, lr  }
0x1b: {  	s9 =	sadd.s32 $0xFFFFFEF7, lr;
	s5 =	simm.s32 $0xFFFFFFFF;
	p2 =	slt.u32 s8, $0xFFFFF086  }
0x1c: {  	p1 =	slt.u32 s9, $0xF7A;
	s5 =	simm.s32 @!p2 $0x0  }
0x1d: {  	s5 =	simm.s32 @p1 $0x1;
	p0 =	seq.s32 s7, s2  }
0x1e: {  	s7 =	smul.u32 @!p0 $0xF7A, s2;
	p2 =	seq.s32 @!p0 s5, $0x0  }
0x1f: {  	s9 =	smul.u32 $0xF7A, s1;
	s8 =	simm.s32 @!p0 $0x1BF5;
	p2 =	por !p2, p0  }
0x20: {  	[sflag:s8] =	ssyncset.s32 @!p0 $0xFFFFF086;
	s6 =	sadd.s32 @!p0 s3, s7;
	s7 =	simm.s32 @!p0 $0x108  }
0x21: {  	s3 =	sadd.s32 s3, s9;
	s6 =	sadd.s32 @!p0 $0x88, s6;
	s7 =	simm.s32 @p2 $0x1082  }
0x22: {  	[simem:s7], [sflag:s8] =	dma.local @!p0 [hbm:s6], $0xF7A  }
0x23: {  	s9 =	sor.u32 $0xD0000000, s2;
	s6 =	simm.s32 $0x108;
	_ =	swait.ge @!p0 [sflag:s8], $0x0  }
0x24: {  	s3 =	sadd.s32 $0x88, s3;
	s6 =	simm.s32 @!p1 $0x1082;
	[sflag:s4] =	ssyncset.s32 $0xFFFFF086  }
0x25: {  	[simem:s6], [sflag:s4] =	dma.local [hbm:s3], $0xF7A  }
0x26: {  	[smem:$0x3F66] =	sst s1;
	(tag) =	ssettag s2;
	_ =	strace s9  }
0x27: {  	s1 =	sld [smem:$0x3F76]  }
0x28: {  	s2 =	sld [smem:$0x3F77]  }
0x29: {  	s4 =	sld [smem:$0x3F79]  }
0x2a: {  	p0 =	seq.s32 s5, $0x0;
	s5 =	sld [smem:$0x3F7A]  }
0x2b: {  	s6 =	sld [smem:$0x3F7B]  }
0x2c: {  	s7 =	sld [smem:$0x3F7C]  }
0x2d: {  	s3 =	simm.s32 $0x108;
	s8 =	sld [smem:$0x3F7D]  }
0x2e: {  	s3 =	simm.s32 @!p0 $0x1082;
	s9 =	sld [smem:$0x3F7E]  }
0x2f: {  	lr =	sadd.s32 s0, s3;
	s0 =	sld [smem:$0x3F75]  }
0x30: {  	s3 =	sld [smem:$0x3F78]  }
0x31: {  	[smem:$0x3F81] =	sst s10  }
0x32: {  	s10 =	sld [smem:$0x3F7F];
	_ =	sdelay $0x3  }
0x33: {  	p0 =	seq.s32 s10, $0x1;
	s10 =	sld [smem:$0x3F81];
	_ =	sdelay $0x3  }
0x34: {  	[smem:$0x3F81] =	sst s10  }
0x35: {  	s10 =	sld [smem:$0x3F80];
	_ =	sdelay $0x3  }
0x36: {  	p1 =	seq.s32 s10, $0x1;
	s10 =	sld [smem:$0x3F81];
	_ =	sdelay $0x3  }
0x37: {  	[smem:$0x3F81] =	sst s10  }
0x38: {  	s10 =	sld [smem:$0x3F82]  }
0x39: {  	_ = 	snop;
	(pc) =	sbr.ind lr, $3  }
0x3a: {  	_ = 	snop  }
0x3b: {  	_ = 	snop  }
0x3c: {  	p2 =	seq.s32 s10, $0x1;
	s10 =	sld [smem:$0x3F81]  }
0x3d: {  	_ =	shalt  }
0x3e: {  	_ =	shalt  }
0x3f: {  	_ =	shalt  }
0x40: {  	_ =	shalt  }
0x41: {  	_ =	shalt  }
0x42: {  	_ =	shalt  }
0x43: {  	_ =	shalt  }
0x44: {  	_ =	shalt  }
0x45: {  	_ =	shalt  }
0x46: {  	_ =	shalt  }
0x47: {  	_ =	shalt  }
0x48: {  	_ =	shalt  }
0x49: {  	_ =	shalt  }
0x4a: {  	_ =	shalt  }
0x4b: {  	_ =	shalt  }
0x4c: {  	_ =	shalt  }
0x4d: {  	_ =	shalt  }
0x4e: {  	_ =	shalt  }
0x4f: {  	_ =	shalt  }
0x50: {  	_ =	shalt  }
0x51: {  	_ =	shalt  }
0x52: {  	_ =	shalt  }
0x53: {  	_ =	shalt  }
0x54: {  	_ =	shalt  }
0x55: {  	_ =	shalt  }
0x56: {  	_ =	shalt  }
0x57: {  	_ =	shalt  }
0x58: {  	_ =	shalt  }
0x59: {  	_ =	shalt  }
0x5a: {  	_ =	shalt  }
0x5b: {  	_ =	shalt  }
0x5c: {  	_ =	shalt  }
0x5d: {  	_ =	shalt  }
0x5e: {  	_ =	shalt  }
0x5f: {  	_ =	shalt  }
0x60: {  	_ =	shalt  }
0x61: {  	_ =	shalt  }
0x62: {  	_ =	shalt  }
0x63: {  	_ =	shalt  }
0x64: {  	_ =	shalt  }
0x65: {  	_ =	shalt  }
0x66: {  	_ =	shalt  }
0x67: {  	_ =	shalt  }
0x68: {  	_ =	shalt  }
0x69: {  	_ =	shalt  }
0x6a: {  	_ =	shalt  }
0x6b: {  	_ =	shalt  }
0x6c: {  	_ =	shalt  }
0x6d: {  	_ =	shalt  }
0x6e: {  	_ =	shalt  }
0x6f: {  	_ =	shalt  }
0x70: {  	_ =	shalt  }
0x71: {  	_ =	shalt  }
0x72: {  	_ =	shalt  }
0x73: {  	_ =	shalt  }
0x74: {  	_ =	shalt  }
0x75: {  	_ =	shalt  }
0x76: {  	_ =	shalt  }
0x77: {  	_ =	shalt  }
0x78: {  	_ =	shalt  }
0x79: {  	_ =	shalt  }
0x7a: {  	_ =	shalt  }
0x7b: {  	_ =	shalt  }
0x7c: {  	_ =	shalt  }
0x7d: {  	_ =	shalt  }
0x7e: {  	_ =	shalt  }
0x7f: {  	_ =	shalt  }
0x80: {  	_ =	shalt  }
0x81: {  	_ =	shalt  }
0x82: {  	_ =	shalt  }
0x83: {  	_ =	shalt  }
0x84: {  	_ =	shalt  }
0x85: {  	_ =	shalt  }
0x86: {  	_ =	shalt  }
0x87: {  	_ =	shalt  }
.Lfunc_end0:
.L_simem_size_0:
called_computation.2_lowered:
.L_overlay_start_0:
0x88: {  	s2 =	sld [smem:$0x3FD9]  }
0x89: {  	s3 =	sld [smem:$0x3FFE];
	_ =	sdelay $0x1  }
0x8a: {  	s1 =	srdreg.scid  }
0x8b: {  	s0 =	sand.u32 $0x1, s1  }
0x8c: {  	s14 =	sshll.u32 s0, $0xA;
	s2 =	sadd.s32 s3, s2  }
0x8d: {  	s2 =	sadd.s32 s2, s14  }
0x8e: {  	[smem:$0x3F8D] =	sst s2  }
0x8f: {  	_ = 	snop  }
0x90: {  	s2 =	sld [smem:$0x3FD0];
	_ =	sdelay $0x2  }
0x91: {  	s15 =	simm.s32 $0xA;
	s4 =	simm.s32 $0x10  }
0x92: {  	[smem:s4], [sflag:s15] =	dma.local [hbm:s2], $0x1  }
0x93: {  	_ =	swait.eq [sflag:s15], $0x1  }
0x94: {  	[sflag:s15] =	ssyncset.done $0x0  }
0x95: {  	s16 =	sld [smem:$0x10];
	[sflag:s15] =	ssyncadd.s32 $0xFFFFFFFF  }
0x96: {  	s17 =	sld [smem:$0x11];
	(tm) =	ssettm $0x1  }
0x97: {  	s18 =	sld [smem:$0x3FFB];
	_ =	sdelay $0x3  }
0x98: {  	_ =	strace s18  }
0x99: {  	s4 =	sld [smem:$0x3FFC];
	_ =	sdelay $0x3  }
0x9a: {  	_ =	strace s4  }
0x9b: {  	s4 =	sld [smem:$0x3FFD];
	_ =	sdelay $0x3  }
0x9c: {  	_ =	strace s4  }
0x9d: {  	_ =	strace $0x8FFFFFFF  }
0x9e: {  	s19 =	sld [smem:$0x3FDB];
	_ =	sdelay $0x1  }
0x9f: {  	s5 =	simm.s32 $_scs_section_size  }
0xa0: {  	s6 =	simm.s32 $_size__tile_overlayer_lowered;
	s7 =	simm.s32 $_tile_overlayer_lowered  }
0xa1: {  	s22 =	simm.s32 $0x1BFF;
	s21 =	sshll.u32 s7, $0x1;
	s4 =	sadd.s32 s5, s19  }
0xa2: {  	s8 =	simm.s32 $0x0;
	s20 =	sshll.u32 s6, $0x1;
	s6 =	sadd.s32 s21, s4  }
0xa3: {  	[timem:s8], [sflag:s22] =	dma.local [hbm:s6], s20  }
0xa4: {  	_ =	swait.ge [sflag:s22], s20  }
0xa5: {  	s5 =	ssub.s32 $0x0, s20;
	[sflag:s22] =	ssyncset.done $0x0  }
0xa6: {  	[sflag:s22] =	ssyncadd.s32 s5;
	_ =	sdelay $0x1  }
0xa7: {  	s23 =	simm.s32 $0x1B8B  }
0xa8: {  	_ =	swait.ge [sflag:s23], $0x1  }
0xa9: {  	[sflag:s23] =	ssyncset.done $0x0  }
0xaa: {  	s25 =	simm.s32 $0x1B8E;
	s24 =	sld [smem:$0x3FFE];
	[sflag:s23] =	ssyncadd.s32 $0xFFFFFFFF  }
0xab: {  	s26 =	simm.s32 $execute0_lowered;
	[smem:$0x3FD2] =	sst s25  }
0xac: {  	s6 =	sshll.u32 s26, $0x1;
	_ =	strace $0x8000004C;
	[dreg:$0x1] =	wrdreg $0xFFFFFFFF  }
0xad: {  	s28 =	simm.s32 $_size_execute0_lowered;
	s4 =	sadd.s32 s4, s6;
	[dreg:$0x0] =	wrdreg $0x0  }
0xae: {  	s6 =	sshll.u32 s28, $0x1;
	[dreg:$0x2] =	wrdreg s4  }
0xaf: {  	[dreg:$0x3] =	wrdreg s6  }
0xb0: {  	[dreg:$0x4] =	wrdreg $0xC0  }
0xb1: {  	_ =	task [dreg:s8], $0x5FFFF  }
0xb2: {  	[dreg:$0x1] =	wrdreg $0xFFFFFFFF  }
0xb3: {  	[dreg:$0x0] =	wrdreg $0x60  }
0xb4: {  	[dreg:$0x2] =	wrdreg s16  }
0xb5: {  	[dreg:$0x3] =	wrdreg s17  }
0xb6: {  	[dreg:$0x4] =	wrdreg s24  }
0xb7: {  	[dreg:$0x5] =	wrdreg $0x9  }
0xb8: {  	_ =	task.clear_ibuf [dreg:s8], $0x6FFFF;
	_ =	strace $0x9000004C  }
0xb9: {  	s29 =	simm.s32 $0x9;
	_ =	strace $0x8000004E  }
0xba: {  	_ =	swait.ge [sflag:s29], $0x1  }
0xbb: {  	[sflag:s29] =	ssyncadd.s32 $0xFFFFFFFF  }
0xbc: {  	_ =	strace $0x9000004E  }
0xbd: {  	_ =	sfence  }
0xbe: {  	s30 =	sld [smem:$0x0];
	_ =	sdelay $0x2  }
0xbf: {  	s31 =	sshll.u32 s1, $0xD;
	s1 =	sshrl.u32 s1, $0x2  }
0xc0: {  	s3 =	sand.u32 $0x4000, s31;
	s1 =	sadd.s32 s1, s30  }
0xc1: {  	s0 =	sor.u32 s3, s0;
	s1 =	sshll.u32 s1, $0x11  }
0xc2: {  	s0 =	sor.u32 s1, s0  }
0xc3: {  	s0 =	sadd.s32 $0x8F2B, s0  }
0xc4: {  	[sflag:s0] =	ssyncadd.remote.s32 $0x1  }
0xc5: {  	_ =	sfence.sel $0xFFFF  }
0xc6: {  	[dreg:$0x0] =	wrdreg $0xFFFFFFFF;
	(pc) =	sbr.abs _section_cstart, $3  }
0xc7: {  	[dreg:$0x1] =	wrdreg $0xFFFFFFFF  }
0xc8: {  	_ =	task.clear_ibuf [dreg:s8], $0x2FFFF;
	_ =	strace $0x9FFFFFFF  }
0xc9: {  	(tm) =	ssettm $0x7FFFFFFF  }
tec
execute0_lowered:
.L_overlay_start_1:
0x0: {  	(tag) =	ssettag $0x1  }
0x1: {  	s2 =	rddreg [dreg:$0x0]  }
0x2: {  	s3 =	rddreg [dreg:$0x1]  }
0x3: {  	s8 =	rddreg [dreg:$0x2];
	s1 =	stileid.u32  }
0x4: {  	s4 =	srdreg.scid;
	s0 =	rddreg [dreg:$0x3];
	_ =	strace $0x8000004D  }
0x5: {  	s7 =	simm.s32 $0x1;
	s9 =	simm.s32 $0x1;
	s10 =	simm.s32 $0x3  }
0x6: {  	s13 =	simm.s32 $0x0;
	s5 =	sand.u32 $0x1, s4;
	s6 =	sshll.u32 s1, $0x1  }
0x7: {  	s12 =	simm.s32 $0x0;
	s4 =	simm.s32 $0x1;
	s5 =	sor.u32 s6, s5  }
.Ltmp0:
0x8: {  	[sflag:s4] =	ssyncpa.u1 $0x0;
	p0 =	slt.u32 s5, $0x13;
	(pc) =	sbr.rel .LBB2_1-.Ltmp0, $4  }
0x9: {  	s6 =	simm.s32 $0x2;
	s7 =	simm.s32 @!p0 $0x0;
	p0 =	sne.s32 s5, $0x12  }
0xa: {  	[sflag:s6] =	ssyncpa.u1 $0x0;
	s5 =	smul.u32 $0x30, s5;
	s9 =	simm.s32 @!p0 $0x0  }
0xb: {  	s8 =	sadd.s32 $0x4000, s8;
	[sflag:s10] =	ssyncpa.u1 $0x0;
	s7 =	sadd.s32 s9, s7  }
0xc: {  	vm0 =	vmmov $0xffff;
	s10 =	simm.s32 $0x0;
	s11 =	smov.u32 s5;
	s9 =	sadd.s32 $0x1, s7  }
.LBB2_4:
0xd: {  	v2 =	vand.u32 $0xFFFFFC00, v1;
	v3 =	vand.u32 $0xFFFFFC00, v0  }
0xe: {  	v62 =	vand.u32 $0x380, v1;
	v2 =	vadd.s32 v3, v2  }
0xf: {  	v63 =	vand.u32 $0x7F, v0;
	v1 =	vor.u32 v62, v2  }
0x10: {  	v0 =	vor.u32 v63, v1;
	_ =	sdelay $0x3  }
0x11: {  	(ifvalue) =	ssetifvalue $0x7FFFFFFF;
	s15 =	sadd.s32 $0x10, s15  }
0x12: {  	[tilespmem:s15], [sflag:$0x1] =	stream.indirect_vreg.gather [hbm4b:s2+s10], $0x1, v0, vm0, $0x4038;
	[tilespmem:$0xC0] =	vst v63  }
0x13: {  	_ =	swait.ge [sflag:s4], $0x30  }
0x14: {  	s30 =	sshrl.u32 s13, $0x3;
	[sflag:s4] =	ssyncset.done $0x0  }
0x15: {  	s31 =	sand.u32 $0x7, s13;
	s15 =	sadd.s32 s8, s30;
	[sflag:s4] =	ssyncadd.s32 $0xFFFFFFD0  }
0x16: {  	[hbm4b:s15+s31] =	stream.linear.scatter [tilespmem:s14], [sflag:$0x3], $0x30, $0x38;
	[tilespmem:$0xC0] =	vst v63  }
.LBB2_5:
0x17: {  	s15 =	sadd.s32 $0x600, s11  }
0x18: {  	p1 =	sgt.s32 s15, $0x95F  }
0x19: {  	s15 =	smov.u32 @p1 s5;
	p1 =	sne.s32 s12, s9  }
.Ltmp1:
0x1a: {  	p0 =	slt.u32 s12, $0x2;
	(pc) =	sbr.rel @!p1 .LBB2_6-.Ltmp1, $4  }
0x1b: {  	s14 =	simm.s32 @!p0 $0x3  }
0x1c: {  	_ =	swait.ge @!p0 [sflag:s14], $0x30  }
0x1d: {  	s16 =	sadd.s32 $0x1, s12;
	s13 =	smov.u32 s11;
	[sflag:s14] =	ssyncset.done @!p0 $0x0  }
0x1e: {  	s12 =	smov.u32 s16;
	s11 =	smov.u32 s15;
	[sflag:s14] =	ssyncadd.s32 @!p0 $0xFFFFFFD0  }
.LBB2_1:
0x1f: {  	p0 =	sge.u32 s12, s7  }
0x20: {  	s14 =	sxor.u32 @!p0 $0x1, s12  }
0x21: {  	s14 =	smul.u32 @!p0 $0xC0, s14  }
0x22: {  	s31 =	sadd.s32 $0xFFFFFFFF, s12;
	s15 =	sshrl.u32 @!p0 s11, $0x3  }
0x23: {  	s16 =	sand.u32 @!p0 $0x7, s11;
	s15 =	sadd.s32 @!p0 s3, s15;
	s14 =	sshra.s32 @!p0 s14, $0x2  }
0x24: {  	[tilespmem:s14], [sflag:$0x2] =	stream.linear.gather @!p0 [hbm4b:s15+s16], $0x30, $0x38;
	[tilespmem:$0xC0] =	vst v63  }
0x25: {  	p0 =	sge.u32 s31, s7  }
.Ltmp2:
0x26: {  	_ = 	snop;
	(pc) =	sbr.rel @p0 .LBB2_5-.Ltmp2, $1  }
0x27: {  	_ =	sdelay $0x3  }
0x28: {  	s14 =	sand.u32 $0x1, s12  }
0x29: {  	_ =	swait.ge [sflag:s6], $0x30;
	p0 =	seq.s32 s14, $0x1;
	s14 =	simm.s32 $0x30  }
0x2a: {  	[sflag:s6] =	ssyncset.done $0x0;
	s14 =	simm.s32 @!p0 $0x0  }
0x2b: {  	[sflag:s6] =	ssyncadd.s32 $0xFFFFFFD0;
	(ifvalue) =	ssetifvalue $0x7FFFFFFF;
	v0 =	vld.msk [tilespmem:s14+$0x0 ss:$0x1], $0xffff;
	_ =	sdelay $0x4  }
0x2c: {  	v1 =	vshrl.u32 v0, $0x7;
	v2 =	vshll.u32 v0, $0x7  }
0x2d: {  	vm1 =	veq.s32 v0, $0x80000000;
	v0 =	vand.u32 $0x3F, v1;
	v1 =	vand.u32 $0x3F80, v2  }
0x2e: {  	v0 =	vsel vm1, $0xFFFFFFFF, v0;
	v1 =	vsel vm1, $0xFFFFFF80, v1  }
0x2f: {  	v2 =	vand.u32 $0xFFFFFC00, v1;
	v3 =	vand.u32 $0xFFFFFC00, v0  }
0x30: {  	s15 =	sadd.s32 $0x10, s14;
	v1 =	vand.u32 $0x380, v1;
	v2 =	vadd.s32 v3, v2  }
0x31: {  	v0 =	vand.u32 $0x7F, v0;
	v1 =	vor.u32 v1, v2;
	v2 =	vld.msk [tilespmem:s15+$0x0 ss:$0x1], $0xffff  }
0x32: {  	v0 =	vor.u32 v0, v1;
	_ =	sdelay $0x3  }
0x33: {  	s14 =	sadd.s32 $0x60, s14;
	(ifvalue) =	ssetifvalue $0x7FFFFFFF;
	v1 =	vshrl.u32 v2, $0x7;
	v3 =	vshll.u32 v2, $0x7  }
0x34: {  	vm1 =	veq.s32 v2, $0x80000000;
	[tilespmem:s14], [sflag:$0x1] =	stream.indirect_vreg.gather [hbm4b:s2+s10], $0x1, v0, vm0, $0x4038;
	v0 =	vand.u32 $0x3F, v1;
	v1 =	vand.u32 $0x3F80, v3;
	[tilespmem:$0xC0] =	vst v63  }
0x35: {  	s16 =	simm.s32 $0x10;
	s17 =	sadd.s32 $0x10, s15;
	s15 =	smov.u32 s14;
	v0 =	vsel vm1, $0xFFFFFFFF, v0;
	v1 =	vsel vm1, $0xFFFFFF80, v1  }
.LBB2_3:
0x36: {  	v2 =	vld.msk [tilespmem:s17+$0x0 ss:$0x1], $0xffff;
	s16 =	sadd.s32 $0x10, s16;
	v3 =	vand.u32 $0xFFFFFC00, v1;
	v4 =	vand.u32 $0xFFFFFC00, v0  }
0x37: {  	v1 =	vand.u32 $0x380, v1;
	p0 =	slt.u32 s16, $0x20;
	v3 =	vadd.s32 v4, v3  }
0x38: {  	v0 =	vand.u32 $0x7F, v0;
	v1 =	vor.u32 v1, v3  }
0x39: {  	v3 =	vor.u32 v0, v1  }
.Ltmp3:
0x3a: {  	(pc) =	sbr.rel @p0 .LBB2_3-.Ltmp3, $4  }
0x3b: {  	_ = 	snop  }
0x3c: {  	v0 =	vshrl.u32 v2, $0x7;
	v1 =	vshll.u32 v2, $0x7  }
0x3d: {  	s17 =	sadd.s32 $0x10, s17;
	s15 =	sadd.s32 $0x10, s15;
	vm1 =	veq.s32 v2, $0x80000000;
	v0 =	vand.u32 $0x3F, v0;
	v1 =	vand.u32 $0x3F80, v1;
	(ifvalue) =	ssetifvalue $0x7FFFFFFF  }
0x3e: {  	v0 =	vsel vm1, $0xFFFFFFFF, v0;
	v1 =	vsel vm1, $0xFFFFFF80, v1;
	[tilespmem:s15], [sflag:$0x1] =	stream.indirect_vreg.gather [hbm4b:s2+s10], $0x1, v3, vm0, $0x4038;
	[tilespmem:$0xC0] =	vst v63  }
.Ltmp4:
0x3f: {  	_ = 	snop;
	(pc) =	sbr.rel .LBB2_4-.Ltmp4, $1  }
0x40: {  	_ =	sdelay $0x3  }
.LBB2_6:
0x41: {  	_ =	sfence.sel $0x180000  }
0x42: {  	s2 =	simm.s32 $0x2;
	[bflag:$0x0] =	sbarrier.arrive $0xFFFF  }
0x43: {  	s30 =	simm.s32 $0x3;
	[sflag:s2] =	ssyncpa.u1 $0x1  }
0x44: {  	s31 =	simm.s32 $0x1;
	[sflag:s30] =	ssyncpa.u1 $0x1  }
0x45: {  	[sflag:s31] =	ssyncpa.u1 $0x1  }
0x46: {  	p0 =	sne.s32 s1, $0x0;
	_ =	strace $0x9000004D  }
0x47: {  	s0 =	sadd.s32 @!p0 $0x100000, s0;
	[bflag:$0x2] =	sbarrier.arrive $0xFFFF  }
0x48: {  	[sflag:s0] =	ssyncadd.tile.s32 @!p0 $0x1;
	_ =	shalt  }
.Lfunc_end2:
_tile_overlayer_lowered:
.L_overlay_start_2:
0x49: {  	(tag) =	ssettag $0x2  }
0x4a: {  	s0 =	rddreg [dreg:$0x0];
	s2 =	stileid.u32  }
0x4b: {  	s1 =	rddreg [dreg:$0x1];
	p0 =	sne.s32 s2, $0x0  }
0x4c: {  	s3 =	rddreg [dreg:$0x2];
	[bflag:$0x3] =	sbarrier.arrive $0xFFFF;
	s2 =	simm.s32 @!p0 $0x1C01  }
0x4d: {  	[timem:s3], [sflag:s2] =	dma.local @!p0 [hbm:s0], s1  }
0x4e: {  	s0 =	simm.s32 @!p0 $0x1  }
0x4f: {  	_ =	swait.ge @!p0 [sflag:s0], s1  }
0x50: {  	s1 =	ssub.s32 @!p0 $0x0, s1;
	[sflag:s0] =	ssyncset.done @!p0 $0x0  }
0x51: {  	[sflag:s0] =	ssyncadd.s32 @!p0 s1  }
0x52: {  	[bflag:$0x3] =	sbarrier.arrive $0xFFFF  }
0x53: {  	_ =	shalt  }

// kernel: gather_offload_async_start.2
scs
__scs_entry_jumppad:
0x0: {  	(pc) =	sbr.rel $0x88, $3  }
0x1: {  	(tag) =	ssettag $0x0;
	lr =	simm.s32 $0x1  }
0x2: {  	[smem:$0x3F66] =	sst lr;
	_ =	strace $0xD0000000  }
0x3: {  	_ = 	snop  }
0x4: {  	_ = 	snop  }
0x5: {  	_ = 	snop  }
0x6: {  	_ = 	snop  }
0x7: {  	_ = 	snop  }
__scs_overlays_trampoline_lowered:
0x8: {  	[smem:$0x3F75] =	sst s0  }
0x9: {  	[smem:$0x3F76] =	sst s1  }
0xa: {  	[smem:$0x3F77] =	sst s2  }
0xb: {  	[smem:$0x3F78] =	sst s3  }
0xc: {  	[smem:$0x3F79] =	sst s4  }
0xd: {  	[smem:$0x3F7A] =	sst s5  }
0xe: {  	[smem:$0x3F7B] =	sst s6  }
0xf: {  	[smem:$0x3F7C] =	sst s7  }
0x10: {  	[smem:$0x3F7D] =	sst s8  }
0x11: {  	[smem:$0x3F7E] =	sst s9;
	s0 =	simm.s32 @!p0 $0x0  }
0x12: {  	s1 =	sld [smem:$0x3F64];
	s0 =	simm.s32 @p0 $0x1  }
0x13: {  	[smem:$0x3F7F] =	sst s0;
	s0 =	simm.s32 @!p1 $0x0  }
0x14: {  	s2 =	sld [smem:$0x3F63];
	s0 =	simm.s32 @p1 $0x1  }
0x15: {  	[smem:$0x3F80] =	sst s0;
	s0 =	simm.s32 @!p2 $0x0  }
0x16: {  	s3 =	sld [smem:$0x3FDB];
	s0 =	simm.s32 @p2 $0x1  }
0x17: {  	s4 =	simm.s32 $0x1BF5;
	[smem:$0x3F82] =	sst s0  }
0x18: {  	s0 =	sld [smem:$0x3F65];
	_ =	swait.ge [sflag:s4], $0x0  }
0x19: {  	s7 =	sld [smem:$0x3F66]  }
0x1a: {  	s8 =	sadd.s32 $0xFFFFE003, lr  }
0x1b: {  	s9 =	sadd.s32 $0xFFFFFEF7, lr;
	s5 =	simm.s32 $0xFFFFFFFF;
	p2 =	slt.u32 s8, $0xFFFFF086  }
0x1c: {  	p1 =	slt.u32 s9, $0xF7A;
	s5 =	simm.s32 @!p2 $0x0  }
0x1d: {  	s5 =	simm.s32 @p1 $0x1;
	p0 =	seq.s32 s7, s2  }
0x1e: {  	s7 =	smul.u32 @!p0 $0xF7A, s2;
	p2 =	seq.s32 @!p0 s5, $0x0  }
0x1f: {  	s9 =	smul.u32 $0xF7A, s1;
	s8 =	simm.s32 @!p0 $0x1BF5;
	p2 =	por !p2, p0  }
0x20: {  	[sflag:s8] =	ssyncset.s32 @!p0 $0xFFFFF086;
	s6 =	sadd.s32 @!p0 s3, s7;
	s7 =	simm.s32 @!p0 $0x108  }
0x21: {  	s3 =	sadd.s32 s3, s9;
	s6 =	sadd.s32 @!p0 $0x88, s6;
	s7 =	simm.s32 @p2 $0x1082  }
0x22: {  	[simem:s7], [sflag:s8] =	dma.local @!p0 [hbm:s6], $0xF7A  }
0x23: {  	s9 =	sor.u32 $0xD0000000, s2;
	s6 =	simm.s32 $0x108;
	_ =	swait.ge @!p0 [sflag:s8], $0x0  }
0x24: {  	s3 =	sadd.s32 $0x88, s3;
	s6 =	simm.s32 @!p1 $0x1082;
	[sflag:s4] =	ssyncset.s32 $0xFFFFF086  }
0x25: {  	[simem:s6], [sflag:s4] =	dma.local [hbm:s3], $0xF7A  }
0x26: {  	[smem:$0x3F66] =	sst s1;
	(tag) =	ssettag s2;
	_ =	strace s9  }
0x27: {  	s1 =	sld [smem:$0x3F76]  }
0x28: {  	s2 =	sld [smem:$0x3F77]  }
0x29: {  	s4 =	sld [smem:$0x3F79]  }
0x2a: {  	p0 =	seq.s32 s5, $0x0;
	s5 =	sld [smem:$0x3F7A]  }
0x2b: {  	s6 =	sld [smem:$0x3F7B]  }
0x2c: {  	s7 =	sld [smem:$0x3F7C]  }
0x2d: {  	s3 =	simm.s32 $0x108;
	s8 =	sld [smem:$0x3F7D]  }
0x2e: {  	s3 =	simm.s32 @!p0 $0x1082;
	s9 =	sld [smem:$0x3F7E]  }
0x2f: {  	lr =	sadd.s32 s0, s3;
	s0 =	sld [smem:$0x3F75]  }
0x30: {  	s3 =	sld [smem:$0x3F78]  }
0x31: {  	[smem:$0x3F81] =	sst s10  }
0x32: {  	s10 =	sld [smem:$0x3F7F];
	_ =	sdelay $0x3  }
0x33: {  	p0 =	seq.s32 s10, $0x1;
	s10 =	sld [smem:$0x3F81];
	_ =	sdelay $0x3  }
0x34: {  	[smem:$0x3F81] =	sst s10  }
0x35: {  	s10 =	sld [smem:$0x3F80];
	_ =	sdelay $0x3  }
0x36: {  	p1 =	seq.s32 s10, $0x1;
	s10 =	sld [smem:$0x3F81];
	_ =	sdelay $0x3  }
0x37: {  	[smem:$0x3F81] =	sst s10  }
0x38: {  	s10 =	sld [smem:$0x3F82]  }
0x39: {  	_ = 	snop;
	(pc) =	sbr.ind lr, $3  }
0x3a: {  	_ = 	snop  }
0x3b: {  	_ = 	snop  }
0x3c: {  	p2 =	seq.s32 s10, $0x1;
	s10 =	sld [smem:$0x3F81]  }
0x3d: {  	_ =	shalt  }
0x3e: {  	_ =	shalt  }
0x3f: {  	_ =	shalt  }
0x40: {  	_ =	shalt  }
0x41: {  	_ =	shalt  }
0x42: {  	_ =	shalt  }
0x43: {  	_ =	shalt  }
0x44: {  	_ =	shalt  }
0x45: {  	_ =	shalt  }
0x46: {  	_ =	shalt  }
0x47: {  	_ =	shalt  }
0x48: {  	_ =	shalt  }
0x49: {  	_ =	shalt  }
0x4a: {  	_ =	shalt  }
0x4b: {  	_ =	shalt  }
0x4c: {  	_ =	shalt  }
0x4d: {  	_ =	shalt  }
0x4e: {  	_ =	shalt  }
0x4f: {  	_ =	shalt  }
0x50: {  	_ =	shalt  }
0x51: {  	_ =	shalt  }
0x52: {  	_ =	shalt  }
0x53: {  	_ =	shalt  }
0x54: {  	_ =	shalt  }
0x55: {  	_ =	shalt  }
0x56: {  	_ =	shalt  }
0x57: {  	_ =	shalt  }
0x58: {  	_ =	shalt  }
0x59: {  	_ =	shalt  }
0x5a: {  	_ =	shalt  }
0x5b: {  	_ =	shalt  }
0x5c: {  	_ =	shalt  }
0x5d: {  	_ =	shalt  }
0x5e: {  	_ =	shalt  }
0x5f: {  	_ =	shalt  }
0x60: {  	_ =	shalt  }
0x61: {  	_ =	shalt  }
0x62: {  	_ =	shalt  }
0x63: {  	_ =	shalt  }
0x64: {  	_ =	shalt  }
0x65: {  	_ =	shalt  }
0x66: {  	_ =	shalt  }
0x67: {  	_ =	shalt  }
0x68: {  	_ =	shalt  }
0x69: {  	_ =	shalt  }
0x6a: {  	_ =	shalt  }
0x6b: {  	_ =	shalt  }
0x6c: {  	_ =	shalt  }
0x6d: {  	_ =	shalt  }
0x6e: {  	_ =	shalt  }
0x6f: {  	_ =	shalt  }
0x70: {  	_ =	shalt  }
0x71: {  	_ =	shalt  }
0x72: {  	_ =	shalt  }
0x73: {  	_ =	shalt  }
0x74: {  	_ =	shalt  }
0x75: {  	_ =	shalt  }
0x76: {  	_ =	shalt  }
0x77: {  	_ =	shalt  }
0x78: {  	_ =	shalt  }
0x79: {  	_ =	shalt  }
0x7a: {  	_ =	shalt  }
0x7b: {  	_ =	shalt  }
0x7c: {  	_ =	shalt  }
0x7d: {  	_ =	shalt  }
0x7e: {  	_ =	shalt  }
0x7f: {  	_ =	shalt  }
0x80: {  	_ =	shalt  }
0x81: {  	_ =	shalt  }
0x82: {  	_ =	shalt  }
0x83: {  	_ =	shalt  }
0x84: {  	_ =	shalt  }
0x85: {  	_ =	shalt  }
0x86: {  	_ =	shalt  }
0x87: {  	_ =	shalt  }
.Lfunc_end0:
.L_simem_size_0:
called_computation.3_lowered:
.L_overlay_start_0:
0x88: {  	s2 =	sld [smem:$0x3FD9]  }
0x89: {  	s3 =	sld [smem:$0x3FFE];
	_ =	sdelay $0x1  }
0x8a: {  	s1 =	srdreg.scid  }
0x8b: {  	s0 =	sand.u32 $0x1, s1  }
0x8c: {  	s14 =	sshll.u32 s0, $0xA;
	s2 =	sadd.s32 s3, s2  }
0x8d: {  	s2 =	sadd.s32 s2, s14  }
0x8e: {  	[smem:$0x3F8D] =	sst s2  }
0x8f: {  	_ = 	snop  }
0x90: {  	s2 =	sld [smem:$0x3FD0];
	_ =	sdelay $0x2  }
0x91: {  	s15 =	simm.s32 $0xA;
	s4 =	simm.s32 $0x10  }
0x92: {  	[smem:s4], [sflag:s15] =	dma.local [hbm:s2], $0x1  }
0x93: {  	_ =	swait.eq [sflag:s15], $0x1  }
0x94: {  	[sflag:s15] =	ssyncset.done $0x0  }
0x95: {  	s16 =	sld [smem:$0x10];
	[sflag:s15] =	ssyncadd.s32 $0xFFFFFFFF  }
0x96: {  	s17 =	sld [smem:$0x11];
	(tm) =	ssettm $0x1  }
0x97: {  	s18 =	sld [smem:$0x3FFB];
	_ =	sdelay $0x3  }
0x98: {  	_ =	strace s18  }
0x99: {  	s4 =	sld [smem:$0x3FFC];
	_ =	sdelay $0x3  }
0x9a: {  	_ =	strace s4  }
0x9b: {  	s4 =	sld [smem:$0x3FFD];
	_ =	sdelay $0x3  }
0x9c: {  	_ =	strace s4  }
0x9d: {  	_ =	strace $0x8FFFFFFF  }
0x9e: {  	s19 =	sld [smem:$0x3FDB];
	_ =	sdelay $0x1  }
0x9f: {  	s5 =	simm.s32 $_scs_section_size  }
0xa0: {  	s6 =	simm.s32 $_size__tile_overlayer_lowered;
	s7 =	simm.s32 $_tile_overlayer_lowered  }
0xa1: {  	s22 =	simm.s32 $0x1BFF;
	s21 =	sshll.u32 s7, $0x1;
	s4 =	sadd.s32 s5, s19  }
0xa2: {  	s8 =	simm.s32 $0x0;
	s20 =	sshll.u32 s6, $0x1;
	s6 =	sadd.s32 s21, s4  }
0xa3: {  	[timem:s8], [sflag:s22] =	dma.local [hbm:s6], s20  }
0xa4: {  	_ =	swait.ge [sflag:s22], s20  }
0xa5: {  	s5 =	ssub.s32 $0x0, s20;
	[sflag:s22] =	ssyncset.done $0x0  }
0xa6: {  	[sflag:s22] =	ssyncadd.s32 s5;
	_ =	sdelay $0x1  }
0xa7: {  	s23 =	simm.s32 $0x1B8B  }
0xa8: {  	_ =	swait.ge [sflag:s23], $0x1  }
0xa9: {  	[sflag:s23] =	ssyncset.done $0x0  }
0xaa: {  	s25 =	simm.s32 $0x1B8E;
	s24 =	sld [smem:$0x3FFE];
	[sflag:s23] =	ssyncadd.s32 $0xFFFFFFFF  }
0xab: {  	s26 =	simm.s32 $execute0_lowered;
	[smem:$0x3FD2] =	sst s25  }
0xac: {  	s6 =	sshll.u32 s26, $0x1;
	_ =	strace $0x8000004F;
	[dreg:$0x1] =	wrdreg $0xFFFFFFFF  }
0xad: {  	s28 =	simm.s32 $_size_execute0_lowered;
	s4 =	sadd.s32 s4, s6;
	[dreg:$0x0] =	wrdreg $0x0  }
0xae: {  	s6 =	sshll.u32 s28, $0x1;
	[dreg:$0x2] =	wrdreg s4  }
0xaf: {  	[dreg:$0x3] =	wrdreg s6  }
0xb0: {  	[dreg:$0x4] =	wrdreg $0xC0  }
0xb1: {  	_ =	task [dreg:s8], $0x5FFFF  }
0xb2: {  	[dreg:$0x1] =	wrdreg $0xFFFFFFFF  }
0xb3: {  	[dreg:$0x0] =	wrdreg $0x60  }
0xb4: {  	[dreg:$0x2] =	wrdreg s16  }
0xb5: {  	[dreg:$0x3] =	wrdreg s17  }
0xb6: {  	[dreg:$0x4] =	wrdreg s24  }
0xb7: {  	[dreg:$0x5] =	wrdreg $0x9  }
0xb8: {  	_ =	task.clear_ibuf [dreg:s8], $0x6FFFF;
	_ =	strace $0x9000004F  }
0xb9: {  	s29 =	simm.s32 $0x9;
	_ =	strace $0x80000051  }
0xba: {  	_ =	swait.ge [sflag:s29], $0x1  }
0xbb: {  	[sflag:s29] =	ssyncadd.s32 $0xFFFFFFFF  }
0xbc: {  	_ =	strace $0x90000051  }
0xbd: {  	_ =	sfence  }
0xbe: {  	s30 =	sld [smem:$0x0];
	_ =	sdelay $0x2  }
0xbf: {  	s31 =	sshll.u32 s1, $0xD;
	s1 =	sshrl.u32 s1, $0x2  }
0xc0: {  	s3 =	sand.u32 $0x4000, s31;
	s1 =	sadd.s32 s1, s30  }
0xc1: {  	s0 =	sor.u32 s3, s0;
	s1 =	sshll.u32 s1, $0x11  }
0xc2: {  	s0 =	sor.u32 s1, s0  }
0xc3: {  	s0 =	sadd.s32 $0x8F2B, s0  }
0xc4: {  	[sflag:s0] =	ssyncadd.remote.s32 $0x1  }
0xc5: {  	_ =	sfence.sel $0xFFFF  }
0xc6: {  	[dreg:$0x0] =	wrdreg $0xFFFFFFFF;
	(pc) =	sbr.abs _section_cstart, $3  }
0xc7: {  	[dreg:$0x1] =	wrdreg $0xFFFFFFFF  }
0xc8: {  	_ =	task.clear_ibuf [dreg:s8], $0x2FFFF;
	_ =	strace $0x9FFFFFFF  }
0xc9: {  	(tm) =	ssettm $0x7FFFFFFF  }
tec
execute0_lowered:
.L_overlay_start_1:
0x0: {  	(tag) =	ssettag $0x1  }
0x1: {  	s2 =	rddreg [dreg:$0x0]  }
0x2: {  	s3 =	rddreg [dreg:$0x1]  }
0x3: {  	s8 =	rddreg [dreg:$0x2];
	s1 =	stileid.u32  }
0x4: {  	s4 =	srdreg.scid;
	s0 =	rddreg [dreg:$0x3];
	_ =	strace $0x80000050  }
0x5: {  	s7 =	simm.s32 $0x1;
	s9 =	simm.s32 $0x1;
	s10 =	simm.s32 $0x3  }
0x6: {  	s13 =	simm.s32 $0x0;
	s5 =	sand.u32 $0x1, s4;
	s6 =	sshll.u32 s1, $0x1  }
0x7: {  	s12 =	simm.s32 $0x0;
	s4 =	simm.s32 $0x1;
	s5 =	sor.u32 s6, s5  }
.Ltmp0:
0x8: {  	[sflag:s4] =	ssyncpa.u1 $0x0;
	p0 =	slt.u32 s5, $0x13;
	(pc) =	sbr.rel .LBB2_1-.Ltmp0, $4  }
0x9: {  	s6 =	simm.s32 $0x2;
	s7 =	simm.s32 @!p0 $0x0;
	p0 =	sne.s32 s5, $0x12  }
0xa: {  	[sflag:s6] =	ssyncpa.u1 $0x0;
	s5 =	smul.u32 $0x30, s5;
	s9 =	simm.s32 @!p0 $0x0  }
0xb: {  	s8 =	sadd.s32 $0x4200, s8;
	[sflag:s10] =	ssyncpa.u1 $0x0;
	s7 =	sadd.s32 s9, s7  }
0xc: {  	vm0 =	vmmov $0xffff;
	s10 =	simm.s32 $0x0;
	s11 =	smov.u32 s5;
	s9 =	sadd.s32 $0x1, s7  }
.LBB2_4:
0xd: {  	v0 =	vnsel vm1, $0x0, v0  }
0xe: {  	v0 =	vmin.u32 v0, $0x95F;
	_ =	sdelay $0x3  }
0xf: {  	(ifvalue) =	ssetifvalue $0x7FFFFFFF;
	s15 =	sadd.s32 $0x10, s15  }
0x10: {  	[tilespmem:s15], [sflag:$0x1] =	stream.indirect_vreg.gather [hbm4b:s2+s10], $0x1, v0, vm0, $0x4038;
	[tilespmem:$0xC0] =	vst v63  }
0x11: {  	_ =	swait.ge [sflag:s4], $0x30  }
0x12: {  	s30 =	sshrl.u32 s13, $0x3;
	[sflag:s4] =	ssyncset.done $0x0  }
0x13: {  	s31 =	sand.u32 $0x7, s13;
	s15 =	sadd.s32 s8, s30;
	[sflag:s4] =	ssyncadd.s32 $0xFFFFFFD0  }
0x14: {  	[hbm4b:s15+s31] =	stream.linear.scatter [tilespmem:s14], [sflag:$0x3], $0x30, $0x38;
	[tilespmem:$0xC0] =	vst v63  }
.LBB2_5:
0x15: {  	s15 =	sadd.s32 $0x600, s11  }
0x16: {  	p1 =	sgt.s32 s15, $0x95F  }
0x17: {  	s15 =	smov.u32 @p1 s5;
	p1 =	sne.s32 s12, s9  }
.Ltmp1:
0x18: {  	p0 =	slt.u32 s12, $0x2;
	(pc) =	sbr.rel @!p1 .LBB2_6-.Ltmp1, $4  }
0x19: {  	s14 =	simm.s32 @!p0 $0x3  }
0x1a: {  	_ =	swait.ge @!p0 [sflag:s14], $0x30  }
0x1b: {  	s16 =	sadd.s32 $0x1, s12;
	s13 =	smov.u32 s11;
	[sflag:s14] =	ssyncset.done @!p0 $0x0  }
0x1c: {  	s12 =	smov.u32 s16;
	s11 =	smov.u32 s15;
	[sflag:s14] =	ssyncadd.s32 @!p0 $0xFFFFFFD0  }
.LBB2_1:
0x1d: {  	p0 =	sge.u32 s12, s7  }
0x1e: {  	s14 =	sxor.u32 @!p0 $0x1, s12  }
0x1f: {  	s14 =	smul.u32 @!p0 $0xC0, s14  }
0x20: {  	s31 =	sadd.s32 $0xFFFFFFFF, s12;
	s15 =	sshrl.u32 @!p0 s11, $0x3  }
0x21: {  	s16 =	sand.u32 @!p0 $0x7, s11;
	s15 =	sadd.s32 @!p0 s3, s15;
	s14 =	sshra.s32 @!p0 s14, $0x2  }
0x22: {  	[tilespmem:s14], [sflag:$0x2] =	stream.linear.gather @!p0 [hbm4b:s15+s16], $0x30, $0x38;
	[tilespmem:$0xC0] =	vst v63  }
0x23: {  	p0 =	sge.u32 s31, s7  }
.Ltmp2:
0x24: {  	_ = 	snop;
	(pc) =	sbr.rel @p0 .LBB2_5-.Ltmp2, $1  }
0x25: {  	_ =	sdelay $0x3  }
0x26: {  	s14 =	sand.u32 $0x1, s12  }
0x27: {  	_ =	swait.ge [sflag:s6], $0x30;
	p0 =	seq.s32 s14, $0x1;
	s14 =	simm.s32 $0x30  }
0x28: {  	[sflag:s6] =	ssyncset.done $0x0;
	s14 =	simm.s32 @!p0 $0x0  }
0x29: {  	[sflag:s6] =	ssyncadd.s32 $0xFFFFFFD0;
	(ifvalue) =	ssetifvalue $0x7FFFFFFF;
	v0 =	vld.msk [tilespmem:s14+$0x0 ss:$0x1], $0xffff;
	_ =	sdelay $0x4  }
0x2a: {  	vm1 =	vgt.s32 v0, $0x0  }
0x2b: {  	s15 =	sadd.s32 $0x10, s14;
	v0 =	vnsel vm1, $0x0, v0  }
0x2c: {  	v1 =	vmin.u32 v0, $0x95F;
	v0 =	vld.msk [tilespmem:s15+$0x0 ss:$0x1], $0xffff;
	_ =	sdelay $0x2  }
0x2d: {  	s16 =	simm.s32 $0x10;
	s14 =	sadd.s32 $0x60, s14  }
0x2e: {  	s17 =	sadd.s32 $0x10, s15;
	(ifvalue) =	ssetifvalue $0x7FFFFFFF;
	s15 =	smov.u32 s14  }
0x2f: {  	[tilespmem:s14], [sflag:$0x1] =	stream.indirect_vreg.gather [hbm4b:s2+s10], $0x1, v1, vm0, $0x4038;
	vm1 =	vgt.s32 v0, $0x0;
	[tilespmem:$0xC0] =	vst v63  }
.LBB2_3:
0x30: {  	s16 =	sadd.s32 $0x10, s16;
	v1 =	vnsel vm1, $0x0, v0;
	v0 =	vld.msk [tilespmem:s17+$0x0 ss:$0x1], $0xffff  }
0x31: {  	p0 =	slt.u32 s16, $0x20;
	v1 =	vmin.u32 v1, $0x95F  }
.Ltmp3:
0x32: {  	(pc) =	sbr.rel @p0 .LBB2_3-.Ltmp3, $3  }
0x33: {  	_ =	sdelay $0x1  }
0x34: {  	s17 =	sadd.s32 $0x10, s17;
	s15 =	sadd.s32 $0x10, s15;
	(ifvalue) =	ssetifvalue $0x7FFFFFFF  }
0x35: {  	vm1 =	vgt.s32 v0, $0x0;
	[tilespmem:s15], [sflag:$0x1] =	stream.indirect_vreg.gather [hbm4b:s2+s10], $0x1, v1, vm0, $0x4038;
	[tilespmem:$0xC0] =	vst v63  }
.Ltmp4:
0x36: {  	_ = 	snop;
	(pc) =	sbr.rel .LBB2_4-.Ltmp4, $1  }
0x37: {  	_ =	sdelay $0x3  }
.LBB2_6:
0x38: {  	_ =	sfence.sel $0x180000  }
0x39: {  	s2 =	simm.s32 $0x2;
	[bflag:$0x0] =	sbarrier.arrive $0xFFFF  }
0x3a: {  	s30 =	simm.s32 $0x3;
	[sflag:s2] =	ssyncpa.u1 $0x1  }
0x3b: {  	s31 =	simm.s32 $0x1;
	[sflag:s30] =	ssyncpa.u1 $0x1  }
0x3c: {  	[sflag:s31] =	ssyncpa.u1 $0x1  }
0x3d: {  	p0 =	sne.s32 s1, $0x0;
	_ =	strace $0x90000050  }
0x3e: {  	s0 =	sadd.s32 @!p0 $0x100000, s0;
	[bflag:$0x2] =	sbarrier.arrive $0xFFFF  }
0x3f: {  	[sflag:s0] =	ssyncadd.tile.s32 @!p0 $0x1;
	_ =	shalt  }
.Lfunc_end2:
_tile_overlayer_lowered:
.L_overlay_start_2:
0x40: {  	(tag) =	ssettag $0x2  }
0x41: {  	s0 =	rddreg [dreg:$0x0];
	s2 =	stileid.u32  }
0x42: {  	s1 =	rddreg [dreg:$0x1];
	p0 =	sne.s32 s2, $0x0  }
0x43: {  	s3 =	rddreg [dreg:$0x2];
	[bflag:$0x3] =	sbarrier.arrive $0xFFFF;
	s2 =	simm.s32 @!p0 $0x1C01  }
0x44: {  	[timem:s3], [sflag:s2] =	dma.local @!p0 [hbm:s0], s1  }
0x45: {  	s0 =	simm.s32 @!p0 $0x1  }
0x46: {  	_ =	swait.ge @!p0 [sflag:s0], s1  }
0x47: {  	s1 =	ssub.s32 @!p0 $0x0, s1;
	[sflag:s0] =	ssyncset.done @!p0 $0x0  }
0x48: {  	[sflag:s0] =	ssyncadd.s32 @!p0 s1  }
0x49: {  	[bflag:$0x3] =	sbarrier.arrive $0xFFFF  }
0x4a: {  	_ =	shalt  }

// kernel: gather_offload_async_start
scs
__scs_entry_jumppad:
0x0: {  	(pc) =	sbr.rel $0x88, $3  }
0x1: {  	(tag) =	ssettag $0x0;
	lr =	simm.s32 $0x1  }
0x2: {  	[smem:$0x3F66] =	sst lr;
	_ =	strace $0xD0000000  }
0x3: {  	_ = 	snop  }
0x4: {  	_ = 	snop  }
0x5: {  	_ = 	snop  }
0x6: {  	_ = 	snop  }
0x7: {  	_ = 	snop  }
__scs_overlays_trampoline_lowered:
0x8: {  	[smem:$0x3F75] =	sst s0  }
0x9: {  	[smem:$0x3F76] =	sst s1  }
0xa: {  	[smem:$0x3F77] =	sst s2  }
0xb: {  	[smem:$0x3F78] =	sst s3  }
0xc: {  	[smem:$0x3F79] =	sst s4  }
0xd: {  	[smem:$0x3F7A] =	sst s5  }
0xe: {  	[smem:$0x3F7B] =	sst s6  }
0xf: {  	[smem:$0x3F7C] =	sst s7  }
0x10: {  	[smem:$0x3F7D] =	sst s8  }
0x11: {  	[smem:$0x3F7E] =	sst s9;
	s0 =	simm.s32 @!p0 $0x0  }
0x12: {  	s1 =	sld [smem:$0x3F64];
	s0 =	simm.s32 @p0 $0x1  }
0x13: {  	[smem:$0x3F7F] =	sst s0;
	s0 =	simm.s32 @!p1 $0x0  }
0x14: {  	s2 =	sld [smem:$0x3F63];
	s0 =	simm.s32 @p1 $0x1  }
0x15: {  	[smem:$0x3F80] =	sst s0;
	s0 =	simm.s32 @!p2 $0x0  }
0x16: {  	s3 =	sld [smem:$0x3FDB];
	s0 =	simm.s32 @p2 $0x1  }
0x17: {  	s4 =	simm.s32 $0x1BF5;
	[smem:$0x3F82] =	sst s0  }
0x18: {  	s0 =	sld [smem:$0x3F65];
	_ =	swait.ge [sflag:s4], $0x0  }
0x19: {  	s7 =	sld [smem:$0x3F66]  }
0x1a: {  	s8 =	sadd.s32 $0xFFFFE003, lr  }
0x1b: {  	s9 =	sadd.s32 $0xFFFFFEF7, lr;
	s5 =	simm.s32 $0xFFFFFFFF;
	p2 =	slt.u32 s8, $0xFFFFF086  }
0x1c: {  	p1 =	slt.u32 s9, $0xF7A;
	s5 =	simm.s32 @!p2 $0x0  }
0x1d: {  	s5 =	simm.s32 @p1 $0x1;
	p0 =	seq.s32 s7, s2  }
0x1e: {  	s7 =	smul.u32 @!p0 $0xF7A, s2;
	p2 =	seq.s32 @!p0 s5, $0x0  }
0x1f: {  	s9 =	smul.u32 $0xF7A, s1;
	s8 =	simm.s32 @!p0 $0x1BF5;
	p2 =	por !p2, p0  }
0x20: {  	[sflag:s8] =	ssyncset.s32 @!p0 $0xFFFFF086;
	s6 =	sadd.s32 @!p0 s3, s7;
	s7 =	simm.s32 @!p0 $0x108  }
0x21: {  	s3 =	sadd.s32 s3, s9;
	s6 =	sadd.s32 @!p0 $0x88, s6;
	s7 =	simm.s32 @p2 $0x1082  }
0x22: {  	[simem:s7], [sflag:s8] =	dma.local @!p0 [hbm:s6], $0xF7A  }
0x23: {  	s9 =	sor.u32 $0xD0000000, s2;
	s6 =	simm.s32 $0x108;
	_ =	swait.ge @!p0 [sflag:s8], $0x0  }
0x24: {  	s3 =	sadd.s32 $0x88, s3;
	s6 =	simm.s32 @!p1 $0x1082;
	[sflag:s4] =	ssyncset.s32 $0xFFFFF086  }
0x25: {  	[simem:s6], [sflag:s4] =	dma.local [hbm:s3], $0xF7A  }
0x26: {  	[smem:$0x3F66] =	sst s1;
	(tag) =	ssettag s2;
	_ =	strace s9  }
0x27: {  	s1 =	sld [smem:$0x3F76]  }
0x28: {  	s2 =	sld [smem:$0x3F77]  }
0x29: {  	s4 =	sld [smem:$0x3F79]  }
0x2a: {  	p0 =	seq.s32 s5, $0x0;
	s5 =	sld [smem:$0x3F7A]  }
0x2b: {  	s6 =	sld [smem:$0x3F7B]  }
0x2c: {  	s7 =	sld [smem:$0x3F7C]  }
0x2d: {  	s3 =	simm.s32 $0x108;
	s8 =	sld [smem:$0x3F7D]  }
0x2e: {  	s3 =	simm.s32 @!p0 $0x1082;
	s9 =	sld [smem:$0x3F7E]  }
0x2f: {  	lr =	sadd.s32 s0, s3;
	s0 =	sld [smem:$0x3F75]  }
0x30: {  	s3 =	sld [smem:$0x3F78]  }
0x31: {  	[smem:$0x3F81] =	sst s10  }
0x32: {  	s10 =	sld [smem:$0x3F7F];
	_ =	sdelay $0x3  }
0x33: {  	p0 =	seq.s32 s10, $0x1;
	s10 =	sld [smem:$0x3F81];
	_ =	sdelay $0x3  }
0x34: {  	[smem:$0x3F81] =	sst s10  }
0x35: {  	s10 =	sld [smem:$0x3F80];
	_ =	sdelay $0x3  }
0x36: {  	p1 =	seq.s32 s10, $0x1;
	s10 =	sld [smem:$0x3F81];
	_ =	sdelay $0x3  }
0x37: {  	[smem:$0x3F81] =	sst s10  }
0x38: {  	s10 =	sld [smem:$0x3F82]  }
0x39: {  	_ = 	snop;
	(pc) =	sbr.ind lr, $3  }
0x3a: {  	_ = 	snop  }
0x3b: {  	_ = 	snop  }
0x3c: {  	p2 =	seq.s32 s10, $0x1;
	s10 =	sld [smem:$0x3F81]  }
0x3d: {  	_ =	shalt  }
0x3e: {  	_ =	shalt  }
0x3f: {  	_ =	shalt  }
0x40: {  	_ =	shalt  }
0x41: {  	_ =	shalt  }
0x42: {  	_ =	shalt  }
0x43: {  	_ =	shalt  }
0x44: {  	_ =	shalt  }
0x45: {  	_ =	shalt  }
0x46: {  	_ =	shalt  }
0x47: {  	_ =	shalt  }
0x48: {  	_ =	shalt  }
0x49: {  	_ =	shalt  }
0x4a: {  	_ =	shalt  }
0x4b: {  	_ =	shalt  }
0x4c: {  	_ =	shalt  }
0x4d: {  	_ =	shalt  }
0x4e: {  	_ =	shalt  }
0x4f: {  	_ =	shalt  }
0x50: {  	_ =	shalt  }
0x51: {  	_ =	shalt  }
0x52: {  	_ =	shalt  }
0x53: {  	_ =	shalt  }
0x54: {  	_ =	shalt  }
0x55: {  	_ =	shalt  }
0x56: {  	_ =	shalt  }
0x57: {  	_ =	shalt  }
0x58: {  	_ =	shalt  }
0x59: {  	_ =	shalt  }
0x5a: {  	_ =	shalt  }
0x5b: {  	_ =	shalt  }
0x5c: {  	_ =	shalt  }
0x5d: {  	_ =	shalt  }
0x5e: {  	_ =	shalt  }
0x5f: {  	_ =	shalt  }
0x60: {  	_ =	shalt  }
0x61: {  	_ =	shalt  }
0x62: {  	_ =	shalt  }
0x63: {  	_ =	shalt  }
0x64: {  	_ =	shalt  }
0x65: {  	_ =	shalt  }
0x66: {  	_ =	shalt  }
0x67: {  	_ =	shalt  }
0x68: {  	_ =	shalt  }
0x69: {  	_ =	shalt  }
0x6a: {  	_ =	shalt  }
0x6b: {  	_ =	shalt  }
0x6c: {  	_ =	shalt  }
0x6d: {  	_ =	shalt  }
0x6e: {  	_ =	shalt  }
0x6f: {  	_ =	shalt  }
0x70: {  	_ =	shalt  }
0x71: {  	_ =	shalt  }
0x72: {  	_ =	shalt  }
0x73: {  	_ =	shalt  }
0x74: {  	_ =	shalt  }
0x75: {  	_ =	shalt  }
0x76: {  	_ =	shalt  }
0x77: {  	_ =	shalt  }
0x78: {  	_ =	shalt  }
0x79: {  	_ =	shalt  }
0x7a: {  	_ =	shalt  }
0x7b: {  	_ =	shalt  }
0x7c: {  	_ =	shalt  }
0x7d: {  	_ =	shalt  }
0x7e: {  	_ =	shalt  }
0x7f: {  	_ =	shalt  }
0x80: {  	_ =	shalt  }
0x81: {  	_ =	shalt  }
0x82: {  	_ =	shalt  }
0x83: {  	_ =	shalt  }
0x84: {  	_ =	shalt  }
0x85: {  	_ =	shalt  }
0x86: {  	_ =	shalt  }
0x87: {  	_ =	shalt  }
.Lfunc_end0:
.L_simem_size_0:
called_computation.1_lowered:
.L_overlay_start_0:
0x88: {  	s2 =	sld [smem:$0x3FD9]  }
0x89: {  	s3 =	sld [smem:$0x3FFE];
	_ =	sdelay $0x1  }
0x8a: {  	s1 =	srdreg.scid  }
0x8b: {  	s0 =	sand.u32 $0x1, s1  }
0x8c: {  	s14 =	sshll.u32 s0, $0xA;
	s2 =	sadd.s32 s3, s2  }
0x8d: {  	s2 =	sadd.s32 s2, s14  }
0x8e: {  	[smem:$0x3F8D] =	sst s2  }
0x8f: {  	_ = 	snop  }
0x90: {  	s2 =	sld [smem:$0x3FD0];
	_ =	sdelay $0x2  }
0x91: {  	s15 =	simm.s32 $0xA;
	s4 =	simm.s32 $0x10  }
0x92: {  	[smem:s4], [sflag:s15] =	dma.local [hbm:s2], $0x1  }
0x93: {  	_ =	swait.eq [sflag:s15], $0x1  }
0x94: {  	[sflag:s15] =	ssyncset.done $0x0  }
0x95: {  	[sflag:s15] =	ssyncadd.s32 $0xFFFFFFFF  }
0x96: {  	s16 =	sld [smem:$0x10];
	(tm) =	ssettm $0x1  }
0x97: {  	s17 =	sld [smem:$0x3FFB];
	_ =	sdelay $0x3  }
0x98: {  	_ =	strace s17  }
0x99: {  	s3 =	sld [smem:$0x3FFC];
	_ =	sdelay $0x3  }
0x9a: {  	_ =	strace s3  }
0x9b: {  	s3 =	sld [smem:$0x3FFD];
	_ =	sdelay $0x3  }
0x9c: {  	_ =	strace s3  }
0x9d: {  	_ =	strace $0x8FFFFFFF  }
0x9e: {  	s18 =	sld [smem:$0x3FDB];
	_ =	sdelay $0x1  }
0x9f: {  	s19 =	simm.s32 $_scs_section_size  }
0xa0: {  	s5 =	simm.s32 $_size__tile_overlayer_lowered;
	s6 =	simm.s32 $_tile_overlayer_lowered  }
0xa1: {  	s22 =	simm.s32 $0x1BFF;
	s21 =	sshll.u32 s6, $0x1;
	s3 =	sadd.s32 s19, s18  }
0xa2: {  	s7 =	simm.s32 $0x0;
	s20 =	sshll.u32 s5, $0x1;
	s5 =	sadd.s32 s21, s3  }
0xa3: {  	[timem:s7], [sflag:s22] =	dma.local [hbm:s5], s20  }
0xa4: {  	_ =	swait.ge [sflag:s22], s20  }
0xa5: {  	s4 =	ssub.s32 $0x0, s20;
	[sflag:s22] =	ssyncset.done $0x0  }
0xa6: {  	[sflag:s22] =	ssyncadd.s32 s4;
	_ =	sdelay $0x1  }
0xa7: {  	s23 =	simm.s32 $0x1B8B  }
0xa8: {  	_ =	swait.ge [sflag:s23], $0x1  }
0xa9: {  	[sflag:s23] =	ssyncset.done $0x0  }
0xaa: {  	s25 =	simm.s32 $0x1B8E;
	s24 =	sld [smem:$0x3FFE];
	[sflag:s23] =	ssyncadd.s32 $0xFFFFFFFF  }
0xab: {  	s26 =	simm.s32 $execute0_lowered;
	[smem:$0x3FD2] =	sst s25  }
0xac: {  	s5 =	sshll.u32 s26, $0x1;
	_ =	strace $0x80000049;
	[dreg:$0x1] =	wrdreg $0xFFFFFFFF  }
0xad: {  	s28 =	simm.s32 $_size_execute0_lowered;
	s3 =	sadd.s32 s3, s5;
	[dreg:$0x0] =	wrdreg $0x0  }
0xae: {  	s5 =	sshll.u32 s28, $0x1;
	[dreg:$0x2] =	wrdreg s3  }
0xaf: {  	[dreg:$0x3] =	wrdreg s5  }
0xb0: {  	[dreg:$0x4] =	wrdreg $0xC0  }
0xb1: {  	_ =	task [dreg:s7], $0x5FFFF  }
0xb2: {  	[dreg:$0x1] =	wrdreg $0xFFFFFFFF  }
0xb3: {  	[dreg:$0x0] =	wrdreg $0x60  }
0xb4: {  	[dreg:$0x2] =	wrdreg s16  }
0xb5: {  	[dreg:$0x3] =	wrdreg s24  }
0xb6: {  	[dreg:$0x4] =	wrdreg $0x9  }
0xb7: {  	_ =	task.clear_ibuf [dreg:s7], $0x5FFFF;
	_ =	strace $0x90000049  }
0xb8: {  	s29 =	simm.s32 $0x9;
	_ =	strace $0x8000004B  }
0xb9: {  	_ =	swait.ge [sflag:s29], $0x1  }
0xba: {  	[sflag:s29] =	ssyncadd.s32 $0xFFFFFFFF  }
0xbb: {  	_ =	strace $0x9000004B  }
0xbc: {  	_ =	sfence  }
0xbd: {  	s30 =	sld [smem:$0x0];
	_ =	sdelay $0x2  }
0xbe: {  	s31 =	sshll.u32 s1, $0xD;
	s1 =	sshrl.u32 s1, $0x2  }
0xbf: {  	s3 =	sand.u32 $0x4000, s31;
	s1 =	sadd.s32 s1, s30  }
0xc0: {  	s0 =	sor.u32 s3, s0;
	s1 =	sshll.u32 s1, $0x11  }
0xc1: {  	s0 =	sor.u32 s1, s0  }
0xc2: {  	s0 =	sadd.s32 $0x8F2B, s0  }
0xc3: {  	[sflag:s0] =	ssyncadd.remote.s32 $0x1  }
0xc4: {  	_ =	sfence.sel $0xFFFF  }
0xc5: {  	[dreg:$0x0] =	wrdreg $0xFFFFFFFF;
	(pc) =	sbr.abs _section_cstart, $3  }
0xc6: {  	[dreg:$0x1] =	wrdreg $0xFFFFFFFF  }
0xc7: {  	_ =	task.clear_ibuf [dreg:s7], $0x2FFFF;
	_ =	strace $0x9FFFFFFF  }
0xc8: {  	(tm) =	ssettm $0x7FFFFFFF  }
0xc9: {  	_ =	shalt  }
tec
execute0_lowered:
.L_overlay_start_1:
0x0: {  	(tag) =	ssettag $0x1  }
0x1: {  	s2 =	rddreg [dreg:$0x0]  }
0x2: {  	s8 =	rddreg [dreg:$0x1]  }
0x3: {  	s0 =	rddreg [dreg:$0x2];
	s1 =	stileid.u32  }
0x4: {  	s3 =	srdreg.scid;
	_ =	strace $0x8000004A;
	s4 =	simm.s32 $0x1  }
0x5: {  	s7 =	simm.s32 $0x1;
	s9 =	simm.s32 $0x1;
	s10 =	simm.s32 $0x3  }
0x6: {  	s13 =	simm.s32 $0x0;
	s5 =	sand.u32 $0x1, s3;
	s6 =	sshll.u32 s1, $0x1  }
0x7: {  	s12 =	simm.s32 $0x0;
	s3 =	sadd.s32 $0x4200, s8;
	s5 =	sor.u32 s6, s5  }
.Ltmp0:
0x8: {  	[sflag:s4] =	ssyncpa.u1 $0x0;
	p0 =	slt.u32 s5, $0x13;
	(pc) =	sbr.rel .LBB2_1-.Ltmp0, $4  }
0x9: {  	s6 =	simm.s32 $0x2;
	s7 =	simm.s32 @!p0 $0x0;
	p0 =	sne.s32 s5, $0x12  }
0xa: {  	[sflag:s6] =	ssyncpa.u1 $0x0;
	s5 =	smul.u32 $0x30, s5;
	s9 =	simm.s32 @!p0 $0x0  }
0xb: {  	s8 =	sadd.s32 $0x4000, s8;
	[sflag:s10] =	ssyncpa.u1 $0x0;
	s7 =	sadd.s32 s9, s7  }
0xc: {  	vm0 =	vmmov $0xffff;
	s10 =	simm.s32 $0x0;
	s11 =	smov.u32 s5;
	s9 =	sadd.s32 $0x1, s7  }
.LBB2_4:
0xd: {  	v2 =	vand.u32 $0xFFFFFC00, v1;
	v3 =	vand.u32 $0xFFFFFC00, v0  }
0xe: {  	v62 =	vand.u32 $0x380, v1;
	v2 =	vadd.s32 v3, v2  }
0xf: {  	v63 =	vand.u32 $0x7F, v0;
	v1 =	vor.u32 v62, v2  }
0x10: {  	v0 =	vor.u32 v63, v1;
	_ =	sdelay $0x3  }
0x11: {  	(ifvalue) =	ssetifvalue $0x7FFFFFFF;
	s15 =	sadd.s32 $0x10, s15  }
0x12: {  	[tilespmem:s15], [sflag:$0x1] =	stream.indirect_vreg.gather [hbm4b:s2+s10], $0x1, v0, vm0, $0x4038;
	[tilespmem:$0xC0] =	vst v63  }
0x13: {  	_ =	swait.ge [sflag:s4], $0x30  }
0x14: {  	s30 =	sshrl.u32 s13, $0x3;
	[sflag:s4] =	ssyncset.done $0x0  }
0x15: {  	s31 =	sand.u32 $0x7, s13;
	s15 =	sadd.s32 s8, s30;
	[sflag:s4] =	ssyncadd.s32 $0xFFFFFFD0  }
0x16: {  	[hbm4b:s15+s31] =	stream.linear.scatter [tilespmem:s14], [sflag:$0x3], $0x30, $0x38;
	[tilespmem:$0xC0] =	vst v63  }
.LBB2_5:
0x17: {  	s15 =	sadd.s32 $0x600, s11  }
0x18: {  	p1 =	sgt.s32 s15, $0x95F  }
0x19: {  	s15 =	smov.u32 @p1 s5;
	p1 =	sne.s32 s12, s9  }
.Ltmp1:
0x1a: {  	p0 =	slt.u32 s12, $0x2;
	(pc) =	sbr.rel @!p1 .LBB2_6-.Ltmp1, $4  }
0x1b: {  	s14 =	simm.s32 @!p0 $0x3  }
0x1c: {  	_ =	swait.ge @!p0 [sflag:s14], $0x30  }
0x1d: {  	s16 =	sadd.s32 $0x1, s12;
	s13 =	smov.u32 s11;
	[sflag:s14] =	ssyncset.done @!p0 $0x0  }
0x1e: {  	s12 =	smov.u32 s16;
	s11 =	smov.u32 s15;
	[sflag:s14] =	ssyncadd.s32 @!p0 $0xFFFFFFD0  }
.LBB2_1:
0x1f: {  	p0 =	sge.u32 s12, s7  }
0x20: {  	s14 =	sxor.u32 @!p0 $0x1, s12  }
0x21: {  	s14 =	smul.u32 @!p0 $0xC0, s14  }
0x22: {  	s31 =	sadd.s32 $0xFFFFFFFF, s12;
	s15 =	sshrl.u32 @!p0 s11, $0x3  }
0x23: {  	s16 =	sand.u32 @!p0 $0x7, s11;
	s15 =	sadd.s32 @!p0 s3, s15;
	s14 =	sshra.s32 @!p0 s14, $0x2  }
0x24: {  	[tilespmem:s14], [sflag:$0x2] =	stream.linear.gather @!p0 [hbm4b:s15+s16], $0x30, $0x38;
	[tilespmem:$0xC0] =	vst v63  }
0x25: {  	p0 =	sge.u32 s31, s7  }
.Ltmp2:
0x26: {  	_ = 	snop;
	(pc) =	sbr.rel @p0 .LBB2_5-.Ltmp2, $1  }
0x27: {  	_ =	sdelay $0x3  }
0x28: {  	s14 =	sand.u32 $0x1, s12  }
0x29: {  	_ =	swait.ge [sflag:s6], $0x30;
	p0 =	seq.s32 s14, $0x1;
	s14 =	simm.s32 $0x30  }
0x2a: {  	[sflag:s6] =	ssyncset.done $0x0;
	s14 =	simm.s32 @!p0 $0x0  }
0x2b: {  	[sflag:s6] =	ssyncadd.s32 $0xFFFFFFD0;
	(ifvalue) =	ssetifvalue $0x7FFFFFFF;
	v0 =	vld.msk [tilespmem:s14+$0x0 ss:$0x1], $0xffff;
	_ =	sdelay $0x4  }
0x2c: {  	v1 =	vshrl.u32 v0, $0x7;
	v2 =	vshll.u32 v0, $0x7  }
0x2d: {  	vm1 =	veq.s32 v0, $0x80000000;
	v0 =	vand.u32 $0x3F, v1;
	v1 =	vand.u32 $0x3F80, v2  }
0x2e: {  	v0 =	vsel vm1, $0xFFFFFFFF, v0;
	v1 =	vsel vm1, $0xFFFFFF80, v1  }
0x2f: {  	v2 =	vand.u32 $0xFFFFFC00, v1;
	v3 =	vand.u32 $0xFFFFFC00, v0  }
0x30: {  	s15 =	sadd.s32 $0x10, s14;
	v1 =	vand.u32 $0x380, v1;
	v2 =	vadd.s32 v3, v2  }
0x31: {  	v0 =	vand.u32 $0x7F, v0;
	v1 =	vor.u32 v1, v2;
	v2 =	vld.msk [tilespmem:s15+$0x0 ss:$0x1], $0xffff  }
0x32: {  	v0 =	vor.u32 v0, v1;
	_ =	sdelay $0x3  }
0x33: {  	s14 =	sadd.s32 $0x60, s14;
	(ifvalue) =	ssetifvalue $0x7FFFFFFF;
	v1 =	vshrl.u32 v2, $0x7;
	v3 =	vshll.u32 v2, $0x7  }
0x34: {  	vm1 =	veq.s32 v2, $0x80000000;
	[tilespmem:s14], [sflag:$0x1] =	stream.indirect_vreg.gather [hbm4b:s2+s10], $0x1, v0, vm0, $0x4038;
	v0 =	vand.u32 $0x3F, v1;
	v1 =	vand.u32 $0x3F80, v3;
	[tilespmem:$0xC0] =	vst v63  }
0x35: {  	s16 =	simm.s32 $0x10;
	s17 =	sadd.s32 $0x10, s15;
	s15 =	smov.u32 s14;
	v0 =	vsel vm1, $0xFFFFFFFF, v0;
	v1 =	vsel vm1, $0xFFFFFF80, v1  }
.LBB2_3:
0x36: {  	v2 =	vld.msk [tilespmem:s17+$0x0 ss:$0x1], $0xffff;
	s16 =	sadd.s32 $0x10, s16;
	v3 =	vand.u32 $0xFFFFFC00, v1;
	v4 =	vand.u32 $0xFFFFFC00, v0  }
0x37: {  	v1 =	vand.u32 $0x380, v1;
	p0 =	slt.u32 s16, $0x20;
	v3 =	vadd.s32 v4, v3  }
0x38: {  	v0 =	vand.u32 $0x7F, v0;
	v1 =	vor.u32 v1, v3  }
0x39: {  	v3 =	vor.u32 v0, v1  }
.Ltmp3:
0x3a: {  	(pc) =	sbr.rel @p0 .LBB2_3-.Ltmp3, $4  }
0x3b: {  	_ = 	snop  }
0x3c: {  	v0 =	vshrl.u32 v2, $0x7;
	v1 =	vshll.u32 v2, $0x7  }
0x3d: {  	s17 =	sadd.s32 $0x10, s17;
	s15 =	sadd.s32 $0x10, s15;
	vm1 =	veq.s32 v2, $0x80000000;
	v0 =	vand.u32 $0x3F, v0;
	v1 =	vand.u32 $0x3F80, v1;
	(ifvalue) =	ssetifvalue $0x7FFFFFFF  }
0x3e: {  	v0 =	vsel vm1, $0xFFFFFFFF, v0;
	v1 =	vsel vm1, $0xFFFFFF80, v1;
	[tilespmem:s15], [sflag:$0x1] =	stream.indirect_vreg.gather [hbm4b:s2+s10], $0x1, v3, vm0, $0x4038;
	[tilespmem:$0xC0] =	vst v63  }
.Ltmp4:
0x3f: {  	_ = 	snop;
	(pc) =	sbr.rel .LBB2_4-.Ltmp4, $1  }
0x40: {  	_ =	sdelay $0x3  }
.LBB2_6:
0x41: {  	_ =	sfence.sel $0x180000  }
0x42: {  	s2 =	simm.s32 $0x2;
	[bflag:$0x0] =	sbarrier.arrive $0xFFFF  }
0x43: {  	s30 =	simm.s32 $0x3;
	[sflag:s2] =	ssyncpa.u1 $0x1  }
0x44: {  	s31 =	simm.s32 $0x1;
	[sflag:s30] =	ssyncpa.u1 $0x1  }
0x45: {  	[sflag:s31] =	ssyncpa.u1 $0x1  }
0x46: {  	p0 =	sne.s32 s1, $0x0;
	_ =	strace $0x9000004A  }
0x47: {  	s0 =	sadd.s32 @!p0 $0x100000, s0;
	[bflag:$0x2] =	sbarrier.arrive $0xFFFF  }
0x48: {  	[sflag:s0] =	ssyncadd.tile.s32 @!p0 $0x1;
	_ =	shalt  }
.Lfunc_end2:
_tile_overlayer_lowered:
.L_overlay_start_2:
0x49: {  	(tag) =	ssettag $0x2  }
0x4a: {  	s0 =	rddreg [dreg:$0x0];
	s2 =	stileid.u32  }
0x4b: {  	s1 =	rddreg [dreg:$0x1];
	p0 =	sne.s32 s2, $0x0  }
0x4c: {  	s3 =	rddreg [dreg:$0x2];
	[bflag:$0x3] =	sbarrier.arrive $0xFFFF;
	s2 =	simm.s32 @!p0 $0x1C01  }
0x4d: {  	[timem:s3], [sflag:s2] =	dma.local @!p0 [hbm:s0], s1  }
0x4e: {  	s0 =	simm.s32 @!p0 $0x1  }
0x4f: {  	_ =	swait.ge @!p0 [sflag:s0], s1  }
0x50: {  	s1 =	ssub.s32 @!p0 $0x0, s1;
	[sflag:s0] =	ssyncset.done @!p0 $0x0  }
0x51: {  	[sflag:s0] =	ssyncadd.s32 @!p0 s1  }
0x52: {  	[bflag:$0x3] =	sbarrier.arrive $0xFFFF  }
0x53: {  	_ =	shalt  }

// kernel: scatter_offload_async_start
scs
__scs_entry_jumppad:
0x0: {  	(pc) =	sbr.rel $0x88, $3  }
0x1: {  	(tag) =	ssettag $0x0;
	lr =	simm.s32 $0x1  }
0x2: {  	[smem:$0x3F66] =	sst lr;
	_ =	strace $0xD0000000  }
0x3: {  	_ = 	snop  }
0x4: {  	_ = 	snop  }
0x5: {  	_ = 	snop  }
0x6: {  	_ = 	snop  }
0x7: {  	_ = 	snop  }
__scs_overlays_trampoline_lowered:
0x8: {  	[smem:$0x3F75] =	sst s0  }
0x9: {  	[smem:$0x3F76] =	sst s1  }
0xa: {  	[smem:$0x3F77] =	sst s2  }
0xb: {  	[smem:$0x3F78] =	sst s3  }
0xc: {  	[smem:$0x3F79] =	sst s4  }
0xd: {  	[smem:$0x3F7A] =	sst s5  }
0xe: {  	[smem:$0x3F7B] =	sst s6  }
0xf: {  	[smem:$0x3F7C] =	sst s7  }
0x10: {  	[smem:$0x3F7D] =	sst s8  }
0x11: {  	[smem:$0x3F7E] =	sst s9;
	s0 =	simm.s32 @!p0 $0x0  }
0x12: {  	s1 =	sld [smem:$0x3F64];
	s0 =	simm.s32 @p0 $0x1  }
0x13: {  	[smem:$0x3F7F] =	sst s0;
	s0 =	simm.s32 @!p1 $0x0  }
0x14: {  	s2 =	sld [smem:$0x3F63];
	s0 =	simm.s32 @p1 $0x1  }
0x15: {  	[smem:$0x3F80] =	sst s0;
	s0 =	simm.s32 @!p2 $0x0  }
0x16: {  	s3 =	sld [smem:$0x3FDB];
	s0 =	simm.s32 @p2 $0x1  }
0x17: {  	s4 =	simm.s32 $0x1BF5;
	[smem:$0x3F82] =	sst s0  }
0x18: {  	s0 =	sld [smem:$0x3F65];
	_ =	swait.ge [sflag:s4], $0x0  }
0x19: {  	s7 =	sld [smem:$0x3F66]  }
0x1a: {  	s8 =	sadd.s32 $0xFFFFE003, lr  }
0x1b: {  	s9 =	sadd.s32 $0xFFFFFEF7, lr;
	s5 =	simm.s32 $0xFFFFFFFF;
	p2 =	slt.u32 s8, $0xFFFFF086  }
0x1c: {  	p1 =	slt.u32 s9, $0xF7A;
	s5 =	simm.s32 @!p2 $0x0  }
0x1d: {  	s5 =	simm.s32 @p1 $0x1;
	p0 =	seq.s32 s7, s2  }
0x1e: {  	s7 =	smul.u32 @!p0 $0xF7A, s2;
	p2 =	seq.s32 @!p0 s5, $0x0  }
0x1f: {  	s9 =	smul.u32 $0xF7A, s1;
	s8 =	simm.s32 @!p0 $0x1BF5;
	p2 =	por !p2, p0  }
0x20: {  	[sflag:s8] =	ssyncset.s32 @!p0 $0xFFFFF086;
	s6 =	sadd.s32 @!p0 s3, s7;
	s7 =	simm.s32 @!p0 $0x108  }
0x21: {  	s3 =	sadd.s32 s3, s9;
	s6 =	sadd.s32 @!p0 $0x88, s6;
	s7 =	simm.s32 @p2 $0x1082  }
0x22: {  	[simem:s7], [sflag:s8] =	dma.local @!p0 [hbm:s6], $0xF7A  }
0x23: {  	s9 =	sor.u32 $0xD0000000, s2;
	s6 =	simm.s32 $0x108;
	_ =	swait.ge @!p0 [sflag:s8], $0x0  }
0x24: {  	s3 =	sadd.s32 $0x88, s3;
	s6 =	simm.s32 @!p1 $0x1082;
	[sflag:s4] =	ssyncset.s32 $0xFFFFF086  }
0x25: {  	[simem:s6], [sflag:s4] =	dma.local [hbm:s3], $0xF7A  }
0x26: {  	[smem:$0x3F66] =	sst s1;
	(tag) =	ssettag s2;
	_ =	strace s9  }
0x27: {  	s1 =	sld [smem:$0x3F76]  }
0x28: {  	s2 =	sld [smem:$0x3F77]  }
0x29: {  	s4 =	sld [smem:$0x3F79]  }
0x2a: {  	p0 =	seq.s32 s5, $0x0;
	s5 =	sld [smem:$0x3F7A]  }
0x2b: {  	s6 =	sld [smem:$0x3F7B]  }
0x2c: {  	s7 =	sld [smem:$0x3F7C]  }
0x2d: {  	s3 =	simm.s32 $0x108;
	s8 =	sld [smem:$0x3F7D]  }
0x2e: {  	s3 =	simm.s32 @!p0 $0x1082;
	s9 =	sld [smem:$0x3F7E]  }
0x2f: {  	lr =	sadd.s32 s0, s3;
	s0 =	sld [smem:$0x3F75]  }
0x30: {  	s3 =	sld [smem:$0x3F78]  }
0x31: {  	[smem:$0x3F81] =	sst s10  }
0x32: {  	s10 =	sld [smem:$0x3F7F];
	_ =	sdelay $0x3  }
0x33: {  	p0 =	seq.s32 s10, $0x1;
	s10 =	sld [smem:$0x3F81];
	_ =	sdelay $0x3  }
0x34: {  	[smem:$0x3F81] =	sst s10  }
0x35: {  	s10 =	sld [smem:$0x3F80];
	_ =	sdelay $0x3  }
0x36: {  	p1 =	seq.s32 s10, $0x1;
	s10 =	sld [smem:$0x3F81];
	_ =	sdelay $0x3  }
0x37: {  	[smem:$0x3F81] =	sst s10  }
0x38: {  	s10 =	sld [smem:$0x3F82]  }
0x39: {  	_ = 	snop;
	(pc) =	sbr.ind lr, $3  }
0x3a: {  	_ = 	snop  }
0x3b: {  	_ = 	snop  }
0x3c: {  	p2 =	seq.s32 s10, $0x1;
	s10 =	sld [smem:$0x3F81]  }
0x3d: {  	_ =	shalt  }
0x3e: {  	_ =	shalt  }
0x3f: {  	_ =	shalt  }
0x40: {  	_ =	shalt  }
0x41: {  	_ =	shalt  }
0x42: {  	_ =	shalt  }
0x43: {  	_ =	shalt  }
0x44: {  	_ =	shalt  }
0x45: {  	_ =	shalt  }
0x46: {  	_ =	shalt  }
0x47: {  	_ =	shalt  }
0x48: {  	_ =	shalt  }
0x49: {  	_ =	shalt  }
0x4a: {  	_ =	shalt  }
0x4b: {  	_ =	shalt  }
0x4c: {  	_ =	shalt  }
0x4d: {  	_ =	shalt  }
0x4e: {  	_ =	shalt  }
0x4f: {  	_ =	shalt  }
0x50: {  	_ =	shalt  }
0x51: {  	_ =	shalt  }
0x52: {  	_ =	shalt  }
0x53: {  	_ =	shalt  }
0x54: {  	_ =	shalt  }
0x55: {  	_ =	shalt  }
0x56: {  	_ =	shalt  }
0x57: {  	_ =	shalt  }
0x58: {  	_ =	shalt  }
0x59: {  	_ =	shalt  }
0x5a: {  	_ =	shalt  }
0x5b: {  	_ =	shalt  }
0x5c: {  	_ =	shalt  }
0x5d: {  	_ =	shalt  }
0x5e: {  	_ =	shalt  }
0x5f: {  	_ =	shalt  }
0x60: {  	_ =	shalt  }
0x61: {  	_ =	shalt  }
0x62: {  	_ =	shalt  }
0x63: {  	_ =	shalt  }
0x64: {  	_ =	shalt  }
0x65: {  	_ =	shalt  }
0x66: {  	_ =	shalt  }
0x67: {  	_ =	shalt  }
0x68: {  	_ =	shalt  }
0x69: {  	_ =	shalt  }
0x6a: {  	_ =	shalt  }
0x6b: {  	_ =	shalt  }
0x6c: {  	_ =	shalt  }
0x6d: {  	_ =	shalt  }
0x6e: {  	_ =	shalt  }
0x6f: {  	_ =	shalt  }
0x70: {  	_ =	shalt  }
0x71: {  	_ =	shalt  }
0x72: {  	_ =	shalt  }
0x73: {  	_ =	shalt  }
0x74: {  	_ =	shalt  }
0x75: {  	_ =	shalt  }
0x76: {  	_ =	shalt  }
0x77: {  	_ =	shalt  }
0x78: {  	_ =	shalt  }
0x79: {  	_ =	shalt  }
0x7a: {  	_ =	shalt  }
0x7b: {  	_ =	shalt  }
0x7c: {  	_ =	shalt  }
0x7d: {  	_ =	shalt  }
0x7e: {  	_ =	shalt  }
0x7f: {  	_ =	shalt  }
0x80: {  	_ =	shalt  }
0x81: {  	_ =	shalt  }
0x82: {  	_ =	shalt  }
0x83: {  	_ =	shalt  }
0x84: {  	_ =	shalt  }
0x85: {  	_ =	shalt  }
0x86: {  	_ =	shalt  }
0x87: {  	_ =	shalt  }
.Lfunc_end0:
.L_simem_size_0:
called_computation_lowered:
.L_overlay_start_0:
0x88: {  	s0 =	sld [smem:$0x3FD9]  }
0x89: {  	s1 =	sld [smem:$0x3FFE];
	_ =	sdelay $0x3  }
0x8a: {  	s0 =	sadd.s32 s1, s0  }
0x8b: {  	[smem:$0x3F8D] =	sst s0  }
0x8c: {  	_ = 	snop  }
0x8d: {  	(tm) =	ssettm $0x1  }
0x8e: {  	s15 =	sld [smem:$0x3FFB];
	_ =	sdelay $0x3  }
0x8f: {  	_ =	strace s15  }
0x90: {  	s0 =	sld [smem:$0x3FFC];
	_ =	sdelay $0x3  }
0x91: {  	_ =	strace s0  }
0x92: {  	s0 =	sld [smem:$0x3FFD];
	_ =	sdelay $0x3  }
0x93: {  	_ =	strace s0  }
0x94: {  	_ =	strace $0x8FFFFFFF  }
0x95: {  	s16 =	sld [smem:$0x3FDB];
	_ =	sdelay $0x1  }
0x96: {  	s17 =	simm.s32 $_scs_section_size  }
0x97: {  	s2 =	simm.s32 $_size__tile_overlayer_lowered;
	s3 =	simm.s32 $_tile_overlayer_lowered  }
0x98: {  	s20 =	simm.s32 $0x1BFF;
	s19 =	sshll.u32 s3, $0x1;
	s0 =	sadd.s32 s17, s16  }
0x99: {  	s4 =	simm.s32 $0x0;
	s18 =	sshll.u32 s2, $0x1;
	s2 =	sadd.s32 s19, s0  }
0x9a: {  	[timem:s4], [sflag:s20] =	dma.local [hbm:s2], s18  }
0x9b: {  	_ =	swait.ge [sflag:s20], s18  }
0x9c: {  	s1 =	ssub.s32 $0x0, s18;
	[sflag:s20] =	ssyncset.done $0x0  }
0x9d: {  	[sflag:s20] =	ssyncadd.s32 s1;
	_ =	sdelay $0x1  }
0x9e: {  	s21 =	simm.s32 $0x1B8B  }
0x9f: {  	_ =	swait.ge [sflag:s21], $0x1  }
0xa0: {  	[sflag:s21] =	ssyncset.done $0x0  }
0xa1: {  	s23 =	simm.s32 $0x1B8E;
	s22 =	sld [smem:$0x3FFE];
	[sflag:s21] =	ssyncadd.s32 $0xFFFFFFFF  }
0xa2: {  	s24 =	simm.s32 $execute0_lowered;
	[smem:$0x3FD2] =	sst s23  }
0xa3: {  	s2 =	sshll.u32 s24, $0x1;
	_ =	strace $0x80000046;
	[dreg:$0x1] =	wrdreg $0xFFFFFFFF  }
0xa4: {  	s25 =	simm.s32 $_size_execute0_lowered;
	s0 =	sadd.s32 s0, s2;
	[dreg:$0x0] =	wrdreg $0x0  }
0xa5: {  	s2 =	sshll.u32 s25, $0x1;
	[dreg:$0x2] =	wrdreg s0  }
0xa6: {  	[dreg:$0x3] =	wrdreg s2  }
0xa7: {  	[dreg:$0x4] =	wrdreg $0xC0  }
0xa8: {  	_ =	task [dreg:s4], $0x5FFFF  }
0xa9: {  	[dreg:$0x1] =	wrdreg $0xFFFFFFFF  }
0xaa: {  	[dreg:$0x0] =	wrdreg $0x60  }
0xab: {  	[dreg:$0x2] =	wrdreg s22  }
0xac: {  	[dreg:$0x3] =	wrdreg $0x9  }
0xad: {  	_ =	task.clear_ibuf [dreg:s4], $0x4FFFF;
	_ =	strace $0x90000046  }
0xae: {  	s26 =	simm.s32 $0x9;
	_ =	strace $0x80000048  }
0xaf: {  	_ =	swait.ge [sflag:s26], $0x1  }
0xb0: {  	[sflag:s26] =	ssyncadd.s32 $0xFFFFFFFF  }
0xb1: {  	_ =	strace $0x90000048  }
0xb2: {  	_ =	sfence  }
0xb3: {  	s28 =	sld [smem:$0x0];
	_ =	sdelay $0x1  }
0xb4: {  	s29 =	srdreg.scid  }
0xb5: {  	s30 =	sshll.u32 s29, $0xD;
	s31 =	sshrl.u32 s29, $0x2  }
0xb6: {  	s1 =	sand.u32 $0x1, s29;
	s2 =	sand.u32 $0x4000, s30;
	s0 =	sadd.s32 s31, s28  }
0xb7: {  	s1 =	sor.u32 s2, s1;
	s0 =	sshll.u32 s0, $0x11  }
0xb8: {  	s0 =	sor.u32 s0, s1  }
0xb9: {  	s0 =	sadd.s32 $0x8F2B, s0  }
0xba: {  	[sflag:s0] =	ssyncadd.remote.s32 $0x1  }
0xbb: {  	_ =	sfence.sel $0xFFFF  }
0xbc: {  	[dreg:$0x0] =	wrdreg $0xFFFFFFFF;
	(pc) =	sbr.abs _section_cstart, $3  }
0xbd: {  	[dreg:$0x1] =	wrdreg $0xFFFFFFFF  }
0xbe: {  	_ =	task.clear_ibuf [dreg:s4], $0x2FFFF;
	_ =	strace $0x9FFFFFFF  }
0xbf: {  	(tm) =	ssettm $0x7FFFFFFF  }
tec
execute0_lowered:
.L_overlay_start_1:
0x0: {  	(tag) =	ssettag $0x1  }
0x1: {  	s5 =	rddreg [dreg:$0x0]  }
0x2: {  	s0 =	rddreg [dreg:$0x1]  }
0x3: {  	_ =	strace $0x80000047;
	s3 =	stileid.u32;
	s4 =	simm.s32 $0x3E  }
0x4: {  	s1 =	sadd.s32 $0x4600, s5;
	p0 =	sne.s32 s3, $0x0;
	[sflag:s4] =	ssyncpa.u1 $0x0  }
0x5: {  	s29 =	smin.u32 s3, $0x9;
	s2 =	simm.s32 @!p0 $0x1C3E;
	s6 =	simm.s32 @!p0 $0x0  }
0x6: {  	[spmem:s6], [sflag:s2] =	dma.local @!p0 [hbm:s1], $0x180  }
0x7: {  	s2 =	sadd.s32 s3, s29  }
0x8: {  	p1 =	slt.u32 s3, $0x9;
	s3 =	simm.s32 $0xC0;
	s2 =	smul.u32 $0x60, s2  }
0x9: {  	s3 =	simm.s32 @!p1 $0x60  }
0xa: {  	s3 =	sadd.s32 s3, s2  }
0xb: {  	s3 =	smin.u32 s3, $0x960  }
0xc: {  	s6 =	ssub.s32 s3, s2  }
0xd: {  	p1 =	sgt.s32 s6, $0x0  }
0xe: {  	s6 =	simm.s32 @!p1 $0x0  }
0xf: {  	s7 =	simm.s32 @!p0 $0x3E;
	s8 =	smul.u32 $0xAAAB, s6  }
0x10: {  	_ =	swait.ge @!p0 [sflag:s7], $0x180  }
0x11: {  	[sflag:s7] =	ssyncset.done @!p0 $0x0;
	s30 =	sshrl.u32 s8, $0x16  }
0x12: {  	[sflag:s7] =	ssyncadd.s32 @!p0 $0xFFFFFE80;
	s8 =	smul.u32 $0x60, s30  }
0x13: {  	s9 =	simm.s32 $0x1;
	s31 =	simm.s32 $0x2;
	[bflag:$0x0] =	sbarrier.arrive $0xFFFF  }
0x14: {  	[sflag:s4] =	ssyncpa.u1 $0x1;
	s4 =	sadd.s32 $0x4000, s5;
	p1 =	sne.s32 s6, s8  }
0x15: {  	s5 =	sadd.s32 $0x4400, s5;
	[sflag:s9] =	ssyncpa.u1 $0x0;
	s9 =	simm.s32 @!p1 $0x0  }
0x16: {  	(ifvalue) =	ssetifvalue $0xC00;
	[sflag:s31] =	ssyncpa.u1 $0x0;
	s6 =	sadd.s32 s30, s9  }
0x17: {  	s8 =	simm.s32 $0x0;
	s9 =	smov.u32 s2;
	s7 =	sadd.s32 $0x1, s6  }
.LBB2_1:
0x18: {  	p1 =	sge.u32 s8, s6  }
0x19: {  	s10 =	sxor.u32 @!p1 $0xFFFFFFFF, s8  }
0x1a: {  	s10 =	sand.u32 @!p1 $0x1, s10  }
0x1b: {  	s10 =	smul.u32 @!p1 $0x60, s10  }
0x1c: {  	s11 =	sshrl.u32 @!p1 s9, $0x3  }
0x1d: {  	s14 =	sand.u32 @!p1 $0x7, s9;
	s12 =	sadd.s32 @!p1 s4, s11;
	s13 =	sadd.s32 @!p1 $0xC0, s10  }
0x1e: {  	[tilespmem:s13], [sflag:$0x2] =	stream.linear.gather @!p1 [hbm4b:s12+s14], $0x60, $0x38;
	[tilespmem:$0x240] =	vst v63  }
0x1f: {  	s11 =	sadd.s32 @!p1 s5, s11;
	s10 =	sor.u32 @!p1 $0x180, s10  }
0x20: {  	[tilespmem:s10], [sflag:$0x2] =	stream.linear.gather @!p1 [hbm4b:s11+s14], $0x60, $0x38;
	[tilespmem:$0x240] =	vst v63  }
0x21: {  	p1 =	seq.s32 s8, $0x0  }
0x22: {  	s10 =	simm.s32 @!p1 $0x2;
	s11 =	sand.u32 @!p1 $0x1, s8  }
0x23: {  	_ =	swait.ge @!p1 [sflag:s10], $0xC0;
	p2 =	seq.s32 @!p1 s11, $0x1  }
0x24: {  	s11 =	simm.s32 @!p1 $0x60;
	[sflag:s10] =	ssyncset.done @!p1 $0x0;
	p2 =	por !p2, p1  }
0x25: {  	[sflag:s10] =	ssyncadd.s32 @!p1 $0xFFFFFF40;
	s11 =	simm.s32 @p2 $0x0  }
0x26: {  	v0 =	vld.msk @!p1 [tilespmem:s11+$0xC0 ss:$0x1], $0xffff;
	_ =	sdelay $0x4  }
0x27: {  	v0 =	vmin.u32 @!p1 v0, $0xC00;
	_ =	sdelay $0x3  }
0x28: {  	vm0 =	vmmov @!p1 $0xffff;
	s12 =	simm.s32 @!p1 $0x0;
	s10 =	sor.u32 @!p1 $0x180, s11  }
0x29: {  	[spmem:s12] =	stream.indirect_vreg.scatter.add.s32 @!p1 [tilespmem:s10], [sflag:$0x1], $0x1, v0, vm0, $0x4038;
	[tilespmem:$0x240] =	vst v63  }
0x2a: {  	v0 =	vld.msk @!p1 [tilespmem:s11+$0xD0 ss:$0x1], $0xffff;
	_ =	sdelay $0x4  }
0x2b: {  	v0 =	vmin.u32 @!p1 v0, $0xC00;
	_ =	sdelay $0x3  }
0x2c: {  	s10 =	sor.u32 @!p1 $0x190, s11  }
0x2d: {  	[spmem:s12] =	stream.indirect_vreg.scatter.add.s32 @!p1 [tilespmem:s10], [sflag:$0x1], $0x1, v0, vm0, $0x4038;
	[tilespmem:$0x240] =	vst v63  }
0x2e: {  	v0 =	vld.msk @!p1 [tilespmem:s11+$0xE0 ss:$0x1], $0xffff;
	_ =	sdelay $0x4  }
0x2f: {  	v0 =	vmin.u32 @!p1 v0, $0xC00;
	_ =	sdelay $0x3  }
0x30: {  	s10 =	sadd.s32 @!p1 $0x1A0, s11  }
0x31: {  	[spmem:s12] =	stream.indirect_vreg.scatter.add.s32 @!p1 [tilespmem:s10], [sflag:$0x1], $0x1, v0, vm0, $0x4038;
	[tilespmem:$0x240] =	vst v63  }
0x32: {  	v0 =	vld.msk @!p1 [tilespmem:s11+$0xF0 ss:$0x1], $0xffff;
	_ =	sdelay $0x4  }
0x33: {  	v0 =	vmin.u32 @!p1 v0, $0xC00;
	_ =	sdelay $0x3  }
0x34: {  	s10 =	sadd.s32 @!p1 $0x1B0, s11  }
0x35: {  	[spmem:s12] =	stream.indirect_vreg.scatter.add.s32 @!p1 [tilespmem:s10], [sflag:$0x1], $0x1, v0, vm0, $0x4038;
	[tilespmem:$0x240] =	vst v63  }
0x36: {  	s10 =	sor.u32 @!p1 $0x100, s11  }
0x37: {  	v0 =	vld.msk @!p1 [tilespmem:s10+$0x0 ss:$0x1], $0xffff;
	_ =	sdelay $0x4  }
0x38: {  	v0 =	vmin.u32 @!p1 v0, $0xC00;
	_ =	sdelay $0x3  }
0x39: {  	s10 =	sadd.s32 @!p1 $0x1C0, s11  }
0x3a: {  	[spmem:s12] =	stream.indirect_vreg.scatter.add.s32 @!p1 [tilespmem:s10], [sflag:$0x1], $0x1, v0, vm0, $0x4038;
	[tilespmem:$0x240] =	vst v63  }
0x3b: {  	s10 =	sor.u32 @!p1 $0x110, s11  }
0x3c: {  	v0 =	vld.msk @!p1 [tilespmem:s10+$0x0 ss:$0x1], $0xffff;
	_ =	sdelay $0x4  }
0x3d: {  	v0 =	vmin.u32 @!p1 v0, $0xC00;
	_ =	sdelay $0x2  }
0x3e: {  	s8 =	sadd.s32 $0x1, s8  }
0x3f: {  	p3 =	sne.s32 s7, s8;
	s10 =	sadd.s32 @!p1 $0x1D0, s11  }
0x40: {  	[spmem:s12] =	stream.indirect_vreg.scatter.add.s32 @!p1 [tilespmem:s10], [sflag:$0x1], $0x1, v0, vm0, $0x4038;
	[tilespmem:$0x240] =	vst v63  }
.Ltmp0:
0x41: {  	_ = 	snop;
	(pc) =	sbr.rel @p3 .LBB2_1-.Ltmp0, $4  }
0x42: {  	s10 =	simm.s32 @!p1 $0x1  }
0x43: {  	s11 =	sadd.s32 $0x60, s9;
	_ =	swait.ge @!p1 [sflag:s10], $0x60  }
0x44: {  	s9 =	smov.u32 s2;
	p2 =	slt.s32 s11, s3;
	[sflag:s10] =	ssyncset.done @!p1 $0x0  }
0x45: {  	s9 =	smov.u32 @p2 s11;
	[sflag:s10] =	ssyncadd.s32 @!p1 $0xFFFFFFA0  }
0x46: {  	_ =	sfence.sel $0x180000  }
0x47: {  	s2 =	simm.s32 $0x2;
	[bflag:$0x0] =	sbarrier.arrive $0xFFFF  }
0x48: {  	s30 =	simm.s32 $0x1;
	[sflag:s2] =	ssyncpa.u1 $0x1  }
0x49: {  	[sflag:s30] =	ssyncpa.u1 $0x1  }
0x4a: {  	_ =	sfence.stream.spmem  }
0x4b: {  	s31 =	simm.s32 $0x3D;
	[bflag:$0x0] =	sbarrier.arrive $0xFFFF  }
0x4c: {  	s2 =	simm.s32 @p0 $0x3D;
	[sflag:s31] =	ssyncpa.u1 $0x0  }
0x4d: {  	[sflag:s2] =	ssyncpa.u1 @p0 $0x1  }
0x4e: {  	[bflag:$0x0] =	sbarrier.arrive @p0 $0xFFFF  }
0x4f: {  	_ =	strace @p0 $0x90000047  }
0x50: {  	s3 =	simm.s32 @!p0 $0x1C3D;
	s2 =	simm.s32 @!p0 $0x0;
	[bflag:$0x2] =	sbarrier.arrive @p0 $0xFFFF  }
0x51: {  	[hbm:s1], [sflag:s3] =	dma.local @!p0 [spmem:s2], $0x180  }
0x52: {  	s1 =	simm.s32 @!p0 $0x3D  }
0x53: {  	_ =	swait.ge @!p0 [sflag:s1], $0x180  }
0x54: {  	[sflag:s1] =	ssyncset.done @!p0 $0x0  }
0x55: {  	[sflag:s1] =	ssyncadd.s32 @!p0 $0xFFFFFE80  }
0x56: {  	[sflag:s1] =	ssyncpa.u1 @!p0 $0x1  }
0x57: {  	[bflag:$0x0] =	sbarrier.arrive @!p0 $0xFFFF  }
0x58: {  	_ =	strace @!p0 $0x90000047  }
0x59: {  	s0 =	sadd.s32 @!p0 $0x100000, s0;
	[bflag:$0x2] =	sbarrier.arrive @!p0 $0xFFFF  }
0x5a: {  	[sflag:s0] =	ssyncadd.tile.s32 @!p0 $0x1;
	_ =	shalt  }
.Lfunc_end2:
_tile_overlayer_lowered:
.L_overlay_start_2:
0x5b: {  	(tag) =	ssettag $0x2  }
0x5c: {  	s0 =	rddreg [dreg:$0x0];
	s2 =	stileid.u32  }
0x5d: {  	s1 =	rddreg [dreg:$0x1];
	p0 =	sne.s32 s2, $0x0  }
0x5e: {  	s3 =	rddreg [dreg:$0x2];
	[bflag:$0x3] =	sbarrier.arrive $0xFFFF;
	s2 =	simm.s32 @!p0 $0x1C01  }
0x5f: {  	[timem:s3], [sflag:s2] =	dma.local @!p0 [hbm:s0], s1  }
0x60: {  	s0 =	simm.s32 @!p0 $0x1  }
0x61: {  	_ =	swait.ge @!p0 [sflag:s0], s1  }
0x62: {  	s1 =	ssub.s32 @!p0 $0x0, s1;
	[sflag:s0] =	ssyncset.done @!p0 $0x0  }
0x63: {  	[sflag:s0] =	ssyncadd.s32 @!p0 s1  }
0x64: {  	[bflag:$0x3] =	sbarrier.arrive $0xFFFF  }
0x65: {  	_ =	shalt  }

</sc_bundles>
